<compile_context>
chip_gen: v7x
topology: tpu7x:2x2x1
jax: 0.10.2.dev20260603
libtpu: 0.0.44.dev20260713+nightly
codegen_flags: <defaults>
</compile_context>

<pallas_src>
import functools

import jax
import jax.numpy as jnp
from jax import lax
from jax.experimental import pallas as pl
from jax.experimental.pallas import tpu as pltpu
from jax.experimental.pallas import tpu_sc as plsc

B, N, D, KNN = 2, 4096, 128, 16
PPAD = 16
BQ = 256
BQ_L = 128
NBLK = N // BQ
ROWS = B * N * KNN


def _prep_body(x_ref, pos_ref, wq_ref, wk_ref, wv_ref, q_ref, kv_ref, p_ref):
    x = x_ref[...]
    q_ref[...] = jnp.dot(x, wq_ref[...], preferred_element_type=jnp.float32)
    xk = jnp.dot(x, wk_ref[...], preferred_element_type=jnp.float32)
    xv = jnp.dot(x, wv_ref[...], preferred_element_type=jnp.float32)
    kb = lax.bitcast_convert_type(xk.astype(jnp.bfloat16), jnp.uint16)
    vb = lax.bitcast_convert_type(xv.astype(jnp.bfloat16), jnp.uint16)
    kv_ref[...] = lax.shift_left(kb.astype(jnp.int32), 16) | vb.astype(jnp.int32)
    pos = pos_ref[...]
    p_ref[...] = jnp.concatenate(
        [pos, jnp.zeros((pos.shape[0], D - 3), jnp.float32)], axis=-1)


def _prep(xf, posf, Wq, Wk, Wv):
    blk = 512
    grid = (B * N // blk,)
    return pl.pallas_call(
        _prep_body,
        grid=grid,
        in_specs=[
            pl.BlockSpec((blk, D), lambda i: (i, 0)),
            pl.BlockSpec((blk, 3), lambda i: (i, 0)),
            pl.BlockSpec((D, D), lambda i: (0, 0)),
            pl.BlockSpec((D, D), lambda i: (0, 0)),
            pl.BlockSpec((D, D), lambda i: (0, 0)),
        ],
        out_specs=[
            pl.BlockSpec((blk, D), lambda i: (i, 0)),
            pl.BlockSpec((blk, D), lambda i: (i, 0)),
            pl.BlockSpec((blk, D), lambda i: (i, 0)),
        ],
        out_shape=[
            jax.ShapeDtypeStruct((B * N, D), jnp.float32),
            jax.ShapeDtypeStruct((B * N, D), jnp.int32),
            jax.ShapeDtypeStruct((B * N, D), jnp.float32),
        ],
    )(xf, posf, Wq, Wk, Wv)


def _topk_body(posq_ref, posT_ref, out_ref, *, b):
    qp = posq_ref[0]
    pT = posT_ref[0]
    qx, qy, qz = qp[:, 0], qp[:, 1], qp[:, 2]
    qs2 = ((qx * qx + qy * qy) + qz * qz)[:, None]
    px, py, pz = pT[0, :], pT[1, :], pT[2, :]
    s2 = ((px * px + py * py) + pz * pz)[None, :]
    qp8 = jnp.concatenate([qp, jnp.zeros((BQ, 5), jnp.float32)], axis=1)
    cross = jnp.dot(qp8.astype(jnp.bfloat16), pT.astype(jnp.bfloat16),
                    preferred_element_type=jnp.float32)
    d = (qs2 + s2) - 2.0 * cross

    NP = N // BQ_L
    INF = jnp.float32(jnp.inf)
    pv = [jnp.full((BQ, BQ_L), INF, jnp.float32) for _ in range(4)]
    pg = [jnp.zeros((BQ, BQ_L), jnp.int32) for _ in range(4)]
    lane = lax.broadcasted_iota(jnp.int32, (BQ, BQ_L), 1)
    for p in range(NP):
        tv = d[:, p * BQ_L:(p + 1) * BQ_L]
        tg = lane + p * BQ_L
        for s in range(4):
            c = tv < pv[s]
            nv = jnp.where(c, tv, pv[s])
            ng = jnp.where(c, tg, pg[s])
            tv = jnp.where(c, pv[s], tv)
            tg = jnp.where(c, pg[s], tg)
            pv[s] = nv
            pg[s] = ng

    PV = jnp.concatenate(pv, axis=1)
    PG = jnp.concatenate(pg, axis=1)
    BIG = jnp.int32(1 << 30)
    cols = []
    m = None
    gi = None
    for _ in range(KNN):
        m = jnp.min(PV, axis=1, keepdims=True)
        eq = PV <= m
        gi = jnp.min(jnp.where(eq, PG, BIG), axis=1, keepdims=True)
        PV = jnp.where(eq & (PG == gi), INF, PV)
        cols.append(gi)
    pooled = jnp.concatenate(cols, axis=1)

    bad = (pv[3] < m) | ((pv[3] == m) & (pg[3] < gi))
    any_bad = jnp.sum(bad.astype(jnp.int32)) > 0

    def _full_extract(_):
        iota = lax.broadcasted_iota(jnp.int32, (BQ, N), 1)
        dd = d
        cs = []
        for _ in range(KNN):
            mm = jnp.min(dd, axis=1, keepdims=True)
            eq2 = dd <= mm
            ix = jnp.min(jnp.where(eq2, iota, N), axis=1, keepdims=True)
            dd = jnp.where(iota == ix, INF, dd)
            cs.append(ix)
        return jnp.concatenate(cs, axis=1)

    out = lax.cond(any_bad, _full_extract, lambda _: pooled, 0)
    out_ref[0] = out + b * N


def _topk(pos_b, posT_b, b):
    grid = (NBLK,)
    return pl.pallas_call(
        functools.partial(_topk_body, b=b),
        grid=grid,
        in_specs=[
            pl.BlockSpec((1, BQ, 3), lambda i: (0, i, 0)),
            pl.BlockSpec((1, 8, N), lambda i: (0, 0, 0)),
        ],
        out_specs=pl.BlockSpec((1, BQ, KNN), lambda i: (0, i, 0)),
        out_shape=jax.ShapeDtypeStruct((1, N, KNN), jnp.int32),
    )(pos_b, posT_b)


_SC_CHUNK = 128


def _sc_gather(kv, p128, idx_flat):
    info = plsc.get_sparse_core_info()
    nw = info.num_cores * info.num_subcores
    nrows = idx_flat.shape[0]
    rows_per_w = nrows // nw
    n_chunks = rows_per_w // _SC_CHUNK
    mesh = plsc.VectorSubcoreMesh(core_axis_name="c", subcore_axis_name="s")

    @functools.partial(
        pl.kernel,
        out_type=[
            jax.ShapeDtypeStruct((nrows, D), jnp.int32),
            jax.ShapeDtypeStruct((nrows, D), jnp.float32),
        ],
        mesh=mesh,
        scratch_types=[
            pltpu.VMEM((_SC_CHUNK,), jnp.int32),
            pltpu.VMEM((_SC_CHUNK, D), jnp.int32),
            pltpu.VMEM((_SC_CHUNK, D), jnp.float32),
            pltpu.SemaphoreType.DMA,
            pltpu.SemaphoreType.DMA,
        ],
    )
    def k(kv_hbm, p_hbm, idx_hbm, gkv_hbm, gp_hbm, idx_v, rkv, rp, s1, s2):
        wid = lax.axis_index("s") * info.num_cores + lax.axis_index("c")
        base_w = wid * rows_per_w

        def body(c, carry):
            base = base_w + c * _SC_CHUNK
            pltpu.sync_copy(idx_hbm.at[pl.ds(base, _SC_CHUNK)], idx_v)
            cp1 = pltpu.async_copy(kv_hbm.at[idx_v], rkv, s1)
            cp2 = pltpu.async_copy(p_hbm.at[idx_v], rp, s2)
            cp1.wait()
            cp2.wait()
            pltpu.sync_copy(rkv, gkv_hbm.at[pl.ds(base, _SC_CHUNK)])
            pltpu.sync_copy(rp, gp_hbm.at[pl.ds(base, _SC_CHUNK)])
            return carry

        lax.fori_loop(0, n_chunks, body, 0)

    return k(kv, p128, idx_flat)


_ISQ = 1.0 / (128.0 ** 0.5)


def _attn_body(q_ref, x_ref, pq_ref, gkv_ref, gp_ref, p1_ref, pb1_ref,
               p2_ref, pb2_ref, a1_ref, ab1_ref, a2_ref, ab2_ref,
               wf_ref, bf_ref, out_ref):
    R = BQ * KNN
    w = gkv_ref[...]
    kf = lax.bitcast_convert_type(w & jnp.int32(-65536), jnp.float32)
    vf = lax.bitcast_convert_type(lax.shift_left(w, 16), jnp.float32)
    posn = gp_ref[:, :PPAD]
    pq = pq_ref[:, :PPAD]
    pq_rep = jnp.broadcast_to(pq[:, None, :], (BQ, KNN, PPAD)).reshape(R, PPAD)
    rel = pq_rep - posn
    pe = jnp.dot(rel, p1_ref[...], preferred_element_type=jnp.float32)
    pe = jnp.maximum(pe + pb1_ref[...][None, :], 0.0)
    pe = jnp.dot(pe, p2_ref[...], preferred_element_type=jnp.float32)
    pe = pe + pb2_ref[...][None, :]

    q = q_ref[...]
    q_rep = jnp.broadcast_to(q[:, None, :], (BQ, KNN, D)).reshape(R, D)
    h = q_rep - kf + pe
    a = jnp.dot(h, a1_ref[...], preferred_element_type=jnp.float32)
    a = jnp.maximum(a + ab1_ref[...][None, :], 0.0)
    a = jnp.dot(a, a2_ref[...], preferred_element_type=jnp.float32)
    a = (a + ab2_ref[...][None, :]) * _ISQ

    a3 = a.reshape(BQ, KNN, D)
    m = jnp.max(a3, axis=1, keepdims=True)
    e = jnp.exp(a3 - m)
    s = jnp.sum(e, axis=1, keepdims=True)
    p = e / s
    v3 = (vf + pe).reshape(BQ, KNN, D)
    agg = jnp.sum(p * v3, axis=1)
    out = jnp.dot(agg, wf_ref[...], preferred_element_type=jnp.float32)
    out_ref[...] = out + bf_ref[...][None, :] + x_ref[...]


def _attn(q, xf, pq, gkv, gp, P1p, pb1, P2, pb2, A1, ab1, A2, ab2, Wf, bf):
    grid = (q.shape[0] // BQ,)
    R = BQ * KNN
    full = lambda shape: pl.BlockSpec(shape, lambda i: tuple(0 for _ in shape))
    return pl.pallas_call(
        _attn_body,
        grid=grid,
        in_specs=[
            pl.BlockSpec((BQ, D), lambda i: (i, 0)),
            pl.BlockSpec((BQ, D), lambda i: (i, 0)),
            pl.BlockSpec((BQ, D), lambda i: (i, 0)),
            pl.BlockSpec((R, D), lambda i: (i, 0)),
            pl.BlockSpec((R, D), lambda i: (i, 0)),
            full((PPAD, D)), full((D,)), full((D, D)), full((D,)),
            full((D, D)), full((D,)), full((D, D)), full((D,)),
            full((D, D)), full((D,)),
        ],
        out_specs=pl.BlockSpec((BQ, D), lambda i: (i, 0)),
        out_shape=jax.ShapeDtypeStruct((q.shape[0], D), jnp.float32),
    )(q, xf, pq, gkv, gp, P1p, pb1, P2, pb2, A1, ab1, A2, ab2, Wf, bf)


def kernel(x, pos, Wq, Wk, Wv, P1, pb1, P2, pb2, A1, ab1, A2, ab2, Wf, bf):
    xf = x.reshape(B * N, D)
    posf = pos.reshape(B * N, 3)
    q, kv, p128 = _prep(xf, posf, Wq, Wk, Wv)

    posT = jnp.swapaxes(pos, 1, 2)
    posT8 = jnp.concatenate(
        [posT, jnp.zeros((B, 5, N), jnp.float32)], axis=1)

    P1p = jnp.concatenate([P1, jnp.zeros((PPAD - 3, D), jnp.float32)], axis=0)

    knn = [None] * B
    gs = [None] * B
    outs = [None] * B
    for b in range(B):
        knn[b] = _topk(pos[b:b + 1], posT8[b:b + 1], b)
        gs[b] = _sc_gather(kv, p128, knn[b].reshape(N * KNN))
    for b in range(B):
        sl = slice(b * N, (b + 1) * N)
        outs[b] = _attn(q[sl], xf[sl], p128[sl], gs[b][0], gs[b][1],
                        P1p, pb1, P2, pb2, A1, ab1, A2, ab2, Wf, bf)
    out = jnp.concatenate(outs, axis=0)
    return out.reshape(B, N, D)

# --- scband reference (transcript-rebuilt; emitter-appended) ---
"""Pipeline reference for scband-point-transformer-segment-661424963761 (READ-ONLY COPY).

The authoritative reference and input builder live on the scoring server;
editing this copy changes nothing except your own understanding.
"""

import jax, jax.numpy as jnp
import numpy as np

B, N, D, KNN = 2, 4096, 128, 16


def setup_inputs(seed: int = 0) -> dict:
    key = jax.random.key(seed)
    ks = jax.random.split(key, 16)
    s = 0.05
    inp = {
        "x": jax.random.normal(ks[0], (B, N, D), jnp.float32),
        "pos": jax.random.uniform(ks[1], (B, N, 3), jnp.float32),
        "Wq": jax.random.normal(ks[2], (D, D), jnp.float32) * s,
        "Wk": jax.random.normal(ks[3], (D, D), jnp.float32) * s,
        "Wv": jax.random.normal(ks[4], (D, D), jnp.float32) * s,
        "P1": jax.random.normal(ks[5], (3, D), jnp.float32) * s,
        "pb1": jnp.zeros((D,), jnp.float32),
        "P2": jax.random.normal(ks[6], (D, D), jnp.float32) * s,
        "pb2": jnp.zeros((D,), jnp.float32),
        "A1": jax.random.normal(ks[7], (D, D), jnp.float32) * s,
        "ab1": jnp.zeros((D,), jnp.float32),
        "A2": jax.random.normal(ks[8], (D, D), jnp.float32) * s,
        "ab2": jnp.zeros((D,), jnp.float32),
        "Wf": jax.random.normal(ks[9], (D, D), jnp.float32) * s,
        "bf": jnp.zeros((D,), jnp.float32),
    }
    return inp


def _square_distance(src, dst):
    # dist = |src|^2 + |dst|^2 - 2 src.dst  (same math as docstring formula)
    s2 = jnp.sum(src ** 2, axis=-1)[:, :, None]
    d2 = jnp.sum(dst ** 2, axis=-1)[:, None, :]
    cross = jnp.einsum('bnd,bmd->bnm', src, dst)
    return s2 + d2 - 2.0 * cross


def _index_points(points, idx):
    # points: [B, N, C], idx: [B, S, K] -> [B, S, K, C]
    return jax.vmap(lambda p, i: p[i])(points, idx)


def reference(x, pos, Wq, Wk, Wv, P1, pb1, P2, pb2, A1, ab1, A2, ab2, Wf, bf):
    k = KNN
    x_pre = x
    # kNN_torch: full pairwise square distance + argsort, take k nearest
    dists = _square_distance(pos, pos)
    knn_idx = jnp.argsort(dists, axis=-1)[:, :, :k]  # [B, N, k]
    knn_xyz = _index_points(pos, knn_idx)            # [B, N, k, 3]
    q = x @ Wq                                       # [B, N, D]
    kf = _index_points(x @ Wk, knn_idx)              # [B, N, k, D]
    vf = _index_points(x @ Wv, knn_idx)              # [B, N, k, D]
    rel = pos[:, :, None, :] - knn_xyz               # [B, N, k, 3]
    pos_enc = jax.nn.relu(rel @ P1 + pb1) @ P2 + pb2  # [B, N, k, D]
    h = q[:, :, None, :] - kf + pos_enc
    attn = jax.nn.relu(h @ A1 + ab1) @ A2 + ab2
    attn = jax.nn.softmax(attn / np.sqrt(kf.shape[-1]), axis=-2)
    agg = jnp.einsum('bijd,bijd->bid', attn, vf + pos_enc)
    agg = agg @ Wf + bf + x_pre
    return agg

if __name__ == "__main__":
    import jax
    _d = setup_inputs()
    print(jax.jit(kernel)(*tuple(_d.values())))

</pallas_src>

<mosaic_0001>
#map = affine_map<(d0, d1) -> (0, 0)>
#map1 = affine_map<(d0, d1) -> (0)>
module attributes {stable_mosaic.version = 14 : i64} {
  func.func @k(%arg0: i32, %arg1: i32, %arg2: memref<8192x128xi32, #tpu.memory_space<hbm>>, %arg3: memref<8192x128xf32, #tpu.memory_space<hbm>>, %arg4: memref<65536xi32, #tpu.memory_space<hbm>>, %arg5: memref<65536x128xi32, #tpu.memory_space<hbm>>, %arg6: memref<65536x128xf32, #tpu.memory_space<hbm>>, %arg7: memref<128xi32, #tpu.memory_space<vmem>>, %arg8: memref<128x128xi32, #tpu.memory_space<vmem>>, %arg9: memref<128x128xf32, #tpu.memory_space<vmem>>, %arg10: memref<!tpu.dma_semaphore, #tpu.memory_space<semaphore_mem>>, %arg11: memref<!tpu.dma_semaphore, #tpu.memory_space<semaphore_mem>>) attributes {dimension_semantics = [#tpu.dimension_semantics<core_parallel>, #tpu.dimension_semantics<subcore_parallel>], iteration_bounds = array<i64: 2, 16>, scalar_prefetch = 0 : i64, scratch_operands = 5 : i64, tpu.core_type = #tpu.core_type<sc_vector_subcore>, window_params = [{transform_indices = #map}, {transform_indices = #map}, {transform_indices = #map1}, {transform_indices = #map}, {transform_indices = #map}]} {
    %mul3A = arith.constant 2 : i32
    %mul3A_0 = arith.muli %arg1, %mul3A : i32
    %add3A = arith.addi %mul3A_0, %arg0 : i32
    %mul3A_1 = arith.constant 2048 : i32
    %mul3A_2 = arith.muli %add3A, %mul3A_1 : i32
    %scan3A = arith.constant 0 : i32
    %scan3A_3 = arith.constant 0 : i32
    %scan3A_4 = arith.constant 16 : i32
    %scan3A_5 = arith.addi %scan3A_3, %scan3A_4 : i32
    %scan3A_6 = arith.constant 1 : i32
    scf.for %scan3A_8 = %scan3A_3 to %scan3A_5 step %scan3A_6  : i32 {
      %mul3A_9 = arith.constant 128 : i32
      %mul3A_10 = arith.muli %scan3A_8, %mul3A_9 : i32
      %add3A_11 = arith.addi %mul3A_2, %mul3A_10 : i32
      "tpu.region"() ({
        %run_scoped3A = tpu.sem_alloc : memref<!tpu.dma_semaphore, #tpu.memory_space<semaphore_mem>>
        %dma_start3A_22 = tpu.memref_slice %arg4[%add3A_11] : memref<65536xi32, #tpu.memory_space<hbm>> -> memref<128xi32, #tpu.memory_space<hbm>>
        %dma_start3A_23 = tpu.memref_slice %arg4[%add3A_11] : memref<65536xi32, #tpu.memory_space<hbm>> -> memref<128xi32, #tpu.memory_space<hbm>>
        tpu.enqueue_dma source(%dma_start3A_23 : memref<128xi32, #tpu.memory_space<hbm>>) target(%arg7 : memref<128xi32, #tpu.memory_space<vmem>>) target_semaphore(%run_scoped3A : memref<!tpu.dma_semaphore, #tpu.memory_space<semaphore_mem>>)
        %dma_wait3A_24 = tpu.memref_slice %arg4[%add3A_11] : memref<65536xi32, #tpu.memory_space<hbm>> -> memref<128xi32, #tpu.memory_space<hbm>>
        %dma_wait3A_25 = tpu.memref_slice %arg4[%add3A_11] : memref<65536xi32, #tpu.memory_space<hbm>> -> memref<128xi32, #tpu.memory_space<hbm>>
        tpu.wait_dma2 semaphore(%run_scoped3A : memref<!tpu.dma_semaphore, #tpu.memory_space<semaphore_mem>>) src(%dma_wait3A_25 : memref<128xi32, #tpu.memory_space<hbm>>) dst(%arg7 : memref<128xi32, #tpu.memory_space<vmem>>)
        tpu.yield
      }) : () -> ()
      %dma_start3A = arith.constant 0 : i32
      %dma_start3A_12 = arith.constant 0 : i32
      %dma_start3A_13 = tpu.memref_slice %arg2[%dma_start3A, %dma_start3A_12] : memref<8192x128xi32, #tpu.memory_space<hbm>> -> memref<8192x128xi32, #tpu.memory_space<hbm>>
      tpu.enqueue_indirect_dma source(%dma_start3A_13 : memref<8192x128xi32, #tpu.memory_space<hbm>>) target(%arg8 : memref<128x128xi32, #tpu.memory_space<vmem>>) offsets(%arg7 : memref<128xi32, #tpu.memory_space<vmem>>) semaphore(%arg10 : memref<!tpu.dma_semaphore, #tpu.memory_space<semaphore_mem>>)
      %dma_start3A_14 = arith.constant 0 : i32
      %dma_start3A_15 = arith.constant 0 : i32
      %dma_start3A_16 = tpu.memref_slice %arg3[%dma_start3A_14, %dma_start3A_15] : memref<8192x128xf32, #tpu.memory_space<hbm>> -> memref<8192x128xf32, #tpu.memory_space<hbm>>
      tpu.enqueue_indirect_dma source(%dma_start3A_16 : memref<8192x128xf32, #tpu.memory_space<hbm>>) target(%arg9 : memref<128x128xf32, #tpu.memory_space<vmem>>) offsets(%arg7 : memref<128xi32, #tpu.memory_space<vmem>>) semaphore(%arg11 : memref<!tpu.dma_semaphore, #tpu.memory_space<semaphore_mem>>)
      %dma_wait3A = arith.constant 0 : i32
      %dma_wait3A_17 = arith.constant 0 : i32
      %dma_wait3A_18 = tpu.memref_slice %arg2[%dma_wait3A, %dma_wait3A_17] : memref<8192x128xi32, #tpu.memory_space<hbm>> -> memref<8192x128xi32, #tpu.memory_space<hbm>>
      tpu.wait_indirect_dma semaphore(%arg10 : memref<!tpu.dma_semaphore, #tpu.memory_space<semaphore_mem>>) src(%dma_wait3A_18 : memref<8192x128xi32, #tpu.memory_space<hbm>>) dst(%arg8 : memref<128x128xi32, #tpu.memory_space<vmem>>)
      %dma_wait3A_19 = arith.constant 0 : i32
      %dma_wait3A_20 = arith.constant 0 : i32
      %dma_wait3A_21 = tpu.memref_slice %arg3[%dma_wait3A_19, %dma_wait3A_20] : memref<8192x128xf32, #tpu.memory_space<hbm>> -> memref<8192x128xf32, #tpu.memory_space<hbm>>
      tpu.wait_indirect_dma semaphore(%arg11 : memref<!tpu.dma_semaphore, #tpu.memory_space<semaphore_mem>>) src(%dma_wait3A_21 : memref<8192x128xf32, #tpu.memory_space<hbm>>) dst(%arg9 : memref<128x128xf32, #tpu.memory_space<vmem>>)
      "tpu.region"() ({
        %run_scoped3A = tpu.sem_alloc : memref<!tpu.dma_semaphore, #tpu.memory_space<semaphore_mem>>
        %dma_start3A_22 = arith.constant 0 : i32
        %dma_start3A_23 = tpu.memref_slice %arg5[%add3A_11, %dma_start3A_22] : memref<65536x128xi32, #tpu.memory_space<hbm>> -> memref<128x128xi32, #tpu.memory_space<hbm>>
        %dma_start3A_24 = arith.constant 0 : i32
        %dma_start3A_25 = tpu.memref_slice %arg5[%add3A_11, %dma_start3A_24] : memref<65536x128xi32, #tpu.memory_space<hbm>> -> memref<128x128xi32, #tpu.memory_space<hbm>>
        tpu.enqueue_dma source(%arg8 : memref<128x128xi32, #tpu.memory_space<vmem>>) target(%dma_start3A_25 : memref<128x128xi32, #tpu.memory_space<hbm>>) target_semaphore(%run_scoped3A : memref<!tpu.dma_semaphore, #tpu.memory_space<semaphore_mem>>)
        %dma_wait3A_26 = arith.constant 0 : i32
        %dma_wait3A_27 = tpu.memref_slice %arg5[%add3A_11, %dma_wait3A_26] : memref<65536x128xi32, #tpu.memory_space<hbm>> -> memref<128x128xi32, #tpu.memory_space<hbm>>
        %dma_wait3A_28 = arith.constant 0 : i32
        %dma_wait3A_29 = tpu.memref_slice %arg5[%add3A_11, %dma_wait3A_28] : memref<65536x128xi32, #tpu.memory_space<hbm>> -> memref<128x128xi32, #tpu.memory_space<hbm>>
        tpu.wait_dma2 semaphore(%run_scoped3A : memref<!tpu.dma_semaphore, #tpu.memory_space<semaphore_mem>>) src(%arg8 : memref<128x128xi32, #tpu.memory_space<vmem>>) dst(%dma_wait3A_29 : memref<128x128xi32, #tpu.memory_space<hbm>>)
        tpu.yield
      }) : () -> ()
      "tpu.region"() ({
        %run_scoped3A = tpu.sem_alloc : memref<!tpu.dma_semaphore, #tpu.memory_space<semaphore_mem>>
        %dma_start3A_22 = arith.constant 0 : i32
        %dma_start3A_23 = tpu.memref_slice %arg6[%add3A_11, %dma_start3A_22] : memref<65536x128xf32, #tpu.memory_space<hbm>> -> memref<128x128xf32, #tpu.memory_space<hbm>>
        %dma_start3A_24 = arith.constant 0 : i32
        %dma_start3A_25 = tpu.memref_slice %arg6[%add3A_11, %dma_start3A_24] : memref<65536x128xf32, #tpu.memory_space<hbm>> -> memref<128x128xf32, #tpu.memory_space<hbm>>
        tpu.enqueue_dma source(%arg9 : memref<128x128xf32, #tpu.memory_space<vmem>>) target(%dma_start3A_25 : memref<128x128xf32, #tpu.memory_space<hbm>>) target_semaphore(%run_scoped3A : memref<!tpu.dma_semaphore, #tpu.memory_space<semaphore_mem>>)
        %dma_wait3A_26 = arith.constant 0 : i32
        %dma_wait3A_27 = tpu.memref_slice %arg6[%add3A_11, %dma_wait3A_26] : memref<65536x128xf32, #tpu.memory_space<hbm>> -> memref<128x128xf32, #tpu.memory_space<hbm>>
        %dma_wait3A_28 = arith.constant 0 : i32
        %dma_wait3A_29 = tpu.memref_slice %arg6[%add3A_11, %dma_wait3A_28] : memref<65536x128xf32, #tpu.memory_space<hbm>> -> memref<128x128xf32, #tpu.memory_space<hbm>>
        tpu.wait_dma2 semaphore(%run_scoped3A : memref<!tpu.dma_semaphore, #tpu.memory_space<semaphore_mem>>) src(%arg9 : memref<128x128xf32, #tpu.memory_space<vmem>>) dst(%dma_wait3A_29 : memref<128x128xf32, #tpu.memory_space<hbm>>)
        tpu.yield
      }) : () -> ()
    }
    %scan3A_7 = arith.constant 16 : i32
    return
  }
}

#map = affine_map<(d0, d1) -> (0, 0)>
#map1 = affine_map<(d0, d1) -> (0)>
module attributes {stable_mosaic.version = 14 : i64} {
  func.func @k(%arg0: i32, %arg1: i32, %arg2: memref<8192x128xi32, #tpu.memory_space<hbm>>, %arg3: memref<8192x128xf32, #tpu.memory_space<hbm>>, %arg4: memref<65536xi32, #tpu.memory_space<hbm>>, %arg5: memref<65536x128xi32, #tpu.memory_space<hbm>>, %arg6: memref<65536x128xf32, #tpu.memory_space<hbm>>, %arg7: memref<128xi32, #tpu.memory_space<vmem>>, %arg8: memref<128x128xi32, #tpu.memory_space<vmem>>, %arg9: memref<128x128xf32, #tpu.memory_space<vmem>>, %arg10: memref<!tpu.dma_semaphore, #tpu.memory_space<semaphore_mem>>, %arg11: memref<!tpu.dma_semaphore, #tpu.memory_space<semaphore_mem>>) attributes {dimension_semantics = [#tpu.dimension_semantics<core_parallel>, #tpu.dimension_semantics<subcore_parallel>], iteration_bounds = array<i64: 2, 16>, scalar_prefetch = 0 : i64, scratch_operands = 5 : i64, tpu.core_type = #tpu.core_type<sc_vector_subcore>, window_params = [{transform_indices = #map}, {transform_indices = #map}, {transform_indices = #map1}, {transform_indices = #map}, {transform_indices = #map}]} {
    %mul3A = arith.constant 2 : i32
    %mul3A_0 = arith.muli %arg1, %mul3A : i32
    %add3A = arith.addi %mul3A_0, %arg0 : i32
    %mul3A_1 = arith.constant 2048 : i32
    %mul3A_2 = arith.muli %add3A, %mul3A_1 : i32
    %scan3A = arith.constant 0 : i32
    %scan3A_3 = arith.constant 0 : i32
    %scan3A_4 = arith.constant 16 : i32
    %scan3A_5 = arith.addi %scan3A_3, %scan3A_4 : i32
    %scan3A_6 = arith.constant 1 : i32
    scf.for %scan3A_8 = %scan3A_3 to %scan3A_5 step %scan3A_6  : i32 {
      %mul3A_9 = arith.constant 128 : i32
      %mul3A_10 = arith.muli %scan3A_8, %mul3A_9 : i32
      %add3A_11 = arith.addi %mul3A_2, %mul3A_10 : i32
      "tpu.region"() ({
        %run_scoped3A = tpu.sem_alloc : memref<!tpu.dma_semaphore, #tpu.memory_space<semaphore_mem>>
        %dma_start3A_22 = tpu.memref_slice %arg4[%add3A_11] : memref<65536xi32, #tpu.memory_space<hbm>> -> memref<128xi32, #tpu.memory_space<hbm>>
        %dma_start3A_23 = tpu.memref_slice %arg4[%add3A_11] : memref<65536xi32, #tpu.memory_space<hbm>> -> memref<128xi32, #tpu.memory_space<hbm>>
        tpu.enqueue_dma source(%dma_start3A_23 : memref<128xi32, #tpu.memory_space<hbm>>) target(%arg7 : memref<128xi32, #tpu.memory_space<vmem>>) target_semaphore(%run_scoped3A : memref<!tpu.dma_semaphore, #tpu.memory_space<semaphore_mem>>)
        %dma_wait3A_24 = tpu.memref_slice %arg4[%add3A_11] : memref<65536xi32, #tpu.memory_space<hbm>> -> memref<128xi32, #tpu.memory_space<hbm>>
        %dma_wait3A_25 = tpu.memref_slice %arg4[%add3A_11] : memref<65536xi32, #tpu.memory_space<hbm>> -> memref<128xi32, #tpu.memory_space<hbm>>
        tpu.wait_dma2 semaphore(%run_scoped3A : memref<!tpu.dma_semaphore, #tpu.memory_space<semaphore_mem>>) src(%dma_wait3A_25 : memref<128xi32, #tpu.memory_space<hbm>>) dst(%arg7 : memref<128xi32, #tpu.memory_space<vmem>>)
        tpu.yield
      }) : () -> ()
      %dma_start3A = arith.constant 0 : i32
      %dma_start3A_12 = arith.constant 0 : i32
      %dma_start3A_13 = tpu.memref_slice %arg2[%dma_start3A, %dma_start3A_12] : memref<8192x128xi32, #tpu.memory_space<hbm>> -> memref<8192x128xi32, #tpu.memory_space<hbm>>
      tpu.enqueue_indirect_dma source(%dma_start3A_13 : memref<8192x128xi32, #tpu.memory_space<hbm>>) target(%arg8 : memref<128x128xi32, #tpu.memory_space<vmem>>) offsets(%arg7 : memref<128xi32, #tpu.memory_space<vmem>>) semaphore(%arg10 : memref<!tpu.dma_semaphore, #tpu.memory_space<semaphore_mem>>)
      %dma_start3A_14 = arith.constant 0 : i32
      %dma_start3A_15 = arith.constant 0 : i32
      %dma_start3A_16 = tpu.memref_slice %arg3[%dma_start3A_14, %dma_start3A_15] : memref<8192x128xf32, #tpu.memory_space<hbm>> -> memref<8192x128xf32, #tpu.memory_space<hbm>>
      tpu.enqueue_indirect_dma source(%dma_start3A_16 : memref<8192x128xf32, #tpu.memory_space<hbm>>) target(%arg9 : memref<128x128xf32, #tpu.memory_space<vmem>>) offsets(%arg7 : memref<128xi32, #tpu.memory_space<vmem>>) semaphore(%arg11 : memref<!tpu.dma_semaphore, #tpu.memory_space<semaphore_mem>>)
      %dma_wait3A = arith.constant 0 : i32
      %dma_wait3A_17 = arith.constant 0 : i32
      %dma_wait3A_18 = tpu.memref_slice %arg2[%dma_wait3A, %dma_wait3A_17] : memref<8192x128xi32, #tpu.memory_space<hbm>> -> memref<8192x128xi32, #tpu.memory_space<hbm>>
      tpu.wait_indirect_dma semaphore(%arg10 : memref<!tpu.dma_semaphore, #tpu.memory_space<semaphore_mem>>) src(%dma_wait3A_18 : memref<8192x128xi32, #tpu.memory_space<hbm>>) dst(%arg8 : memref<128x128xi32, #tpu.memory_space<vmem>>)
      %dma_wait3A_19 = arith.constant 0 : i32
      %dma_wait3A_20 = arith.constant 0 : i32
      %dma_wait3A_21 = tpu.memref_slice %arg3[%dma_wait3A_19, %dma_wait3A_20] : memref<8192x128xf32, #tpu.memory_space<hbm>> -> memref<8192x128xf32, #tpu.memory_space<hbm>>
      tpu.wait_indirect_dma semaphore(%arg11 : memref<!tpu.dma_semaphore, #tpu.memory_space<semaphore_mem>>) src(%dma_wait3A_21 : memref<8192x128xf32, #tpu.memory_space<hbm>>) dst(%arg9 : memref<128x128xf32, #tpu.memory_space<vmem>>)
      "tpu.region"() ({
        %run_scoped3A = tpu.sem_alloc : memref<!tpu.dma_semaphore, #tpu.memory_space<semaphore_mem>>
        %dma_start3A_22 = arith.constant 0 : i32
        %dma_start3A_23 = tpu.memref_slice %arg5[%add3A_11, %dma_start3A_22] : memref<65536x128xi32, #tpu.memory_space<hbm>> -> memref<128x128xi32, #tpu.memory_space<hbm>>
        %dma_start3A_24 = arith.constant 0 : i32
        %dma_start3A_25 = tpu.memref_slice %arg5[%add3A_11, %dma_start3A_24] : memref<65536x128xi32, #tpu.memory_space<hbm>> -> memref<128x128xi32, #tpu.memory_space<hbm>>
        tpu.enqueue_dma source(%arg8 : memref<128x128xi32, #tpu.memory_space<vmem>>) target(%dma_start3A_25 : memref<128x128xi32, #tpu.memory_space<hbm>>) target_semaphore(%run_scoped3A : memref<!tpu.dma_semaphore, #tpu.memory_space<semaphore_mem>>)
        %dma_wait3A_26 = arith.constant 0 : i32
        %dma_wait3A_27 = tpu.memref_slice %arg5[%add3A_11, %dma_wait3A_26] : memref<65536x128xi32, #tpu.memory_space<hbm>> -> memref<128x128xi32, #tpu.memory_space<hbm>>
        %dma_wait3A_28 = arith.constant 0 : i32
        %dma_wait3A_29 = tpu.memref_slice %arg5[%add3A_11, %dma_wait3A_28] : memref<65536x128xi32, #tpu.memory_space<hbm>> -> memref<128x128xi32, #tpu.memory_space<hbm>>
        tpu.wait_dma2 semaphore(%run_scoped3A : memref<!tpu.dma_semaphore, #tpu.memory_space<semaphore_mem>>) src(%arg8 : memref<128x128xi32, #tpu.memory_space<vmem>>) dst(%dma_wait3A_29 : memref<128x128xi32, #tpu.memory_space<hbm>>)
        tpu.yield
      }) : () -> ()
      "tpu.region"() ({
        %run_scoped3A = tpu.sem_alloc : memref<!tpu.dma_semaphore, #tpu.memory_space<semaphore_mem>>
        %dma_start3A_22 = arith.constant 0 : i32
        %dma_start3A_23 = tpu.memref_slice %arg6[%add3A_11, %dma_start3A_22] : memref<65536x128xf32, #tpu.memory_space<hbm>> -> memref<128x128xf32, #tpu.memory_space<hbm>>
        %dma_start3A_24 = arith.constant 0 : i32
        %dma_start3A_25 = tpu.memref_slice %arg6[%add3A_11, %dma_start3A_24] : memref<65536x128xf32, #tpu.memory_space<hbm>> -> memref<128x128xf32, #tpu.memory_space<hbm>>
        tpu.enqueue_dma source(%arg9 : memref<128x128xf32, #tpu.memory_space<vmem>>) target(%dma_start3A_25 : memref<128x128xf32, #tpu.memory_space<hbm>>) target_semaphore(%run_scoped3A : memref<!tpu.dma_semaphore, #tpu.memory_space<semaphore_mem>>)
        %dma_wait3A_26 = arith.constant 0 : i32
        %dma_wait3A_27 = tpu.memref_slice %arg6[%add3A_11, %dma_wait3A_26] : memref<65536x128xf32, #tpu.memory_space<hbm>> -> memref<128x128xf32, #tpu.memory_space<hbm>>
        %dma_wait3A_28 = arith.constant 0 : i32
        %dma_wait3A_29 = tpu.memref_slice %arg6[%add3A_11, %dma_wait3A_28] : memref<65536x128xf32, #tpu.memory_space<hbm>> -> memref<128x128xf32, #tpu.memory_space<hbm>>
        tpu.wait_dma2 semaphore(%run_scoped3A : memref<!tpu.dma_semaphore, #tpu.memory_space<semaphore_mem>>) src(%arg9 : memref<128x128xf32, #tpu.memory_space<vmem>>) dst(%dma_wait3A_29 : memref<128x128xf32, #tpu.memory_space<hbm>>)
        tpu.yield
      }) : () -> ()
    }
    %scan3A_7 = arith.constant 16 : i32
    return
  }
}

module attributes {stable_mosaic.version = 14 : i64} {
  func.func @_topk_body(%arg0: i32, %arg1: memref<1x256x3xf32, #tpu.memory_space<vmem>>, %arg2: memref<1x8x4096xf32, #tpu.memory_space<vmem>>, %arg3: memref<1x256x16xi32, #tpu.memory_space<vmem>>) attributes {dimension_semantics = [#tpu.dimension_semantics<arbitrary>], iteration_bounds = array<i64: 16>, scalar_prefetch = 0 : i64, scratch_operands = 0 : i64, tpu.core_type = #tpu.core_type<tc>, window_params = [{transform_indices = @transform_0, window_bounds = array<i64: 1, 256, 3>}, {pipeline_mode = #tpu.pipeline_mode<synchronous>, transform_indices = @transform_1, window_bounds = array<i64: 1, 8, 4096>}, {transform_indices = @transform_2, window_bounds = array<i64: 1, 256, 16>}]} {
    %get3A = arith.constant 0 : index
    %get3A_0 = arith.constant 0 : index
    %get3A_1 = arith.constant 0 : index
    %get3A_2 = vector.load %arg1[%get3A, %get3A_0, %get3A_1] : memref<1x256x3xf32, #tpu.memory_space<vmem>>, vector<1x256x3xf32>
    %get3A_3 = vector.shape_cast %get3A_2 : vector<1x256x3xf32> to vector<256x3xf32>
    %get3A_4 = arith.constant 0 : index
    %get3A_5 = arith.constant 0 : index
    %get3A_6 = arith.constant 0 : index
    %get3A_7 = vector.load %arg2[%get3A_4, %get3A_5, %get3A_6] : memref<1x8x4096xf32, #tpu.memory_space<vmem>>, vector<1x8x4096xf32>
    %get3A_8 = vector.shape_cast %get3A_7 : vector<1x8x4096xf32> to vector<8x4096xf32>
    %slice3A = vector.extract_strided_slice %get3A_3 {offsets = [0, 0], sizes = [256, 1], strides = [1, 1]} : vector<256x3xf32> to vector<256x1xf32>
    %squeeze3A = vector.shape_cast %slice3A : vector<256x1xf32> to vector<256xf32>
    %slice3A_9 = vector.extract_strided_slice %get3A_3 {offsets = [0, 1], sizes = [256, 1], strides = [1, 1]} : vector<256x3xf32> to vector<256x1xf32>
    %squeeze3A_10 = vector.shape_cast %slice3A_9 : vector<256x1xf32> to vector<256xf32>
    %slice3A_11 = vector.extract_strided_slice %get3A_3 {offsets = [0, 2], sizes = [256, 1], strides = [1, 1]} : vector<256x3xf32> to vector<256x1xf32>
    %squeeze3A_12 = vector.shape_cast %slice3A_11 : vector<256x1xf32> to vector<256xf32>
    %mul3A = arith.mulf %squeeze3A, %squeeze3A : vector<256xf32>
    %mul3A_13 = arith.mulf %squeeze3A_10, %squeeze3A_10 : vector<256xf32>
    %add3A = arith.addf %mul3A, %mul3A_13 : vector<256xf32>
    %mul3A_14 = arith.mulf %squeeze3A_12, %squeeze3A_12 : vector<256xf32>
    %add3A_15 = arith.addf %add3A, %mul3A_14 : vector<256xf32>
    %broadcast_in_dim3A = vector.shape_cast %add3A_15 : vector<256xf32> to vector<256x1xf32>
    %slice3A_16 = vector.extract_strided_slice %get3A_8 {offsets = [0, 0], sizes = [1, 4096], strides = [1, 1]} : vector<8x4096xf32> to vector<1x4096xf32>
    %squeeze3A_17 = vector.shape_cast %slice3A_16 : vector<1x4096xf32> to vector<4096xf32>
    %slice3A_18 = vector.extract_strided_slice %get3A_8 {offsets = [1, 0], sizes = [1, 4096], strides = [1, 1]} : vector<8x4096xf32> to vector<1x4096xf32>
    %squeeze3A_19 = vector.shape_cast %slice3A_18 : vector<1x4096xf32> to vector<4096xf32>
    %slice3A_20 = vector.extract_strided_slice %get3A_8 {offsets = [2, 0], sizes = [1, 4096], strides = [1, 1]} : vector<8x4096xf32> to vector<1x4096xf32>
    %squeeze3A_21 = vector.shape_cast %slice3A_20 : vector<1x4096xf32> to vector<4096xf32>
    %mul3A_22 = arith.mulf %squeeze3A_17, %squeeze3A_17 : vector<4096xf32>
    %mul3A_23 = arith.mulf %squeeze3A_19, %squeeze3A_19 : vector<4096xf32>
    %add3A_24 = arith.addf %mul3A_22, %mul3A_23 : vector<4096xf32>
    %mul3A_25 = arith.mulf %squeeze3A_21, %squeeze3A_21 : vector<4096xf32>
    %add3A_26 = arith.addf %add3A_24, %mul3A_25 : vector<4096xf32>
    %broadcast_in_dim3A_27 = vector.shape_cast %add3A_26 : vector<4096xf32> to vector<1x4096xf32>
    %broadcast_in_dim3A_28 = arith.constant 0.000000e+00 : f32
    %broadcast_in_dim3A_29 = vector.broadcast %broadcast_in_dim3A_28 : f32 to vector<256x5xf32>
    %concatenate3A = tpu.concatenate %get3A_3, %broadcast_in_dim3A_29 in 1 : vector<256x3xf32>, vector<256x5xf32> -> vector<256x8xf32>
    %convert_element_type3A = arith.truncf %concatenate3A : vector<256x8xf32> to vector<256x8xbf16>
    %convert_element_type3A_30 = arith.truncf %get3A_8 : vector<8x4096xf32> to vector<8x4096xbf16>
    %dot_general3A = arith.constant dense<0.000000e+00> : vector<256x4096xf32>
    %dot_general3A_31 = tpu.matmul %convert_element_type3A, %convert_element_type3A_30, %dot_general3A {dimension_numbers = #tpu.dot_dimension_numbers<[1], [0], [0], [1], [0, 0, 1, 1], [], []>, transpose_lhs_hint = false} : vector<256x8xbf16>, vector<8x4096xbf16>, vector<256x4096xf32> -> vector<256x4096xf32>
    %add3A_32 = vector.broadcast %broadcast_in_dim3A : vector<256x1xf32> to vector<256x4096xf32>
    %add3A_33 = vector.broadcast %broadcast_in_dim3A_27 : vector<1x4096xf32> to vector<256x4096xf32>
    %add3A_34 = arith.addf %add3A_32, %add3A_33 : vector<256x4096xf32>
    %mul3A_35 = arith.constant 2.000000e+00 : f32
    %mul3A_36 = vector.broadcast %mul3A_35 : f32 to vector<256x4096xf32>
    %mul3A_37 = arith.mulf %mul3A_36, %dot_general3A_31 : vector<256x4096xf32>
    %sub3A = arith.subf %add3A_34, %mul3A_37 : vector<256x4096xf32>
    %broadcast_in_dim3A_38 = arith.constant 0x7F800000 : f32
    %broadcast_in_dim3A_39 = vector.broadcast %broadcast_in_dim3A_38 : f32 to vector<256x128xf32>
    %broadcast_in_dim3A_40 = arith.constant 0x7F800000 : f32
    %broadcast_in_dim3A_41 = vector.broadcast %broadcast_in_dim3A_40 : f32 to vector<256x128xf32>
    %broadcast_in_dim3A_42 = arith.constant 0x7F800000 : f32
    %broadcast_in_dim3A_43 = vector.broadcast %broadcast_in_dim3A_42 : f32 to vector<256x128xf32>
    %broadcast_in_dim3A_44 = arith.constant 0x7F800000 : f32
    %broadcast_in_dim3A_45 = vector.broadcast %broadcast_in_dim3A_44 : f32 to vector<256x128xf32>
    %broadcast_in_dim3A_46 = arith.constant 0 : i32
    %broadcast_in_dim3A_47 = vector.broadcast %broadcast_in_dim3A_46 : i32 to vector<256x128xi32>
    %broadcast_in_dim3A_48 = arith.constant 0 : i32
    %broadcast_in_dim3A_49 = vector.broadcast %broadcast_in_dim3A_48 : i32 to vector<256x128xi32>
    %broadcast_in_dim3A_50 = arith.constant 0 : i32
    %broadcast_in_dim3A_51 = vector.broadcast %broadcast_in_dim3A_50 : i32 to vector<256x128xi32>
    %broadcast_in_dim3A_52 = arith.constant 0 : i32
    %broadcast_in_dim3A_53 = vector.broadcast %broadcast_in_dim3A_52 : i32 to vector<256x128xi32>
    %iota3A = tpu.iota {dimensions = array<i32: 1>} : vector<256x128xi32>
    %slice3A_54 = vector.extract_strided_slice %sub3A {offsets = [0, 0], sizes = [256, 128], strides = [1, 1]} : vector<256x4096xf32> to vector<256x128xf32>
    %add3A_55 = arith.constant 0 : i32
    %add3A_56 = vector.broadcast %add3A_55 : i32 to vector<256x128xi32>
    %add3A_57 = arith.addi %iota3A, %add3A_56 : vector<256x128xi32>
    %lt3A = arith.cmpf olt, %slice3A_54, %broadcast_in_dim3A_39 : vector<256x128xf32>
    %select_n3A = arith.select %lt3A, %slice3A_54, %broadcast_in_dim3A_39 : vector<256x128xi1>, vector<256x128xf32>
    %select_n3A_58 = arith.select %lt3A, %add3A_57, %broadcast_in_dim3A_47 : vector<256x128xi1>, vector<256x128xi32>
    %select_n3A_59 = arith.select %lt3A, %broadcast_in_dim3A_39, %slice3A_54 : vector<256x128xi1>, vector<256x128xf32>
    %select_n3A_60 = arith.select %lt3A, %broadcast_in_dim3A_47, %add3A_57 : vector<256x128xi1>, vector<256x128xi32>
    %lt3A_61 = arith.cmpf olt, %select_n3A_59, %broadcast_in_dim3A_41 : vector<256x128xf32>
    %select_n3A_62 = arith.select %lt3A_61, %select_n3A_59, %broadcast_in_dim3A_41 : vector<256x128xi1>, vector<256x128xf32>
    %select_n3A_63 = arith.select %lt3A_61, %select_n3A_60, %broadcast_in_dim3A_49 : vector<256x128xi1>, vector<256x128xi32>
    %select_n3A_64 = arith.select %lt3A_61, %broadcast_in_dim3A_41, %select_n3A_59 : vector<256x128xi1>, vector<256x128xf32>
    %select_n3A_65 = arith.select %lt3A_61, %broadcast_in_dim3A_49, %select_n3A_60 : vector<256x128xi1>, vector<256x128xi32>
    %lt3A_66 = arith.cmpf olt, %select_n3A_64, %broadcast_in_dim3A_43 : vector<256x128xf32>
    %select_n3A_67 = arith.select %lt3A_66, %select_n3A_64, %broadcast_in_dim3A_43 : vector<256x128xi1>, vector<256x128xf32>
    %select_n3A_68 = arith.select %lt3A_66, %select_n3A_65, %broadcast_in_dim3A_51 : vector<256x128xi1>, vector<256x128xi32>
    %select_n3A_69 = arith.select %lt3A_66, %broadcast_in_dim3A_43, %select_n3A_64 : vector<256x128xi1>, vector<256x128xf32>
    %select_n3A_70 = arith.select %lt3A_66, %broadcast_in_dim3A_51, %select_n3A_65 : vector<256x128xi1>, vector<256x128xi32>
    %lt3A_71 = arith.cmpf olt, %select_n3A_69, %broadcast_in_dim3A_45 : vector<256x128xf32>
    %select_n3A_72 = arith.select %lt3A_71, %select_n3A_69, %broadcast_in_dim3A_45 : vector<256x128xi1>, vector<256x128xf32>
    %select_n3A_73 = arith.select %lt3A_71, %select_n3A_70, %broadcast_in_dim3A_53 : vector<256x128xi1>, vector<256x128xi32>
    %slice3A_74 = vector.extract_strided_slice %sub3A {offsets = [0, 128], sizes = [256, 128], strides = [1, 1]} : vector<256x4096xf32> to vector<256x128xf32>
    %add3A_75 = arith.constant 128 : i32
    %add3A_76 = vector.broadcast %add3A_75 : i32 to vector<256x128xi32>
    %add3A_77 = arith.addi %iota3A, %add3A_76 : vector<256x128xi32>
    %lt3A_78 = arith.cmpf olt, %slice3A_74, %select_n3A : vector<256x128xf32>
    %select_n3A_79 = arith.select %lt3A_78, %slice3A_74, %select_n3A : vector<256x128xi1>, vector<256x128xf32>
    %select_n3A_80 = arith.select %lt3A_78, %add3A_77, %select_n3A_58 : vector<256x128xi1>, vector<256x128xi32>
    %select_n3A_81 = arith.select %lt3A_78, %select_n3A, %slice3A_74 : vector<256x128xi1>, vector<256x128xf32>
    %select_n3A_82 = arith.select %lt3A_78, %select_n3A_58, %add3A_77 : vector<256x128xi1>, vector<256x128xi32>
    %lt3A_83 = arith.cmpf olt, %select_n3A_81, %select_n3A_62 : vector<256x128xf32>
    %select_n3A_84 = arith.select %lt3A_83, %select_n3A_81, %select_n3A_62 : vector<256x128xi1>, vector<256x128xf32>
    %select_n3A_85 = arith.select %lt3A_83, %select_n3A_82, %select_n3A_63 : vector<256x128xi1>, vector<256x128xi32>
    %select_n3A_86 = arith.select %lt3A_83, %select_n3A_62, %select_n3A_81 : vector<256x128xi1>, vector<256x128xf32>
    %select_n3A_87 = arith.select %lt3A_83, %select_n3A_63, %select_n3A_82 : vector<256x128xi1>, vector<256x128xi32>
    %lt3A_88 = arith.cmpf olt, %select_n3A_86, %select_n3A_67 : vector<256x128xf32>
    %select_n3A_89 = arith.select %lt3A_88, %select_n3A_86, %select_n3A_67 : vector<256x128xi1>, vector<256x128xf32>
    %select_n3A_90 = arith.select %lt3A_88, %select_n3A_87, %select_n3A_68 : vector<256x128xi1>, vector<256x128xi32>
    %select_n3A_91 = arith.select %lt3A_88, %select_n3A_67, %select_n3A_86 : vector<256x128xi1>, vector<256x128xf32>
    %select_n3A_92 = arith.select %lt3A_88, %select_n3A_68, %select_n3A_87 : vector<256x128xi1>, vector<256x128xi32>
    %lt3A_93 = arith.cmpf olt, %select_n3A_91, %select_n3A_72 : vector<256x128xf32>
    %select_n3A_94 = arith.select %lt3A_93, %select_n3A_91, %select_n3A_72 : vector<256x128xi1>, vector<256x128xf32>
    %select_n3A_95 = arith.select %lt3A_93, %select_n3A_92, %select_n3A_73 : vector<256x128xi1>, vector<256x128xi32>
    %slice3A_96 = vector.extract_strided_slice %sub3A {offsets = [0, 256], sizes = [256, 128], strides = [1, 1]} : vector<256x4096xf32> to vector<256x128xf32>
    %add3A_97 = arith.constant 256 : i32
    %add3A_98 = vector.broadcast %add3A_97 : i32 to vector<256x128xi32>
    %add3A_99 = arith.addi %iota3A, %add3A_98 : vector<256x128xi32>
    %lt3A_100 = arith.cmpf olt, %slice3A_96, %select_n3A_79 : vector<256x128xf32>
    %select_n3A_101 = arith.select %lt3A_100, %slice3A_96, %select_n3A_79 : vector<256x128xi1>, vector<256x128xf32>
    %select_n3A_102 = arith.select %lt3A_100, %add3A_99, %select_n3A_80 : vector<256x128xi1>, vector<256x128xi32>
    %select_n3A_103 = arith.select %lt3A_100, %select_n3A_79, %slice3A_96 : vector<256x128xi1>, vector<256x128xf32>
    %select_n3A_104 = arith.select %lt3A_100, %select_n3A_80, %add3A_99 : vector<256x128xi1>, vector<256x128xi32>
    %lt3A_105 = arith.cmpf olt, %select_n3A_103, %select_n3A_84 : vector<256x128xf32>
    %select_n3A_106 = arith.select %lt3A_105, %select_n3A_103, %select_n3A_84 : vector<256x128xi1>, vector<256x128xf32>
    %select_n3A_107 = arith.select %lt3A_105, %select_n3A_104, %select_n3A_85 : vector<256x128xi1>, vector<256x128xi32>
    %select_n3A_108 = arith.select %lt3A_105, %select_n3A_84, %select_n3A_103 : vector<256x128xi1>, vector<256x128xf32>
    %select_n3A_109 = arith.select %lt3A_105, %select_n3A_85, %select_n3A_104 : vector<256x128xi1>, vector<256x128xi32>
    %lt3A_110 = arith.cmpf olt, %select_n3A_108, %select_n3A_89 : vector<256x128xf32>
    %select_n3A_111 = arith.select %lt3A_110, %select_n3A_108, %select_n3A_89 : vector<256x128xi1>, vector<256x128xf32>
    %select_n3A_112 = arith.select %lt3A_110, %select_n3A_109, %select_n3A_90 : vector<256x128xi1>, vector<256x128xi32>
    %select_n3A_113 = arith.select %lt3A_110, %select_n3A_89, %select_n3A_108 : vector<256x128xi1>, vector<256x128xf32>
    %select_n3A_114 = arith.select %lt3A_110, %select_n3A_90, %select_n3A_109 : vector<256x128xi1>, vector<256x128xi32>
    %lt3A_115 = arith.cmpf olt, %select_n3A_113, %select_n3A_94 : vector<256x128xf32>
    %select_n3A_116 = arith.select %lt3A_115, %select_n3A_113, %select_n3A_94 : vector<256x128xi1>, vector<256x128xf32>
    %select_n3A_117 = arith.select %lt3A_115, %select_n3A_114, %select_n3A_95 : vector<256x128xi1>, vector<256x128xi32>
    %slice3A_118 = vector.extract_strided_slice %sub3A {offsets = [0, 384], sizes = [256, 128], strides = [1, 1]} : vector<256x4096xf32> to vector<256x128xf32>
    %add3A_119 = arith.constant 384 : i32
    %add3A_120 = vector.broadcast %add3A_119 : i32 to vector<256x128xi32>
    %add3A_121 = arith.addi %iota3A, %add3A_120 : vector<256x128xi32>
    %lt3A_122 = arith.cmpf olt, %slice3A_118, %select_n3A_101 : vector<256x128xf32>
    %select_n3A_123 = arith.select %lt3A_122, %slice3A_118, %select_n3A_101 : vector<256x128xi1>, vector<256x128xf32>
    %select_n3A_124 = arith.select %lt3A_122, %add3A_121, %select_n3A_102 : vector<256x128xi1>, vector<256x128xi32>
    %select_n3A_125 = arith.select %lt3A_122, %select_n3A_101, %slice3A_118 : vector<256x128xi1>, vector<256x128xf32>
    %select_n3A_126 = arith.select %lt3A_122, %select_n3A_102, %add3A_121 : vector<256x128xi1>, vector<256x128xi32>
    %lt3A_127 = arith.cmpf olt, %select_n3A_125, %select_n3A_106 : vector<256x128xf32>
    %select_n3A_128 = arith.select %lt3A_127, %select_n3A_125, %select_n3A_106 : vector<256x128xi1>, vector<256x128xf32>
    %select_n3A_129 = arith.select %lt3A_127, %select_n3A_126, %select_n3A_107 : vector<256x128xi1>, vector<256x128xi32>
    %select_n3A_130 = arith.select %lt3A_127, %select_n3A_106, %select_n3A_125 : vector<256x128xi1>, vector<256x128xf32>
    %select_n3A_131 = arith.select %lt3A_127, %select_n3A_107, %select_n3A_126 : vector<256x128xi1>, vector<256x128xi32>
    %lt3A_132 = arith.cmpf olt, %select_n3A_130, %select_n3A_111 : vector<256x128xf32>
    %select_n3A_133 = arith.select %lt3A_132, %select_n3A_130, %select_n3A_111 : vector<256x128xi1>, vector<256x128xf32>
    %select_n3A_134 = arith.select %lt3A_132, %select_n3A_131, %select_n3A_112 : vector<256x128xi1>, vector<256x128xi32>
    %select_n3A_135 = arith.select %lt3A_132, %select_n3A_111, %select_n3A_130 : vector<256x128xi1>, vector<256x128xf32>
    %select_n3A_136 = arith.select %lt3A_132, %select_n3A_112, %select_n3A_131 : vector<256x128xi1>, vector<256x128xi32>
    %lt3A_137 = arith.cmpf olt, %select_n3A_135, %select_n3A_116 : vector<256x128xf32>
    %select_n3A_138 = arith.select %lt3A_137, %select_n3A_135, %select_n3A_116 : vector<256x128xi1>, vector<256x128xf32>
    %select_n3A_139 = arith.select %lt3A_137, %select_n3A_136, %select_n3A_117 : vector<256x128xi1>, vector<256x128xi32>
    %slice3A_140 = vector.extract_strided_slice %sub3A {offsets = [0, 512], sizes = [256, 128], strides = [1, 1]} : vector<256x4096xf32> to vector<256x128xf32>
    %add3A_141 = arith.constant 512 : i32
    %add3A_142 = vector.broadcast %add3A_141 : i32 to vector<256x128xi32>
    %add3A_143 = arith.addi %iota3A, %add3A_142 : vector<256x128xi32>
    %lt3A_144 = arith.cmpf olt, %slice3A_140, %select_n3A_123 : vector<256x128xf32>
    %select_n3A_145 = arith.select %lt3A_144, %slice3A_140, %select_n3A_123 : vector<256x128xi1>, vector<256x128xf32>
    %select_n3A_146 = arith.select %lt3A_144, %add3A_143, %select_n3A_124 : vector<256x128xi1>, vector<256x128xi32>
    %select_n3A_147 = arith.select %lt3A_144, %select_n3A_123, %slice3A_140 : vector<256x128xi1>, vector<256x128xf32>
    %select_n3A_148 = arith.select %lt3A_144, %select_n3A_124, %add3A_143 : vector<256x128xi1>, vector<256x128xi32>
    %lt3A_149 = arith.cmpf olt, %select_n3A_147, %select_n3A_128 : vector<256x128xf32>
    %select_n3A_150 = arith.select %lt3A_149, %select_n3A_147, %select_n3A_128 : vector<256x128xi1>, vector<256x128xf32>
    %select_n3A_151 = arith.select %lt3A_149, %select_n3A_148, %select_n3A_129 : vector<256x128xi1>, vector<256x128xi32>
    %select_n3A_152 = arith.select %lt3A_149, %select_n3A_128, %select_n3A_147 : vector<256x128xi1>, vector<256x128xf32>
    %select_n3A_153 = arith.select %lt3A_149, %select_n3A_129, %select_n3A_148 : vector<256x128xi1>, vector<256x128xi32>
    %lt3A_154 = arith.cmpf olt, %select_n3A_152, %select_n3A_133 : vector<256x128xf32>
    %select_n3A_155 = arith.select %lt3A_154, %select_n3A_152, %select_n3A_133 : vector<256x128xi1>, vector<256x128xf32>
    %select_n3A_156 = arith.select %lt3A_154, %select_n3A_153, %select_n3A_134 : vector<256x128xi1>, vector<256x128xi32>
    %select_n3A_157 = arith.select %lt3A_154, %select_n3A_133, %select_n3A_152 : vector<256x128xi1>, vector<256x128xf32>
    %select_n3A_158 = arith.select %lt3A_154, %select_n3A_134, %select_n3A_153 : vector<256x128xi1>, vector<256x128xi32>
    %lt3A_159 = arith.cmpf olt, %select_n3A_157, %select_n3A_138 : vector<256x128xf32>
    %select_n3A_160 = arith.select %lt3A_159, %select_n3A_157, %select_n3A_138 : vector<256x128xi1>, vector<256x128xf32>
    %select_n3A_161 = arith.select %lt3A_159, %select_n3A_158, %select_n3A_139 : vector<256x128xi1>, vector<256x128xi32>
    %slice3A_162 = vector.extract_strided_slice %sub3A {offsets = [0, 640], sizes = [256, 128], strides = [1, 1]} : vector<256x4096xf32> to vector<256x128xf32>
    %add3A_163 = arith.constant 640 : i32
    %add3A_164 = vector.broadcast %add3A_163 : i32 to vector<256x128xi32>
    %add3A_165 = arith.addi %iota3A, %add3A_164 : vector<256x128xi32>
    %lt3A_166 = arith.cmpf olt, %slice3A_162, %select_n3A_145 : vector<256x128xf32>
    %select_n3A_167 = arith.select %lt3A_166, %slice3A_162, %select_n3A_145 : vector<256x128xi1>, vector<256x128xf32>
    %select_n3A_168 = arith.select %lt3A_166, %add3A_165, %select_n3A_146 : vector<256x128xi1>, vector<256x128xi32>
    %select_n3A_169 = arith.select %lt3A_166, %select_n3A_145, %slice3A_162 : vector<256x128xi1>, vector<256x128xf32>
    %select_n3A_170 = arith.select %lt3A_166, %select_n3A_146, %add3A_165 : vector<256x128xi1>, vector<256x128xi32>
    %lt3A_171 = arith.cmpf olt, %select_n3A_169, %select_n3A_150 : vector<256x128xf32>
    %select_n3A_172 = arith.select %lt3A_171, %select_n3A_169, %select_n3A_150 : vector<256x128xi1>, vector<256x128xf32>
    %select_n3A_173 = arith.select %lt3A_171, %select_n3A_170, %select_n3A_151 : vector<256x128xi1>, vector<256x128xi32>
    %select_n3A_174 = arith.select %lt3A_171, %select_n3A_150, %select_n3A_169 : vector<256x128xi1>, vector<256x128xf32>
    %select_n3A_175 = arith.select %lt3A_171, %select_n3A_151, %select_n3A_170 : vector<256x128xi1>, vector<256x128xi32>
    %lt3A_176 = arith.cmpf olt, %select_n3A_174, %select_n3A_155 : vector<256x128xf32>
    %select_n3A_177 = arith.select %lt3A_176, %select_n3A_174, %select_n3A_155 : vector<256x128xi1>, vector<256x128xf32>
    %select_n3A_178 = arith.select %lt3A_176, %select_n3A_175, %select_n3A_156 : vector<256x128xi1>, vector<256x128xi32>
    %select_n3A_179 = arith.select %lt3A_176, %select_n3A_155, %select_n3A_174 : vector<256x128xi1>, vector<256x128xf32>
    %select_n3A_180 = arith.select %lt3A_176, %select_n3A_156, %select_n3A_175 : vector<256x128xi1>, vector<256x128xi32>
    %lt3A_181 = arith.cmpf olt, %select_n3A_179, %select_n3A_160 : vector<256x128xf32>
    %select_n3A_182 = arith.select %lt3A_181, %select_n3A_179, %select_n3A_160 : vector<256x128xi1>, vector<256x128xf32>
    %select_n3A_183 = arith.select %lt3A_181, %select_n3A_180, %select_n3A_161 : vector<256x128xi1>, vector<256x128xi32>
    %slice3A_184 = vector.extract_strided_slice %sub3A {offsets = [0, 768], sizes = [256, 128], strides = [1, 1]} : vector<256x4096xf32> to vector<256x128xf32>
    %add3A_185 = arith.constant 768 : i32
    %add3A_186 = vector.broadcast %add3A_185 : i32 to vector<256x128xi32>
    %add3A_187 = arith.addi %iota3A, %add3A_186 : vector<256x128xi32>
    %lt3A_188 = arith.cmpf olt, %slice3A_184, %select_n3A_167 : vector<256x128xf32>
    %select_n3A_189 = arith.select %lt3A_188, %slice3A_184, %select_n3A_167 : vector<256x128xi1>, vector<256x128xf32>
    %select_n3A_190 = arith.select %lt3A_188, %add3A_187, %select_n3A_168 : vector<256x128xi1>, vector<256x128xi32>
    %select_n3A_191 = arith.select %lt3A_188, %select_n3A_167, %slice3A_184 : vector<256x128xi1>, vector<256x128xf32>
    %select_n3A_192 = arith.select %lt3A_188, %select_n3A_168, %add3A_187 : vector<256x128xi1>, vector<256x128xi32>
    %lt3A_193 = arith.cmpf olt, %select_n3A_191, %select_n3A_172 : vector<256x128xf32>
    %select_n3A_194 = arith.select %lt3A_193, %select_n3A_191, %select_n3A_172 : vector<256x128xi1>, vector<256x128xf32>
    %select_n3A_195 = arith.select %lt3A_193, %select_n3A_192, %select_n3A_173 : vector<256x128xi1>, vector<256x128xi32>
    %select_n3A_196 = arith.select %lt3A_193, %select_n3A_172, %select_n3A_191 : vector<256x128xi1>, vector<256x128xf32>
    %select_n3A_197 = arith.select %lt3A_193, %select_n3A_173, %select_n3A_192 : vector<256x128xi1>, vector<256x128xi32>
    %lt3A_198 = arith.cmpf olt, %select_n3A_196, %select_n3A_177 : vector<256x128xf32>
    %select_n3A_199 = arith.select %lt3A_198, %select_n3A_196, %select_n3A_177 : vector<256x128xi1>, vector<256x128xf32>
    %select_n3A_200 = arith.select %lt3A_198, %select_n3A_197, %select_n3A_178 : vector<256x128xi1>, vector<256x128xi32>
    %select_n3A_201 = arith.select %lt3A_198, %select_n3A_177, %select_n3A_196 : vector<256x128xi1>, vector<256x128xf32>
    %select_n3A_202 = arith.select %lt3A_198, %select_n3A_178, %select_n3A_197 : vector<256x128xi1>, vector<256x128xi32>
    %lt3A_203 = arith.cmpf olt, %select_n3A_201, %select_n3A_182 : vector<256x128xf32>
    %select_n3A_204 = arith.select %lt3A_203, %select_n3A_201, %select_n3A_182 : vector<256x128xi1>, vector<256x128xf32>
    %select_n3A_205 = arith.select %lt3A_203, %select_n3A_202, %select_n3A_183 : vector<256x128xi1>, vector<256x128xi32>
    %slice3A_206 = vector.extract_strided_slice %sub3A {offsets = [0, 896], sizes = [256, 128], strides = [1, 1]} : vector<256x4096xf32> to vector<256x128xf32>
    %add3A_207 = arith.constant 896 : i32
    %add3A_208 = vector.broadcast %add3A_207 : i32 to vector<256x128xi32>
    %add3A_209 = arith.addi %iota3A, %add3A_208 : vector<256x128xi32>
    %lt3A_210 = arith.cmpf olt, %slice3A_206, %select_n3A_189 : vector<256x128xf32>
    %select_n3A_211 = arith.select %lt3A_210, %slice3A_206, %select_n3A_189 : vector<256x128xi1>, vector<256x128xf32>
    %select_n3A_212 = arith.select %lt3A_210, %add3A_209, %select_n3A_190 : vector<256x128xi1>, vector<256x128xi32>
    %select_n3A_213 = arith.select %lt3A_210, %select_n3A_189, %slice3A_206 : vector<256x128xi1>, vector<256x128xf32>
    %select_n3A_214 = arith.select %lt3A_210, %select_n3A_190, %add3A_209 : vector<256x128xi1>, vector<256x128xi32>
    %lt3A_215 = arith.cmpf olt, %select_n3A_213, %select_n3A_194 : vector<256x128xf32>
    %select_n3A_216 = arith.select %lt3A_215, %select_n3A_213, %select_n3A_194 : vector<256x128xi1>, vector<256x128xf32>
    %select_n3A_217 = arith.select %lt3A_215, %select_n3A_214, %select_n3A_195 : vector<256x128xi1>, vector<256x128xi32>
    %select_n3A_218 = arith.select %lt3A_215, %select_n3A_194, %select_n3A_213 : vector<256x128xi1>, vector<256x128xf32>
    %select_n3A_219 = arith.select %lt3A_215, %select_n3A_195, %select_n3A_214 : vector<256x128xi1>, vector<256x128xi32>
    %lt3A_220 = arith.cmpf olt, %select_n3A_218, %select_n3A_199 : vector<256x128xf32>
    %select_n3A_221 = arith.select %lt3A_220, %select_n3A_218, %select_n3A_199 : vector<256x128xi1>, vector<256x128xf32>
    %select_n3A_222 = arith.select %lt3A_220, %select_n3A_219, %select_n3A_200 : vector<256x128xi1>, vector<256x128xi32>
    %select_n3A_223 = arith.select %lt3A_220, %select_n3A_199, %select_n3A_218 : vector<256x128xi1>, vector<256x128xf32>
    %select_n3A_224 = arith.select %lt3A_220, %select_n3A_200, %select_n3A_219 : vector<256x128xi1>, vector<256x128xi32>
    %lt3A_225 = arith.cmpf olt, %select_n3A_223, %select_n3A_204 : vector<256x128xf32>
    %select_n3A_226 = arith.select %lt3A_225, %select_n3A_223, %select_n3A_204 : vector<256x128xi1>, vector<256x128xf32>
    %select_n3A_227 = arith.select %lt3A_225, %select_n3A_224, %select_n3A_205 : vector<256x128xi1>, vector<256x128xi32>
    %slice3A_228 = vector.extract_strided_slice %sub3A {offsets = [0, 1024], sizes = [256, 128], strides = [1, 1]} : vector<256x4096xf32> to vector<256x128xf32>
    %add3A_229 = arith.constant 1024 : i32
    %add3A_230 = vector.broadcast %add3A_229 : i32 to vector<256x128xi32>
    %add3A_231 = arith.addi %iota3A, %add3A_230 : vector<256x128xi32>
    %lt3A_232 = arith.cmpf olt, %slice3A_228, %select_n3A_211 : vector<256x128xf32>
    %select_n3A_233 = arith.select %lt3A_232, %slice3A_228, %select_n3A_211 : vector<256x128xi1>, vector<256x128xf32>
    %select_n3A_234 = arith.select %lt3A_232, %add3A_231, %select_n3A_212 : vector<256x128xi1>, vector<256x128xi32>
    %select_n3A_235 = arith.select %lt3A_232, %select_n3A_211, %slice3A_228 : vector<256x128xi1>, vector<256x128xf32>
    %select_n3A_236 = arith.select %lt3A_232, %select_n3A_212, %add3A_231 : vector<256x128xi1>, vector<256x128xi32>
    %lt3A_237 = arith.cmpf olt, %select_n3A_235, %select_n3A_216 : vector<256x128xf32>
    %select_n3A_238 = arith.select %lt3A_237, %select_n3A_235, %select_n3A_216 : vector<256x128xi1>, vector<256x128xf32>
    %select_n3A_239 = arith.select %lt3A_237, %select_n3A_236, %select_n3A_217 : vector<256x128xi1>, vector<256x128xi32>
    %select_n3A_240 = arith.select %lt3A_237, %select_n3A_216, %select_n3A_235 : vector<256x128xi1>, vector<256x128xf32>
    %select_n3A_241 = arith.select %lt3A_237, %select_n3A_217, %select_n3A_236 : vector<256x128xi1>, vector<256x128xi32>
    %lt3A_242 = arith.cmpf olt, %select_n3A_240, %select_n3A_221 : vector<256x128xf32>
    %select_n3A_243 = arith.select %lt3A_242, %select_n3A_240, %select_n3A_221 : vector<256x128xi1>, vector<256x128xf32>
    %select_n3A_244 = arith.select %lt3A_242, %select_n3A_241, %select_n3A_222 : vector<256x128xi1>, vector<256x128xi32>
    %select_n3A_245 = arith.select %lt3A_242, %select_n3A_221, %select_n3A_240 : vector<256x128xi1>, vector<256x128xf32>
    %select_n3A_246 = arith.select %lt3A_242, %select_n3A_222, %select_n3A_241 : vector<256x128xi1>, vector<256x128xi32>
    %lt3A_247 = arith.cmpf olt, %select_n3A_245, %select_n3A_226 : vector<256x128xf32>
    %select_n3A_248 = arith.select %lt3A_247, %select_n3A_245, %select_n3A_226 : vector<256x128xi1>, vector<256x128xf32>
    %select_n3A_249 = arith.select %lt3A_247, %select_n3A_246, %select_n3A_227 : vector<256x128xi1>, vector<256x128xi32>
    %slice3A_250 = vector.extract_strided_slice %sub3A {offsets = [0, 1152], sizes = [256, 128], strides = [1, 1]} : vector<256x4096xf32> to vector<256x128xf32>
    %add3A_251 = arith.constant 1152 : i32
    %add3A_252 = vector.broadcast %add3A_251 : i32 to vector<256x128xi32>
    %add3A_253 = arith.addi %iota3A, %add3A_252 : vector<256x128xi32>
    %lt3A_254 = arith.cmpf olt, %slice3A_250, %select_n3A_233 : vector<256x128xf32>
    %select_n3A_255 = arith.select %lt3A_254, %slice3A_250, %select_n3A_233 : vector<256x128xi1>, vector<256x128xf32>
    %select_n3A_256 = arith.select %lt3A_254, %add3A_253, %select_n3A_234 : vector<256x128xi1>, vector<256x128xi32>
    %select_n3A_257 = arith.select %lt3A_254, %select_n3A_233, %slice3A_250 : vector<256x128xi1>, vector<256x128xf32>
    %select_n3A_258 = arith.select %lt3A_254, %select_n3A_234, %add3A_253 : vector<256x128xi1>, vector<256x128xi32>
    %lt3A_259 = arith.cmpf olt, %select_n3A_257, %select_n3A_238 : vector<256x128xf32>
    %select_n3A_260 = arith.select %lt3A_259, %select_n3A_257, %select_n3A_238 : vector<256x128xi1>, vector<256x128xf32>
    %select_n3A_261 = arith.select %lt3A_259, %select_n3A_258, %select_n3A_239 : vector<256x128xi1>, vector<256x128xi32>
    %select_n3A_262 = arith.select %lt3A_259, %select_n3A_238, %select_n3A_257 : vector<256x128xi1>, vector<256x128xf32>
    %select_n3A_263 = arith.select %lt3A_259, %select_n3A_239, %select_n3A_258 : vector<256x128xi1>, vector<256x128xi32>
    %lt3A_264 = arith.cmpf olt, %select_n3A_262, %select_n3A_243 : vector<256x128xf32>
    %select_n3A_265 = arith.select %lt3A_264, %select_n3A_262, %select_n3A_243 : vector<256x128xi1>, vector<256x128xf32>
    %select_n3A_266 = arith.select %lt3A_264, %select_n3A_263, %select_n3A_244 : vector<256x128xi1>, vector<256x128xi32>
    %select_n3A_267 = arith.select %lt3A_264, %select_n3A_243, %select_n3A_262 : vector<256x128xi1>, vector<256x128xf32>
    %select_n3A_268 = arith.select %lt3A_264, %select_n3A_244, %select_n3A_263 : vector<256x128xi1>, vector<256x128xi32>
    %lt3A_269 = arith.cmpf olt, %select_n3A_267, %select_n3A_248 : vector<256x128xf32>
    %select_n3A_270 = arith.select %lt3A_269, %select_n3A_267, %select_n3A_248 : vector<256x128xi1>, vector<256x128xf32>
    %select_n3A_271 = arith.select %lt3A_269, %select_n3A_268, %select_n3A_249 : vector<256x128xi1>, vector<256x128xi32>
    %slice3A_272 = vector.extract_strided_slice %sub3A {offsets = [0, 1280], sizes = [256, 128], strides = [1, 1]} : vector<256x4096xf32> to vector<256x128xf32>
    %add3A_273 = arith.constant 1280 : i32
    %add3A_274 = vector.broadcast %add3A_273 : i32 to vector<256x128xi32>
    %add3A_275 = arith.addi %iota3A, %add3A_274 : vector<256x128xi32>
    %lt3A_276 = arith.cmpf olt, %slice3A_272, %select_n3A_255 : vector<256x128xf32>
    %select_n3A_277 = arith.select %lt3A_276, %slice3A_272, %select_n3A_255 : vector<256x128xi1>, vector<256x128xf32>
    %select_n3A_278 = arith.select %lt3A_276, %add3A_275, %select_n3A_256 : vector<256x128xi1>, vector<256x128xi32>
    %select_n3A_279 = arith.select %lt3A_276, %select_n3A_255, %slice3A_272 : vector<256x128xi1>, vector<256x128xf32>
    %select_n3A_280 = arith.select %lt3A_276, %select_n3A_256, %add3A_275 : vector<256x128xi1>, vector<256x128xi32>
    %lt3A_281 = arith.cmpf olt, %select_n3A_279, %select_n3A_260 : vector<256x128xf32>
    %select_n3A_282 = arith.select %lt3A_281, %select_n3A_279, %select_n3A_260 : vector<256x128xi1>, vector<256x128xf32>
    %select_n3A_283 = arith.select %lt3A_281, %select_n3A_280, %select_n3A_261 : vector<256x128xi1>, vector<256x128xi32>
    %select_n3A_284 = arith.select %lt3A_281, %select_n3A_260, %select_n3A_279 : vector<256x128xi1>, vector<256x128xf32>
    %select_n3A_285 = arith.select %lt3A_281, %select_n3A_261, %select_n3A_280 : vector<256x128xi1>, vector<256x128xi32>
    %lt3A_286 = arith.cmpf olt, %select_n3A_284, %select_n3A_265 : vector<256x128xf32>
    %select_n3A_287 = arith.select %lt3A_286, %select_n3A_284, %select_n3A_265 : vector<256x128xi1>, vector<256x128xf32>
    %select_n3A_288 = arith.select %lt3A_286, %select_n3A_285, %select_n3A_266 : vector<256x128xi1>, vector<256x128xi32>
    %select_n3A_289 = arith.select %lt3A_286, %select_n3A_265, %select_n3A_284 : vector<256x128xi1>, vector<256x128xf32>
    %select_n3A_290 = arith.select %lt3A_286, %select_n3A_266, %select_n3A_285 : vector<256x128xi1>, vector<256x128xi32>
    %lt3A_291 = arith.cmpf olt, %select_n3A_289, %select_n3A_270 : vector<256x128xf32>
    %select_n3A_292 = arith.select %lt3A_291, %select_n3A_289, %select_n3A_270 : vector<256x128xi1>, vector<256x128xf32>
    %select_n3A_293 = arith.select %lt3A_291, %select_n3A_290, %select_n3A_271 : vector<256x128xi1>, vector<256x128xi32>
    %slice3A_294 = vector.extract_strided_slice %sub3A {offsets = [0, 1408], sizes = [256, 128], strides = [1, 1]} : vector<256x4096xf32> to vector<256x128xf32>
    %add3A_295 = arith.constant 1408 : i32
    %add3A_296 = vector.broadcast %add3A_295 : i32 to vector<256x128xi32>
    %add3A_297 = arith.addi %iota3A, %add3A_296 : vector<256x128xi32>
    %lt3A_298 = arith.cmpf olt, %slice3A_294, %select_n3A_277 : vector<256x128xf32>
    %select_n3A_299 = arith.select %lt3A_298, %slice3A_294, %select_n3A_277 : vector<256x128xi1>, vector<256x128xf32>
    %select_n3A_300 = arith.select %lt3A_298, %add3A_297, %select_n3A_278 : vector<256x128xi1>, vector<256x128xi32>
    %select_n3A_301 = arith.select %lt3A_298, %select_n3A_277, %slice3A_294 : vector<256x128xi1>, vector<256x128xf32>
    %select_n3A_302 = arith.select %lt3A_298, %select_n3A_278, %add3A_297 : vector<256x128xi1>, vector<256x128xi32>
    %lt3A_303 = arith.cmpf olt, %select_n3A_301, %select_n3A_282 : vector<256x128xf32>
    %select_n3A_304 = arith.select %lt3A_303, %select_n3A_301, %select_n3A_282 : vector<256x128xi1>, vector<256x128xf32>
    %select_n3A_305 = arith.select %lt3A_303, %select_n3A_302, %select_n3A_283 : vector<256x128xi1>, vector<256x128xi32>
    %select_n3A_306 = arith.select %lt3A_303, %select_n3A_282, %select_n3A_301 : vector<256x128xi1>, vector<256x128xf32>
    %select_n3A_307 = arith.select %lt3A_303, %select_n3A_283, %select_n3A_302 : vector<256x128xi1>, vector<256x128xi32>
    %lt3A_308 = arith.cmpf olt, %select_n3A_306, %select_n3A_287 : vector<256x128xf32>
    %select_n3A_309 = arith.select %lt3A_308, %select_n3A_306, %select_n3A_287 : vector<256x128xi1>, vector<256x128xf32>
    %select_n3A_310 = arith.select %lt3A_308, %select_n3A_307, %select_n3A_288 : vector<256x128xi1>, vector<256x128xi32>
    %select_n3A_311 = arith.select %lt3A_308, %select_n3A_287, %select_n3A_306 : vector<256x128xi1>, vector<256x128xf32>
    %select_n3A_312 = arith.select %lt3A_308, %select_n3A_288, %select_n3A_307 : vector<256x128xi1>, vector<256x128xi32>
    %lt3A_313 = arith.cmpf olt, %select_n3A_311, %select_n3A_292 : vector<256x128xf32>
    %select_n3A_314 = arith.select %lt3A_313, %select_n3A_311, %select_n3A_292 : vector<256x128xi1>, vector<256x128xf32>
    %select_n3A_315 = arith.select %lt3A_313, %select_n3A_312, %select_n3A_293 : vector<256x128xi1>, vector<256x128xi32>
    %slice3A_316 = vector.extract_strided_slice %sub3A {offsets = [0, 1536], sizes = [256, 128], strides = [1, 1]} : vector<256x4096xf32> to vector<256x128xf32>
    %add3A_317 = arith.constant 1536 : i32
    %add3A_318 = vector.broadcast %add3A_317 : i32 to vector<256x128xi32>
    %add3A_319 = arith.addi %iota3A, %add3A_318 : vector<256x128xi32>
    %lt3A_320 = arith.cmpf olt, %slice3A_316, %select_n3A_299 : vector<256x128xf32>
    %select_n3A_321 = arith.select %lt3A_320, %slice3A_316, %select_n3A_299 : vector<256x128xi1>, vector<256x128xf32>
    %select_n3A_322 = arith.select %lt3A_320, %add3A_319, %select_n3A_300 : vector<256x128xi1>, vector<256x128xi32>
    %select_n3A_323 = arith.select %lt3A_320, %select_n3A_299, %slice3A_316 : vector<256x128xi1>, vector<256x128xf32>
    %select_n3A_324 = arith.select %lt3A_320, %select_n3A_300, %add3A_319 : vector<256x128xi1>, vector<256x128xi32>
    %lt3A_325 = arith.cmpf olt, %select_n3A_323, %select_n3A_304 : vector<256x128xf32>
    %select_n3A_326 = arith.select %lt3A_325, %select_n3A_323, %select_n3A_304 : vector<256x128xi1>, vector<256x128xf32>
    %select_n3A_327 = arith.select %lt3A_325, %select_n3A_324, %select_n3A_305 : vector<256x128xi1>, vector<256x128xi32>
    %select_n3A_328 = arith.select %lt3A_325, %select_n3A_304, %select_n3A_323 : vector<256x128xi1>, vector<256x128xf32>
    %select_n3A_329 = arith.select %lt3A_325, %select_n3A_305, %select_n3A_324 : vector<256x128xi1>, vector<256x128xi32>
    %lt3A_330 = arith.cmpf olt, %select_n3A_328, %select_n3A_309 : vector<256x128xf32>
    %select_n3A_331 = arith.select %lt3A_330, %select_n3A_328, %select_n3A_309 : vector<256x128xi1>, vector<256x128xf32>
    %select_n3A_332 = arith.select %lt3A_330, %select_n3A_329, %select_n3A_310 : vector<256x128xi1>, vector<256x128xi32>
    %select_n3A_333 = arith.select %lt3A_330, %select_n3A_309, %select_n3A_328 : vector<256x128xi1>, vector<256x128xf32>
    %select_n3A_334 = arith.select %lt3A_330, %select_n3A_310, %select_n3A_329 : vector<256x128xi1>, vector<256x128xi32>
    %lt3A_335 = arith.cmpf olt, %select_n3A_333, %select_n3A_314 : vector<256x128xf32>
    %select_n3A_336 = arith.select %lt3A_335, %select_n3A_333, %select_n3A_314 : vector<256x128xi1>, vector<256x128xf32>
    %select_n3A_337 = arith.select %lt3A_335, %select_n3A_334, %select_n3A_315 : vector<256x128xi1>, vector<256x128xi32>
    %slice3A_338 = vector.extract_strided_slice %sub3A {offsets = [0, 1664], sizes = [256, 128], strides = [1, 1]} : vector<256x4096xf32> to vector<256x128xf32>
    %add3A_339 = arith.constant 1664 : i32
    %add3A_340 = vector.broadcast %add3A_339 : i32 to vector<256x128xi32>
    %add3A_341 = arith.addi %iota3A, %add3A_340 : vector<256x128xi32>
    %lt3A_342 = arith.cmpf olt, %slice3A_338, %select_n3A_321 : vector<256x128xf32>
    %select_n3A_343 = arith.select %lt3A_342, %slice3A_338, %select_n3A_321 : vector<256x128xi1>, vector<256x128xf32>
    %select_n3A_344 = arith.select %lt3A_342, %add3A_341, %select_n3A_322 : vector<256x128xi1>, vector<256x128xi32>
    %select_n3A_345 = arith.select %lt3A_342, %select_n3A_321, %slice3A_338 : vector<256x128xi1>, vector<256x128xf32>
    %select_n3A_346 = arith.select %lt3A_342, %select_n3A_322, %add3A_341 : vector<256x128xi1>, vector<256x128xi32>
    %lt3A_347 = arith.cmpf olt, %select_n3A_345, %select_n3A_326 : vector<256x128xf32>
    %select_n3A_348 = arith.select %lt3A_347, %select_n3A_345, %select_n3A_326 : vector<256x128xi1>, vector<256x128xf32>
    %select_n3A_349 = arith.select %lt3A_347, %select_n3A_346, %select_n3A_327 : vector<256x128xi1>, vector<256x128xi32>
    %select_n3A_350 = arith.select %lt3A_347, %select_n3A_326, %select_n3A_345 : vector<256x128xi1>, vector<256x128xf32>
    %select_n3A_351 = arith.select %lt3A_347, %select_n3A_327, %select_n3A_346 : vector<256x128xi1>, vector<256x128xi32>
    %lt3A_352 = arith.cmpf olt, %select_n3A_350, %select_n3A_331 : vector<256x128xf32>
    %select_n3A_353 = arith.select %lt3A_352, %select_n3A_350, %select_n3A_331 : vector<256x128xi1>, vector<256x128xf32>
    %select_n3A_354 = arith.select %lt3A_352, %select_n3A_351, %select_n3A_332 : vector<256x128xi1>, vector<256x128xi32>
    %select_n3A_355 = arith.select %lt3A_352, %select_n3A_331, %select_n3A_350 : vector<256x128xi1>, vector<256x128xf32>
    %select_n3A_356 = arith.select %lt3A_352, %select_n3A_332, %select_n3A_351 : vector<256x128xi1>, vector<256x128xi32>
    %lt3A_357 = arith.cmpf olt, %select_n3A_355, %select_n3A_336 : vector<256x128xf32>
    %select_n3A_358 = arith.select %lt3A_357, %select_n3A_355, %select_n3A_336 : vector<256x128xi1>, vector<256x128xf32>
    %select_n3A_359 = arith.select %lt3A_357, %select_n3A_356, %select_n3A_337 : vector<256x128xi1>, vector<256x128xi32>
    %slice3A_360 = vector.extract_strided_slice %sub3A {offsets = [0, 1792], sizes = [256, 128], strides = [1, 1]} : vector<256x4096xf32> to vector<256x128xf32>
    %add3A_361 = arith.constant 1792 : i32
    %add3A_362 = vector.broadcast %add3A_361 : i32 to vector<256x128xi32>
    %add3A_363 = arith.addi %iota3A, %add3A_362 : vector<256x128xi32>
    %lt3A_364 = arith.cmpf olt, %slice3A_360, %select_n3A_343 : vector<256x128xf32>
    %select_n3A_365 = arith.select %lt3A_364, %slice3A_360, %select_n3A_343 : vector<256x128xi1>, vector<256x128xf32>
    %select_n3A_366 = arith.select %lt3A_364, %add3A_363, %select_n3A_344 : vector<256x128xi1>, vector<256x128xi32>
    %select_n3A_367 = arith.select %lt3A_364, %select_n3A_343, %slice3A_360 : vector<256x128xi1>, vector<256x128xf32>
    %select_n3A_368 = arith.select %lt3A_364, %select_n3A_344, %add3A_363 : vector<256x128xi1>, vector<256x128xi32>
    %lt3A_369 = arith.cmpf olt, %select_n3A_367, %select_n3A_348 : vector<256x128xf32>
    %select_n3A_370 = arith.select %lt3A_369, %select_n3A_367, %select_n3A_348 : vector<256x128xi1>, vector<256x128xf32>
    %select_n3A_371 = arith.select %lt3A_369, %select_n3A_368, %select_n3A_349 : vector<256x128xi1>, vector<256x128xi32>
    %select_n3A_372 = arith.select %lt3A_369, %select_n3A_348, %select_n3A_367 : vector<256x128xi1>, vector<256x128xf32>
    %select_n3A_373 = arith.select %lt3A_369, %select_n3A_349, %select_n3A_368 : vector<256x128xi1>, vector<256x128xi32>
    %lt3A_374 = arith.cmpf olt, %select_n3A_372, %select_n3A_353 : vector<256x128xf32>
    %select_n3A_375 = arith.select %lt3A_374, %select_n3A_372, %select_n3A_353 : vector<256x128xi1>, vector<256x128xf32>
    %select_n3A_376 = arith.select %lt3A_374, %select_n3A_373, %select_n3A_354 : vector<256x128xi1>, vector<256x128xi32>
    %select_n3A_377 = arith.select %lt3A_374, %select_n3A_353, %select_n3A_372 : vector<256x128xi1>, vector<256x128xf32>
    %select_n3A_378 = arith.select %lt3A_374, %select_n3A_354, %select_n3A_373 : vector<256x128xi1>, vector<256x128xi32>
    %lt3A_379 = arith.cmpf olt, %select_n3A_377, %select_n3A_358 : vector<256x128xf32>
    %select_n3A_380 = arith.select %lt3A_379, %select_n3A_377, %select_n3A_358 : vector<256x128xi1>, vector<256x128xf32>
    %select_n3A_381 = arith.select %lt3A_379, %select_n3A_378, %select_n3A_359 : vector<256x128xi1>, vector<256x128xi32>
    %slice3A_382 = vector.extract_strided_slice %sub3A {offsets = [0, 1920], sizes = [256, 128], strides = [1, 1]} : vector<256x4096xf32> to vector<256x128xf32>
    %add3A_383 = arith.constant 1920 : i32
    %add3A_384 = vector.broadcast %add3A_383 : i32 to vector<256x128xi32>
    %add3A_385 = arith.addi %iota3A, %add3A_384 : vector<256x128xi32>
    %lt3A_386 = arith.cmpf olt, %slice3A_382, %select_n3A_365 : vector<256x128xf32>
    %select_n3A_387 = arith.select %lt3A_386, %slice3A_382, %select_n3A_365 : vector<256x128xi1>, vector<256x128xf32>
    %select_n3A_388 = arith.select %lt3A_386, %add3A_385, %select_n3A_366 : vector<256x128xi1>, vector<256x128xi32>
    %select_n3A_389 = arith.select %lt3A_386, %select_n3A_365, %slice3A_382 : vector<256x128xi1>, vector<256x128xf32>
    %select_n3A_390 = arith.select %lt3A_386, %select_n3A_366, %add3A_385 : vector<256x128xi1>, vector<256x128xi32>
    %lt3A_391 = arith.cmpf olt, %select_n3A_389, %select_n3A_370 : vector<256x128xf32>
    %select_n3A_392 = arith.select %lt3A_391, %select_n3A_389, %select_n3A_370 : vector<256x128xi1>, vector<256x128xf32>
    %select_n3A_393 = arith.select %lt3A_391, %select_n3A_390, %select_n3A_371 : vector<256x128xi1>, vector<256x128xi32>
    %select_n3A_394 = arith.select %lt3A_391, %select_n3A_370, %select_n3A_389 : vector<256x128xi1>, vector<256x128xf32>
    %select_n3A_395 = arith.select %lt3A_391, %select_n3A_371, %select_n3A_390 : vector<256x128xi1>, vector<256x128xi32>
    %lt3A_396 = arith.cmpf olt, %select_n3A_394, %select_n3A_375 : vector<256x128xf32>
    %select_n3A_397 = arith.select %lt3A_396, %select_n3A_394, %select_n3A_375 : vector<256x128xi1>, vector<256x128xf32>
    %select_n3A_398 = arith.select %lt3A_396, %select_n3A_395, %select_n3A_376 : vector<256x128xi1>, vector<256x128xi32>
    %select_n3A_399 = arith.select %lt3A_396, %select_n3A_375, %select_n3A_394 : vector<256x128xi1>, vector<256x128xf32>
    %select_n3A_400 = arith.select %lt3A_396, %select_n3A_376, %select_n3A_395 : vector<256x128xi1>, vector<256x128xi32>
    %lt3A_401 = arith.cmpf olt, %select_n3A_399, %select_n3A_380 : vector<256x128xf32>
    %select_n3A_402 = arith.select %lt3A_401, %select_n3A_399, %select_n3A_380 : vector<256x128xi1>, vector<256x128xf32>
    %select_n3A_403 = arith.select %lt3A_401, %select_n3A_400, %select_n3A_381 : vector<256x128xi1>, vector<256x128xi32>
    %slice3A_404 = vector.extract_strided_slice %sub3A {offsets = [0, 2048], sizes = [256, 128], strides = [1, 1]} : vector<256x4096xf32> to vector<256x128xf32>
    %add3A_405 = arith.constant 2048 : i32
    %add3A_406 = vector.broadcast %add3A_405 : i32 to vector<256x128xi32>
    %add3A_407 = arith.addi %iota3A, %add3A_406 : vector<256x128xi32>
    %lt3A_408 = arith.cmpf olt, %slice3A_404, %select_n3A_387 : vector<256x128xf32>
    %select_n3A_409 = arith.select %lt3A_408, %slice3A_404, %select_n3A_387 : vector<256x128xi1>, vector<256x128xf32>
    %select_n3A_410 = arith.select %lt3A_408, %add3A_407, %select_n3A_388 : vector<256x128xi1>, vector<256x128xi32>
    %select_n3A_411 = arith.select %lt3A_408, %select_n3A_387, %slice3A_404 : vector<256x128xi1>, vector<256x128xf32>
    %select_n3A_412 = arith.select %lt3A_408, %select_n3A_388, %add3A_407 : vector<256x128xi1>, vector<256x128xi32>
    %lt3A_413 = arith.cmpf olt, %select_n3A_411, %select_n3A_392 : vector<256x128xf32>
    %select_n3A_414 = arith.select %lt3A_413, %select_n3A_411, %select_n3A_392 : vector<256x128xi1>, vector<256x128xf32>
    %select_n3A_415 = arith.select %lt3A_413, %select_n3A_412, %select_n3A_393 : vector<256x128xi1>, vector<256x128xi32>
    %select_n3A_416 = arith.select %lt3A_413, %select_n3A_392, %select_n3A_411 : vector<256x128xi1>, vector<256x128xf32>
    %select_n3A_417 = arith.select %lt3A_413, %select_n3A_393, %select_n3A_412 : vector<256x128xi1>, vector<256x128xi32>
    %lt3A_418 = arith.cmpf olt, %select_n3A_416, %select_n3A_397 : vector<256x128xf32>
    %select_n3A_419 = arith.select %lt3A_418, %select_n3A_416, %select_n3A_397 : vector<256x128xi1>, vector<256x128xf32>
    %select_n3A_420 = arith.select %lt3A_418, %select_n3A_417, %select_n3A_398 : vector<256x128xi1>, vector<256x128xi32>
    %select_n3A_421 = arith.select %lt3A_418, %select_n3A_397, %select_n3A_416 : vector<256x128xi1>, vector<256x128xf32>
    %select_n3A_422 = arith.select %lt3A_418, %select_n3A_398, %select_n3A_417 : vector<256x128xi1>, vector<256x128xi32>
    %lt3A_423 = arith.cmpf olt, %select_n3A_421, %select_n3A_402 : vector<256x128xf32>
    %select_n3A_424 = arith.select %lt3A_423, %select_n3A_421, %select_n3A_402 : vector<256x128xi1>, vector<256x128xf32>
    %select_n3A_425 = arith.select %lt3A_423, %select_n3A_422, %select_n3A_403 : vector<256x128xi1>, vector<256x128xi32>
    %slice3A_426 = vector.extract_strided_slice %sub3A {offsets = [0, 2176], sizes = [256, 128], strides = [1, 1]} : vector<256x4096xf32> to vector<256x128xf32>
    %add3A_427 = arith.constant 2176 : i32
    %add3A_428 = vector.broadcast %add3A_427 : i32 to vector<256x128xi32>
    %add3A_429 = arith.addi %iota3A, %add3A_428 : vector<256x128xi32>
    %lt3A_430 = arith.cmpf olt, %slice3A_426, %select_n3A_409 : vector<256x128xf32>
    %select_n3A_431 = arith.select %lt3A_430, %slice3A_426, %select_n3A_409 : vector<256x128xi1>, vector<256x128xf32>
    %select_n3A_432 = arith.select %lt3A_430, %add3A_429, %select_n3A_410 : vector<256x128xi1>, vector<256x128xi32>
    %select_n3A_433 = arith.select %lt3A_430, %select_n3A_409, %slice3A_426 : vector<256x128xi1>, vector<256x128xf32>
    %select_n3A_434 = arith.select %lt3A_430, %select_n3A_410, %add3A_429 : vector<256x128xi1>, vector<256x128xi32>
    %lt3A_435 = arith.cmpf olt, %select_n3A_433, %select_n3A_414 : vector<256x128xf32>
    %select_n3A_436 = arith.select %lt3A_435, %select_n3A_433, %select_n3A_414 : vector<256x128xi1>, vector<256x128xf32>
    %select_n3A_437 = arith.select %lt3A_435, %select_n3A_434, %select_n3A_415 : vector<256x128xi1>, vector<256x128xi32>
    %select_n3A_438 = arith.select %lt3A_435, %select_n3A_414, %select_n3A_433 : vector<256x128xi1>, vector<256x128xf32>
    %select_n3A_439 = arith.select %lt3A_435, %select_n3A_415, %select_n3A_434 : vector<256x128xi1>, vector<256x128xi32>
    %lt3A_440 = arith.cmpf olt, %select_n3A_438, %select_n3A_419 : vector<256x128xf32>
    %select_n3A_441 = arith.select %lt3A_440, %select_n3A_438, %select_n3A_419 : vector<256x128xi1>, vector<256x128xf32>
    %select_n3A_442 = arith.select %lt3A_440, %select_n3A_439, %select_n3A_420 : vector<256x128xi1>, vector<256x128xi32>
    %select_n3A_443 = arith.select %lt3A_440, %select_n3A_419, %select_n3A_438 : vector<256x128xi1>, vector<256x128xf32>
    %select_n3A_444 = arith.select %lt3A_440, %select_n3A_420, %select_n3A_439 : vector<256x128xi1>, vector<256x128xi32>
    %lt3A_445 = arith.cmpf olt, %select_n3A_443, %select_n3A_424 : vector<256x128xf32>
    %select_n3A_446 = arith.select %lt3A_445, %select_n3A_443, %select_n3A_424 : vector<256x128xi1>, vector<256x128xf32>
    %select_n3A_447 = arith.select %lt3A_445, %select_n3A_444, %select_n3A_425 : vector<256x128xi1>, vector<256x128xi32>
    %slice3A_448 = vector.extract_strided_slice %sub3A {offsets = [0, 2304], sizes = [256, 128], strides = [1, 1]} : vector<256x4096xf32> to vector<256x128xf32>
    %add3A_449 = arith.constant 2304 : i32
    %add3A_450 = vector.broadcast %add3A_449 : i32 to vector<256x128xi32>
    %add3A_451 = arith.addi %iota3A, %add3A_450 : vector<256x128xi32>
    %lt3A_452 = arith.cmpf olt, %slice3A_448, %select_n3A_431 : vector<256x128xf32>
    %select_n3A_453 = arith.select %lt3A_452, %slice3A_448, %select_n3A_431 : vector<256x128xi1>, vector<256x128xf32>
    %select_n3A_454 = arith.select %lt3A_452, %add3A_451, %select_n3A_432 : vector<256x128xi1>, vector<256x128xi32>
    %select_n3A_455 = arith.select %lt3A_452, %select_n3A_431, %slice3A_448 : vector<256x128xi1>, vector<256x128xf32>
    %select_n3A_456 = arith.select %lt3A_452, %select_n3A_432, %add3A_451 : vector<256x128xi1>, vector<256x128xi32>
    %lt3A_457 = arith.cmpf olt, %select_n3A_455, %select_n3A_436 : vector<256x128xf32>
    %select_n3A_458 = arith.select %lt3A_457, %select_n3A_455, %select_n3A_436 : vector<256x128xi1>, vector<256x128xf32>
    %select_n3A_459 = arith.select %lt3A_457, %select_n3A_456, %select_n3A_437 : vector<256x128xi1>, vector<256x128xi32>
    %select_n3A_460 = arith.select %lt3A_457, %select_n3A_436, %select_n3A_455 : vector<256x128xi1>, vector<256x128xf32>
    %select_n3A_461 = arith.select %lt3A_457, %select_n3A_437, %select_n3A_456 : vector<256x128xi1>, vector<256x128xi32>
    %lt3A_462 = arith.cmpf olt, %select_n3A_460, %select_n3A_441 : vector<256x128xf32>
    %select_n3A_463 = arith.select %lt3A_462, %select_n3A_460, %select_n3A_441 : vector<256x128xi1>, vector<256x128xf32>
    %select_n3A_464 = arith.select %lt3A_462, %select_n3A_461, %select_n3A_442 : vector<256x128xi1>, vector<256x128xi32>
    %select_n3A_465 = arith.select %lt3A_462, %select_n3A_441, %select_n3A_460 : vector<256x128xi1>, vector<256x128xf32>
    %select_n3A_466 = arith.select %lt3A_462, %select_n3A_442, %select_n3A_461 : vector<256x128xi1>, vector<256x128xi32>
    %lt3A_467 = arith.cmpf olt, %select_n3A_465, %select_n3A_446 : vector<256x128xf32>
    %select_n3A_468 = arith.select %lt3A_467, %select_n3A_465, %select_n3A_446 : vector<256x128xi1>, vector<256x128xf32>
    %select_n3A_469 = arith.select %lt3A_467, %select_n3A_466, %select_n3A_447 : vector<256x128xi1>, vector<256x128xi32>
    %slice3A_470 = vector.extract_strided_slice %sub3A {offsets = [0, 2432], sizes = [256, 128], strides = [1, 1]} : vector<256x4096xf32> to vector<256x128xf32>
    %add3A_471 = arith.constant 2432 : i32
    %add3A_472 = vector.broadcast %add3A_471 : i32 to vector<256x128xi32>
    %add3A_473 = arith.addi %iota3A, %add3A_472 : vector<256x128xi32>
    %lt3A_474 = arith.cmpf olt, %slice3A_470, %select_n3A_453 : vector<256x128xf32>
    %select_n3A_475 = arith.select %lt3A_474, %slice3A_470, %select_n3A_453 : vector<256x128xi1>, vector<256x128xf32>
    %select_n3A_476 = arith.select %lt3A_474, %add3A_473, %select_n3A_454 : vector<256x128xi1>, vector<256x128xi32>
    %select_n3A_477 = arith.select %lt3A_474, %select_n3A_453, %slice3A_470 : vector<256x128xi1>, vector<256x128xf32>
    %select_n3A_478 = arith.select %lt3A_474, %select_n3A_454, %add3A_473 : vector<256x128xi1>, vector<256x128xi32>
    %lt3A_479 = arith.cmpf olt, %select_n3A_477, %select_n3A_458 : vector<256x128xf32>
    %select_n3A_480 = arith.select %lt3A_479, %select_n3A_477, %select_n3A_458 : vector<256x128xi1>, vector<256x128xf32>
    %select_n3A_481 = arith.select %lt3A_479, %select_n3A_478, %select_n3A_459 : vector<256x128xi1>, vector<256x128xi32>
    %select_n3A_482 = arith.select %lt3A_479, %select_n3A_458, %select_n3A_477 : vector<256x128xi1>, vector<256x128xf32>
    %select_n3A_483 = arith.select %lt3A_479, %select_n3A_459, %select_n3A_478 : vector<256x128xi1>, vector<256x128xi32>
    %lt3A_484 = arith.cmpf olt, %select_n3A_482, %select_n3A_463 : vector<256x128xf32>
    %select_n3A_485 = arith.select %lt3A_484, %select_n3A_482, %select_n3A_463 : vector<256x128xi1>, vector<256x128xf32>
    %select_n3A_486 = arith.select %lt3A_484, %select_n3A_483, %select_n3A_464 : vector<256x128xi1>, vector<256x128xi32>
    %select_n3A_487 = arith.select %lt3A_484, %select_n3A_463, %select_n3A_482 : vector<256x128xi1>, vector<256x128xf32>
    %select_n3A_488 = arith.select %lt3A_484, %select_n3A_464, %select_n3A_483 : vector<256x128xi1>, vector<256x128xi32>
    %lt3A_489 = arith.cmpf olt, %select_n3A_487, %select_n3A_468 : vector<256x128xf32>
    %select_n3A_490 = arith.select %lt3A_489, %select_n3A_487, %select_n3A_468 : vector<256x128xi1>, vector<256x128xf32>
    %select_n3A_491 = arith.select %lt3A_489, %select_n3A_488, %select_n3A_469 : vector<256x128xi1>, vector<256x128xi32>
    %slice3A_492 = vector.extract_strided_slice %sub3A {offsets = [0, 2560], sizes = [256, 128], strides = [1, 1]} : vector<256x4096xf32> to vector<256x128xf32>
    %add3A_493 = arith.constant 2560 : i32
    %add3A_494 = vector.broadcast %add3A_493 : i32 to vector<256x128xi32>
    %add3A_495 = arith.addi %iota3A, %add3A_494 : vector<256x128xi32>
    %lt3A_496 = arith.cmpf olt, %slice3A_492, %select_n3A_475 : vector<256x128xf32>
    %select_n3A_497 = arith.select %lt3A_496, %slice3A_492, %select_n3A_475 : vector<256x128xi1>, vector<256x128xf32>
    %select_n3A_498 = arith.select %lt3A_496, %add3A_495, %select_n3A_476 : vector<256x128xi1>, vector<256x128xi32>
    %select_n3A_499 = arith.select %lt3A_496, %select_n3A_475, %slice3A_492 : vector<256x128xi1>, vector<256x128xf32>
    %select_n3A_500 = arith.select %lt3A_496, %select_n3A_476, %add3A_495 : vector<256x128xi1>, vector<256x128xi32>
    %lt3A_501 = arith.cmpf olt, %select_n3A_499, %select_n3A_480 : vector<256x128xf32>
    %select_n3A_502 = arith.select %lt3A_501, %select_n3A_499, %select_n3A_480 : vector<256x128xi1>, vector<256x128xf32>
    %select_n3A_503 = arith.select %lt3A_501, %select_n3A_500, %select_n3A_481 : vector<256x128xi1>, vector<256x128xi32>
    %select_n3A_504 = arith.select %lt3A_501, %select_n3A_480, %select_n3A_499 : vector<256x128xi1>, vector<256x128xf32>
    %select_n3A_505 = arith.select %lt3A_501, %select_n3A_481, %select_n3A_500 : vector<256x128xi1>, vector<256x128xi32>
    %lt3A_506 = arith.cmpf olt, %select_n3A_504, %select_n3A_485 : vector<256x128xf32>
    %select_n3A_507 = arith.select %lt3A_506, %select_n3A_504, %select_n3A_485 : vector<256x128xi1>, vector<256x128xf32>
    %select_n3A_508 = arith.select %lt3A_506, %select_n3A_505, %select_n3A_486 : vector<256x128xi1>, vector<256x128xi32>
    %select_n3A_509 = arith.select %lt3A_506, %select_n3A_485, %select_n3A_504 : vector<256x128xi1>, vector<256x128xf32>
    %select_n3A_510 = arith.select %lt3A_506, %select_n3A_486, %select_n3A_505 : vector<256x128xi1>, vector<256x128xi32>
    %lt3A_511 = arith.cmpf olt, %select_n3A_509, %select_n3A_490 : vector<256x128xf32>
    %select_n3A_512 = arith.select %lt3A_511, %select_n3A_509, %select_n3A_490 : vector<256x128xi1>, vector<256x128xf32>
    %select_n3A_513 = arith.select %lt3A_511, %select_n3A_510, %select_n3A_491 : vector<256x128xi1>, vector<256x128xi32>
    %slice3A_514 = vector.extract_strided_slice %sub3A {offsets = [0, 2688], sizes = [256, 128], strides = [1, 1]} : vector<256x4096xf32> to vector<256x128xf32>
    %add3A_515 = arith.constant 2688 : i32
    %add3A_516 = vector.broadcast %add3A_515 : i32 to vector<256x128xi32>
    %add3A_517 = arith.addi %iota3A, %add3A_516 : vector<256x128xi32>
    %lt3A_518 = arith.cmpf olt, %slice3A_514, %select_n3A_497 : vector<256x128xf32>
    %select_n3A_519 = arith.select %lt3A_518, %slice3A_514, %select_n3A_497 : vector<256x128xi1>, vector<256x128xf32>
    %select_n3A_520 = arith.select %lt3A_518, %add3A_517, %select_n3A_498 : vector<256x128xi1>, vector<256x128xi32>
    %select_n3A_521 = arith.select %lt3A_518, %select_n3A_497, %slice3A_514 : vector<256x128xi1>, vector<256x128xf32>
    %select_n3A_522 = arith.select %lt3A_518, %select_n3A_498, %add3A_517 : vector<256x128xi1>, vector<256x128xi32>
    %lt3A_523 = arith.cmpf olt, %select_n3A_521, %select_n3A_502 : vector<256x128xf32>
    %select_n3A_524 = arith.select %lt3A_523, %select_n3A_521, %select_n3A_502 : vector<256x128xi1>, vector<256x128xf32>
    %select_n3A_525 = arith.select %lt3A_523, %select_n3A_522, %select_n3A_503 : vector<256x128xi1>, vector<256x128xi32>
    %select_n3A_526 = arith.select %lt3A_523, %select_n3A_502, %select_n3A_521 : vector<256x128xi1>, vector<256x128xf32>
    %select_n3A_527 = arith.select %lt3A_523, %select_n3A_503, %select_n3A_522 : vector<256x128xi1>, vector<256x128xi32>
    %lt3A_528 = arith.cmpf olt, %select_n3A_526, %select_n3A_507 : vector<256x128xf32>
    %select_n3A_529 = arith.select %lt3A_528, %select_n3A_526, %select_n3A_507 : vector<256x128xi1>, vector<256x128xf32>
    %select_n3A_530 = arith.select %lt3A_528, %select_n3A_527, %select_n3A_508 : vector<256x128xi1>, vector<256x128xi32>
    %select_n3A_531 = arith.select %lt3A_528, %select_n3A_507, %select_n3A_526 : vector<256x128xi1>, vector<256x128xf32>
    %select_n3A_532 = arith.select %lt3A_528, %select_n3A_508, %select_n3A_527 : vector<256x128xi1>, vector<256x128xi32>
    %lt3A_533 = arith.cmpf olt, %select_n3A_531, %select_n3A_512 : vector<256x128xf32>
    %select_n3A_534 = arith.select %lt3A_533, %select_n3A_531, %select_n3A_512 : vector<256x128xi1>, vector<256x128xf32>
    %select_n3A_535 = arith.select %lt3A_533, %select_n3A_532, %select_n3A_513 : vector<256x128xi1>, vector<256x128xi32>
    %slice3A_536 = vector.extract_strided_slice %sub3A {offsets = [0, 2816], sizes = [256, 128], strides = [1, 1]} : vector<256x4096xf32> to vector<256x128xf32>
    %add3A_537 = arith.constant 2816 : i32
    %add3A_538 = vector.broadcast %add3A_537 : i32 to vector<256x128xi32>
    %add3A_539 = arith.addi %iota3A, %add3A_538 : vector<256x128xi32>
    %lt3A_540 = arith.cmpf olt, %slice3A_536, %select_n3A_519 : vector<256x128xf32>
    %select_n3A_541 = arith.select %lt3A_540, %slice3A_536, %select_n3A_519 : vector<256x128xi1>, vector<256x128xf32>
    %select_n3A_542 = arith.select %lt3A_540, %add3A_539, %select_n3A_520 : vector<256x128xi1>, vector<256x128xi32>
    %select_n3A_543 = arith.select %lt3A_540, %select_n3A_519, %slice3A_536 : vector<256x128xi1>, vector<256x128xf32>
    %select_n3A_544 = arith.select %lt3A_540, %select_n3A_520, %add3A_539 : vector<256x128xi1>, vector<256x128xi32>
    %lt3A_545 = arith.cmpf olt, %select_n3A_543, %select_n3A_524 : vector<256x128xf32>
    %select_n3A_546 = arith.select %lt3A_545, %select_n3A_543, %select_n3A_524 : vector<256x128xi1>, vector<256x128xf32>
    %select_n3A_547 = arith.select %lt3A_545, %select_n3A_544, %select_n3A_525 : vector<256x128xi1>, vector<256x128xi32>
    %select_n3A_548 = arith.select %lt3A_545, %select_n3A_524, %select_n3A_543 : vector<256x128xi1>, vector<256x128xf32>
    %select_n3A_549 = arith.select %lt3A_545, %select_n3A_525, %select_n3A_544 : vector<256x128xi1>, vector<256x128xi32>
    %lt3A_550 = arith.cmpf olt, %select_n3A_548, %select_n3A_529 : vector<256x128xf32>
    %select_n3A_551 = arith.select %lt3A_550, %select_n3A_548, %select_n3A_529 : vector<256x128xi1>, vector<256x128xf32>
    %select_n3A_552 = arith.select %lt3A_550, %select_n3A_549, %select_n3A_530 : vector<256x128xi1>, vector<256x128xi32>
    %select_n3A_553 = arith.select %lt3A_550, %select_n3A_529, %select_n3A_548 : vector<256x128xi1>, vector<256x128xf32>
    %select_n3A_554 = arith.select %lt3A_550, %select_n3A_530, %select_n3A_549 : vector<256x128xi1>, vector<256x128xi32>
    %lt3A_555 = arith.cmpf olt, %select_n3A_553, %select_n3A_534 : vector<256x128xf32>
    %select_n3A_556 = arith.select %lt3A_555, %select_n3A_553, %select_n3A_534 : vector<256x128xi1>, vector<256x128xf32>
    %select_n3A_557 = arith.select %lt3A_555, %select_n3A_554, %select_n3A_535 : vector<256x128xi1>, vector<256x128xi32>
    %slice3A_558 = vector.extract_strided_slice %sub3A {offsets = [0, 2944], sizes = [256, 128], strides = [1, 1]} : vector<256x4096xf32> to vector<256x128xf32>
    %add3A_559 = arith.constant 2944 : i32
    %add3A_560 = vector.broadcast %add3A_559 : i32 to vector<256x128xi32>
    %add3A_561 = arith.addi %iota3A, %add3A_560 : vector<256x128xi32>
    %lt3A_562 = arith.cmpf olt, %slice3A_558, %select_n3A_541 : vector<256x128xf32>
    %select_n3A_563 = arith.select %lt3A_562, %slice3A_558, %select_n3A_541 : vector<256x128xi1>, vector<256x128xf32>
    %select_n3A_564 = arith.select %lt3A_562, %add3A_561, %select_n3A_542 : vector<256x128xi1>, vector<256x128xi32>
    %select_n3A_565 = arith.select %lt3A_562, %select_n3A_541, %slice3A_558 : vector<256x128xi1>, vector<256x128xf32>
    %select_n3A_566 = arith.select %lt3A_562, %select_n3A_542, %add3A_561 : vector<256x128xi1>, vector<256x128xi32>
    %lt3A_567 = arith.cmpf olt, %select_n3A_565, %select_n3A_546 : vector<256x128xf32>
    %select_n3A_568 = arith.select %lt3A_567, %select_n3A_565, %select_n3A_546 : vector<256x128xi1>, vector<256x128xf32>
    %select_n3A_569 = arith.select %lt3A_567, %select_n3A_566, %select_n3A_547 : vector<256x128xi1>, vector<256x128xi32>
    %select_n3A_570 = arith.select %lt3A_567, %select_n3A_546, %select_n3A_565 : vector<256x128xi1>, vector<256x128xf32>
    %select_n3A_571 = arith.select %lt3A_567, %select_n3A_547, %select_n3A_566 : vector<256x128xi1>, vector<256x128xi32>
    %lt3A_572 = arith.cmpf olt, %select_n3A_570, %select_n3A_551 : vector<256x128xf32>
    %select_n3A_573 = arith.select %lt3A_572, %select_n3A_570, %select_n3A_551 : vector<256x128xi1>, vector<256x128xf32>
    %select_n3A_574 = arith.select %lt3A_572, %select_n3A_571, %select_n3A_552 : vector<256x128xi1>, vector<256x128xi32>
    %select_n3A_575 = arith.select %lt3A_572, %select_n3A_551, %select_n3A_570 : vector<256x128xi1>, vector<256x128xf32>
    %select_n3A_576 = arith.select %lt3A_572, %select_n3A_552, %select_n3A_571 : vector<256x128xi1>, vector<256x128xi32>
    %lt3A_577 = arith.cmpf olt, %select_n3A_575, %select_n3A_556 : vector<256x128xf32>
    %select_n3A_578 = arith.select %lt3A_577, %select_n3A_575, %select_n3A_556 : vector<256x128xi1>, vector<256x128xf32>
    %select_n3A_579 = arith.select %lt3A_577, %select_n3A_576, %select_n3A_557 : vector<256x128xi1>, vector<256x128xi32>
    %slice3A_580 = vector.extract_strided_slice %sub3A {offsets = [0, 3072], sizes = [256, 128], strides = [1, 1]} : vector<256x4096xf32> to vector<256x128xf32>
    %add3A_581 = arith.constant 3072 : i32
    %add3A_582 = vector.broadcast %add3A_581 : i32 to vector<256x128xi32>
    %add3A_583 = arith.addi %iota3A, %add3A_582 : vector<256x128xi32>
    %lt3A_584 = arith.cmpf olt, %slice3A_580, %select_n3A_563 : vector<256x128xf32>
    %select_n3A_585 = arith.select %lt3A_584, %slice3A_580, %select_n3A_563 : vector<256x128xi1>, vector<256x128xf32>
    %select_n3A_586 = arith.select %lt3A_584, %add3A_583, %select_n3A_564 : vector<256x128xi1>, vector<256x128xi32>
    %select_n3A_587 = arith.select %lt3A_584, %select_n3A_563, %slice3A_580 : vector<256x128xi1>, vector<256x128xf32>
    %select_n3A_588 = arith.select %lt3A_584, %select_n3A_564, %add3A_583 : vector<256x128xi1>, vector<256x128xi32>
    %lt3A_589 = arith.cmpf olt, %select_n3A_587, %select_n3A_568 : vector<256x128xf32>
    %select_n3A_590 = arith.select %lt3A_589, %select_n3A_587, %select_n3A_568 : vector<256x128xi1>, vector<256x128xf32>
    %select_n3A_591 = arith.select %lt3A_589, %select_n3A_588, %select_n3A_569 : vector<256x128xi1>, vector<256x128xi32>
    %select_n3A_592 = arith.select %lt3A_589, %select_n3A_568, %select_n3A_587 : vector<256x128xi1>, vector<256x128xf32>
    %select_n3A_593 = arith.select %lt3A_589, %select_n3A_569, %select_n3A_588 : vector<256x128xi1>, vector<256x128xi32>
    %lt3A_594 = arith.cmpf olt, %select_n3A_592, %select_n3A_573 : vector<256x128xf32>
    %select_n3A_595 = arith.select %lt3A_594, %select_n3A_592, %select_n3A_573 : vector<256x128xi1>, vector<256x128xf32>
    %select_n3A_596 = arith.select %lt3A_594, %select_n3A_593, %select_n3A_574 : vector<256x128xi1>, vector<256x128xi32>
    %select_n3A_597 = arith.select %lt3A_594, %select_n3A_573, %select_n3A_592 : vector<256x128xi1>, vector<256x128xf32>
    %select_n3A_598 = arith.select %lt3A_594, %select_n3A_574, %select_n3A_593 : vector<256x128xi1>, vector<256x128xi32>
    %lt3A_599 = arith.cmpf olt, %select_n3A_597, %select_n3A_578 : vector<256x128xf32>
    %select_n3A_600 = arith.select %lt3A_599, %select_n3A_597, %select_n3A_578 : vector<256x128xi1>, vector<256x128xf32>
    %select_n3A_601 = arith.select %lt3A_599, %select_n3A_598, %select_n3A_579 : vector<256x128xi1>, vector<256x128xi32>
    %slice3A_602 = vector.extract_strided_slice %sub3A {offsets = [0, 3200], sizes = [256, 128], strides = [1, 1]} : vector<256x4096xf32> to vector<256x128xf32>
    %add3A_603 = arith.constant 3200 : i32
    %add3A_604 = vector.broadcast %add3A_603 : i32 to vector<256x128xi32>
    %add3A_605 = arith.addi %iota3A, %add3A_604 : vector<256x128xi32>
    %lt3A_606 = arith.cmpf olt, %slice3A_602, %select_n3A_585 : vector<256x128xf32>
    %select_n3A_607 = arith.select %lt3A_606, %slice3A_602, %select_n3A_585 : vector<256x128xi1>, vector<256x128xf32>
    %select_n3A_608 = arith.select %lt3A_606, %add3A_605, %select_n3A_586 : vector<256x128xi1>, vector<256x128xi32>
    %select_n3A_609 = arith.select %lt3A_606, %select_n3A_585, %slice3A_602 : vector<256x128xi1>, vector<256x128xf32>
    %select_n3A_610 = arith.select %lt3A_606, %select_n3A_586, %add3A_605 : vector<256x128xi1>, vector<256x128xi32>
    %lt3A_611 = arith.cmpf olt, %select_n3A_609, %select_n3A_590 : vector<256x128xf32>
    %select_n3A_612 = arith.select %lt3A_611, %select_n3A_609, %select_n3A_590 : vector<256x128xi1>, vector<256x128xf32>
    %select_n3A_613 = arith.select %lt3A_611, %select_n3A_610, %select_n3A_591 : vector<256x128xi1>, vector<256x128xi32>
    %select_n3A_614 = arith.select %lt3A_611, %select_n3A_590, %select_n3A_609 : vector<256x128xi1>, vector<256x128xf32>
    %select_n3A_615 = arith.select %lt3A_611, %select_n3A_591, %select_n3A_610 : vector<256x128xi1>, vector<256x128xi32>
    %lt3A_616 = arith.cmpf olt, %select_n3A_614, %select_n3A_595 : vector<256x128xf32>
    %select_n3A_617 = arith.select %lt3A_616, %select_n3A_614, %select_n3A_595 : vector<256x128xi1>, vector<256x128xf32>
    %select_n3A_618 = arith.select %lt3A_616, %select_n3A_615, %select_n3A_596 : vector<256x128xi1>, vector<256x128xi32>
    %select_n3A_619 = arith.select %lt3A_616, %select_n3A_595, %select_n3A_614 : vector<256x128xi1>, vector<256x128xf32>
    %select_n3A_620 = arith.select %lt3A_616, %select_n3A_596, %select_n3A_615 : vector<256x128xi1>, vector<256x128xi32>
    %lt3A_621 = arith.cmpf olt, %select_n3A_619, %select_n3A_600 : vector<256x128xf32>
    %select_n3A_622 = arith.select %lt3A_621, %select_n3A_619, %select_n3A_600 : vector<256x128xi1>, vector<256x128xf32>
    %select_n3A_623 = arith.select %lt3A_621, %select_n3A_620, %select_n3A_601 : vector<256x128xi1>, vector<256x128xi32>
    %slice3A_624 = vector.extract_strided_slice %sub3A {offsets = [0, 3328], sizes = [256, 128], strides = [1, 1]} : vector<256x4096xf32> to vector<256x128xf32>
    %add3A_625 = arith.constant 3328 : i32
    %add3A_626 = vector.broadcast %add3A_625 : i32 to vector<256x128xi32>
    %add3A_627 = arith.addi %iota3A, %add3A_626 : vector<256x128xi32>
    %lt3A_628 = arith.cmpf olt, %slice3A_624, %select_n3A_607 : vector<256x128xf32>
    %select_n3A_629 = arith.select %lt3A_628, %slice3A_624, %select_n3A_607 : vector<256x128xi1>, vector<256x128xf32>
    %select_n3A_630 = arith.select %lt3A_628, %add3A_627, %select_n3A_608 : vector<256x128xi1>, vector<256x128xi32>
    %select_n3A_631 = arith.select %lt3A_628, %select_n3A_607, %slice3A_624 : vector<256x128xi1>, vector<256x128xf32>
    %select_n3A_632 = arith.select %lt3A_628, %select_n3A_608, %add3A_627 : vector<256x128xi1>, vector<256x128xi32>
    %lt3A_633 = arith.cmpf olt, %select_n3A_631, %select_n3A_612 : vector<256x128xf32>
    %select_n3A_634 = arith.select %lt3A_633, %select_n3A_631, %select_n3A_612 : vector<256x128xi1>, vector<256x128xf32>
    %select_n3A_635 = arith.select %lt3A_633, %select_n3A_632, %select_n3A_613 : vector<256x128xi1>, vector<256x128xi32>
    %select_n3A_636 = arith.select %lt3A_633, %select_n3A_612, %select_n3A_631 : vector<256x128xi1>, vector<256x128xf32>
    %select_n3A_637 = arith.select %lt3A_633, %select_n3A_613, %select_n3A_632 : vector<256x128xi1>, vector<256x128xi32>
    %lt3A_638 = arith.cmpf olt, %select_n3A_636, %select_n3A_617 : vector<256x128xf32>
    %select_n3A_639 = arith.select %lt3A_638, %select_n3A_636, %select_n3A_617 : vector<256x128xi1>, vector<256x128xf32>
    %select_n3A_640 = arith.select %lt3A_638, %select_n3A_637, %select_n3A_618 : vector<256x128xi1>, vector<256x128xi32>
    %select_n3A_641 = arith.select %lt3A_638, %select_n3A_617, %select_n3A_636 : vector<256x128xi1>, vector<256x128xf32>
    %select_n3A_642 = arith.select %lt3A_638, %select_n3A_618, %select_n3A_637 : vector<256x128xi1>, vector<256x128xi32>
    %lt3A_643 = arith.cmpf olt, %select_n3A_641, %select_n3A_622 : vector<256x128xf32>
    %select_n3A_644 = arith.select %lt3A_643, %select_n3A_641, %select_n3A_622 : vector<256x128xi1>, vector<256x128xf32>
    %select_n3A_645 = arith.select %lt3A_643, %select_n3A_642, %select_n3A_623 : vector<256x128xi1>, vector<256x128xi32>
    %slice3A_646 = vector.extract_strided_slice %sub3A {offsets = [0, 3456], sizes = [256, 128], strides = [1, 1]} : vector<256x4096xf32> to vector<256x128xf32>
    %add3A_647 = arith.constant 3456 : i32
    %add3A_648 = vector.broadcast %add3A_647 : i32 to vector<256x128xi32>
    %add3A_649 = arith.addi %iota3A, %add3A_648 : vector<256x128xi32>
    %lt3A_650 = arith.cmpf olt, %slice3A_646, %select_n3A_629 : vector<256x128xf32>
    %select_n3A_651 = arith.select %lt3A_650, %slice3A_646, %select_n3A_629 : vector<256x128xi1>, vector<256x128xf32>
    %select_n3A_652 = arith.select %lt3A_650, %add3A_649, %select_n3A_630 : vector<256x128xi1>, vector<256x128xi32>
    %select_n3A_653 = arith.select %lt3A_650, %select_n3A_629, %slice3A_646 : vector<256x128xi1>, vector<256x128xf32>
    %select_n3A_654 = arith.select %lt3A_650, %select_n3A_630, %add3A_649 : vector<256x128xi1>, vector<256x128xi32>
    %lt3A_655 = arith.cmpf olt, %select_n3A_653, %select_n3A_634 : vector<256x128xf32>
    %select_n3A_656 = arith.select %lt3A_655, %select_n3A_653, %select_n3A_634 : vector<256x128xi1>, vector<256x128xf32>
    %select_n3A_657 = arith.select %lt3A_655, %select_n3A_654, %select_n3A_635 : vector<256x128xi1>, vector<256x128xi32>
    %select_n3A_658 = arith.select %lt3A_655, %select_n3A_634, %select_n3A_653 : vector<256x128xi1>, vector<256x128xf32>
    %select_n3A_659 = arith.select %lt3A_655, %select_n3A_635, %select_n3A_654 : vector<256x128xi1>, vector<256x128xi32>
    %lt3A_660 = arith.cmpf olt, %select_n3A_658, %select_n3A_639 : vector<256x128xf32>
    %select_n3A_661 = arith.select %lt3A_660, %select_n3A_658, %select_n3A_639 : vector<256x128xi1>, vector<256x128xf32>
    %select_n3A_662 = arith.select %lt3A_660, %select_n3A_659, %select_n3A_640 : vector<256x128xi1>, vector<256x128xi32>
    %select_n3A_663 = arith.select %lt3A_660, %select_n3A_639, %select_n3A_658 : vector<256x128xi1>, vector<256x128xf32>
    %select_n3A_664 = arith.select %lt3A_660, %select_n3A_640, %select_n3A_659 : vector<256x128xi1>, vector<256x128xi32>
    %lt3A_665 = arith.cmpf olt, %select_n3A_663, %select_n3A_644 : vector<256x128xf32>
    %select_n3A_666 = arith.select %lt3A_665, %select_n3A_663, %select_n3A_644 : vector<256x128xi1>, vector<256x128xf32>
    %select_n3A_667 = arith.select %lt3A_665, %select_n3A_664, %select_n3A_645 : vector<256x128xi1>, vector<256x128xi32>
    %slice3A_668 = vector.extract_strided_slice %sub3A {offsets = [0, 3584], sizes = [256, 128], strides = [1, 1]} : vector<256x4096xf32> to vector<256x128xf32>
    %add3A_669 = arith.constant 3584 : i32
    %add3A_670 = vector.broadcast %add3A_669 : i32 to vector<256x128xi32>
    %add3A_671 = arith.addi %iota3A, %add3A_670 : vector<256x128xi32>
    %lt3A_672 = arith.cmpf olt, %slice3A_668, %select_n3A_651 : vector<256x128xf32>
    %select_n3A_673 = arith.select %lt3A_672, %slice3A_668, %select_n3A_651 : vector<256x128xi1>, vector<256x128xf32>
    %select_n3A_674 = arith.select %lt3A_672, %add3A_671, %select_n3A_652 : vector<256x128xi1>, vector<256x128xi32>
    %select_n3A_675 = arith.select %lt3A_672, %select_n3A_651, %slice3A_668 : vector<256x128xi1>, vector<256x128xf32>
    %select_n3A_676 = arith.select %lt3A_672, %select_n3A_652, %add3A_671 : vector<256x128xi1>, vector<256x128xi32>
    %lt3A_677 = arith.cmpf olt, %select_n3A_675, %select_n3A_656 : vector<256x128xf32>
    %select_n3A_678 = arith.select %lt3A_677, %select_n3A_675, %select_n3A_656 : vector<256x128xi1>, vector<256x128xf32>
    %select_n3A_679 = arith.select %lt3A_677, %select_n3A_676, %select_n3A_657 : vector<256x128xi1>, vector<256x128xi32>
    %select_n3A_680 = arith.select %lt3A_677, %select_n3A_656, %select_n3A_675 : vector<256x128xi1>, vector<256x128xf32>
    %select_n3A_681 = arith.select %lt3A_677, %select_n3A_657, %select_n3A_676 : vector<256x128xi1>, vector<256x128xi32>
    %lt3A_682 = arith.cmpf olt, %select_n3A_680, %select_n3A_661 : vector<256x128xf32>
    %select_n3A_683 = arith.select %lt3A_682, %select_n3A_680, %select_n3A_661 : vector<256x128xi1>, vector<256x128xf32>
    %select_n3A_684 = arith.select %lt3A_682, %select_n3A_681, %select_n3A_662 : vector<256x128xi1>, vector<256x128xi32>
    %select_n3A_685 = arith.select %lt3A_682, %select_n3A_661, %select_n3A_680 : vector<256x128xi1>, vector<256x128xf32>
    %select_n3A_686 = arith.select %lt3A_682, %select_n3A_662, %select_n3A_681 : vector<256x128xi1>, vector<256x128xi32>
    %lt3A_687 = arith.cmpf olt, %select_n3A_685, %select_n3A_666 : vector<256x128xf32>
    %select_n3A_688 = arith.select %lt3A_687, %select_n3A_685, %select_n3A_666 : vector<256x128xi1>, vector<256x128xf32>
    %select_n3A_689 = arith.select %lt3A_687, %select_n3A_686, %select_n3A_667 : vector<256x128xi1>, vector<256x128xi32>
    %slice3A_690 = vector.extract_strided_slice %sub3A {offsets = [0, 3712], sizes = [256, 128], strides = [1, 1]} : vector<256x4096xf32> to vector<256x128xf32>
    %add3A_691 = arith.constant 3712 : i32
    %add3A_692 = vector.broadcast %add3A_691 : i32 to vector<256x128xi32>
    %add3A_693 = arith.addi %iota3A, %add3A_692 : vector<256x128xi32>
    %lt3A_694 = arith.cmpf olt, %slice3A_690, %select_n3A_673 : vector<256x128xf32>
    %select_n3A_695 = arith.select %lt3A_694, %slice3A_690, %select_n3A_673 : vector<256x128xi1>, vector<256x128xf32>
    %select_n3A_696 = arith.select %lt3A_694, %add3A_693, %select_n3A_674 : vector<256x128xi1>, vector<256x128xi32>
    %select_n3A_697 = arith.select %lt3A_694, %select_n3A_673, %slice3A_690 : vector<256x128xi1>, vector<256x128xf32>
    %select_n3A_698 = arith.select %lt3A_694, %select_n3A_674, %add3A_693 : vector<256x128xi1>, vector<256x128xi32>
    %lt3A_699 = arith.cmpf olt, %select_n3A_697, %select_n3A_678 : vector<256x128xf32>
    %select_n3A_700 = arith.select %lt3A_699, %select_n3A_697, %select_n3A_678 : vector<256x128xi1>, vector<256x128xf32>
    %select_n3A_701 = arith.select %lt3A_699, %select_n3A_698, %select_n3A_679 : vector<256x128xi1>, vector<256x128xi32>
    %select_n3A_702 = arith.select %lt3A_699, %select_n3A_678, %select_n3A_697 : vector<256x128xi1>, vector<256x128xf32>
    %select_n3A_703 = arith.select %lt3A_699, %select_n3A_679, %select_n3A_698 : vector<256x128xi1>, vector<256x128xi32>
    %lt3A_704 = arith.cmpf olt, %select_n3A_702, %select_n3A_683 : vector<256x128xf32>
    %select_n3A_705 = arith.select %lt3A_704, %select_n3A_702, %select_n3A_683 : vector<256x128xi1>, vector<256x128xf32>
    %select_n3A_706 = arith.select %lt3A_704, %select_n3A_703, %select_n3A_684 : vector<256x128xi1>, vector<256x128xi32>
    %select_n3A_707 = arith.select %lt3A_704, %select_n3A_683, %select_n3A_702 : vector<256x128xi1>, vector<256x128xf32>
    %select_n3A_708 = arith.select %lt3A_704, %select_n3A_684, %select_n3A_703 : vector<256x128xi1>, vector<256x128xi32>
    %lt3A_709 = arith.cmpf olt, %select_n3A_707, %select_n3A_688 : vector<256x128xf32>
    %select_n3A_710 = arith.select %lt3A_709, %select_n3A_707, %select_n3A_688 : vector<256x128xi1>, vector<256x128xf32>
    %select_n3A_711 = arith.select %lt3A_709, %select_n3A_708, %select_n3A_689 : vector<256x128xi1>, vector<256x128xi32>
    %slice3A_712 = vector.extract_strided_slice %sub3A {offsets = [0, 3840], sizes = [256, 128], strides = [1, 1]} : vector<256x4096xf32> to vector<256x128xf32>
    %add3A_713 = arith.constant 3840 : i32
    %add3A_714 = vector.broadcast %add3A_713 : i32 to vector<256x128xi32>
    %add3A_715 = arith.addi %iota3A, %add3A_714 : vector<256x128xi32>
    %lt3A_716 = arith.cmpf olt, %slice3A_712, %select_n3A_695 : vector<256x128xf32>
    %select_n3A_717 = arith.select %lt3A_716, %slice3A_712, %select_n3A_695 : vector<256x128xi1>, vector<256x128xf32>
    %select_n3A_718 = arith.select %lt3A_716, %add3A_715, %select_n3A_696 : vector<256x128xi1>, vector<256x128xi32>
    %select_n3A_719 = arith.select %lt3A_716, %select_n3A_695, %slice3A_712 : vector<256x128xi1>, vector<256x128xf32>
    %select_n3A_720 = arith.select %lt3A_716, %select_n3A_696, %add3A_715 : vector<256x128xi1>, vector<256x128xi32>
    %lt3A_721 = arith.cmpf olt, %select_n3A_719, %select_n3A_700 : vector<256x128xf32>
    %select_n3A_722 = arith.select %lt3A_721, %select_n3A_719, %select_n3A_700 : vector<256x128xi1>, vector<256x128xf32>
    %select_n3A_723 = arith.select %lt3A_721, %select_n3A_720, %select_n3A_701 : vector<256x128xi1>, vector<256x128xi32>
    %select_n3A_724 = arith.select %lt3A_721, %select_n3A_700, %select_n3A_719 : vector<256x128xi1>, vector<256x128xf32>
    %select_n3A_725 = arith.select %lt3A_721, %select_n3A_701, %select_n3A_720 : vector<256x128xi1>, vector<256x128xi32>
    %lt3A_726 = arith.cmpf olt, %select_n3A_724, %select_n3A_705 : vector<256x128xf32>
    %select_n3A_727 = arith.select %lt3A_726, %select_n3A_724, %select_n3A_705 : vector<256x128xi1>, vector<256x128xf32>
    %select_n3A_728 = arith.select %lt3A_726, %select_n3A_725, %select_n3A_706 : vector<256x128xi1>, vector<256x128xi32>
    %select_n3A_729 = arith.select %lt3A_726, %select_n3A_705, %select_n3A_724 : vector<256x128xi1>, vector<256x128xf32>
    %select_n3A_730 = arith.select %lt3A_726, %select_n3A_706, %select_n3A_725 : vector<256x128xi1>, vector<256x128xi32>
    %lt3A_731 = arith.cmpf olt, %select_n3A_729, %select_n3A_710 : vector<256x128xf32>
    %select_n3A_732 = arith.select %lt3A_731, %select_n3A_729, %select_n3A_710 : vector<256x128xi1>, vector<256x128xf32>
    %select_n3A_733 = arith.select %lt3A_731, %select_n3A_730, %select_n3A_711 : vector<256x128xi1>, vector<256x128xi32>
    %slice3A_734 = vector.extract_strided_slice %sub3A {offsets = [0, 3968], sizes = [256, 128], strides = [1, 1]} : vector<256x4096xf32> to vector<256x128xf32>
    %add3A_735 = arith.constant 3968 : i32
    %add3A_736 = vector.broadcast %add3A_735 : i32 to vector<256x128xi32>
    %add3A_737 = arith.addi %iota3A, %add3A_736 : vector<256x128xi32>
    %lt3A_738 = arith.cmpf olt, %slice3A_734, %select_n3A_717 : vector<256x128xf32>
    %select_n3A_739 = arith.select %lt3A_738, %slice3A_734, %select_n3A_717 : vector<256x128xi1>, vector<256x128xf32>
    %select_n3A_740 = arith.select %lt3A_738, %add3A_737, %select_n3A_718 : vector<256x128xi1>, vector<256x128xi32>
    %select_n3A_741 = arith.select %lt3A_738, %select_n3A_717, %slice3A_734 : vector<256x128xi1>, vector<256x128xf32>
    %select_n3A_742 = arith.select %lt3A_738, %select_n3A_718, %add3A_737 : vector<256x128xi1>, vector<256x128xi32>
    %lt3A_743 = arith.cmpf olt, %select_n3A_741, %select_n3A_722 : vector<256x128xf32>
    %select_n3A_744 = arith.select %lt3A_743, %select_n3A_741, %select_n3A_722 : vector<256x128xi1>, vector<256x128xf32>
    %select_n3A_745 = arith.select %lt3A_743, %select_n3A_742, %select_n3A_723 : vector<256x128xi1>, vector<256x128xi32>
    %select_n3A_746 = arith.select %lt3A_743, %select_n3A_722, %select_n3A_741 : vector<256x128xi1>, vector<256x128xf32>
    %select_n3A_747 = arith.select %lt3A_743, %select_n3A_723, %select_n3A_742 : vector<256x128xi1>, vector<256x128xi32>
    %lt3A_748 = arith.cmpf olt, %select_n3A_746, %select_n3A_727 : vector<256x128xf32>
    %select_n3A_749 = arith.select %lt3A_748, %select_n3A_746, %select_n3A_727 : vector<256x128xi1>, vector<256x128xf32>
    %select_n3A_750 = arith.select %lt3A_748, %select_n3A_747, %select_n3A_728 : vector<256x128xi1>, vector<256x128xi32>
    %select_n3A_751 = arith.select %lt3A_748, %select_n3A_727, %select_n3A_746 : vector<256x128xi1>, vector<256x128xf32>
    %select_n3A_752 = arith.select %lt3A_748, %select_n3A_728, %select_n3A_747 : vector<256x128xi1>, vector<256x128xi32>
    %lt3A_753 = arith.cmpf olt, %select_n3A_751, %select_n3A_732 : vector<256x128xf32>
    %select_n3A_754 = arith.select %lt3A_753, %select_n3A_751, %select_n3A_732 : vector<256x128xi1>, vector<256x128xf32>
    %select_n3A_755 = arith.select %lt3A_753, %select_n3A_752, %select_n3A_733 : vector<256x128xi1>, vector<256x128xi32>
    %concatenate3A_756 = tpu.concatenate %select_n3A_739, %select_n3A_744, %select_n3A_749, %select_n3A_754 in 1 : vector<256x128xf32>, vector<256x128xf32>, vector<256x128xf32>, vector<256x128xf32> -> vector<256x512xf32>
    %concatenate3A_757 = tpu.concatenate %select_n3A_740, %select_n3A_745, %select_n3A_750, %select_n3A_755 in 1 : vector<256x128xi32>, vector<256x128xi32>, vector<256x128xi32>, vector<256x128xi32> -> vector<256x512xi32>
    %reduce_min3A = arith.constant dense<0x7F800000> : vector<256xf32>
    %reduce_min3A_758 = vector.multi_reduction <minimumf>, %concatenate3A_756, %reduce_min3A [1] : vector<256x512xf32> to vector<256xf32>
    %broadcast_in_dim3A_759 = vector.shape_cast %reduce_min3A_758 : vector<256xf32> to vector<256x1xf32>
    %le3A = vector.broadcast %broadcast_in_dim3A_759 : vector<256x1xf32> to vector<256x512xf32>
    %le3A_760 = arith.cmpf ole, %concatenate3A_756, %le3A : vector<256x512xf32>
    %jit3A = arith.constant 1073741824 : i32
    %broadcast_in_dim3A_761 = vector.broadcast %jit3A : i32 to vector<256x512xi32>
    %select_n3A_762 = arith.select %le3A_760, %concatenate3A_757, %broadcast_in_dim3A_761 : vector<256x512xi1>, vector<256x512xi32>
    %reduce_min3A_763 = arith.constant dense<2147483647> : vector<256xi32>
    %reduce_min3A_764 = vector.multi_reduction <minsi>, %select_n3A_762, %reduce_min3A_763 [1] : vector<256x512xi32> to vector<256xi32>
    %broadcast_in_dim3A_765 = vector.shape_cast %reduce_min3A_764 : vector<256xi32> to vector<256x1xi32>
    %eq3A = vector.broadcast %broadcast_in_dim3A_765 : vector<256x1xi32> to vector<256x512xi32>
    %eq3A_766 = arith.cmpi eq, %concatenate3A_757, %eq3A : vector<256x512xi32>
    %and3A = arith.andi %le3A_760, %eq3A_766 : vector<256x512xi1>
    %jit3A_767 = arith.constant 0x7F800000 : f32
    %broadcast_in_dim3A_768 = vector.broadcast %jit3A_767 : f32 to vector<256x512xf32>
    %select_n3A_769 = arith.select %and3A, %broadcast_in_dim3A_768, %concatenate3A_756 : vector<256x512xi1>, vector<256x512xf32>
    %reduce_min3A_770 = arith.constant dense<0x7F800000> : vector<256xf32>
    %reduce_min3A_771 = vector.multi_reduction <minimumf>, %select_n3A_769, %reduce_min3A_770 [1] : vector<256x512xf32> to vector<256xf32>
    %broadcast_in_dim3A_772 = vector.shape_cast %reduce_min3A_771 : vector<256xf32> to vector<256x1xf32>
    %le3A_773 = vector.broadcast %broadcast_in_dim3A_772 : vector<256x1xf32> to vector<256x512xf32>
    %le3A_774 = arith.cmpf ole, %select_n3A_769, %le3A_773 : vector<256x512xf32>
    %jit3A_775 = arith.constant 1073741824 : i32
    %broadcast_in_dim3A_776 = vector.broadcast %jit3A_775 : i32 to vector<256x512xi32>
    %select_n3A_777 = arith.select %le3A_774, %concatenate3A_757, %broadcast_in_dim3A_776 : vector<256x512xi1>, vector<256x512xi32>
    %reduce_min3A_778 = arith.constant dense<2147483647> : vector<256xi32>
    %reduce_min3A_779 = vector.multi_reduction <minsi>, %select_n3A_777, %reduce_min3A_778 [1] : vector<256x512xi32> to vector<256xi32>
    %broadcast_in_dim3A_780 = vector.shape_cast %reduce_min3A_779 : vector<256xi32> to vector<256x1xi32>
    %eq3A_781 = vector.broadcast %broadcast_in_dim3A_780 : vector<256x1xi32> to vector<256x512xi32>
    %eq3A_782 = arith.cmpi eq, %concatenate3A_757, %eq3A_781 : vector<256x512xi32>
    %and3A_783 = arith.andi %le3A_774, %eq3A_782 : vector<256x512xi1>
    %jit3A_784 = arith.constant 0x7F800000 : f32
    %broadcast_in_dim3A_785 = vector.broadcast %jit3A_784 : f32 to vector<256x512xf32>
    %select_n3A_786 = arith.select %and3A_783, %broadcast_in_dim3A_785, %select_n3A_769 : vector<256x512xi1>, vector<256x512xf32>
    %reduce_min3A_787 = arith.constant dense<0x7F800000> : vector<256xf32>
    %reduce_min3A_788 = vector.multi_reduction <minimumf>, %select_n3A_786, %reduce_min3A_787 [1] : vector<256x512xf32> to vector<256xf32>
    %broadcast_in_dim3A_789 = vector.shape_cast %reduce_min3A_788 : vector<256xf32> to vector<256x1xf32>
    %le3A_790 = vector.broadcast %broadcast_in_dim3A_789 : vector<256x1xf32> to vector<256x512xf32>
    %le3A_791 = arith.cmpf ole, %select_n3A_786, %le3A_790 : vector<256x512xf32>
    %jit3A_792 = arith.constant 1073741824 : i32
    %broadcast_in_dim3A_793 = vector.broadcast %jit3A_792 : i32 to vector<256x512xi32>
    %select_n3A_794 = arith.select %le3A_791, %concatenate3A_757, %broadcast_in_dim3A_793 : vector<256x512xi1>, vector<256x512xi32>
    %reduce_min3A_795 = arith.constant dense<2147483647> : vector<256xi32>
    %reduce_min3A_796 = vector.multi_reduction <minsi>, %select_n3A_794, %reduce_min3A_795 [1] : vector<256x512xi32> to vector<256xi32>
    %broadcast_in_dim3A_797 = vector.shape_cast %reduce_min3A_796 : vector<256xi32> to vector<256x1xi32>
    %eq3A_798 = vector.broadcast %broadcast_in_dim3A_797 : vector<256x1xi32> to vector<256x512xi32>
    %eq3A_799 = arith.cmpi eq, %concatenate3A_757, %eq3A_798 : vector<256x512xi32>
    %and3A_800 = arith.andi %le3A_791, %eq3A_799 : vector<256x512xi1>
    %jit3A_801 = arith.constant 0x7F800000 : f32
    %broadcast_in_dim3A_802 = vector.broadcast %jit3A_801 : f32 to vector<256x512xf32>
    %select_n3A_803 = arith.select %and3A_800, %broadcast_in_dim3A_802, %select_n3A_786 : vector<256x512xi1>, vector<256x512xf32>
    %reduce_min3A_804 = arith.constant dense<0x7F800000> : vector<256xf32>
    %reduce_min3A_805 = vector.multi_reduction <minimumf>, %select_n3A_803, %reduce_min3A_804 [1] : vector<256x512xf32> to vector<256xf32>
    %broadcast_in_dim3A_806 = vector.shape_cast %reduce_min3A_805 : vector<256xf32> to vector<256x1xf32>
    %le3A_807 = vector.broadcast %broadcast_in_dim3A_806 : vector<256x1xf32> to vector<256x512xf32>
    %le3A_808 = arith.cmpf ole, %select_n3A_803, %le3A_807 : vector<256x512xf32>
    %jit3A_809 = arith.constant 1073741824 : i32
    %broadcast_in_dim3A_810 = vector.broadcast %jit3A_809 : i32 to vector<256x512xi32>
    %select_n3A_811 = arith.select %le3A_808, %concatenate3A_757, %broadcast_in_dim3A_810 : vector<256x512xi1>, vector<256x512xi32>
    %reduce_min3A_812 = arith.constant dense<2147483647> : vector<256xi32>
    %reduce_min3A_813 = vector.multi_reduction <minsi>, %select_n3A_811, %reduce_min3A_812 [1] : vector<256x512xi32> to vector<256xi32>
    %broadcast_in_dim3A_814 = vector.shape_cast %reduce_min3A_813 : vector<256xi32> to vector<256x1xi32>
    %eq3A_815 = vector.broadcast %broadcast_in_dim3A_814 : vector<256x1xi32> to vector<256x512xi32>
    %eq3A_816 = arith.cmpi eq, %concatenate3A_757, %eq3A_815 : vector<256x512xi32>
    %and3A_817 = arith.andi %le3A_808, %eq3A_816 : vector<256x512xi1>
    %jit3A_818 = arith.constant 0x7F800000 : f32
    %broadcast_in_dim3A_819 = vector.broadcast %jit3A_818 : f32 to vector<256x512xf32>
    %select_n3A_820 = arith.select %and3A_817, %broadcast_in_dim3A_819, %select_n3A_803 : vector<256x512xi1>, vector<256x512xf32>
    %reduce_min3A_821 = arith.constant dense<0x7F800000> : vector<256xf32>
    %reduce_min3A_822 = vector.multi_reduction <minimumf>, %select_n3A_820, %reduce_min3A_821 [1] : vector<256x512xf32> to vector<256xf32>
    %broadcast_in_dim3A_823 = vector.shape_cast %reduce_min3A_822 : vector<256xf32> to vector<256x1xf32>
    %le3A_824 = vector.broadcast %broadcast_in_dim3A_823 : vector<256x1xf32> to vector<256x512xf32>
    %le3A_825 = arith.cmpf ole, %select_n3A_820, %le3A_824 : vector<256x512xf32>
    %jit3A_826 = arith.constant 1073741824 : i32
    %broadcast_in_dim3A_827 = vector.broadcast %jit3A_826 : i32 to vector<256x512xi32>
    %select_n3A_828 = arith.select %le3A_825, %concatenate3A_757, %broadcast_in_dim3A_827 : vector<256x512xi1>, vector<256x512xi32>
    %reduce_min3A_829 = arith.constant dense<2147483647> : vector<256xi32>
    %reduce_min3A_830 = vector.multi_reduction <minsi>, %select_n3A_828, %reduce_min3A_829 [1] : vector<256x512xi32> to vector<256xi32>
    %broadcast_in_dim3A_831 = vector.shape_cast %reduce_min3A_830 : vector<256xi32> to vector<256x1xi32>
    %eq3A_832 = vector.broadcast %broadcast_in_dim3A_831 : vector<256x1xi32> to vector<256x512xi32>
    %eq3A_833 = arith.cmpi eq, %concatenate3A_757, %eq3A_832 : vector<256x512xi32>
    %and3A_834 = arith.andi %le3A_825, %eq3A_833 : vector<256x512xi1>
    %jit3A_835 = arith.constant 0x7F800000 : f32
    %broadcast_in_dim3A_836 = vector.broadcast %jit3A_835 : f32 to vector<256x512xf32>
    %select_n3A_837 = arith.select %and3A_834, %broadcast_in_dim3A_836, %select_n3A_820 : vector<256x512xi1>, vector<256x512xf32>
    %reduce_min3A_838 = arith.constant dense<0x7F800000> : vector<256xf32>
    %reduce_min3A_839 = vector.multi_reduction <minimumf>, %select_n3A_837, %reduce_min3A_838 [1] : vector<256x512xf32> to vector<256xf32>
    %broadcast_in_dim3A_840 = vector.shape_cast %reduce_min3A_839 : vector<256xf32> to vector<256x1xf32>
    %le3A_841 = vector.broadcast %broadcast_in_dim3A_840 : vector<256x1xf32> to vector<256x512xf32>
    %le3A_842 = arith.cmpf ole, %select_n3A_837, %le3A_841 : vector<256x512xf32>
    %jit3A_843 = arith.constant 1073741824 : i32
    %broadcast_in_dim3A_844 = vector.broadcast %jit3A_843 : i32 to vector<256x512xi32>
    %select_n3A_845 = arith.select %le3A_842, %concatenate3A_757, %broadcast_in_dim3A_844 : vector<256x512xi1>, vector<256x512xi32>
    %reduce_min3A_846 = arith.constant dense<2147483647> : vector<256xi32>
    %reduce_min3A_847 = vector.multi_reduction <minsi>, %select_n3A_845, %reduce_min3A_846 [1] : vector<256x512xi32> to vector<256xi32>
    %broadcast_in_dim3A_848 = vector.shape_cast %reduce_min3A_847 : vector<256xi32> to vector<256x1xi32>
    %eq3A_849 = vector.broadcast %broadcast_in_dim3A_848 : vector<256x1xi32> to vector<256x512xi32>
    %eq3A_850 = arith.cmpi eq, %concatenate3A_757, %eq3A_849 : vector<256x512xi32>
    %and3A_851 = arith.andi %le3A_842, %eq3A_850 : vector<256x512xi1>
    %jit3A_852 = arith.constant 0x7F800000 : f32
    %broadcast_in_dim3A_853 = vector.broadcast %jit3A_852 : f32 to vector<256x512xf32>
    %select_n3A_854 = arith.select %and3A_851, %broadcast_in_dim3A_853, %select_n3A_837 : vector<256x512xi1>, vector<256x512xf32>
    %reduce_min3A_855 = arith.constant dense<0x7F800000> : vector<256xf32>
    %reduce_min3A_856 = vector.multi_reduction <minimumf>, %select_n3A_854, %reduce_min3A_855 [1] : vector<256x512xf32> to vector<256xf32>
    %broadcast_in_dim3A_857 = vector.shape_cast %reduce_min3A_856 : vector<256xf32> to vector<256x1xf32>
    %le3A_858 = vector.broadcast %broadcast_in_dim3A_857 : vector<256x1xf32> to vector<256x512xf32>
    %le3A_859 = arith.cmpf ole, %select_n3A_854, %le3A_858 : vector<256x512xf32>
    %jit3A_860 = arith.constant 1073741824 : i32
    %broadcast_in_dim3A_861 = vector.broadcast %jit3A_860 : i32 to vector<256x512xi32>
    %select_n3A_862 = arith.select %le3A_859, %concatenate3A_757, %broadcast_in_dim3A_861 : vector<256x512xi1>, vector<256x512xi32>
    %reduce_min3A_863 = arith.constant dense<2147483647> : vector<256xi32>
    %reduce_min3A_864 = vector.multi_reduction <minsi>, %select_n3A_862, %reduce_min3A_863 [1] : vector<256x512xi32> to vector<256xi32>
    %broadcast_in_dim3A_865 = vector.shape_cast %reduce_min3A_864 : vector<256xi32> to vector<256x1xi32>
    %eq3A_866 = vector.broadcast %broadcast_in_dim3A_865 : vector<256x1xi32> to vector<256x512xi32>
    %eq3A_867 = arith.cmpi eq, %concatenate3A_757, %eq3A_866 : vector<256x512xi32>
    %and3A_868 = arith.andi %le3A_859, %eq3A_867 : vector<256x512xi1>
    %jit3A_869 = arith.constant 0x7F800000 : f32
    %broadcast_in_dim3A_870 = vector.broadcast %jit3A_869 : f32 to vector<256x512xf32>
    %select_n3A_871 = arith.select %and3A_868, %broadcast_in_dim3A_870, %select_n3A_854 : vector<256x512xi1>, vector<256x512xf32>
    %reduce_min3A_872 = arith.constant dense<0x7F800000> : vector<256xf32>
    %reduce_min3A_873 = vector.multi_reduction <minimumf>, %select_n3A_871, %reduce_min3A_872 [1] : vector<256x512xf32> to vector<256xf32>
    %broadcast_in_dim3A_874 = vector.shape_cast %reduce_min3A_873 : vector<256xf32> to vector<256x1xf32>
    %le3A_875 = vector.broadcast %broadcast_in_dim3A_874 : vector<256x1xf32> to vector<256x512xf32>
    %le3A_876 = arith.cmpf ole, %select_n3A_871, %le3A_875 : vector<256x512xf32>
    %jit3A_877 = arith.constant 1073741824 : i32
    %broadcast_in_dim3A_878 = vector.broadcast %jit3A_877 : i32 to vector<256x512xi32>
    %select_n3A_879 = arith.select %le3A_876, %concatenate3A_757, %broadcast_in_dim3A_878 : vector<256x512xi1>, vector<256x512xi32>
    %reduce_min3A_880 = arith.constant dense<2147483647> : vector<256xi32>
    %reduce_min3A_881 = vector.multi_reduction <minsi>, %select_n3A_879, %reduce_min3A_880 [1] : vector<256x512xi32> to vector<256xi32>
    %broadcast_in_dim3A_882 = vector.shape_cast %reduce_min3A_881 : vector<256xi32> to vector<256x1xi32>
    %eq3A_883 = vector.broadcast %broadcast_in_dim3A_882 : vector<256x1xi32> to vector<256x512xi32>
    %eq3A_884 = arith.cmpi eq, %concatenate3A_757, %eq3A_883 : vector<256x512xi32>
    %and3A_885 = arith.andi %le3A_876, %eq3A_884 : vector<256x512xi1>
    %jit3A_886 = arith.constant 0x7F800000 : f32
    %broadcast_in_dim3A_887 = vector.broadcast %jit3A_886 : f32 to vector<256x512xf32>
    %select_n3A_888 = arith.select %and3A_885, %broadcast_in_dim3A_887, %select_n3A_871 : vector<256x512xi1>, vector<256x512xf32>
    %reduce_min3A_889 = arith.constant dense<0x7F800000> : vector<256xf32>
    %reduce_min3A_890 = vector.multi_reduction <minimumf>, %select_n3A_888, %reduce_min3A_889 [1] : vector<256x512xf32> to vector<256xf32>
    %broadcast_in_dim3A_891 = vector.shape_cast %reduce_min3A_890 : vector<256xf32> to vector<256x1xf32>
    %le3A_892 = vector.broadcast %broadcast_in_dim3A_891 : vector<256x1xf32> to vector<256x512xf32>
    %le3A_893 = arith.cmpf ole, %select_n3A_888, %le3A_892 : vector<256x512xf32>
    %jit3A_894 = arith.constant 1073741824 : i32
    %broadcast_in_dim3A_895 = vector.broadcast %jit3A_894 : i32 to vector<256x512xi32>
    %select_n3A_896 = arith.select %le3A_893, %concatenate3A_757, %broadcast_in_dim3A_895 : vector<256x512xi1>, vector<256x512xi32>
    %reduce_min3A_897 = arith.constant dense<2147483647> : vector<256xi32>
    %reduce_min3A_898 = vector.multi_reduction <minsi>, %select_n3A_896, %reduce_min3A_897 [1] : vector<256x512xi32> to vector<256xi32>
    %broadcast_in_dim3A_899 = vector.shape_cast %reduce_min3A_898 : vector<256xi32> to vector<256x1xi32>
    %eq3A_900 = vector.broadcast %broadcast_in_dim3A_899 : vector<256x1xi32> to vector<256x512xi32>
    %eq3A_901 = arith.cmpi eq, %concatenate3A_757, %eq3A_900 : vector<256x512xi32>
    %and3A_902 = arith.andi %le3A_893, %eq3A_901 : vector<256x512xi1>
    %jit3A_903 = arith.constant 0x7F800000 : f32
    %broadcast_in_dim3A_904 = vector.broadcast %jit3A_903 : f32 to vector<256x512xf32>
    %select_n3A_905 = arith.select %and3A_902, %broadcast_in_dim3A_904, %select_n3A_888 : vector<256x512xi1>, vector<256x512xf32>
    %reduce_min3A_906 = arith.constant dense<0x7F800000> : vector<256xf32>
    %reduce_min3A_907 = vector.multi_reduction <minimumf>, %select_n3A_905, %reduce_min3A_906 [1] : vector<256x512xf32> to vector<256xf32>
    %broadcast_in_dim3A_908 = vector.shape_cast %reduce_min3A_907 : vector<256xf32> to vector<256x1xf32>
    %le3A_909 = vector.broadcast %broadcast_in_dim3A_908 : vector<256x1xf32> to vector<256x512xf32>
    %le3A_910 = arith.cmpf ole, %select_n3A_905, %le3A_909 : vector<256x512xf32>
    %jit3A_911 = arith.constant 1073741824 : i32
    %broadcast_in_dim3A_912 = vector.broadcast %jit3A_911 : i32 to vector<256x512xi32>
    %select_n3A_913 = arith.select %le3A_910, %concatenate3A_757, %broadcast_in_dim3A_912 : vector<256x512xi1>, vector<256x512xi32>
    %reduce_min3A_914 = arith.constant dense<2147483647> : vector<256xi32>
    %reduce_min3A_915 = vector.multi_reduction <minsi>, %select_n3A_913, %reduce_min3A_914 [1] : vector<256x512xi32> to vector<256xi32>
    %broadcast_in_dim3A_916 = vector.shape_cast %reduce_min3A_915 : vector<256xi32> to vector<256x1xi32>
    %eq3A_917 = vector.broadcast %broadcast_in_dim3A_916 : vector<256x1xi32> to vector<256x512xi32>
    %eq3A_918 = arith.cmpi eq, %concatenate3A_757, %eq3A_917 : vector<256x512xi32>
    %and3A_919 = arith.andi %le3A_910, %eq3A_918 : vector<256x512xi1>
    %jit3A_920 = arith.constant 0x7F800000 : f32
    %broadcast_in_dim3A_921 = vector.broadcast %jit3A_920 : f32 to vector<256x512xf32>
    %select_n3A_922 = arith.select %and3A_919, %broadcast_in_dim3A_921, %select_n3A_905 : vector<256x512xi1>, vector<256x512xf32>
    %reduce_min3A_923 = arith.constant dense<0x7F800000> : vector<256xf32>
    %reduce_min3A_924 = vector.multi_reduction <minimumf>, %select_n3A_922, %reduce_min3A_923 [1] : vector<256x512xf32> to vector<256xf32>
    %broadcast_in_dim3A_925 = vector.shape_cast %reduce_min3A_924 : vector<256xf32> to vector<256x1xf32>
    %le3A_926 = vector.broadcast %broadcast_in_dim3A_925 : vector<256x1xf32> to vector<256x512xf32>
    %le3A_927 = arith.cmpf ole, %select_n3A_922, %le3A_926 : vector<256x512xf32>
    %jit3A_928 = arith.constant 1073741824 : i32
    %broadcast_in_dim3A_929 = vector.broadcast %jit3A_928 : i32 to vector<256x512xi32>
    %select_n3A_930 = arith.select %le3A_927, %concatenate3A_757, %broadcast_in_dim3A_929 : vector<256x512xi1>, vector<256x512xi32>
    %reduce_min3A_931 = arith.constant dense<2147483647> : vector<256xi32>
    %reduce_min3A_932 = vector.multi_reduction <minsi>, %select_n3A_930, %reduce_min3A_931 [1] : vector<256x512xi32> to vector<256xi32>
    %broadcast_in_dim3A_933 = vector.shape_cast %reduce_min3A_932 : vector<256xi32> to vector<256x1xi32>
    %eq3A_934 = vector.broadcast %broadcast_in_dim3A_933 : vector<256x1xi32> to vector<256x512xi32>
    %eq3A_935 = arith.cmpi eq, %concatenate3A_757, %eq3A_934 : vector<256x512xi32>
    %and3A_936 = arith.andi %le3A_927, %eq3A_935 : vector<256x512xi1>
    %jit3A_937 = arith.constant 0x7F800000 : f32
    %broadcast_in_dim3A_938 = vector.broadcast %jit3A_937 : f32 to vector<256x512xf32>
    %select_n3A_939 = arith.select %and3A_936, %broadcast_in_dim3A_938, %select_n3A_922 : vector<256x512xi1>, vector<256x512xf32>
    %reduce_min3A_940 = arith.constant dense<0x7F800000> : vector<256xf32>
    %reduce_min3A_941 = vector.multi_reduction <minimumf>, %select_n3A_939, %reduce_min3A_940 [1] : vector<256x512xf32> to vector<256xf32>
    %broadcast_in_dim3A_942 = vector.shape_cast %reduce_min3A_941 : vector<256xf32> to vector<256x1xf32>
    %le3A_943 = vector.broadcast %broadcast_in_dim3A_942 : vector<256x1xf32> to vector<256x512xf32>
    %le3A_944 = arith.cmpf ole, %select_n3A_939, %le3A_943 : vector<256x512xf32>
    %jit3A_945 = arith.constant 1073741824 : i32
    %broadcast_in_dim3A_946 = vector.broadcast %jit3A_945 : i32 to vector<256x512xi32>
    %select_n3A_947 = arith.select %le3A_944, %concatenate3A_757, %broadcast_in_dim3A_946 : vector<256x512xi1>, vector<256x512xi32>
    %reduce_min3A_948 = arith.constant dense<2147483647> : vector<256xi32>
    %reduce_min3A_949 = vector.multi_reduction <minsi>, %select_n3A_947, %reduce_min3A_948 [1] : vector<256x512xi32> to vector<256xi32>
    %broadcast_in_dim3A_950 = vector.shape_cast %reduce_min3A_949 : vector<256xi32> to vector<256x1xi32>
    %eq3A_951 = vector.broadcast %broadcast_in_dim3A_950 : vector<256x1xi32> to vector<256x512xi32>
    %eq3A_952 = arith.cmpi eq, %concatenate3A_757, %eq3A_951 : vector<256x512xi32>
    %and3A_953 = arith.andi %le3A_944, %eq3A_952 : vector<256x512xi1>
    %jit3A_954 = arith.constant 0x7F800000 : f32
    %broadcast_in_dim3A_955 = vector.broadcast %jit3A_954 : f32 to vector<256x512xf32>
    %select_n3A_956 = arith.select %and3A_953, %broadcast_in_dim3A_955, %select_n3A_939 : vector<256x512xi1>, vector<256x512xf32>
    %reduce_min3A_957 = arith.constant dense<0x7F800000> : vector<256xf32>
    %reduce_min3A_958 = vector.multi_reduction <minimumf>, %select_n3A_956, %reduce_min3A_957 [1] : vector<256x512xf32> to vector<256xf32>
    %broadcast_in_dim3A_959 = vector.shape_cast %reduce_min3A_958 : vector<256xf32> to vector<256x1xf32>
    %le3A_960 = vector.broadcast %broadcast_in_dim3A_959 : vector<256x1xf32> to vector<256x512xf32>
    %le3A_961 = arith.cmpf ole, %select_n3A_956, %le3A_960 : vector<256x512xf32>
    %jit3A_962 = arith.constant 1073741824 : i32
    %broadcast_in_dim3A_963 = vector.broadcast %jit3A_962 : i32 to vector<256x512xi32>
    %select_n3A_964 = arith.select %le3A_961, %concatenate3A_757, %broadcast_in_dim3A_963 : vector<256x512xi1>, vector<256x512xi32>
    %reduce_min3A_965 = arith.constant dense<2147483647> : vector<256xi32>
    %reduce_min3A_966 = vector.multi_reduction <minsi>, %select_n3A_964, %reduce_min3A_965 [1] : vector<256x512xi32> to vector<256xi32>
    %broadcast_in_dim3A_967 = vector.shape_cast %reduce_min3A_966 : vector<256xi32> to vector<256x1xi32>
    %eq3A_968 = vector.broadcast %broadcast_in_dim3A_967 : vector<256x1xi32> to vector<256x512xi32>
    %eq3A_969 = arith.cmpi eq, %concatenate3A_757, %eq3A_968 : vector<256x512xi32>
    %and3A_970 = arith.andi %le3A_961, %eq3A_969 : vector<256x512xi1>
    %jit3A_971 = arith.constant 0x7F800000 : f32
    %broadcast_in_dim3A_972 = vector.broadcast %jit3A_971 : f32 to vector<256x512xf32>
    %select_n3A_973 = arith.select %and3A_970, %broadcast_in_dim3A_972, %select_n3A_956 : vector<256x512xi1>, vector<256x512xf32>
    %reduce_min3A_974 = arith.constant dense<0x7F800000> : vector<256xf32>
    %reduce_min3A_975 = vector.multi_reduction <minimumf>, %select_n3A_973, %reduce_min3A_974 [1] : vector<256x512xf32> to vector<256xf32>
    %broadcast_in_dim3A_976 = vector.shape_cast %reduce_min3A_975 : vector<256xf32> to vector<256x1xf32>
    %le3A_977 = vector.broadcast %broadcast_in_dim3A_976 : vector<256x1xf32> to vector<256x512xf32>
    %le3A_978 = arith.cmpf ole, %select_n3A_973, %le3A_977 : vector<256x512xf32>
    %jit3A_979 = arith.constant 1073741824 : i32
    %broadcast_in_dim3A_980 = vector.broadcast %jit3A_979 : i32 to vector<256x512xi32>
    %select_n3A_981 = arith.select %le3A_978, %concatenate3A_757, %broadcast_in_dim3A_980 : vector<256x512xi1>, vector<256x512xi32>
    %reduce_min3A_982 = arith.constant dense<2147483647> : vector<256xi32>
    %reduce_min3A_983 = vector.multi_reduction <minsi>, %select_n3A_981, %reduce_min3A_982 [1] : vector<256x512xi32> to vector<256xi32>
    %broadcast_in_dim3A_984 = vector.shape_cast %reduce_min3A_983 : vector<256xi32> to vector<256x1xi32>
    %eq3A_985 = vector.broadcast %broadcast_in_dim3A_984 : vector<256x1xi32> to vector<256x512xi32>
    %eq3A_986 = arith.cmpi eq, %concatenate3A_757, %eq3A_985 : vector<256x512xi32>
    %and3A_987 = arith.andi %le3A_978, %eq3A_986 : vector<256x512xi1>
    %jit3A_988 = arith.constant 0x7F800000 : f32
    %broadcast_in_dim3A_989 = vector.broadcast %jit3A_988 : f32 to vector<256x512xf32>
    %select_n3A_990 = arith.select %and3A_987, %broadcast_in_dim3A_989, %select_n3A_973 : vector<256x512xi1>, vector<256x512xf32>
    %reduce_min3A_991 = arith.constant dense<0x7F800000> : vector<256xf32>
    %reduce_min3A_992 = vector.multi_reduction <minimumf>, %select_n3A_990, %reduce_min3A_991 [1] : vector<256x512xf32> to vector<256xf32>
    %broadcast_in_dim3A_993 = vector.shape_cast %reduce_min3A_992 : vector<256xf32> to vector<256x1xf32>
    %le3A_994 = vector.broadcast %broadcast_in_dim3A_993 : vector<256x1xf32> to vector<256x512xf32>
    %le3A_995 = arith.cmpf ole, %select_n3A_990, %le3A_994 : vector<256x512xf32>
    %jit3A_996 = arith.constant 1073741824 : i32
    %broadcast_in_dim3A_997 = vector.broadcast %jit3A_996 : i32 to vector<256x512xi32>
    %select_n3A_998 = arith.select %le3A_995, %concatenate3A_757, %broadcast_in_dim3A_997 : vector<256x512xi1>, vector<256x512xi32>
    %reduce_min3A_999 = arith.constant dense<2147483647> : vector<256xi32>
    %reduce_min3A_1000 = vector.multi_reduction <minsi>, %select_n3A_998, %reduce_min3A_999 [1] : vector<256x512xi32> to vector<256xi32>
    %broadcast_in_dim3A_1001 = vector.shape_cast %reduce_min3A_1000 : vector<256xi32> to vector<256x1xi32>
    %eq3A_1002 = vector.broadcast %broadcast_in_dim3A_1001 : vector<256x1xi32> to vector<256x512xi32>
    %eq3A_1003 = arith.cmpi eq, %concatenate3A_757, %eq3A_1002 : vector<256x512xi32>
    %and3A_1004 = arith.andi %le3A_995, %eq3A_1003 : vector<256x512xi1>
    %jit3A_1005 = arith.constant 0x7F800000 : f32
    %broadcast_in_dim3A_1006 = vector.broadcast %jit3A_1005 : f32 to vector<256x512xf32>
    %select_n3A_1007 = arith.select %and3A_1004, %broadcast_in_dim3A_1006, %select_n3A_990 : vector<256x512xi1>, vector<256x512xf32>
    %reduce_min3A_1008 = arith.constant dense<0x7F800000> : vector<256xf32>
    %reduce_min3A_1009 = vector.multi_reduction <minimumf>, %select_n3A_1007, %reduce_min3A_1008 [1] : vector<256x512xf32> to vector<256xf32>
    %broadcast_in_dim3A_1010 = vector.shape_cast %reduce_min3A_1009 : vector<256xf32> to vector<256x1xf32>
    %le3A_1011 = vector.broadcast %broadcast_in_dim3A_1010 : vector<256x1xf32> to vector<256x512xf32>
    %le3A_1012 = arith.cmpf ole, %select_n3A_1007, %le3A_1011 : vector<256x512xf32>
    %jit3A_1013 = arith.constant 1073741824 : i32
    %broadcast_in_dim3A_1014 = vector.broadcast %jit3A_1013 : i32 to vector<256x512xi32>
    %select_n3A_1015 = arith.select %le3A_1012, %concatenate3A_757, %broadcast_in_dim3A_1014 : vector<256x512xi1>, vector<256x512xi32>
    %reduce_min3A_1016 = arith.constant dense<2147483647> : vector<256xi32>
    %reduce_min3A_1017 = vector.multi_reduction <minsi>, %select_n3A_1015, %reduce_min3A_1016 [1] : vector<256x512xi32> to vector<256xi32>
    %broadcast_in_dim3A_1018 = vector.shape_cast %reduce_min3A_1017 : vector<256xi32> to vector<256x1xi32>
    %concatenate3A_1019 = tpu.concatenate %broadcast_in_dim3A_765, %broadcast_in_dim3A_780, %broadcast_in_dim3A_797, %broadcast_in_dim3A_814, %broadcast_in_dim3A_831, %broadcast_in_dim3A_848, %broadcast_in_dim3A_865, %broadcast_in_dim3A_882, %broadcast_in_dim3A_899, %broadcast_in_dim3A_916, %broadcast_in_dim3A_933, %broadcast_in_dim3A_950, %broadcast_in_dim3A_967, %broadcast_in_dim3A_984, %broadcast_in_dim3A_1001, %broadcast_in_dim3A_1018 in 1 : vector<256x1xi32>, vector<256x1xi32>, vector<256x1xi32>, vector<256x1xi32>, vector<256x1xi32>, vector<256x1xi32>, vector<256x1xi32>, vector<256x1xi32>, vector<256x1xi32>, vector<256x1xi32>, vector<256x1xi32>, vector<256x1xi32>, vector<256x1xi32>, vector<256x1xi32>, vector<256x1xi32>, vector<256x1xi32> -> vector<256x16xi32>
    %lt3A_1020 = vector.broadcast %broadcast_in_dim3A_1010 : vector<256x1xf32> to vector<256x128xf32>
    %lt3A_1021 = arith.cmpf olt, %select_n3A_754, %lt3A_1020 : vector<256x128xf32>
    %eq3A_1022 = vector.broadcast %broadcast_in_dim3A_1010 : vector<256x1xf32> to vector<256x128xf32>
    %eq3A_1023 = arith.cmpf oeq, %select_n3A_754, %eq3A_1022 : vector<256x128xf32>
    %lt3A_1024 = vector.broadcast %broadcast_in_dim3A_1018 : vector<256x1xi32> to vector<256x128xi32>
    %lt3A_1025 = arith.cmpi slt, %select_n3A_755, %lt3A_1024 : vector<256x128xi32>
    %and3A_1026 = arith.andi %eq3A_1023, %lt3A_1025 : vector<256x128xi1>
    %or3A = arith.ori %lt3A_1021, %and3A_1026 : vector<256x128xi1>
    %convert_element_type3A_1027 = arith.extui %or3A : vector<256x128xi1> to vector<256x128xi32>
    %reduce_sum3A = vector.shape_cast %convert_element_type3A_1027 : vector<256x128xi32> to vector<1x256x128xi32>
    %reduce_sum3A_1028 = arith.constant dense<0> : vector<1xi32>
    %reduce_sum3A_1029 = vector.multi_reduction <add>, %reduce_sum3A, %reduce_sum3A_1028 [1, 2] : vector<1x256x128xi32> to vector<1xi32>
    %reduce_sum3A_1030 = vector.shape_cast %reduce_sum3A_1029 : vector<1xi32> to vector<1x1x1xi32>
    %reduce_sum3A_1031 = vector.extract %reduce_sum3A_1030[0, 0, 0] : i32 from vector<1x1x1xi32>
    %gt3A = arith.constant 0 : i32
    %gt3A_1032 = arith.cmpi sgt, %reduce_sum3A_1031, %gt3A : i32
    %convert_element_type3A_1033 = arith.extui %gt3A_1032 : i1 to i32
    %cond3A = arith.constant 0x7F800000 : f32
    %cond3A_1034 = arith.constant 0 : i32
    %cond3A_1035 = arith.cmpi ne, %convert_element_type3A_1033, %cond3A_1034 : i32
    %cond3A_1036 = scf.if %cond3A_1035 -> (vector<256x16xi32>) {
      %iota3A_1045 = tpu.iota {dimensions = array<i32: 1>} : vector<256x4096xi32>
      %reduce_min3A_1046 = arith.constant dense<0x7F800000> : vector<256xf32>
      %reduce_min3A_1047 = vector.multi_reduction <minimumf>, %sub3A, %reduce_min3A_1046 [1] : vector<256x4096xf32> to vector<256xf32>
      %broadcast_in_dim3A_1048 = vector.shape_cast %reduce_min3A_1047 : vector<256xf32> to vector<256x1xf32>
      %le3A_1049 = vector.broadcast %broadcast_in_dim3A_1048 : vector<256x1xf32> to vector<256x4096xf32>
      %le3A_1050 = arith.cmpf ole, %sub3A, %le3A_1049 : vector<256x4096xf32>
      %jit3A_1051 = arith.constant 4096 : i32
      %broadcast_in_dim3A_1052 = vector.broadcast %jit3A_1051 : i32 to vector<256x4096xi32>
      %select_n3A_1053 = arith.select %le3A_1050, %iota3A_1045, %broadcast_in_dim3A_1052 : vector<256x4096xi1>, vector<256x4096xi32>
      %reduce_min3A_1054 = arith.constant dense<2147483647> : vector<256xi32>
      %reduce_min3A_1055 = vector.multi_reduction <minsi>, %select_n3A_1053, %reduce_min3A_1054 [1] : vector<256x4096xi32> to vector<256xi32>
      %broadcast_in_dim3A_1056 = vector.shape_cast %reduce_min3A_1055 : vector<256xi32> to vector<256x1xi32>
      %eq3A_1057 = vector.broadcast %broadcast_in_dim3A_1056 : vector<256x1xi32> to vector<256x4096xi32>
      %eq3A_1058 = arith.cmpi eq, %iota3A_1045, %eq3A_1057 : vector<256x4096xi32>
      %broadcast_in_dim3A_1059 = vector.broadcast %cond3A : f32 to vector<256x4096xf32>
      %select_n3A_1060 = arith.select %eq3A_1058, %broadcast_in_dim3A_1059, %sub3A : vector<256x4096xi1>, vector<256x4096xf32>
      %reduce_min3A_1061 = arith.constant dense<0x7F800000> : vector<256xf32>
      %reduce_min3A_1062 = vector.multi_reduction <minimumf>, %select_n3A_1060, %reduce_min3A_1061 [1] : vector<256x4096xf32> to vector<256xf32>
      %broadcast_in_dim3A_1063 = vector.shape_cast %reduce_min3A_1062 : vector<256xf32> to vector<256x1xf32>
      %le3A_1064 = vector.broadcast %broadcast_in_dim3A_1063 : vector<256x1xf32> to vector<256x4096xf32>
      %le3A_1065 = arith.cmpf ole, %select_n3A_1060, %le3A_1064 : vector<256x4096xf32>
      %jit3A_1066 = arith.constant 4096 : i32
      %broadcast_in_dim3A_1067 = vector.broadcast %jit3A_1066 : i32 to vector<256x4096xi32>
      %select_n3A_1068 = arith.select %le3A_1065, %iota3A_1045, %broadcast_in_dim3A_1067 : vector<256x4096xi1>, vector<256x4096xi32>
      %reduce_min3A_1069 = arith.constant dense<2147483647> : vector<256xi32>
      %reduce_min3A_1070 = vector.multi_reduction <minsi>, %select_n3A_1068, %reduce_min3A_1069 [1] : vector<256x4096xi32> to vector<256xi32>
      %broadcast_in_dim3A_1071 = vector.shape_cast %reduce_min3A_1070 : vector<256xi32> to vector<256x1xi32>
      %eq3A_1072 = vector.broadcast %broadcast_in_dim3A_1071 : vector<256x1xi32> to vector<256x4096xi32>
      %eq3A_1073 = arith.cmpi eq, %iota3A_1045, %eq3A_1072 : vector<256x4096xi32>
      %broadcast_in_dim3A_1074 = vector.broadcast %cond3A : f32 to vector<256x4096xf32>
      %select_n3A_1075 = arith.select %eq3A_1073, %broadcast_in_dim3A_1074, %select_n3A_1060 : vector<256x4096xi1>, vector<256x4096xf32>
      %reduce_min3A_1076 = arith.constant dense<0x7F800000> : vector<256xf32>
      %reduce_min3A_1077 = vector.multi_reduction <minimumf>, %select_n3A_1075, %reduce_min3A_1076 [1] : vector<256x4096xf32> to vector<256xf32>
      %broadcast_in_dim3A_1078 = vector.shape_cast %reduce_min3A_1077 : vector<256xf32> to vector<256x1xf32>
      %le3A_1079 = vector.broadcast %broadcast_in_dim3A_1078 : vector<256x1xf32> to vector<256x4096xf32>
      %le3A_1080 = arith.cmpf ole, %select_n3A_1075, %le3A_1079 : vector<256x4096xf32>
      %jit3A_1081 = arith.constant 4096 : i32
      %broadcast_in_dim3A_1082 = vector.broadcast %jit3A_1081 : i32 to vector<256x4096xi32>
      %select_n3A_1083 = arith.select %le3A_1080, %iota3A_1045, %broadcast_in_dim3A_1082 : vector<256x4096xi1>, vector<256x4096xi32>
      %reduce_min3A_1084 = arith.constant dense<2147483647> : vector<256xi32>
      %reduce_min3A_1085 = vector.multi_reduction <minsi>, %select_n3A_1083, %reduce_min3A_1084 [1] : vector<256x4096xi32> to vector<256xi32>
      %broadcast_in_dim3A_1086 = vector.shape_cast %reduce_min3A_1085 : vector<256xi32> to vector<256x1xi32>
      %eq3A_1087 = vector.broadcast %broadcast_in_dim3A_1086 : vector<256x1xi32> to vector<256x4096xi32>
      %eq3A_1088 = arith.cmpi eq, %iota3A_1045, %eq3A_1087 : vector<256x4096xi32>
      %broadcast_in_dim3A_1089 = vector.broadcast %cond3A : f32 to vector<256x4096xf32>
      %select_n3A_1090 = arith.select %eq3A_1088, %broadcast_in_dim3A_1089, %select_n3A_1075 : vector<256x4096xi1>, vector<256x4096xf32>
      %reduce_min3A_1091 = arith.constant dense<0x7F800000> : vector<256xf32>
      %reduce_min3A_1092 = vector.multi_reduction <minimumf>, %select_n3A_1090, %reduce_min3A_1091 [1] : vector<256x4096xf32> to vector<256xf32>
      %broadcast_in_dim3A_1093 = vector.shape_cast %reduce_min3A_1092 : vector<256xf32> to vector<256x1xf32>
      %le3A_1094 = vector.broadcast %broadcast_in_dim3A_1093 : vector<256x1xf32> to vector<256x4096xf32>
      %le3A_1095 = arith.cmpf ole, %select_n3A_1090, %le3A_1094 : vector<256x4096xf32>
      %jit3A_1096 = arith.constant 4096 : i32
      %broadcast_in_dim3A_1097 = vector.broadcast %jit3A_1096 : i32 to vector<256x4096xi32>
      %select_n3A_1098 = arith.select %le3A_1095, %iota3A_1045, %broadcast_in_dim3A_1097 : vector<256x4096xi1>, vector<256x4096xi32>
      %reduce_min3A_1099 = arith.constant dense<2147483647> : vector<256xi32>
      %reduce_min3A_1100 = vector.multi_reduction <minsi>, %select_n3A_1098, %reduce_min3A_1099 [1] : vector<256x4096xi32> to vector<256xi32>
      %broadcast_in_dim3A_1101 = vector.shape_cast %reduce_min3A_1100 : vector<256xi32> to vector<256x1xi32>
      %eq3A_1102 = vector.broadcast %broadcast_in_dim3A_1101 : vector<256x1xi32> to vector<256x4096xi32>
      %eq3A_1103 = arith.cmpi eq, %iota3A_1045, %eq3A_1102 : vector<256x4096xi32>
      %broadcast_in_dim3A_1104 = vector.broadcast %cond3A : f32 to vector<256x4096xf32>
      %select_n3A_1105 = arith.select %eq3A_1103, %broadcast_in_dim3A_1104, %select_n3A_1090 : vector<256x4096xi1>, vector<256x4096xf32>
      %reduce_min3A_1106 = arith.constant dense<0x7F800000> : vector<256xf32>
      %reduce_min3A_1107 = vector.multi_reduction <minimumf>, %select_n3A_1105, %reduce_min3A_1106 [1] : vector<256x4096xf32> to vector<256xf32>
      %broadcast_in_dim3A_1108 = vector.shape_cast %reduce_min3A_1107 : vector<256xf32> to vector<256x1xf32>
      %le3A_1109 = vector.broadcast %broadcast_in_dim3A_1108 : vector<256x1xf32> to vector<256x4096xf32>
      %le3A_1110 = arith.cmpf ole, %select_n3A_1105, %le3A_1109 : vector<256x4096xf32>
      %jit3A_1111 = arith.constant 4096 : i32
      %broadcast_in_dim3A_1112 = vector.broadcast %jit3A_1111 : i32 to vector<256x4096xi32>
      %select_n3A_1113 = arith.select %le3A_1110, %iota3A_1045, %broadcast_in_dim3A_1112 : vector<256x4096xi1>, vector<256x4096xi32>
      %reduce_min3A_1114 = arith.constant dense<2147483647> : vector<256xi32>
      %reduce_min3A_1115 = vector.multi_reduction <minsi>, %select_n3A_1113, %reduce_min3A_1114 [1] : vector<256x4096xi32> to vector<256xi32>
      %broadcast_in_dim3A_1116 = vector.shape_cast %reduce_min3A_1115 : vector<256xi32> to vector<256x1xi32>
      %eq3A_1117 = vector.broadcast %broadcast_in_dim3A_1116 : vector<256x1xi32> to vector<256x4096xi32>
      %eq3A_1118 = arith.cmpi eq, %iota3A_1045, %eq3A_1117 : vector<256x4096xi32>
      %broadcast_in_dim3A_1119 = vector.broadcast %cond3A : f32 to vector<256x4096xf32>
      %select_n3A_1120 = arith.select %eq3A_1118, %broadcast_in_dim3A_1119, %select_n3A_1105 : vector<256x4096xi1>, vector<256x4096xf32>
      %reduce_min3A_1121 = arith.constant dense<0x7F800000> : vector<256xf32>
      %reduce_min3A_1122 = vector.multi_reduction <minimumf>, %select_n3A_1120, %reduce_min3A_1121 [1] : vector<256x4096xf32> to vector<256xf32>
      %broadcast_in_dim3A_1123 = vector.shape_cast %reduce_min3A_1122 : vector<256xf32> to vector<256x1xf32>
      %le3A_1124 = vector.broadcast %broadcast_in_dim3A_1123 : vector<256x1xf32> to vector<256x4096xf32>
      %le3A_1125 = arith.cmpf ole, %select_n3A_1120, %le3A_1124 : vector<256x4096xf32>
      %jit3A_1126 = arith.constant 4096 : i32
      %broadcast_in_dim3A_1127 = vector.broadcast %jit3A_1126 : i32 to vector<256x4096xi32>
      %select_n3A_1128 = arith.select %le3A_1125, %iota3A_1045, %broadcast_in_dim3A_1127 : vector<256x4096xi1>, vector<256x4096xi32>
      %reduce_min3A_1129 = arith.constant dense<2147483647> : vector<256xi32>
      %reduce_min3A_1130 = vector.multi_reduction <minsi>, %select_n3A_1128, %reduce_min3A_1129 [1] : vector<256x4096xi32> to vector<256xi32>
      %broadcast_in_dim3A_1131 = vector.shape_cast %reduce_min3A_1130 : vector<256xi32> to vector<256x1xi32>
      %eq3A_1132 = vector.broadcast %broadcast_in_dim3A_1131 : vector<256x1xi32> to vector<256x4096xi32>
      %eq3A_1133 = arith.cmpi eq, %iota3A_1045, %eq3A_1132 : vector<256x4096xi32>
      %broadcast_in_dim3A_1134 = vector.broadcast %cond3A : f32 to vector<256x4096xf32>
      %select_n3A_1135 = arith.select %eq3A_1133, %broadcast_in_dim3A_1134, %select_n3A_1120 : vector<256x4096xi1>, vector<256x4096xf32>
      %reduce_min3A_1136 = arith.constant dense<0x7F800000> : vector<256xf32>
      %reduce_min3A_1137 = vector.multi_reduction <minimumf>, %select_n3A_1135, %reduce_min3A_1136 [1] : vector<256x4096xf32> to vector<256xf32>
      %broadcast_in_dim3A_1138 = vector.shape_cast %reduce_min3A_1137 : vector<256xf32> to vector<256x1xf32>
      %le3A_1139 = vector.broadcast %broadcast_in_dim3A_1138 : vector<256x1xf32> to vector<256x4096xf32>
      %le3A_1140 = arith.cmpf ole, %select_n3A_1135, %le3A_1139 : vector<256x4096xf32>
      %jit3A_1141 = arith.constant 4096 : i32
      %broadcast_in_dim3A_1142 = vector.broadcast %jit3A_1141 : i32 to vector<256x4096xi32>
      %select_n3A_1143 = arith.select %le3A_1140, %iota3A_1045, %broadcast_in_dim3A_1142 : vector<256x4096xi1>, vector<256x4096xi32>
      %reduce_min3A_1144 = arith.constant dense<2147483647> : vector<256xi32>
      %reduce_min3A_1145 = vector.multi_reduction <minsi>, %select_n3A_1143, %reduce_min3A_1144 [1] : vector<256x4096xi32> to vector<256xi32>
      %broadcast_in_dim3A_1146 = vector.shape_cast %reduce_min3A_1145 : vector<256xi32> to vector<256x1xi32>
      %eq3A_1147 = vector.broadcast %broadcast_in_dim3A_1146 : vector<256x1xi32> to vector<256x4096xi32>
      %eq3A_1148 = arith.cmpi eq, %iota3A_1045, %eq3A_1147 : vector<256x4096xi32>
      %broadcast_in_dim3A_1149 = vector.broadcast %cond3A : f32 to vector<256x4096xf32>
      %select_n3A_1150 = arith.select %eq3A_1148, %broadcast_in_dim3A_1149, %select_n3A_1135 : vector<256x4096xi1>, vector<256x4096xf32>
      %reduce_min3A_1151 = arith.constant dense<0x7F800000> : vector<256xf32>
      %reduce_min3A_1152 = vector.multi_reduction <minimumf>, %select_n3A_1150, %reduce_min3A_1151 [1] : vector<256x4096xf32> to vector<256xf32>
      %broadcast_in_dim3A_1153 = vector.shape_cast %reduce_min3A_1152 : vector<256xf32> to vector<256x1xf32>
      %le3A_1154 = vector.broadcast %broadcast_in_dim3A_1153 : vector<256x1xf32> to vector<256x4096xf32>
      %le3A_1155 = arith.cmpf ole, %select_n3A_1150, %le3A_1154 : vector<256x4096xf32>
      %jit3A_1156 = arith.constant 4096 : i32
      %broadcast_in_dim3A_1157 = vector.broadcast %jit3A_1156 : i32 to vector<256x4096xi32>
      %select_n3A_1158 = arith.select %le3A_1155, %iota3A_1045, %broadcast_in_dim3A_1157 : vector<256x4096xi1>, vector<256x4096xi32>
      %reduce_min3A_1159 = arith.constant dense<2147483647> : vector<256xi32>
      %reduce_min3A_1160 = vector.multi_reduction <minsi>, %select_n3A_1158, %reduce_min3A_1159 [1] : vector<256x4096xi32> to vector<256xi32>
      %broadcast_in_dim3A_1161 = vector.shape_cast %reduce_min3A_1160 : vector<256xi32> to vector<256x1xi32>
      %eq3A_1162 = vector.broadcast %broadcast_in_dim3A_1161 : vector<256x1xi32> to vector<256x4096xi32>
      %eq3A_1163 = arith.cmpi eq, %iota3A_1045, %eq3A_1162 : vector<256x4096xi32>
      %broadcast_in_dim3A_1164 = vector.broadcast %cond3A : f32 to vector<256x4096xf32>
      %select_n3A_1165 = arith.select %eq3A_1163, %broadcast_in_dim3A_1164, %select_n3A_1150 : vector<256x4096xi1>, vector<256x4096xf32>
      %reduce_min3A_1166 = arith.constant dense<0x7F800000> : vector<256xf32>
      %reduce_min3A_1167 = vector.multi_reduction <minimumf>, %select_n3A_1165, %reduce_min3A_1166 [1] : vector<256x4096xf32> to vector<256xf32>
      %broadcast_in_dim3A_1168 = vector.shape_cast %reduce_min3A_1167 : vector<256xf32> to vector<256x1xf32>
      %le3A_1169 = vector.broadcast %broadcast_in_dim3A_1168 : vector<256x1xf32> to vector<256x4096xf32>
      %le3A_1170 = arith.cmpf ole, %select_n3A_1165, %le3A_1169 : vector<256x4096xf32>
      %jit3A_1171 = arith.constant 4096 : i32
      %broadcast_in_dim3A_1172 = vector.broadcast %jit3A_1171 : i32 to vector<256x4096xi32>
      %select_n3A_1173 = arith.select %le3A_1170, %iota3A_1045, %broadcast_in_dim3A_1172 : vector<256x4096xi1>, vector<256x4096xi32>
      %reduce_min3A_1174 = arith.constant dense<2147483647> : vector<256xi32>
      %reduce_min3A_1175 = vector.multi_reduction <minsi>, %select_n3A_1173, %reduce_min3A_1174 [1] : vector<256x4096xi32> to vector<256xi32>
      %broadcast_in_dim3A_1176 = vector.shape_cast %reduce_min3A_1175 : vector<256xi32> to vector<256x1xi32>
      %eq3A_1177 = vector.broadcast %broadcast_in_dim3A_1176 : vector<256x1xi32> to vector<256x4096xi32>
      %eq3A_1178 = arith.cmpi eq, %iota3A_1045, %eq3A_1177 : vector<256x4096xi32>
      %broadcast_in_dim3A_1179 = vector.broadcast %cond3A : f32 to vector<256x4096xf32>
      %select_n3A_1180 = arith.select %eq3A_1178, %broadcast_in_dim3A_1179, %select_n3A_1165 : vector<256x4096xi1>, vector<256x4096xf32>
      %reduce_min3A_1181 = arith.constant dense<0x7F800000> : vector<256xf32>
      %reduce_min3A_1182 = vector.multi_reduction <minimumf>, %select_n3A_1180, %reduce_min3A_1181 [1] : vector<256x4096xf32> to vector<256xf32>
      %broadcast_in_dim3A_1183 = vector.shape_cast %reduce_min3A_1182 : vector<256xf32> to vector<256x1xf32>
      %le3A_1184 = vector.broadcast %broadcast_in_dim3A_1183 : vector<256x1xf32> to vector<256x4096xf32>
      %le3A_1185 = arith.cmpf ole, %select_n3A_1180, %le3A_1184 : vector<256x4096xf32>
      %jit3A_1186 = arith.constant 4096 : i32
      %broadcast_in_dim3A_1187 = vector.broadcast %jit3A_1186 : i32 to vector<256x4096xi32>
      %select_n3A_1188 = arith.select %le3A_1185, %iota3A_1045, %broadcast_in_dim3A_1187 : vector<256x4096xi1>, vector<256x4096xi32>
      %reduce_min3A_1189 = arith.constant dense<2147483647> : vector<256xi32>
      %reduce_min3A_1190 = vector.multi_reduction <minsi>, %select_n3A_1188, %reduce_min3A_1189 [1] : vector<256x4096xi32> to vector<256xi32>
      %broadcast_in_dim3A_1191 = vector.shape_cast %reduce_min3A_1190 : vector<256xi32> to vector<256x1xi32>
      %eq3A_1192 = vector.broadcast %broadcast_in_dim3A_1191 : vector<256x1xi32> to vector<256x4096xi32>
      %eq3A_1193 = arith.cmpi eq, %iota3A_1045, %eq3A_1192 : vector<256x4096xi32>
      %broadcast_in_dim3A_1194 = vector.broadcast %cond3A : f32 to vector<256x4096xf32>
      %select_n3A_1195 = arith.select %eq3A_1193, %broadcast_in_dim3A_1194, %select_n3A_1180 : vector<256x4096xi1>, vector<256x4096xf32>
      %reduce_min3A_1196 = arith.constant dense<0x7F800000> : vector<256xf32>
      %reduce_min3A_1197 = vector.multi_reduction <minimumf>, %select_n3A_1195, %reduce_min3A_1196 [1] : vector<256x4096xf32> to vector<256xf32>
      %broadcast_in_dim3A_1198 = vector.shape_cast %reduce_min3A_1197 : vector<256xf32> to vector<256x1xf32>
      %le3A_1199 = vector.broadcast %broadcast_in_dim3A_1198 : vector<256x1xf32> to vector<256x4096xf32>
      %le3A_1200 = arith.cmpf ole, %select_n3A_1195, %le3A_1199 : vector<256x4096xf32>
      %jit3A_1201 = arith.constant 4096 : i32
      %broadcast_in_dim3A_1202 = vector.broadcast %jit3A_1201 : i32 to vector<256x4096xi32>
      %select_n3A_1203 = arith.select %le3A_1200, %iota3A_1045, %broadcast_in_dim3A_1202 : vector<256x4096xi1>, vector<256x4096xi32>
      %reduce_min3A_1204 = arith.constant dense<2147483647> : vector<256xi32>
      %reduce_min3A_1205 = vector.multi_reduction <minsi>, %select_n3A_1203, %reduce_min3A_1204 [1] : vector<256x4096xi32> to vector<256xi32>
      %broadcast_in_dim3A_1206 = vector.shape_cast %reduce_min3A_1205 : vector<256xi32> to vector<256x1xi32>
      %eq3A_1207 = vector.broadcast %broadcast_in_dim3A_1206 : vector<256x1xi32> to vector<256x4096xi32>
      %eq3A_1208 = arith.cmpi eq, %iota3A_1045, %eq3A_1207 : vector<256x4096xi32>
      %broadcast_in_dim3A_1209 = vector.broadcast %cond3A : f32 to vector<256x4096xf32>
      %select_n3A_1210 = arith.select %eq3A_1208, %broadcast_in_dim3A_1209, %select_n3A_1195 : vector<256x4096xi1>, vector<256x4096xf32>
      %reduce_min3A_1211 = arith.constant dense<0x7F800000> : vector<256xf32>
      %reduce_min3A_1212 = vector.multi_reduction <minimumf>, %select_n3A_1210, %reduce_min3A_1211 [1] : vector<256x4096xf32> to vector<256xf32>
      %broadcast_in_dim3A_1213 = vector.shape_cast %reduce_min3A_1212 : vector<256xf32> to vector<256x1xf32>
      %le3A_1214 = vector.broadcast %broadcast_in_dim3A_1213 : vector<256x1xf32> to vector<256x4096xf32>
      %le3A_1215 = arith.cmpf ole, %select_n3A_1210, %le3A_1214 : vector<256x4096xf32>
      %jit3A_1216 = arith.constant 4096 : i32
      %broadcast_in_dim3A_1217 = vector.broadcast %jit3A_1216 : i32 to vector<256x4096xi32>
      %select_n3A_1218 = arith.select %le3A_1215, %iota3A_1045, %broadcast_in_dim3A_1217 : vector<256x4096xi1>, vector<256x4096xi32>
      %reduce_min3A_1219 = arith.constant dense<2147483647> : vector<256xi32>
      %reduce_min3A_1220 = vector.multi_reduction <minsi>, %select_n3A_1218, %reduce_min3A_1219 [1] : vector<256x4096xi32> to vector<256xi32>
      %broadcast_in_dim3A_1221 = vector.shape_cast %reduce_min3A_1220 : vector<256xi32> to vector<256x1xi32>
      %eq3A_1222 = vector.broadcast %broadcast_in_dim3A_1221 : vector<256x1xi32> to vector<256x4096xi32>
      %eq3A_1223 = arith.cmpi eq, %iota3A_1045, %eq3A_1222 : vector<256x4096xi32>
      %broadcast_in_dim3A_1224 = vector.broadcast %cond3A : f32 to vector<256x4096xf32>
      %select_n3A_1225 = arith.select %eq3A_1223, %broadcast_in_dim3A_1224, %select_n3A_1210 : vector<256x4096xi1>, vector<256x4096xf32>
      %reduce_min3A_1226 = arith.constant dense<0x7F800000> : vector<256xf32>
      %reduce_min3A_1227 = vector.multi_reduction <minimumf>, %select_n3A_1225, %reduce_min3A_1226 [1] : vector<256x4096xf32> to vector<256xf32>
      %broadcast_in_dim3A_1228 = vector.shape_cast %reduce_min3A_1227 : vector<256xf32> to vector<256x1xf32>
      %le3A_1229 = vector.broadcast %broadcast_in_dim3A_1228 : vector<256x1xf32> to vector<256x4096xf32>
      %le3A_1230 = arith.cmpf ole, %select_n3A_1225, %le3A_1229 : vector<256x4096xf32>
      %jit3A_1231 = arith.constant 4096 : i32
      %broadcast_in_dim3A_1232 = vector.broadcast %jit3A_1231 : i32 to vector<256x4096xi32>
      %select_n3A_1233 = arith.select %le3A_1230, %iota3A_1045, %broadcast_in_dim3A_1232 : vector<256x4096xi1>, vector<256x4096xi32>
      %reduce_min3A_1234 = arith.constant dense<2147483647> : vector<256xi32>
      %reduce_min3A_1235 = vector.multi_reduction <minsi>, %select_n3A_1233, %reduce_min3A_1234 [1] : vector<256x4096xi32> to vector<256xi32>
      %broadcast_in_dim3A_1236 = vector.shape_cast %reduce_min3A_1235 : vector<256xi32> to vector<256x1xi32>
      %eq3A_1237 = vector.broadcast %broadcast_in_dim3A_1236 : vector<256x1xi32> to vector<256x4096xi32>
      %eq3A_1238 = arith.cmpi eq, %iota3A_1045, %eq3A_1237 : vector<256x4096xi32>
      %broadcast_in_dim3A_1239 = vector.broadcast %cond3A : f32 to vector<256x4096xf32>
      %select_n3A_1240 = arith.select %eq3A_1238, %broadcast_in_dim3A_1239, %select_n3A_1225 : vector<256x4096xi1>, vector<256x4096xf32>
      %reduce_min3A_1241 = arith.constant dense<0x7F800000> : vector<256xf32>
      %reduce_min3A_1242 = vector.multi_reduction <minimumf>, %select_n3A_1240, %reduce_min3A_1241 [1] : vector<256x4096xf32> to vector<256xf32>
      %broadcast_in_dim3A_1243 = vector.shape_cast %reduce_min3A_1242 : vector<256xf32> to vector<256x1xf32>
      %le3A_1244 = vector.broadcast %broadcast_in_dim3A_1243 : vector<256x1xf32> to vector<256x4096xf32>
      %le3A_1245 = arith.cmpf ole, %select_n3A_1240, %le3A_1244 : vector<256x4096xf32>
      %jit3A_1246 = arith.constant 4096 : i32
      %broadcast_in_dim3A_1247 = vector.broadcast %jit3A_1246 : i32 to vector<256x4096xi32>
      %select_n3A_1248 = arith.select %le3A_1245, %iota3A_1045, %broadcast_in_dim3A_1247 : vector<256x4096xi1>, vector<256x4096xi32>
      %reduce_min3A_1249 = arith.constant dense<2147483647> : vector<256xi32>
      %reduce_min3A_1250 = vector.multi_reduction <minsi>, %select_n3A_1248, %reduce_min3A_1249 [1] : vector<256x4096xi32> to vector<256xi32>
      %broadcast_in_dim3A_1251 = vector.shape_cast %reduce_min3A_1250 : vector<256xi32> to vector<256x1xi32>
      %eq3A_1252 = vector.broadcast %broadcast_in_dim3A_1251 : vector<256x1xi32> to vector<256x4096xi32>
      %eq3A_1253 = arith.cmpi eq, %iota3A_1045, %eq3A_1252 : vector<256x4096xi32>
      %broadcast_in_dim3A_1254 = vector.broadcast %cond3A : f32 to vector<256x4096xf32>
      %select_n3A_1255 = arith.select %eq3A_1253, %broadcast_in_dim3A_1254, %select_n3A_1240 : vector<256x4096xi1>, vector<256x4096xf32>
      %reduce_min3A_1256 = arith.constant dense<0x7F800000> : vector<256xf32>
      %reduce_min3A_1257 = vector.multi_reduction <minimumf>, %select_n3A_1255, %reduce_min3A_1256 [1] : vector<256x4096xf32> to vector<256xf32>
      %broadcast_in_dim3A_1258 = vector.shape_cast %reduce_min3A_1257 : vector<256xf32> to vector<256x1xf32>
      %le3A_1259 = vector.broadcast %broadcast_in_dim3A_1258 : vector<256x1xf32> to vector<256x4096xf32>
      %le3A_1260 = arith.cmpf ole, %select_n3A_1255, %le3A_1259 : vector<256x4096xf32>
      %jit3A_1261 = arith.constant 4096 : i32
      %broadcast_in_dim3A_1262 = vector.broadcast %jit3A_1261 : i32 to vector<256x4096xi32>
      %select_n3A_1263 = arith.select %le3A_1260, %iota3A_1045, %broadcast_in_dim3A_1262 : vector<256x4096xi1>, vector<256x4096xi32>
      %reduce_min3A_1264 = arith.constant dense<2147483647> : vector<256xi32>
      %reduce_min3A_1265 = vector.multi_reduction <minsi>, %select_n3A_1263, %reduce_min3A_1264 [1] : vector<256x4096xi32> to vector<256xi32>
      %broadcast_in_dim3A_1266 = vector.shape_cast %reduce_min3A_1265 : vector<256xi32> to vector<256x1xi32>
      %eq3A_1267 = vector.broadcast %broadcast_in_dim3A_1266 : vector<256x1xi32> to vector<256x4096xi32>
      %eq3A_1268 = arith.cmpi eq, %iota3A_1045, %eq3A_1267 : vector<256x4096xi32>
      %broadcast_in_dim3A_1269 = vector.broadcast %cond3A : f32 to vector<256x4096xf32>
      %select_n3A_1270 = arith.select %eq3A_1268, %broadcast_in_dim3A_1269, %select_n3A_1255 : vector<256x4096xi1>, vector<256x4096xf32>
      %reduce_min3A_1271 = arith.constant dense<0x7F800000> : vector<256xf32>
      %reduce_min3A_1272 = vector.multi_reduction <minimumf>, %select_n3A_1270, %reduce_min3A_1271 [1] : vector<256x4096xf32> to vector<256xf32>
      %broadcast_in_dim3A_1273 = vector.shape_cast %reduce_min3A_1272 : vector<256xf32> to vector<256x1xf32>
      %le3A_1274 = vector.broadcast %broadcast_in_dim3A_1273 : vector<256x1xf32> to vector<256x4096xf32>
      %le3A_1275 = arith.cmpf ole, %select_n3A_1270, %le3A_1274 : vector<256x4096xf32>
      %jit3A_1276 = arith.constant 4096 : i32
      %broadcast_in_dim3A_1277 = vector.broadcast %jit3A_1276 : i32 to vector<256x4096xi32>
      %select_n3A_1278 = arith.select %le3A_1275, %iota3A_1045, %broadcast_in_dim3A_1277 : vector<256x4096xi1>, vector<256x4096xi32>
      %reduce_min3A_1279 = arith.constant dense<2147483647> : vector<256xi32>
      %reduce_min3A_1280 = vector.multi_reduction <minsi>, %select_n3A_1278, %reduce_min3A_1279 [1] : vector<256x4096xi32> to vector<256xi32>
      %broadcast_in_dim3A_1281 = vector.shape_cast %reduce_min3A_1280 : vector<256xi32> to vector<256x1xi32>
      %concatenate3A_1282 = tpu.concatenate %broadcast_in_dim3A_1056, %broadcast_in_dim3A_1071, %broadcast_in_dim3A_1086, %broadcast_in_dim3A_1101, %broadcast_in_dim3A_1116, %broadcast_in_dim3A_1131, %broadcast_in_dim3A_1146, %broadcast_in_dim3A_1161, %broadcast_in_dim3A_1176, %broadcast_in_dim3A_1191, %broadcast_in_dim3A_1206, %broadcast_in_dim3A_1221, %broadcast_in_dim3A_1236, %broadcast_in_dim3A_1251, %broadcast_in_dim3A_1266, %broadcast_in_dim3A_1281 in 1 : vector<256x1xi32>, vector<256x1xi32>, vector<256x1xi32>, vector<256x1xi32>, vector<256x1xi32>, vector<256x1xi32>, vector<256x1xi32>, vector<256x1xi32>, vector<256x1xi32>, vector<256x1xi32>, vector<256x1xi32>, vector<256x1xi32>, vector<256x1xi32>, vector<256x1xi32>, vector<256x1xi32>, vector<256x1xi32> -> vector<256x16xi32>
      scf.yield %concatenate3A_1282 : vector<256x16xi32>
    } else {
      scf.yield %concatenate3A_1019 : vector<256x16xi32>
    }
    %add3A_1037 = arith.constant 0 : i32
    %add3A_1038 = vector.broadcast %add3A_1037 : i32 to vector<256x16xi32>
    %add3A_1039 = arith.addi %cond3A_1036, %add3A_1038 : vector<256x16xi32>
    %swap3A = arith.constant 0 : index
    %swap3A_1040 = arith.constant 0 : index
    %swap3A_1041 = arith.constant 0 : index
    %swap3A_1042 = vector.load %arg3[%swap3A, %swap3A_1040, %swap3A_1041] : memref<1x256x16xi32, #tpu.memory_space<vmem>>, vector<1x256x16xi32>
    %swap3A_1043 = vector.shape_cast %swap3A_1042 : vector<1x256x16xi32> to vector<256x16xi32>
    %swap3A_1044 = vector.shape_cast %add3A_1039 : vector<256x16xi32> to vector<1x256x16xi32>
    tpu.vector_store %arg3[%swap3A, %swap3A_1040, %swap3A_1041], %swap3A_1044 {strides = array<i32>} : memref<1x256x16xi32, #tpu.memory_space<vmem>>, vector<1x256x16xi32>,
    return
  }
  func.func @transform_0(%arg0: i32) -> (i32, i32, i32) {
    %c0_i32 = arith.constant 0 : i32
    %c0_i32_0 = arith.constant 0 : i32
    %c0_i32_1 = arith.constant 0 : i32
    return %c0_i32, %arg0, %c0_i32_0 : i32, i32, i32
  }
  func.func @transform_1(%arg0: i32) -> (i32, i32, i32) {
    %c0_i32 = arith.constant 0 : i32
    %c0_i32_0 = arith.constant 0 : i32
    %c0_i32_1 = arith.constant 0 : i32
    %c0_i32_2 = arith.constant 0 : i32
    return %c0_i32, %c0_i32_0, %c0_i32_1 : i32, i32, i32
  }
  func.func @transform_2(%arg0: i32) -> (i32, i32, i32) {
    %c0_i32 = arith.constant 0 : i32
    %c0_i32_0 = arith.constant 0 : i32
    %c0_i32_1 = arith.constant 0 : i32
    return %c0_i32, %arg0, %c0_i32_0 : i32, i32, i32
  }
}

module attributes {stable_mosaic.version = 14 : i64} {
  func.func @_prep_body(%arg0: i32, %arg1: memref<512x128xf32, #tpu.memory_space<vmem>>, %arg2: memref<512x3xf32, #tpu.memory_space<vmem>>, %arg3: memref<128x128xf32, #tpu.memory_space<vmem>>, %arg4: memref<128x128xf32, #tpu.memory_space<vmem>>, %arg5: memref<128x128xf32, #tpu.memory_space<vmem>>, %arg6: memref<512x128xf32, #tpu.memory_space<vmem>>, %arg7: memref<512x128xi32, #tpu.memory_space<vmem>>, %arg8: memref<512x128xf32, #tpu.memory_space<vmem>>) attributes {dimension_semantics = [#tpu.dimension_semantics<arbitrary>], iteration_bounds = array<i64: 16>, scalar_prefetch = 0 : i64, scratch_operands = 0 : i64, tpu.core_type = #tpu.core_type<tc>, window_params = [{transform_indices = @transform_0, window_bounds = array<i64: 512, 128>}, {transform_indices = @transform_1, window_bounds = array<i64: 512, 3>}, {pipeline_mode = #tpu.pipeline_mode<synchronous>, transform_indices = @transform_2, window_bounds = array<i64: 128, 128>}, {pipeline_mode = #tpu.pipeline_mode<synchronous>, transform_indices = @transform_3, window_bounds = array<i64: 128, 128>}, {pipeline_mode = #tpu.pipeline_mode<synchronous>, transform_indices = @transform_4, window_bounds = array<i64: 128, 128>}, {transform_indices = @transform_5, window_bounds = array<i64: 512, 128>}, {transform_indices = @transform_6, window_bounds = array<i64: 512, 128>}, {transform_indices = @transform_7, window_bounds = array<i64: 512, 128>}]} {
    %get3A = arith.constant 0 : index
    %get3A_0 = arith.constant 0 : index
    %get3A_1 = vector.load %arg1[%get3A, %get3A_0] : memref<512x128xf32, #tpu.memory_space<vmem>>, vector<512x128xf32>
    %get3A_2 = arith.constant 0 : index
    %get3A_3 = arith.constant 0 : index
    %get3A_4 = vector.load %arg3[%get3A_2, %get3A_3] : memref<128x128xf32, #tpu.memory_space<vmem>>, vector<128x128xf32>
    %dot_general3A = arith.constant dense<0.000000e+00> : vector<512x128xf32>
    %dot_general3A_5 = tpu.matmul %get3A_1, %get3A_4, %dot_general3A {dimension_numbers = #tpu.dot_dimension_numbers<[1], [0], [0], [1], [0, 0, 1, 1], [], []>, transpose_lhs_hint = false} : vector<512x128xf32>, vector<128x128xf32>, vector<512x128xf32> -> vector<512x128xf32>
    %swap3A = arith.constant 0 : index
    %swap3A_6 = arith.constant 0 : index
    %swap3A_7 = vector.load %arg6[%swap3A, %swap3A_6] : memref<512x128xf32, #tpu.memory_space<vmem>>, vector<512x128xf32>
    tpu.vector_store %arg6[%swap3A, %swap3A_6], %dot_general3A_5 {strides = array<i32>} : memref<512x128xf32, #tpu.memory_space<vmem>>, vector<512x128xf32>,
    %get3A_8 = arith.constant 0 : index
    %get3A_9 = arith.constant 0 : index
    %get3A_10 = vector.load %arg4[%get3A_8, %get3A_9] : memref<128x128xf32, #tpu.memory_space<vmem>>, vector<128x128xf32>
    %dot_general3A_11 = arith.constant dense<0.000000e+00> : vector<512x128xf32>
    %dot_general3A_12 = tpu.matmul %get3A_1, %get3A_10, %dot_general3A_11 {dimension_numbers = #tpu.dot_dimension_numbers<[1], [0], [0], [1], [0, 0, 1, 1], [], []>, transpose_lhs_hint = false} : vector<512x128xf32>, vector<128x128xf32>, vector<512x128xf32> -> vector<512x128xf32>
    %get3A_13 = arith.constant 0 : index
    %get3A_14 = arith.constant 0 : index
    %get3A_15 = vector.load %arg5[%get3A_13, %get3A_14] : memref<128x128xf32, #tpu.memory_space<vmem>>, vector<128x128xf32>
    %dot_general3A_16 = arith.constant dense<0.000000e+00> : vector<512x128xf32>
    %dot_general3A_17 = tpu.matmul %get3A_1, %get3A_15, %dot_general3A_16 {dimension_numbers = #tpu.dot_dimension_numbers<[1], [0], [0], [1], [0, 0, 1, 1], [], []>, transpose_lhs_hint = false} : vector<512x128xf32>, vector<128x128xf32>, vector<512x128xf32> -> vector<512x128xf32>
    %convert_element_type3A = arith.truncf %dot_general3A_12 : vector<512x128xf32> to vector<512x128xbf16>
    %bitcast_convert_type3A = tpu.bitcast %convert_element_type3A : vector<512x128xbf16> -> vector<512x128xi16>
    %convert_element_type3A_18 = arith.truncf %dot_general3A_17 : vector<512x128xf32> to vector<512x128xbf16>
    %bitcast_convert_type3A_19 = tpu.bitcast %convert_element_type3A_18 : vector<512x128xbf16> -> vector<512x128xi16>
    %convert_element_type3A_20 = arith.extui %bitcast_convert_type3A : vector<512x128xi16> to vector<512x128xi32>
    %shift_left3A = arith.constant 16 : i32
    %shift_left3A_21 = vector.broadcast %shift_left3A : i32 to vector<512x128xi32>
    %shift_left3A_22 = arith.shli %convert_element_type3A_20, %shift_left3A_21 : vector<512x128xi32>
    %convert_element_type3A_23 = arith.extui %bitcast_convert_type3A_19 : vector<512x128xi16> to vector<512x128xi32>
    %or3A = arith.ori %shift_left3A_22, %convert_element_type3A_23 : vector<512x128xi32>
    %swap3A_24 = arith.constant 0 : index
    %swap3A_25 = arith.constant 0 : index
    %swap3A_26 = vector.load %arg7[%swap3A_24, %swap3A_25] : memref<512x128xi32, #tpu.memory_space<vmem>>, vector<512x128xi32>
    tpu.vector_store %arg7[%swap3A_24, %swap3A_25], %or3A {strides = array<i32>} : memref<512x128xi32, #tpu.memory_space<vmem>>, vector<512x128xi32>,
    %get3A_27 = arith.constant 0 : index
    %get3A_28 = arith.constant 0 : index
    %get3A_29 = vector.load %arg2[%get3A_27, %get3A_28] : memref<512x3xf32, #tpu.memory_space<vmem>>, vector<512x3xf32>
    %broadcast_in_dim3A = arith.constant 0.000000e+00 : f32
    %broadcast_in_dim3A_30 = vector.broadcast %broadcast_in_dim3A : f32 to vector<512x125xf32>
    %concatenate3A = tpu.concatenate %get3A_29, %broadcast_in_dim3A_30 in 1 : vector<512x3xf32>, vector<512x125xf32> -> vector<512x128xf32>
    %swap3A_31 = arith.constant 0 : index
    %swap3A_32 = arith.constant 0 : index
    %swap3A_33 = vector.load %arg8[%swap3A_31, %swap3A_32] : memref<512x128xf32, #tpu.memory_space<vmem>>, vector<512x128xf32>
    tpu.vector_store %arg8[%swap3A_31, %swap3A_32], %concatenate3A {strides = array<i32>} : memref<512x128xf32, #tpu.memory_space<vmem>>, vector<512x128xf32>,
    return
  }
  func.func @transform_0(%arg0: i32) -> (i32, i32) {
    %c0_i32 = arith.constant 0 : i32
    %c0_i32_0 = arith.constant 0 : i32
    return %arg0, %c0_i32 : i32, i32
  }
  func.func @transform_1(%arg0: i32) -> (i32, i32) {
    %c0_i32 = arith.constant 0 : i32
    %c0_i32_0 = arith.constant 0 : i32
    return %arg0, %c0_i32 : i32, i32
  }
  func.func @transform_2(%arg0: i32) -> (i32, i32) {
    %c0_i32 = arith.constant 0 : i32
    %c0_i32_0 = arith.constant 0 : i32
    %c0_i32_1 = arith.constant 0 : i32
    return %c0_i32, %c0_i32_0 : i32, i32
  }
  func.func @transform_3(%arg0: i32) -> (i32, i32) {
    %c0_i32 = arith.constant 0 : i32
    %c0_i32_0 = arith.constant 0 : i32
    %c0_i32_1 = arith.constant 0 : i32
    return %c0_i32, %c0_i32_0 : i32, i32
  }
  func.func @transform_4(%arg0: i32) -> (i32, i32) {
    %c0_i32 = arith.constant 0 : i32
    %c0_i32_0 = arith.constant 0 : i32
    %c0_i32_1 = arith.constant 0 : i32
    return %c0_i32, %c0_i32_0 : i32, i32
  }
  func.func @transform_5(%arg0: i32) -> (i32, i32) {
    %c0_i32 = arith.constant 0 : i32
    %c0_i32_0 = arith.constant 0 : i32
    return %arg0, %c0_i32 : i32, i32
  }
  func.func @transform_6(%arg0: i32) -> (i32, i32) {
    %c0_i32 = arith.constant 0 : i32
    %c0_i32_0 = arith.constant 0 : i32
    return %arg0, %c0_i32 : i32, i32
  }
  func.func @transform_7(%arg0: i32) -> (i32, i32) {
    %c0_i32 = arith.constant 0 : i32
    %c0_i32_0 = arith.constant 0 : i32
    return %arg0, %c0_i32 : i32, i32
  }
}

module attributes {stable_mosaic.version = 14 : i64} {
  func.func @_topk_body(%arg0: i32, %arg1: memref<1x256x3xf32, #tpu.memory_space<vmem>>, %arg2: memref<1x8x4096xf32, #tpu.memory_space<vmem>>, %arg3: memref<1x256x16xi32, #tpu.memory_space<vmem>>) attributes {dimension_semantics = [#tpu.dimension_semantics<arbitrary>], iteration_bounds = array<i64: 16>, scalar_prefetch = 0 : i64, scratch_operands = 0 : i64, tpu.core_type = #tpu.core_type<tc>, window_params = [{transform_indices = @transform_0, window_bounds = array<i64: 1, 256, 3>}, {pipeline_mode = #tpu.pipeline_mode<synchronous>, transform_indices = @transform_1, window_bounds = array<i64: 1, 8, 4096>}, {transform_indices = @transform_2, window_bounds = array<i64: 1, 256, 16>}]} {
    %get3A = arith.constant 0 : index
    %get3A_0 = arith.constant 0 : index
    %get3A_1 = arith.constant 0 : index
    %get3A_2 = vector.load %arg1[%get3A, %get3A_0, %get3A_1] : memref<1x256x3xf32, #tpu.memory_space<vmem>>, vector<1x256x3xf32>
    %get3A_3 = vector.shape_cast %get3A_2 : vector<1x256x3xf32> to vector<256x3xf32>
    %get3A_4 = arith.constant 0 : index
    %get3A_5 = arith.constant 0 : index
    %get3A_6 = arith.constant 0 : index
    %get3A_7 = vector.load %arg2[%get3A_4, %get3A_5, %get3A_6] : memref<1x8x4096xf32, #tpu.memory_space<vmem>>, vector<1x8x4096xf32>
    %get3A_8 = vector.shape_cast %get3A_7 : vector<1x8x4096xf32> to vector<8x4096xf32>
    %slice3A = vector.extract_strided_slice %get3A_3 {offsets = [0, 0], sizes = [256, 1], strides = [1, 1]} : vector<256x3xf32> to vector<256x1xf32>
    %squeeze3A = vector.shape_cast %slice3A : vector<256x1xf32> to vector<256xf32>
    %slice3A_9 = vector.extract_strided_slice %get3A_3 {offsets = [0, 1], sizes = [256, 1], strides = [1, 1]} : vector<256x3xf32> to vector<256x1xf32>
    %squeeze3A_10 = vector.shape_cast %slice3A_9 : vector<256x1xf32> to vector<256xf32>
    %slice3A_11 = vector.extract_strided_slice %get3A_3 {offsets = [0, 2], sizes = [256, 1], strides = [1, 1]} : vector<256x3xf32> to vector<256x1xf32>
    %squeeze3A_12 = vector.shape_cast %slice3A_11 : vector<256x1xf32> to vector<256xf32>
    %mul3A = arith.mulf %squeeze3A, %squeeze3A : vector<256xf32>
    %mul3A_13 = arith.mulf %squeeze3A_10, %squeeze3A_10 : vector<256xf32>
    %add3A = arith.addf %mul3A, %mul3A_13 : vector<256xf32>
    %mul3A_14 = arith.mulf %squeeze3A_12, %squeeze3A_12 : vector<256xf32>
    %add3A_15 = arith.addf %add3A, %mul3A_14 : vector<256xf32>
    %broadcast_in_dim3A = vector.shape_cast %add3A_15 : vector<256xf32> to vector<256x1xf32>
    %slice3A_16 = vector.extract_strided_slice %get3A_8 {offsets = [0, 0], sizes = [1, 4096], strides = [1, 1]} : vector<8x4096xf32> to vector<1x4096xf32>
    %squeeze3A_17 = vector.shape_cast %slice3A_16 : vector<1x4096xf32> to vector<4096xf32>
    %slice3A_18 = vector.extract_strided_slice %get3A_8 {offsets = [1, 0], sizes = [1, 4096], strides = [1, 1]} : vector<8x4096xf32> to vector<1x4096xf32>
    %squeeze3A_19 = vector.shape_cast %slice3A_18 : vector<1x4096xf32> to vector<4096xf32>
    %slice3A_20 = vector.extract_strided_slice %get3A_8 {offsets = [2, 0], sizes = [1, 4096], strides = [1, 1]} : vector<8x4096xf32> to vector<1x4096xf32>
    %squeeze3A_21 = vector.shape_cast %slice3A_20 : vector<1x4096xf32> to vector<4096xf32>
    %mul3A_22 = arith.mulf %squeeze3A_17, %squeeze3A_17 : vector<4096xf32>
    %mul3A_23 = arith.mulf %squeeze3A_19, %squeeze3A_19 : vector<4096xf32>
    %add3A_24 = arith.addf %mul3A_22, %mul3A_23 : vector<4096xf32>
    %mul3A_25 = arith.mulf %squeeze3A_21, %squeeze3A_21 : vector<4096xf32>
    %add3A_26 = arith.addf %add3A_24, %mul3A_25 : vector<4096xf32>
    %broadcast_in_dim3A_27 = vector.shape_cast %add3A_26 : vector<4096xf32> to vector<1x4096xf32>
    %broadcast_in_dim3A_28 = arith.constant 0.000000e+00 : f32
    %broadcast_in_dim3A_29 = vector.broadcast %broadcast_in_dim3A_28 : f32 to vector<256x5xf32>
    %concatenate3A = tpu.concatenate %get3A_3, %broadcast_in_dim3A_29 in 1 : vector<256x3xf32>, vector<256x5xf32> -> vector<256x8xf32>
    %convert_element_type3A = arith.truncf %concatenate3A : vector<256x8xf32> to vector<256x8xbf16>
    %convert_element_type3A_30 = arith.truncf %get3A_8 : vector<8x4096xf32> to vector<8x4096xbf16>
    %dot_general3A = arith.constant dense<0.000000e+00> : vector<256x4096xf32>
    %dot_general3A_31 = tpu.matmul %convert_element_type3A, %convert_element_type3A_30, %dot_general3A {dimension_numbers = #tpu.dot_dimension_numbers<[1], [0], [0], [1], [0, 0, 1, 1], [], []>, transpose_lhs_hint = false} : vector<256x8xbf16>, vector<8x4096xbf16>, vector<256x4096xf32> -> vector<256x4096xf32>
    %add3A_32 = vector.broadcast %broadcast_in_dim3A : vector<256x1xf32> to vector<256x4096xf32>
    %add3A_33 = vector.broadcast %broadcast_in_dim3A_27 : vector<1x4096xf32> to vector<256x4096xf32>
    %add3A_34 = arith.addf %add3A_32, %add3A_33 : vector<256x4096xf32>
    %mul3A_35 = arith.constant 2.000000e+00 : f32
    %mul3A_36 = vector.broadcast %mul3A_35 : f32 to vector<256x4096xf32>
    %mul3A_37 = arith.mulf %mul3A_36, %dot_general3A_31 : vector<256x4096xf32>
    %sub3A = arith.subf %add3A_34, %mul3A_37 : vector<256x4096xf32>
    %broadcast_in_dim3A_38 = arith.constant 0x7F800000 : f32
    %broadcast_in_dim3A_39 = vector.broadcast %broadcast_in_dim3A_38 : f32 to vector<256x128xf32>
    %broadcast_in_dim3A_40 = arith.constant 0x7F800000 : f32
    %broadcast_in_dim3A_41 = vector.broadcast %broadcast_in_dim3A_40 : f32 to vector<256x128xf32>
    %broadcast_in_dim3A_42 = arith.constant 0x7F800000 : f32
    %broadcast_in_dim3A_43 = vector.broadcast %broadcast_in_dim3A_42 : f32 to vector<256x128xf32>
    %broadcast_in_dim3A_44 = arith.constant 0x7F800000 : f32
    %broadcast_in_dim3A_45 = vector.broadcast %broadcast_in_dim3A_44 : f32 to vector<256x128xf32>
    %broadcast_in_dim3A_46 = arith.constant 0 : i32
    %broadcast_in_dim3A_47 = vector.broadcast %broadcast_in_dim3A_46 : i32 to vector<256x128xi32>
    %broadcast_in_dim3A_48 = arith.constant 0 : i32
    %broadcast_in_dim3A_49 = vector.broadcast %broadcast_in_dim3A_48 : i32 to vector<256x128xi32>
    %broadcast_in_dim3A_50 = arith.constant 0 : i32
    %broadcast_in_dim3A_51 = vector.broadcast %broadcast_in_dim3A_50 : i32 to vector<256x128xi32>
    %broadcast_in_dim3A_52 = arith.constant 0 : i32
    %broadcast_in_dim3A_53 = vector.broadcast %broadcast_in_dim3A_52 : i32 to vector<256x128xi32>
    %iota3A = tpu.iota {dimensions = array<i32: 1>} : vector<256x128xi32>
    %slice3A_54 = vector.extract_strided_slice %sub3A {offsets = [0, 0], sizes = [256, 128], strides = [1, 1]} : vector<256x4096xf32> to vector<256x128xf32>
    %add3A_55 = arith.constant 0 : i32
    %add3A_56 = vector.broadcast %add3A_55 : i32 to vector<256x128xi32>
    %add3A_57 = arith.addi %iota3A, %add3A_56 : vector<256x128xi32>
    %lt3A = arith.cmpf olt, %slice3A_54, %broadcast_in_dim3A_39 : vector<256x128xf32>
    %select_n3A = arith.select %lt3A, %slice3A_54, %broadcast_in_dim3A_39 : vector<256x128xi1>, vector<256x128xf32>
    %select_n3A_58 = arith.select %lt3A, %add3A_57, %broadcast_in_dim3A_47 : vector<256x128xi1>, vector<256x128xi32>
    %select_n3A_59 = arith.select %lt3A, %broadcast_in_dim3A_39, %slice3A_54 : vector<256x128xi1>, vector<256x128xf32>
    %select_n3A_60 = arith.select %lt3A, %broadcast_in_dim3A_47, %add3A_57 : vector<256x128xi1>, vector<256x128xi32>
    %lt3A_61 = arith.cmpf olt, %select_n3A_59, %broadcast_in_dim3A_41 : vector<256x128xf32>
    %select_n3A_62 = arith.select %lt3A_61, %select_n3A_59, %broadcast_in_dim3A_41 : vector<256x128xi1>, vector<256x128xf32>
    %select_n3A_63 = arith.select %lt3A_61, %select_n3A_60, %broadcast_in_dim3A_49 : vector<256x128xi1>, vector<256x128xi32>
    %select_n3A_64 = arith.select %lt3A_61, %broadcast_in_dim3A_41, %select_n3A_59 : vector<256x128xi1>, vector<256x128xf32>
    %select_n3A_65 = arith.select %lt3A_61, %broadcast_in_dim3A_49, %select_n3A_60 : vector<256x128xi1>, vector<256x128xi32>
    %lt3A_66 = arith.cmpf olt, %select_n3A_64, %broadcast_in_dim3A_43 : vector<256x128xf32>
    %select_n3A_67 = arith.select %lt3A_66, %select_n3A_64, %broadcast_in_dim3A_43 : vector<256x128xi1>, vector<256x128xf32>
    %select_n3A_68 = arith.select %lt3A_66, %select_n3A_65, %broadcast_in_dim3A_51 : vector<256x128xi1>, vector<256x128xi32>
    %select_n3A_69 = arith.select %lt3A_66, %broadcast_in_dim3A_43, %select_n3A_64 : vector<256x128xi1>, vector<256x128xf32>
    %select_n3A_70 = arith.select %lt3A_66, %broadcast_in_dim3A_51, %select_n3A_65 : vector<256x128xi1>, vector<256x128xi32>
    %lt3A_71 = arith.cmpf olt, %select_n3A_69, %broadcast_in_dim3A_45 : vector<256x128xf32>
    %select_n3A_72 = arith.select %lt3A_71, %select_n3A_69, %broadcast_in_dim3A_45 : vector<256x128xi1>, vector<256x128xf32>
    %select_n3A_73 = arith.select %lt3A_71, %select_n3A_70, %broadcast_in_dim3A_53 : vector<256x128xi1>, vector<256x128xi32>
    %slice3A_74 = vector.extract_strided_slice %sub3A {offsets = [0, 128], sizes = [256, 128], strides = [1, 1]} : vector<256x4096xf32> to vector<256x128xf32>
    %add3A_75 = arith.constant 128 : i32
    %add3A_76 = vector.broadcast %add3A_75 : i32 to vector<256x128xi32>
    %add3A_77 = arith.addi %iota3A, %add3A_76 : vector<256x128xi32>
    %lt3A_78 = arith.cmpf olt, %slice3A_74, %select_n3A : vector<256x128xf32>
    %select_n3A_79 = arith.select %lt3A_78, %slice3A_74, %select_n3A : vector<256x128xi1>, vector<256x128xf32>
    %select_n3A_80 = arith.select %lt3A_78, %add3A_77, %select_n3A_58 : vector<256x128xi1>, vector<256x128xi32>
    %select_n3A_81 = arith.select %lt3A_78, %select_n3A, %slice3A_74 : vector<256x128xi1>, vector<256x128xf32>
    %select_n3A_82 = arith.select %lt3A_78, %select_n3A_58, %add3A_77 : vector<256x128xi1>, vector<256x128xi32>
    %lt3A_83 = arith.cmpf olt, %select_n3A_81, %select_n3A_62 : vector<256x128xf32>
    %select_n3A_84 = arith.select %lt3A_83, %select_n3A_81, %select_n3A_62 : vector<256x128xi1>, vector<256x128xf32>
    %select_n3A_85 = arith.select %lt3A_83, %select_n3A_82, %select_n3A_63 : vector<256x128xi1>, vector<256x128xi32>
    %select_n3A_86 = arith.select %lt3A_83, %select_n3A_62, %select_n3A_81 : vector<256x128xi1>, vector<256x128xf32>
    %select_n3A_87 = arith.select %lt3A_83, %select_n3A_63, %select_n3A_82 : vector<256x128xi1>, vector<256x128xi32>
    %lt3A_88 = arith.cmpf olt, %select_n3A_86, %select_n3A_67 : vector<256x128xf32>
    %select_n3A_89 = arith.select %lt3A_88, %select_n3A_86, %select_n3A_67 : vector<256x128xi1>, vector<256x128xf32>
    %select_n3A_90 = arith.select %lt3A_88, %select_n3A_87, %select_n3A_68 : vector<256x128xi1>, vector<256x128xi32>
    %select_n3A_91 = arith.select %lt3A_88, %select_n3A_67, %select_n3A_86 : vector<256x128xi1>, vector<256x128xf32>
    %select_n3A_92 = arith.select %lt3A_88, %select_n3A_68, %select_n3A_87 : vector<256x128xi1>, vector<256x128xi32>
    %lt3A_93 = arith.cmpf olt, %select_n3A_91, %select_n3A_72 : vector<256x128xf32>
    %select_n3A_94 = arith.select %lt3A_93, %select_n3A_91, %select_n3A_72 : vector<256x128xi1>, vector<256x128xf32>
    %select_n3A_95 = arith.select %lt3A_93, %select_n3A_92, %select_n3A_73 : vector<256x128xi1>, vector<256x128xi32>
    %slice3A_96 = vector.extract_strided_slice %sub3A {offsets = [0, 256], sizes = [256, 128], strides = [1, 1]} : vector<256x4096xf32> to vector<256x128xf32>
    %add3A_97 = arith.constant 256 : i32
    %add3A_98 = vector.broadcast %add3A_97 : i32 to vector<256x128xi32>
    %add3A_99 = arith.addi %iota3A, %add3A_98 : vector<256x128xi32>
    %lt3A_100 = arith.cmpf olt, %slice3A_96, %select_n3A_79 : vector<256x128xf32>
    %select_n3A_101 = arith.select %lt3A_100, %slice3A_96, %select_n3A_79 : vector<256x128xi1>, vector<256x128xf32>
    %select_n3A_102 = arith.select %lt3A_100, %add3A_99, %select_n3A_80 : vector<256x128xi1>, vector<256x128xi32>
    %select_n3A_103 = arith.select %lt3A_100, %select_n3A_79, %slice3A_96 : vector<256x128xi1>, vector<256x128xf32>
    %select_n3A_104 = arith.select %lt3A_100, %select_n3A_80, %add3A_99 : vector<256x128xi1>, vector<256x128xi32>
    %lt3A_105 = arith.cmpf olt, %select_n3A_103, %select_n3A_84 : vector<256x128xf32>
    %select_n3A_106 = arith.select %lt3A_105, %select_n3A_103, %select_n3A_84 : vector<256x128xi1>, vector<256x128xf32>
    %select_n3A_107 = arith.select %lt3A_105, %select_n3A_104, %select_n3A_85 : vector<256x128xi1>, vector<256x128xi32>
    %select_n3A_108 = arith.select %lt3A_105, %select_n3A_84, %select_n3A_103 : vector<256x128xi1>, vector<256x128xf32>
    %select_n3A_109 = arith.select %lt3A_105, %select_n3A_85, %select_n3A_104 : vector<256x128xi1>, vector<256x128xi32>
    %lt3A_110 = arith.cmpf olt, %select_n3A_108, %select_n3A_89 : vector<256x128xf32>
    %select_n3A_111 = arith.select %lt3A_110, %select_n3A_108, %select_n3A_89 : vector<256x128xi1>, vector<256x128xf32>
    %select_n3A_112 = arith.select %lt3A_110, %select_n3A_109, %select_n3A_90 : vector<256x128xi1>, vector<256x128xi32>
    %select_n3A_113 = arith.select %lt3A_110, %select_n3A_89, %select_n3A_108 : vector<256x128xi1>, vector<256x128xf32>
    %select_n3A_114 = arith.select %lt3A_110, %select_n3A_90, %select_n3A_109 : vector<256x128xi1>, vector<256x128xi32>
    %lt3A_115 = arith.cmpf olt, %select_n3A_113, %select_n3A_94 : vector<256x128xf32>
    %select_n3A_116 = arith.select %lt3A_115, %select_n3A_113, %select_n3A_94 : vector<256x128xi1>, vector<256x128xf32>
    %select_n3A_117 = arith.select %lt3A_115, %select_n3A_114, %select_n3A_95 : vector<256x128xi1>, vector<256x128xi32>
    %slice3A_118 = vector.extract_strided_slice %sub3A {offsets = [0, 384], sizes = [256, 128], strides = [1, 1]} : vector<256x4096xf32> to vector<256x128xf32>
    %add3A_119 = arith.constant 384 : i32
    %add3A_120 = vector.broadcast %add3A_119 : i32 to vector<256x128xi32>
    %add3A_121 = arith.addi %iota3A, %add3A_120 : vector<256x128xi32>
    %lt3A_122 = arith.cmpf olt, %slice3A_118, %select_n3A_101 : vector<256x128xf32>
    %select_n3A_123 = arith.select %lt3A_122, %slice3A_118, %select_n3A_101 : vector<256x128xi1>, vector<256x128xf32>
    %select_n3A_124 = arith.select %lt3A_122, %add3A_121, %select_n3A_102 : vector<256x128xi1>, vector<256x128xi32>
    %select_n3A_125 = arith.select %lt3A_122, %select_n3A_101, %slice3A_118 : vector<256x128xi1>, vector<256x128xf32>
    %select_n3A_126 = arith.select %lt3A_122, %select_n3A_102, %add3A_121 : vector<256x128xi1>, vector<256x128xi32>
    %lt3A_127 = arith.cmpf olt, %select_n3A_125, %select_n3A_106 : vector<256x128xf32>
    %select_n3A_128 = arith.select %lt3A_127, %select_n3A_125, %select_n3A_106 : vector<256x128xi1>, vector<256x128xf32>
    %select_n3A_129 = arith.select %lt3A_127, %select_n3A_126, %select_n3A_107 : vector<256x128xi1>, vector<256x128xi32>
    %select_n3A_130 = arith.select %lt3A_127, %select_n3A_106, %select_n3A_125 : vector<256x128xi1>, vector<256x128xf32>
    %select_n3A_131 = arith.select %lt3A_127, %select_n3A_107, %select_n3A_126 : vector<256x128xi1>, vector<256x128xi32>
    %lt3A_132 = arith.cmpf olt, %select_n3A_130, %select_n3A_111 : vector<256x128xf32>
    %select_n3A_133 = arith.select %lt3A_132, %select_n3A_130, %select_n3A_111 : vector<256x128xi1>, vector<256x128xf32>
    %select_n3A_134 = arith.select %lt3A_132, %select_n3A_131, %select_n3A_112 : vector<256x128xi1>, vector<256x128xi32>
    %select_n3A_135 = arith.select %lt3A_132, %select_n3A_111, %select_n3A_130 : vector<256x128xi1>, vector<256x128xf32>
    %select_n3A_136 = arith.select %lt3A_132, %select_n3A_112, %select_n3A_131 : vector<256x128xi1>, vector<256x128xi32>
    %lt3A_137 = arith.cmpf olt, %select_n3A_135, %select_n3A_116 : vector<256x128xf32>
    %select_n3A_138 = arith.select %lt3A_137, %select_n3A_135, %select_n3A_116 : vector<256x128xi1>, vector<256x128xf32>
    %select_n3A_139 = arith.select %lt3A_137, %select_n3A_136, %select_n3A_117 : vector<256x128xi1>, vector<256x128xi32>
    %slice3A_140 = vector.extract_strided_slice %sub3A {offsets = [0, 512], sizes = [256, 128], strides = [1, 1]} : vector<256x4096xf32> to vector<256x128xf32>
    %add3A_141 = arith.constant 512 : i32
    %add3A_142 = vector.broadcast %add3A_141 : i32 to vector<256x128xi32>
    %add3A_143 = arith.addi %iota3A, %add3A_142 : vector<256x128xi32>
    %lt3A_144 = arith.cmpf olt, %slice3A_140, %select_n3A_123 : vector<256x128xf32>
    %select_n3A_145 = arith.select %lt3A_144, %slice3A_140, %select_n3A_123 : vector<256x128xi1>, vector<256x128xf32>
    %select_n3A_146 = arith.select %lt3A_144, %add3A_143, %select_n3A_124 : vector<256x128xi1>, vector<256x128xi32>
    %select_n3A_147 = arith.select %lt3A_144, %select_n3A_123, %slice3A_140 : vector<256x128xi1>, vector<256x128xf32>
    %select_n3A_148 = arith.select %lt3A_144, %select_n3A_124, %add3A_143 : vector<256x128xi1>, vector<256x128xi32>
    %lt3A_149 = arith.cmpf olt, %select_n3A_147, %select_n3A_128 : vector<256x128xf32>
    %select_n3A_150 = arith.select %lt3A_149, %select_n3A_147, %select_n3A_128 : vector<256x128xi1>, vector<256x128xf32>
    %select_n3A_151 = arith.select %lt3A_149, %select_n3A_148, %select_n3A_129 : vector<256x128xi1>, vector<256x128xi32>
    %select_n3A_152 = arith.select %lt3A_149, %select_n3A_128, %select_n3A_147 : vector<256x128xi1>, vector<256x128xf32>
    %select_n3A_153 = arith.select %lt3A_149, %select_n3A_129, %select_n3A_148 : vector<256x128xi1>, vector<256x128xi32>
    %lt3A_154 = arith.cmpf olt, %select_n3A_152, %select_n3A_133 : vector<256x128xf32>
    %select_n3A_155 = arith.select %lt3A_154, %select_n3A_152, %select_n3A_133 : vector<256x128xi1>, vector<256x128xf32>
    %select_n3A_156 = arith.select %lt3A_154, %select_n3A_153, %select_n3A_134 : vector<256x128xi1>, vector<256x128xi32>
    %select_n3A_157 = arith.select %lt3A_154, %select_n3A_133, %select_n3A_152 : vector<256x128xi1>, vector<256x128xf32>
    %select_n3A_158 = arith.select %lt3A_154, %select_n3A_134, %select_n3A_153 : vector<256x128xi1>, vector<256x128xi32>
    %lt3A_159 = arith.cmpf olt, %select_n3A_157, %select_n3A_138 : vector<256x128xf32>
    %select_n3A_160 = arith.select %lt3A_159, %select_n3A_157, %select_n3A_138 : vector<256x128xi1>, vector<256x128xf32>
    %select_n3A_161 = arith.select %lt3A_159, %select_n3A_158, %select_n3A_139 : vector<256x128xi1>, vector<256x128xi32>
    %slice3A_162 = vector.extract_strided_slice %sub3A {offsets = [0, 640], sizes = [256, 128], strides = [1, 1]} : vector<256x4096xf32> to vector<256x128xf32>
    %add3A_163 = arith.constant 640 : i32
    %add3A_164 = vector.broadcast %add3A_163 : i32 to vector<256x128xi32>
    %add3A_165 = arith.addi %iota3A, %add3A_164 : vector<256x128xi32>
    %lt3A_166 = arith.cmpf olt, %slice3A_162, %select_n3A_145 : vector<256x128xf32>
    %select_n3A_167 = arith.select %lt3A_166, %slice3A_162, %select_n3A_145 : vector<256x128xi1>, vector<256x128xf32>
    %select_n3A_168 = arith.select %lt3A_166, %add3A_165, %select_n3A_146 : vector<256x128xi1>, vector<256x128xi32>
    %select_n3A_169 = arith.select %lt3A_166, %select_n3A_145, %slice3A_162 : vector<256x128xi1>, vector<256x128xf32>
    %select_n3A_170 = arith.select %lt3A_166, %select_n3A_146, %add3A_165 : vector<256x128xi1>, vector<256x128xi32>
    %lt3A_171 = arith.cmpf olt, %select_n3A_169, %select_n3A_150 : vector<256x128xf32>
    %select_n3A_172 = arith.select %lt3A_171, %select_n3A_169, %select_n3A_150 : vector<256x128xi1>, vector<256x128xf32>
    %select_n3A_173 = arith.select %lt3A_171, %select_n3A_170, %select_n3A_151 : vector<256x128xi1>, vector<256x128xi32>
    %select_n3A_174 = arith.select %lt3A_171, %select_n3A_150, %select_n3A_169 : vector<256x128xi1>, vector<256x128xf32>
    %select_n3A_175 = arith.select %lt3A_171, %select_n3A_151, %select_n3A_170 : vector<256x128xi1>, vector<256x128xi32>
    %lt3A_176 = arith.cmpf olt, %select_n3A_174, %select_n3A_155 : vector<256x128xf32>
    %select_n3A_177 = arith.select %lt3A_176, %select_n3A_174, %select_n3A_155 : vector<256x128xi1>, vector<256x128xf32>
    %select_n3A_178 = arith.select %lt3A_176, %select_n3A_175, %select_n3A_156 : vector<256x128xi1>, vector<256x128xi32>
    %select_n3A_179 = arith.select %lt3A_176, %select_n3A_155, %select_n3A_174 : vector<256x128xi1>, vector<256x128xf32>
    %select_n3A_180 = arith.select %lt3A_176, %select_n3A_156, %select_n3A_175 : vector<256x128xi1>, vector<256x128xi32>
    %lt3A_181 = arith.cmpf olt, %select_n3A_179, %select_n3A_160 : vector<256x128xf32>
    %select_n3A_182 = arith.select %lt3A_181, %select_n3A_179, %select_n3A_160 : vector<256x128xi1>, vector<256x128xf32>
    %select_n3A_183 = arith.select %lt3A_181, %select_n3A_180, %select_n3A_161 : vector<256x128xi1>, vector<256x128xi32>
    %slice3A_184 = vector.extract_strided_slice %sub3A {offsets = [0, 768], sizes = [256, 128], strides = [1, 1]} : vector<256x4096xf32> to vector<256x128xf32>
    %add3A_185 = arith.constant 768 : i32
    %add3A_186 = vector.broadcast %add3A_185 : i32 to vector<256x128xi32>
    %add3A_187 = arith.addi %iota3A, %add3A_186 : vector<256x128xi32>
    %lt3A_188 = arith.cmpf olt, %slice3A_184, %select_n3A_167 : vector<256x128xf32>
    %select_n3A_189 = arith.select %lt3A_188, %slice3A_184, %select_n3A_167 : vector<256x128xi1>, vector<256x128xf32>
    %select_n3A_190 = arith.select %lt3A_188, %add3A_187, %select_n3A_168 : vector<256x128xi1>, vector<256x128xi32>
    %select_n3A_191 = arith.select %lt3A_188, %select_n3A_167, %slice3A_184 : vector<256x128xi1>, vector<256x128xf32>
    %select_n3A_192 = arith.select %lt3A_188, %select_n3A_168, %add3A_187 : vector<256x128xi1>, vector<256x128xi32>
    %lt3A_193 = arith.cmpf olt, %select_n3A_191, %select_n3A_172 : vector<256x128xf32>
    %select_n3A_194 = arith.select %lt3A_193, %select_n3A_191, %select_n3A_172 : vector<256x128xi1>, vector<256x128xf32>
    %select_n3A_195 = arith.select %lt3A_193, %select_n3A_192, %select_n3A_173 : vector<256x128xi1>, vector<256x128xi32>
    %select_n3A_196 = arith.select %lt3A_193, %select_n3A_172, %select_n3A_191 : vector<256x128xi1>, vector<256x128xf32>
    %select_n3A_197 = arith.select %lt3A_193, %select_n3A_173, %select_n3A_192 : vector<256x128xi1>, vector<256x128xi32>
    %lt3A_198 = arith.cmpf olt, %select_n3A_196, %select_n3A_177 : vector<256x128xf32>
    %select_n3A_199 = arith.select %lt3A_198, %select_n3A_196, %select_n3A_177 : vector<256x128xi1>, vector<256x128xf32>
    %select_n3A_200 = arith.select %lt3A_198, %select_n3A_197, %select_n3A_178 : vector<256x128xi1>, vector<256x128xi32>
    %select_n3A_201 = arith.select %lt3A_198, %select_n3A_177, %select_n3A_196 : vector<256x128xi1>, vector<256x128xf32>
    %select_n3A_202 = arith.select %lt3A_198, %select_n3A_178, %select_n3A_197 : vector<256x128xi1>, vector<256x128xi32>
    %lt3A_203 = arith.cmpf olt, %select_n3A_201, %select_n3A_182 : vector<256x128xf32>
    %select_n3A_204 = arith.select %lt3A_203, %select_n3A_201, %select_n3A_182 : vector<256x128xi1>, vector<256x128xf32>
    %select_n3A_205 = arith.select %lt3A_203, %select_n3A_202, %select_n3A_183 : vector<256x128xi1>, vector<256x128xi32>
    %slice3A_206 = vector.extract_strided_slice %sub3A {offsets = [0, 896], sizes = [256, 128], strides = [1, 1]} : vector<256x4096xf32> to vector<256x128xf32>
    %add3A_207 = arith.constant 896 : i32
    %add3A_208 = vector.broadcast %add3A_207 : i32 to vector<256x128xi32>
    %add3A_209 = arith.addi %iota3A, %add3A_208 : vector<256x128xi32>
    %lt3A_210 = arith.cmpf olt, %slice3A_206, %select_n3A_189 : vector<256x128xf32>
    %select_n3A_211 = arith.select %lt3A_210, %slice3A_206, %select_n3A_189 : vector<256x128xi1>, vector<256x128xf32>
    %select_n3A_212 = arith.select %lt3A_210, %add3A_209, %select_n3A_190 : vector<256x128xi1>, vector<256x128xi32>
    %select_n3A_213 = arith.select %lt3A_210, %select_n3A_189, %slice3A_206 : vector<256x128xi1>, vector<256x128xf32>
    %select_n3A_214 = arith.select %lt3A_210, %select_n3A_190, %add3A_209 : vector<256x128xi1>, vector<256x128xi32>
    %lt3A_215 = arith.cmpf olt, %select_n3A_213, %select_n3A_194 : vector<256x128xf32>
    %select_n3A_216 = arith.select %lt3A_215, %select_n3A_213, %select_n3A_194 : vector<256x128xi1>, vector<256x128xf32>
    %select_n3A_217 = arith.select %lt3A_215, %select_n3A_214, %select_n3A_195 : vector<256x128xi1>, vector<256x128xi32>
    %select_n3A_218 = arith.select %lt3A_215, %select_n3A_194, %select_n3A_213 : vector<256x128xi1>, vector<256x128xf32>
    %select_n3A_219 = arith.select %lt3A_215, %select_n3A_195, %select_n3A_214 : vector<256x128xi1>, vector<256x128xi32>
    %lt3A_220 = arith.cmpf olt, %select_n3A_218, %select_n3A_199 : vector<256x128xf32>
    %select_n3A_221 = arith.select %lt3A_220, %select_n3A_218, %select_n3A_199 : vector<256x128xi1>, vector<256x128xf32>
    %select_n3A_222 = arith.select %lt3A_220, %select_n3A_219, %select_n3A_200 : vector<256x128xi1>, vector<256x128xi32>
    %select_n3A_223 = arith.select %lt3A_220, %select_n3A_199, %select_n3A_218 : vector<256x128xi1>, vector<256x128xf32>
    %select_n3A_224 = arith.select %lt3A_220, %select_n3A_200, %select_n3A_219 : vector<256x128xi1>, vector<256x128xi32>
    %lt3A_225 = arith.cmpf olt, %select_n3A_223, %select_n3A_204 : vector<256x128xf32>
    %select_n3A_226 = arith.select %lt3A_225, %select_n3A_223, %select_n3A_204 : vector<256x128xi1>, vector<256x128xf32>
    %select_n3A_227 = arith.select %lt3A_225, %select_n3A_224, %select_n3A_205 : vector<256x128xi1>, vector<256x128xi32>
    %slice3A_228 = vector.extract_strided_slice %sub3A {offsets = [0, 1024], sizes = [256, 128], strides = [1, 1]} : vector<256x4096xf32> to vector<256x128xf32>
    %add3A_229 = arith.constant 1024 : i32
    %add3A_230 = vector.broadcast %add3A_229 : i32 to vector<256x128xi32>
    %add3A_231 = arith.addi %iota3A, %add3A_230 : vector<256x128xi32>
    %lt3A_232 = arith.cmpf olt, %slice3A_228, %select_n3A_211 : vector<256x128xf32>
    %select_n3A_233 = arith.select %lt3A_232, %slice3A_228, %select_n3A_211 : vector<256x128xi1>, vector<256x128xf32>
    %select_n3A_234 = arith.select %lt3A_232, %add3A_231, %select_n3A_212 : vector<256x128xi1>, vector<256x128xi32>
    %select_n3A_235 = arith.select %lt3A_232, %select_n3A_211, %slice3A_228 : vector<256x128xi1>, vector<256x128xf32>
    %select_n3A_236 = arith.select %lt3A_232, %select_n3A_212, %add3A_231 : vector<256x128xi1>, vector<256x128xi32>
    %lt3A_237 = arith.cmpf olt, %select_n3A_235, %select_n3A_216 : vector<256x128xf32>
    %select_n3A_238 = arith.select %lt3A_237, %select_n3A_235, %select_n3A_216 : vector<256x128xi1>, vector<256x128xf32>
    %select_n3A_239 = arith.select %lt3A_237, %select_n3A_236, %select_n3A_217 : vector<256x128xi1>, vector<256x128xi32>
    %select_n3A_240 = arith.select %lt3A_237, %select_n3A_216, %select_n3A_235 : vector<256x128xi1>, vector<256x128xf32>
    %select_n3A_241 = arith.select %lt3A_237, %select_n3A_217, %select_n3A_236 : vector<256x128xi1>, vector<256x128xi32>
    %lt3A_242 = arith.cmpf olt, %select_n3A_240, %select_n3A_221 : vector<256x128xf32>
    %select_n3A_243 = arith.select %lt3A_242, %select_n3A_240, %select_n3A_221 : vector<256x128xi1>, vector<256x128xf32>
    %select_n3A_244 = arith.select %lt3A_242, %select_n3A_241, %select_n3A_222 : vector<256x128xi1>, vector<256x128xi32>
    %select_n3A_245 = arith.select %lt3A_242, %select_n3A_221, %select_n3A_240 : vector<256x128xi1>, vector<256x128xf32>
    %select_n3A_246 = arith.select %lt3A_242, %select_n3A_222, %select_n3A_241 : vector<256x128xi1>, vector<256x128xi32>
    %lt3A_247 = arith.cmpf olt, %select_n3A_245, %select_n3A_226 : vector<256x128xf32>
    %select_n3A_248 = arith.select %lt3A_247, %select_n3A_245, %select_n3A_226 : vector<256x128xi1>, vector<256x128xf32>
    %select_n3A_249 = arith.select %lt3A_247, %select_n3A_246, %select_n3A_227 : vector<256x128xi1>, vector<256x128xi32>
    %slice3A_250 = vector.extract_strided_slice %sub3A {offsets = [0, 1152], sizes = [256, 128], strides = [1, 1]} : vector<256x4096xf32> to vector<256x128xf32>
    %add3A_251 = arith.constant 1152 : i32
    %add3A_252 = vector.broadcast %add3A_251 : i32 to vector<256x128xi32>
    %add3A_253 = arith.addi %iota3A, %add3A_252 : vector<256x128xi32>
    %lt3A_254 = arith.cmpf olt, %slice3A_250, %select_n3A_233 : vector<256x128xf32>
    %select_n3A_255 = arith.select %lt3A_254, %slice3A_250, %select_n3A_233 : vector<256x128xi1>, vector<256x128xf32>
    %select_n3A_256 = arith.select %lt3A_254, %add3A_253, %select_n3A_234 : vector<256x128xi1>, vector<256x128xi32>
    %select_n3A_257 = arith.select %lt3A_254, %select_n3A_233, %slice3A_250 : vector<256x128xi1>, vector<256x128xf32>
    %select_n3A_258 = arith.select %lt3A_254, %select_n3A_234, %add3A_253 : vector<256x128xi1>, vector<256x128xi32>
    %lt3A_259 = arith.cmpf olt, %select_n3A_257, %select_n3A_238 : vector<256x128xf32>
    %select_n3A_260 = arith.select %lt3A_259, %select_n3A_257, %select_n3A_238 : vector<256x128xi1>, vector<256x128xf32>
    %select_n3A_261 = arith.select %lt3A_259, %select_n3A_258, %select_n3A_239 : vector<256x128xi1>, vector<256x128xi32>
    %select_n3A_262 = arith.select %lt3A_259, %select_n3A_238, %select_n3A_257 : vector<256x128xi1>, vector<256x128xf32>
    %select_n3A_263 = arith.select %lt3A_259, %select_n3A_239, %select_n3A_258 : vector<256x128xi1>, vector<256x128xi32>
    %lt3A_264 = arith.cmpf olt, %select_n3A_262, %select_n3A_243 : vector<256x128xf32>
    %select_n3A_265 = arith.select %lt3A_264, %select_n3A_262, %select_n3A_243 : vector<256x128xi1>, vector<256x128xf32>
    %select_n3A_266 = arith.select %lt3A_264, %select_n3A_263, %select_n3A_244 : vector<256x128xi1>, vector<256x128xi32>
    %select_n3A_267 = arith.select %lt3A_264, %select_n3A_243, %select_n3A_262 : vector<256x128xi1>, vector<256x128xf32>
    %select_n3A_268 = arith.select %lt3A_264, %select_n3A_244, %select_n3A_263 : vector<256x128xi1>, vector<256x128xi32>
    %lt3A_269 = arith.cmpf olt, %select_n3A_267, %select_n3A_248 : vector<256x128xf32>
    %select_n3A_270 = arith.select %lt3A_269, %select_n3A_267, %select_n3A_248 : vector<256x128xi1>, vector<256x128xf32>
    %select_n3A_271 = arith.select %lt3A_269, %select_n3A_268, %select_n3A_249 : vector<256x128xi1>, vector<256x128xi32>
    %slice3A_272 = vector.extract_strided_slice %sub3A {offsets = [0, 1280], sizes = [256, 128], strides = [1, 1]} : vector<256x4096xf32> to vector<256x128xf32>
    %add3A_273 = arith.constant 1280 : i32
    %add3A_274 = vector.broadcast %add3A_273 : i32 to vector<256x128xi32>
    %add3A_275 = arith.addi %iota3A, %add3A_274 : vector<256x128xi32>
    %lt3A_276 = arith.cmpf olt, %slice3A_272, %select_n3A_255 : vector<256x128xf32>
    %select_n3A_277 = arith.select %lt3A_276, %slice3A_272, %select_n3A_255 : vector<256x128xi1>, vector<256x128xf32>
    %select_n3A_278 = arith.select %lt3A_276, %add3A_275, %select_n3A_256 : vector<256x128xi1>, vector<256x128xi32>
    %select_n3A_279 = arith.select %lt3A_276, %select_n3A_255, %slice3A_272 : vector<256x128xi1>, vector<256x128xf32>
    %select_n3A_280 = arith.select %lt3A_276, %select_n3A_256, %add3A_275 : vector<256x128xi1>, vector<256x128xi32>
    %lt3A_281 = arith.cmpf olt, %select_n3A_279, %select_n3A_260 : vector<256x128xf32>
    %select_n3A_282 = arith.select %lt3A_281, %select_n3A_279, %select_n3A_260 : vector<256x128xi1>, vector<256x128xf32>
    %select_n3A_283 = arith.select %lt3A_281, %select_n3A_280, %select_n3A_261 : vector<256x128xi1>, vector<256x128xi32>
    %select_n3A_284 = arith.select %lt3A_281, %select_n3A_260, %select_n3A_279 : vector<256x128xi1>, vector<256x128xf32>
    %select_n3A_285 = arith.select %lt3A_281, %select_n3A_261, %select_n3A_280 : vector<256x128xi1>, vector<256x128xi32>
    %lt3A_286 = arith.cmpf olt, %select_n3A_284, %select_n3A_265 : vector<256x128xf32>
    %select_n3A_287 = arith.select %lt3A_286, %select_n3A_284, %select_n3A_265 : vector<256x128xi1>, vector<256x128xf32>
    %select_n3A_288 = arith.select %lt3A_286, %select_n3A_285, %select_n3A_266 : vector<256x128xi1>, vector<256x128xi32>
    %select_n3A_289 = arith.select %lt3A_286, %select_n3A_265, %select_n3A_284 : vector<256x128xi1>, vector<256x128xf32>
    %select_n3A_290 = arith.select %lt3A_286, %select_n3A_266, %select_n3A_285 : vector<256x128xi1>, vector<256x128xi32>
    %lt3A_291 = arith.cmpf olt, %select_n3A_289, %select_n3A_270 : vector<256x128xf32>
    %select_n3A_292 = arith.select %lt3A_291, %select_n3A_289, %select_n3A_270 : vector<256x128xi1>, vector<256x128xf32>
    %select_n3A_293 = arith.select %lt3A_291, %select_n3A_290, %select_n3A_271 : vector<256x128xi1>, vector<256x128xi32>
    %slice3A_294 = vector.extract_strided_slice %sub3A {offsets = [0, 1408], sizes = [256, 128], strides = [1, 1]} : vector<256x4096xf32> to vector<256x128xf32>
    %add3A_295 = arith.constant 1408 : i32
    %add3A_296 = vector.broadcast %add3A_295 : i32 to vector<256x128xi32>
    %add3A_297 = arith.addi %iota3A, %add3A_296 : vector<256x128xi32>
    %lt3A_298 = arith.cmpf olt, %slice3A_294, %select_n3A_277 : vector<256x128xf32>
    %select_n3A_299 = arith.select %lt3A_298, %slice3A_294, %select_n3A_277 : vector<256x128xi1>, vector<256x128xf32>
    %select_n3A_300 = arith.select %lt3A_298, %add3A_297, %select_n3A_278 : vector<256x128xi1>, vector<256x128xi32>
    %select_n3A_301 = arith.select %lt3A_298, %select_n3A_277, %slice3A_294 : vector<256x128xi1>, vector<256x128xf32>
    %select_n3A_302 = arith.select %lt3A_298, %select_n3A_278, %add3A_297 : vector<256x128xi1>, vector<256x128xi32>
    %lt3A_303 = arith.cmpf olt, %select_n3A_301, %select_n3A_282 : vector<256x128xf32>
    %select_n3A_304 = arith.select %lt3A_303, %select_n3A_301, %select_n3A_282 : vector<256x128xi1>, vector<256x128xf32>
    %select_n3A_305 = arith.select %lt3A_303, %select_n3A_302, %select_n3A_283 : vector<256x128xi1>, vector<256x128xi32>
    %select_n3A_306 = arith.select %lt3A_303, %select_n3A_282, %select_n3A_301 : vector<256x128xi1>, vector<256x128xf32>
    %select_n3A_307 = arith.select %lt3A_303, %select_n3A_283, %select_n3A_302 : vector<256x128xi1>, vector<256x128xi32>
    %lt3A_308 = arith.cmpf olt, %select_n3A_306, %select_n3A_287 : vector<256x128xf32>
    %select_n3A_309 = arith.select %lt3A_308, %select_n3A_306, %select_n3A_287 : vector<256x128xi1>, vector<256x128xf32>
    %select_n3A_310 = arith.select %lt3A_308, %select_n3A_307, %select_n3A_288 : vector<256x128xi1>, vector<256x128xi32>
    %select_n3A_311 = arith.select %lt3A_308, %select_n3A_287, %select_n3A_306 : vector<256x128xi1>, vector<256x128xf32>
    %select_n3A_312 = arith.select %lt3A_308, %select_n3A_288, %select_n3A_307 : vector<256x128xi1>, vector<256x128xi32>
    %lt3A_313 = arith.cmpf olt, %select_n3A_311, %select_n3A_292 : vector<256x128xf32>
    %select_n3A_314 = arith.select %lt3A_313, %select_n3A_311, %select_n3A_292 : vector<256x128xi1>, vector<256x128xf32>
    %select_n3A_315 = arith.select %lt3A_313, %select_n3A_312, %select_n3A_293 : vector<256x128xi1>, vector<256x128xi32>
    %slice3A_316 = vector.extract_strided_slice %sub3A {offsets = [0, 1536], sizes = [256, 128], strides = [1, 1]} : vector<256x4096xf32> to vector<256x128xf32>
    %add3A_317 = arith.constant 1536 : i32
    %add3A_318 = vector.broadcast %add3A_317 : i32 to vector<256x128xi32>
    %add3A_319 = arith.addi %iota3A, %add3A_318 : vector<256x128xi32>
    %lt3A_320 = arith.cmpf olt, %slice3A_316, %select_n3A_299 : vector<256x128xf32>
    %select_n3A_321 = arith.select %lt3A_320, %slice3A_316, %select_n3A_299 : vector<256x128xi1>, vector<256x128xf32>
    %select_n3A_322 = arith.select %lt3A_320, %add3A_319, %select_n3A_300 : vector<256x128xi1>, vector<256x128xi32>
    %select_n3A_323 = arith.select %lt3A_320, %select_n3A_299, %slice3A_316 : vector<256x128xi1>, vector<256x128xf32>
    %select_n3A_324 = arith.select %lt3A_320, %select_n3A_300, %add3A_319 : vector<256x128xi1>, vector<256x128xi32>
    %lt3A_325 = arith.cmpf olt, %select_n3A_323, %select_n3A_304 : vector<256x128xf32>
    %select_n3A_326 = arith.select %lt3A_325, %select_n3A_323, %select_n3A_304 : vector<256x128xi1>, vector<256x128xf32>
    %select_n3A_327 = arith.select %lt3A_325, %select_n3A_324, %select_n3A_305 : vector<256x128xi1>, vector<256x128xi32>
    %select_n3A_328 = arith.select %lt3A_325, %select_n3A_304, %select_n3A_323 : vector<256x128xi1>, vector<256x128xf32>
    %select_n3A_329 = arith.select %lt3A_325, %select_n3A_305, %select_n3A_324 : vector<256x128xi1>, vector<256x128xi32>
    %lt3A_330 = arith.cmpf olt, %select_n3A_328, %select_n3A_309 : vector<256x128xf32>
    %select_n3A_331 = arith.select %lt3A_330, %select_n3A_328, %select_n3A_309 : vector<256x128xi1>, vector<256x128xf32>
    %select_n3A_332 = arith.select %lt3A_330, %select_n3A_329, %select_n3A_310 : vector<256x128xi1>, vector<256x128xi32>
    %select_n3A_333 = arith.select %lt3A_330, %select_n3A_309, %select_n3A_328 : vector<256x128xi1>, vector<256x128xf32>
    %select_n3A_334 = arith.select %lt3A_330, %select_n3A_310, %select_n3A_329 : vector<256x128xi1>, vector<256x128xi32>
    %lt3A_335 = arith.cmpf olt, %select_n3A_333, %select_n3A_314 : vector<256x128xf32>
    %select_n3A_336 = arith.select %lt3A_335, %select_n3A_333, %select_n3A_314 : vector<256x128xi1>, vector<256x128xf32>
    %select_n3A_337 = arith.select %lt3A_335, %select_n3A_334, %select_n3A_315 : vector<256x128xi1>, vector<256x128xi32>
    %slice3A_338 = vector.extract_strided_slice %sub3A {offsets = [0, 1664], sizes = [256, 128], strides = [1, 1]} : vector<256x4096xf32> to vector<256x128xf32>
    %add3A_339 = arith.constant 1664 : i32
    %add3A_340 = vector.broadcast %add3A_339 : i32 to vector<256x128xi32>
    %add3A_341 = arith.addi %iota3A, %add3A_340 : vector<256x128xi32>
    %lt3A_342 = arith.cmpf olt, %slice3A_338, %select_n3A_321 : vector<256x128xf32>
    %select_n3A_343 = arith.select %lt3A_342, %slice3A_338, %select_n3A_321 : vector<256x128xi1>, vector<256x128xf32>
    %select_n3A_344 = arith.select %lt3A_342, %add3A_341, %select_n3A_322 : vector<256x128xi1>, vector<256x128xi32>
    %select_n3A_345 = arith.select %lt3A_342, %select_n3A_321, %slice3A_338 : vector<256x128xi1>, vector<256x128xf32>
    %select_n3A_346 = arith.select %lt3A_342, %select_n3A_322, %add3A_341 : vector<256x128xi1>, vector<256x128xi32>
    %lt3A_347 = arith.cmpf olt, %select_n3A_345, %select_n3A_326 : vector<256x128xf32>
    %select_n3A_348 = arith.select %lt3A_347, %select_n3A_345, %select_n3A_326 : vector<256x128xi1>, vector<256x128xf32>
    %select_n3A_349 = arith.select %lt3A_347, %select_n3A_346, %select_n3A_327 : vector<256x128xi1>, vector<256x128xi32>
    %select_n3A_350 = arith.select %lt3A_347, %select_n3A_326, %select_n3A_345 : vector<256x128xi1>, vector<256x128xf32>
    %select_n3A_351 = arith.select %lt3A_347, %select_n3A_327, %select_n3A_346 : vector<256x128xi1>, vector<256x128xi32>
    %lt3A_352 = arith.cmpf olt, %select_n3A_350, %select_n3A_331 : vector<256x128xf32>
    %select_n3A_353 = arith.select %lt3A_352, %select_n3A_350, %select_n3A_331 : vector<256x128xi1>, vector<256x128xf32>
    %select_n3A_354 = arith.select %lt3A_352, %select_n3A_351, %select_n3A_332 : vector<256x128xi1>, vector<256x128xi32>
    %select_n3A_355 = arith.select %lt3A_352, %select_n3A_331, %select_n3A_350 : vector<256x128xi1>, vector<256x128xf32>
    %select_n3A_356 = arith.select %lt3A_352, %select_n3A_332, %select_n3A_351 : vector<256x128xi1>, vector<256x128xi32>
    %lt3A_357 = arith.cmpf olt, %select_n3A_355, %select_n3A_336 : vector<256x128xf32>
    %select_n3A_358 = arith.select %lt3A_357, %select_n3A_355, %select_n3A_336 : vector<256x128xi1>, vector<256x128xf32>
    %select_n3A_359 = arith.select %lt3A_357, %select_n3A_356, %select_n3A_337 : vector<256x128xi1>, vector<256x128xi32>
    %slice3A_360 = vector.extract_strided_slice %sub3A {offsets = [0, 1792], sizes = [256, 128], strides = [1, 1]} : vector<256x4096xf32> to vector<256x128xf32>
    %add3A_361 = arith.constant 1792 : i32
    %add3A_362 = vector.broadcast %add3A_361 : i32 to vector<256x128xi32>
    %add3A_363 = arith.addi %iota3A, %add3A_362 : vector<256x128xi32>
    %lt3A_364 = arith.cmpf olt, %slice3A_360, %select_n3A_343 : vector<256x128xf32>
    %select_n3A_365 = arith.select %lt3A_364, %slice3A_360, %select_n3A_343 : vector<256x128xi1>, vector<256x128xf32>
    %select_n3A_366 = arith.select %lt3A_364, %add3A_363, %select_n3A_344 : vector<256x128xi1>, vector<256x128xi32>
    %select_n3A_367 = arith.select %lt3A_364, %select_n3A_343, %slice3A_360 : vector<256x128xi1>, vector<256x128xf32>
    %select_n3A_368 = arith.select %lt3A_364, %select_n3A_344, %add3A_363 : vector<256x128xi1>, vector<256x128xi32>
    %lt3A_369 = arith.cmpf olt, %select_n3A_367, %select_n3A_348 : vector<256x128xf32>
    %select_n3A_370 = arith.select %lt3A_369, %select_n3A_367, %select_n3A_348 : vector<256x128xi1>, vector<256x128xf32>
    %select_n3A_371 = arith.select %lt3A_369, %select_n3A_368, %select_n3A_349 : vector<256x128xi1>, vector<256x128xi32>
    %select_n3A_372 = arith.select %lt3A_369, %select_n3A_348, %select_n3A_367 : vector<256x128xi1>, vector<256x128xf32>
    %select_n3A_373 = arith.select %lt3A_369, %select_n3A_349, %select_n3A_368 : vector<256x128xi1>, vector<256x128xi32>
    %lt3A_374 = arith.cmpf olt, %select_n3A_372, %select_n3A_353 : vector<256x128xf32>
    %select_n3A_375 = arith.select %lt3A_374, %select_n3A_372, %select_n3A_353 : vector<256x128xi1>, vector<256x128xf32>
    %select_n3A_376 = arith.select %lt3A_374, %select_n3A_373, %select_n3A_354 : vector<256x128xi1>, vector<256x128xi32>
    %select_n3A_377 = arith.select %lt3A_374, %select_n3A_353, %select_n3A_372 : vector<256x128xi1>, vector<256x128xf32>
    %select_n3A_378 = arith.select %lt3A_374, %select_n3A_354, %select_n3A_373 : vector<256x128xi1>, vector<256x128xi32>
    %lt3A_379 = arith.cmpf olt, %select_n3A_377, %select_n3A_358 : vector<256x128xf32>
    %select_n3A_380 = arith.select %lt3A_379, %select_n3A_377, %select_n3A_358 : vector<256x128xi1>, vector<256x128xf32>
    %select_n3A_381 = arith.select %lt3A_379, %select_n3A_378, %select_n3A_359 : vector<256x128xi1>, vector<256x128xi32>
    %slice3A_382 = vector.extract_strided_slice %sub3A {offsets = [0, 1920], sizes = [256, 128], strides = [1, 1]} : vector<256x4096xf32> to vector<256x128xf32>
    %add3A_383 = arith.constant 1920 : i32
    %add3A_384 = vector.broadcast %add3A_383 : i32 to vector<256x128xi32>
    %add3A_385 = arith.addi %iota3A, %add3A_384 : vector<256x128xi32>
    %lt3A_386 = arith.cmpf olt, %slice3A_382, %select_n3A_365 : vector<256x128xf32>
    %select_n3A_387 = arith.select %lt3A_386, %slice3A_382, %select_n3A_365 : vector<256x128xi1>, vector<256x128xf32>
    %select_n3A_388 = arith.select %lt3A_386, %add3A_385, %select_n3A_366 : vector<256x128xi1>, vector<256x128xi32>
    %select_n3A_389 = arith.select %lt3A_386, %select_n3A_365, %slice3A_382 : vector<256x128xi1>, vector<256x128xf32>
    %select_n3A_390 = arith.select %lt3A_386, %select_n3A_366, %add3A_385 : vector<256x128xi1>, vector<256x128xi32>
    %lt3A_391 = arith.cmpf olt, %select_n3A_389, %select_n3A_370 : vector<256x128xf32>
    %select_n3A_392 = arith.select %lt3A_391, %select_n3A_389, %select_n3A_370 : vector<256x128xi1>, vector<256x128xf32>
    %select_n3A_393 = arith.select %lt3A_391, %select_n3A_390, %select_n3A_371 : vector<256x128xi1>, vector<256x128xi32>
    %select_n3A_394 = arith.select %lt3A_391, %select_n3A_370, %select_n3A_389 : vector<256x128xi1>, vector<256x128xf32>
    %select_n3A_395 = arith.select %lt3A_391, %select_n3A_371, %select_n3A_390 : vector<256x128xi1>, vector<256x128xi32>
    %lt3A_396 = arith.cmpf olt, %select_n3A_394, %select_n3A_375 : vector<256x128xf32>
    %select_n3A_397 = arith.select %lt3A_396, %select_n3A_394, %select_n3A_375 : vector<256x128xi1>, vector<256x128xf32>
    %select_n3A_398 = arith.select %lt3A_396, %select_n3A_395, %select_n3A_376 : vector<256x128xi1>, vector<256x128xi32>
    %select_n3A_399 = arith.select %lt3A_396, %select_n3A_375, %select_n3A_394 : vector<256x128xi1>, vector<256x128xf32>
    %select_n3A_400 = arith.select %lt3A_396, %select_n3A_376, %select_n3A_395 : vector<256x128xi1>, vector<256x128xi32>
    %lt3A_401 = arith.cmpf olt, %select_n3A_399, %select_n3A_380 : vector<256x128xf32>
    %select_n3A_402 = arith.select %lt3A_401, %select_n3A_399, %select_n3A_380 : vector<256x128xi1>, vector<256x128xf32>
    %select_n3A_403 = arith.select %lt3A_401, %select_n3A_400, %select_n3A_381 : vector<256x128xi1>, vector<256x128xi32>
    %slice3A_404 = vector.extract_strided_slice %sub3A {offsets = [0, 2048], sizes = [256, 128], strides = [1, 1]} : vector<256x4096xf32> to vector<256x128xf32>
    %add3A_405 = arith.constant 2048 : i32
    %add3A_406 = vector.broadcast %add3A_405 : i32 to vector<256x128xi32>
    %add3A_407 = arith.addi %iota3A, %add3A_406 : vector<256x128xi32>
    %lt3A_408 = arith.cmpf olt, %slice3A_404, %select_n3A_387 : vector<256x128xf32>
    %select_n3A_409 = arith.select %lt3A_408, %slice3A_404, %select_n3A_387 : vector<256x128xi1>, vector<256x128xf32>
    %select_n3A_410 = arith.select %lt3A_408, %add3A_407, %select_n3A_388 : vector<256x128xi1>, vector<256x128xi32>
    %select_n3A_411 = arith.select %lt3A_408, %select_n3A_387, %slice3A_404 : vector<256x128xi1>, vector<256x128xf32>
    %select_n3A_412 = arith.select %lt3A_408, %select_n3A_388, %add3A_407 : vector<256x128xi1>, vector<256x128xi32>
    %lt3A_413 = arith.cmpf olt, %select_n3A_411, %select_n3A_392 : vector<256x128xf32>
    %select_n3A_414 = arith.select %lt3A_413, %select_n3A_411, %select_n3A_392 : vector<256x128xi1>, vector<256x128xf32>
    %select_n3A_415 = arith.select %lt3A_413, %select_n3A_412, %select_n3A_393 : vector<256x128xi1>, vector<256x128xi32>
    %select_n3A_416 = arith.select %lt3A_413, %select_n3A_392, %select_n3A_411 : vector<256x128xi1>, vector<256x128xf32>
    %select_n3A_417 = arith.select %lt3A_413, %select_n3A_393, %select_n3A_412 : vector<256x128xi1>, vector<256x128xi32>
    %lt3A_418 = arith.cmpf olt, %select_n3A_416, %select_n3A_397 : vector<256x128xf32>
    %select_n3A_419 = arith.select %lt3A_418, %select_n3A_416, %select_n3A_397 : vector<256x128xi1>, vector<256x128xf32>
    %select_n3A_420 = arith.select %lt3A_418, %select_n3A_417, %select_n3A_398 : vector<256x128xi1>, vector<256x128xi32>
    %select_n3A_421 = arith.select %lt3A_418, %select_n3A_397, %select_n3A_416 : vector<256x128xi1>, vector<256x128xf32>
    %select_n3A_422 = arith.select %lt3A_418, %select_n3A_398, %select_n3A_417 : vector<256x128xi1>, vector<256x128xi32>
    %lt3A_423 = arith.cmpf olt, %select_n3A_421, %select_n3A_402 : vector<256x128xf32>
    %select_n3A_424 = arith.select %lt3A_423, %select_n3A_421, %select_n3A_402 : vector<256x128xi1>, vector<256x128xf32>
    %select_n3A_425 = arith.select %lt3A_423, %select_n3A_422, %select_n3A_403 : vector<256x128xi1>, vector<256x128xi32>
    %slice3A_426 = vector.extract_strided_slice %sub3A {offsets = [0, 2176], sizes = [256, 128], strides = [1, 1]} : vector<256x4096xf32> to vector<256x128xf32>
    %add3A_427 = arith.constant 2176 : i32
    %add3A_428 = vector.broadcast %add3A_427 : i32 to vector<256x128xi32>
    %add3A_429 = arith.addi %iota3A, %add3A_428 : vector<256x128xi32>
    %lt3A_430 = arith.cmpf olt, %slice3A_426, %select_n3A_409 : vector<256x128xf32>
    %select_n3A_431 = arith.select %lt3A_430, %slice3A_426, %select_n3A_409 : vector<256x128xi1>, vector<256x128xf32>
    %select_n3A_432 = arith.select %lt3A_430, %add3A_429, %select_n3A_410 : vector<256x128xi1>, vector<256x128xi32>
    %select_n3A_433 = arith.select %lt3A_430, %select_n3A_409, %slice3A_426 : vector<256x128xi1>, vector<256x128xf32>
    %select_n3A_434 = arith.select %lt3A_430, %select_n3A_410, %add3A_429 : vector<256x128xi1>, vector<256x128xi32>
    %lt3A_435 = arith.cmpf olt, %select_n3A_433, %select_n3A_414 : vector<256x128xf32>
    %select_n3A_436 = arith.select %lt3A_435, %select_n3A_433, %select_n3A_414 : vector<256x128xi1>, vector<256x128xf32>
    %select_n3A_437 = arith.select %lt3A_435, %select_n3A_434, %select_n3A_415 : vector<256x128xi1>, vector<256x128xi32>
    %select_n3A_438 = arith.select %lt3A_435, %select_n3A_414, %select_n3A_433 : vector<256x128xi1>, vector<256x128xf32>
    %select_n3A_439 = arith.select %lt3A_435, %select_n3A_415, %select_n3A_434 : vector<256x128xi1>, vector<256x128xi32>
    %lt3A_440 = arith.cmpf olt, %select_n3A_438, %select_n3A_419 : vector<256x128xf32>
    %select_n3A_441 = arith.select %lt3A_440, %select_n3A_438, %select_n3A_419 : vector<256x128xi1>, vector<256x128xf32>
    %select_n3A_442 = arith.select %lt3A_440, %select_n3A_439, %select_n3A_420 : vector<256x128xi1>, vector<256x128xi32>
    %select_n3A_443 = arith.select %lt3A_440, %select_n3A_419, %select_n3A_438 : vector<256x128xi1>, vector<256x128xf32>
    %select_n3A_444 = arith.select %lt3A_440, %select_n3A_420, %select_n3A_439 : vector<256x128xi1>, vector<256x128xi32>
    %lt3A_445 = arith.cmpf olt, %select_n3A_443, %select_n3A_424 : vector<256x128xf32>
    %select_n3A_446 = arith.select %lt3A_445, %select_n3A_443, %select_n3A_424 : vector<256x128xi1>, vector<256x128xf32>
    %select_n3A_447 = arith.select %lt3A_445, %select_n3A_444, %select_n3A_425 : vector<256x128xi1>, vector<256x128xi32>
    %slice3A_448 = vector.extract_strided_slice %sub3A {offsets = [0, 2304], sizes = [256, 128], strides = [1, 1]} : vector<256x4096xf32> to vector<256x128xf32>
    %add3A_449 = arith.constant 2304 : i32
    %add3A_450 = vector.broadcast %add3A_449 : i32 to vector<256x128xi32>
    %add3A_451 = arith.addi %iota3A, %add3A_450 : vector<256x128xi32>
    %lt3A_452 = arith.cmpf olt, %slice3A_448, %select_n3A_431 : vector<256x128xf32>
    %select_n3A_453 = arith.select %lt3A_452, %slice3A_448, %select_n3A_431 : vector<256x128xi1>, vector<256x128xf32>
    %select_n3A_454 = arith.select %lt3A_452, %add3A_451, %select_n3A_432 : vector<256x128xi1>, vector<256x128xi32>
    %select_n3A_455 = arith.select %lt3A_452, %select_n3A_431, %slice3A_448 : vector<256x128xi1>, vector<256x128xf32>
    %select_n3A_456 = arith.select %lt3A_452, %select_n3A_432, %add3A_451 : vector<256x128xi1>, vector<256x128xi32>
    %lt3A_457 = arith.cmpf olt, %select_n3A_455, %select_n3A_436 : vector<256x128xf32>
    %select_n3A_458 = arith.select %lt3A_457, %select_n3A_455, %select_n3A_436 : vector<256x128xi1>, vector<256x128xf32>
    %select_n3A_459 = arith.select %lt3A_457, %select_n3A_456, %select_n3A_437 : vector<256x128xi1>, vector<256x128xi32>
    %select_n3A_460 = arith.select %lt3A_457, %select_n3A_436, %select_n3A_455 : vector<256x128xi1>, vector<256x128xf32>
    %select_n3A_461 = arith.select %lt3A_457, %select_n3A_437, %select_n3A_456 : vector<256x128xi1>, vector<256x128xi32>
    %lt3A_462 = arith.cmpf olt, %select_n3A_460, %select_n3A_441 : vector<256x128xf32>
    %select_n3A_463 = arith.select %lt3A_462, %select_n3A_460, %select_n3A_441 : vector<256x128xi1>, vector<256x128xf32>
    %select_n3A_464 = arith.select %lt3A_462, %select_n3A_461, %select_n3A_442 : vector<256x128xi1>, vector<256x128xi32>
    %select_n3A_465 = arith.select %lt3A_462, %select_n3A_441, %select_n3A_460 : vector<256x128xi1>, vector<256x128xf32>
    %select_n3A_466 = arith.select %lt3A_462, %select_n3A_442, %select_n3A_461 : vector<256x128xi1>, vector<256x128xi32>
    %lt3A_467 = arith.cmpf olt, %select_n3A_465, %select_n3A_446 : vector<256x128xf32>
    %select_n3A_468 = arith.select %lt3A_467, %select_n3A_465, %select_n3A_446 : vector<256x128xi1>, vector<256x128xf32>
    %select_n3A_469 = arith.select %lt3A_467, %select_n3A_466, %select_n3A_447 : vector<256x128xi1>, vector<256x128xi32>
    %slice3A_470 = vector.extract_strided_slice %sub3A {offsets = [0, 2432], sizes = [256, 128], strides = [1, 1]} : vector<256x4096xf32> to vector<256x128xf32>
    %add3A_471 = arith.constant 2432 : i32
    %add3A_472 = vector.broadcast %add3A_471 : i32 to vector<256x128xi32>
    %add3A_473 = arith.addi %iota3A, %add3A_472 : vector<256x128xi32>
    %lt3A_474 = arith.cmpf olt, %slice3A_470, %select_n3A_453 : vector<256x128xf32>
    %select_n3A_475 = arith.select %lt3A_474, %slice3A_470, %select_n3A_453 : vector<256x128xi1>, vector<256x128xf32>
    %select_n3A_476 = arith.select %lt3A_474, %add3A_473, %select_n3A_454 : vector<256x128xi1>, vector<256x128xi32>
    %select_n3A_477 = arith.select %lt3A_474, %select_n3A_453, %slice3A_470 : vector<256x128xi1>, vector<256x128xf32>
    %select_n3A_478 = arith.select %lt3A_474, %select_n3A_454, %add3A_473 : vector<256x128xi1>, vector<256x128xi32>
    %lt3A_479 = arith.cmpf olt, %select_n3A_477, %select_n3A_458 : vector<256x128xf32>
    %select_n3A_480 = arith.select %lt3A_479, %select_n3A_477, %select_n3A_458 : vector<256x128xi1>, vector<256x128xf32>
    %select_n3A_481 = arith.select %lt3A_479, %select_n3A_478, %select_n3A_459 : vector<256x128xi1>, vector<256x128xi32>
    %select_n3A_482 = arith.select %lt3A_479, %select_n3A_458, %select_n3A_477 : vector<256x128xi1>, vector<256x128xf32>
    %select_n3A_483 = arith.select %lt3A_479, %select_n3A_459, %select_n3A_478 : vector<256x128xi1>, vector<256x128xi32>
    %lt3A_484 = arith.cmpf olt, %select_n3A_482, %select_n3A_463 : vector<256x128xf32>
    %select_n3A_485 = arith.select %lt3A_484, %select_n3A_482, %select_n3A_463 : vector<256x128xi1>, vector<256x128xf32>
    %select_n3A_486 = arith.select %lt3A_484, %select_n3A_483, %select_n3A_464 : vector<256x128xi1>, vector<256x128xi32>
    %select_n3A_487 = arith.select %lt3A_484, %select_n3A_463, %select_n3A_482 : vector<256x128xi1>, vector<256x128xf32>
    %select_n3A_488 = arith.select %lt3A_484, %select_n3A_464, %select_n3A_483 : vector<256x128xi1>, vector<256x128xi32>
    %lt3A_489 = arith.cmpf olt, %select_n3A_487, %select_n3A_468 : vector<256x128xf32>
    %select_n3A_490 = arith.select %lt3A_489, %select_n3A_487, %select_n3A_468 : vector<256x128xi1>, vector<256x128xf32>
    %select_n3A_491 = arith.select %lt3A_489, %select_n3A_488, %select_n3A_469 : vector<256x128xi1>, vector<256x128xi32>
    %slice3A_492 = vector.extract_strided_slice %sub3A {offsets = [0, 2560], sizes = [256, 128], strides = [1, 1]} : vector<256x4096xf32> to vector<256x128xf32>
    %add3A_493 = arith.constant 2560 : i32
    %add3A_494 = vector.broadcast %add3A_493 : i32 to vector<256x128xi32>
    %add3A_495 = arith.addi %iota3A, %add3A_494 : vector<256x128xi32>
    %lt3A_496 = arith.cmpf olt, %slice3A_492, %select_n3A_475 : vector<256x128xf32>
    %select_n3A_497 = arith.select %lt3A_496, %slice3A_492, %select_n3A_475 : vector<256x128xi1>, vector<256x128xf32>
    %select_n3A_498 = arith.select %lt3A_496, %add3A_495, %select_n3A_476 : vector<256x128xi1>, vector<256x128xi32>
    %select_n3A_499 = arith.select %lt3A_496, %select_n3A_475, %slice3A_492 : vector<256x128xi1>, vector<256x128xf32>
    %select_n3A_500 = arith.select %lt3A_496, %select_n3A_476, %add3A_495 : vector<256x128xi1>, vector<256x128xi32>
    %lt3A_501 = arith.cmpf olt, %select_n3A_499, %select_n3A_480 : vector<256x128xf32>
    %select_n3A_502 = arith.select %lt3A_501, %select_n3A_499, %select_n3A_480 : vector<256x128xi1>, vector<256x128xf32>
    %select_n3A_503 = arith.select %lt3A_501, %select_n3A_500, %select_n3A_481 : vector<256x128xi1>, vector<256x128xi32>
    %select_n3A_504 = arith.select %lt3A_501, %select_n3A_480, %select_n3A_499 : vector<256x128xi1>, vector<256x128xf32>
    %select_n3A_505 = arith.select %lt3A_501, %select_n3A_481, %select_n3A_500 : vector<256x128xi1>, vector<256x128xi32>
    %lt3A_506 = arith.cmpf olt, %select_n3A_504, %select_n3A_485 : vector<256x128xf32>
    %select_n3A_507 = arith.select %lt3A_506, %select_n3A_504, %select_n3A_485 : vector<256x128xi1>, vector<256x128xf32>
    %select_n3A_508 = arith.select %lt3A_506, %select_n3A_505, %select_n3A_486 : vector<256x128xi1>, vector<256x128xi32>
    %select_n3A_509 = arith.select %lt3A_506, %select_n3A_485, %select_n3A_504 : vector<256x128xi1>, vector<256x128xf32>
    %select_n3A_510 = arith.select %lt3A_506, %select_n3A_486, %select_n3A_505 : vector<256x128xi1>, vector<256x128xi32>
    %lt3A_511 = arith.cmpf olt, %select_n3A_509, %select_n3A_490 : vector<256x128xf32>
    %select_n3A_512 = arith.select %lt3A_511, %select_n3A_509, %select_n3A_490 : vector<256x128xi1>, vector<256x128xf32>
    %select_n3A_513 = arith.select %lt3A_511, %select_n3A_510, %select_n3A_491 : vector<256x128xi1>, vector<256x128xi32>
    %slice3A_514 = vector.extract_strided_slice %sub3A {offsets = [0, 2688], sizes = [256, 128], strides = [1, 1]} : vector<256x4096xf32> to vector<256x128xf32>
    %add3A_515 = arith.constant 2688 : i32
    %add3A_516 = vector.broadcast %add3A_515 : i32 to vector<256x128xi32>
    %add3A_517 = arith.addi %iota3A, %add3A_516 : vector<256x128xi32>
    %lt3A_518 = arith.cmpf olt, %slice3A_514, %select_n3A_497 : vector<256x128xf32>
    %select_n3A_519 = arith.select %lt3A_518, %slice3A_514, %select_n3A_497 : vector<256x128xi1>, vector<256x128xf32>
    %select_n3A_520 = arith.select %lt3A_518, %add3A_517, %select_n3A_498 : vector<256x128xi1>, vector<256x128xi32>
    %select_n3A_521 = arith.select %lt3A_518, %select_n3A_497, %slice3A_514 : vector<256x128xi1>, vector<256x128xf32>
    %select_n3A_522 = arith.select %lt3A_518, %select_n3A_498, %add3A_517 : vector<256x128xi1>, vector<256x128xi32>
    %lt3A_523 = arith.cmpf olt, %select_n3A_521, %select_n3A_502 : vector<256x128xf32>
    %select_n3A_524 = arith.select %lt3A_523, %select_n3A_521, %select_n3A_502 : vector<256x128xi1>, vector<256x128xf32>
    %select_n3A_525 = arith.select %lt3A_523, %select_n3A_522, %select_n3A_503 : vector<256x128xi1>, vector<256x128xi32>
    %select_n3A_526 = arith.select %lt3A_523, %select_n3A_502, %select_n3A_521 : vector<256x128xi1>, vector<256x128xf32>
    %select_n3A_527 = arith.select %lt3A_523, %select_n3A_503, %select_n3A_522 : vector<256x128xi1>, vector<256x128xi32>
    %lt3A_528 = arith.cmpf olt, %select_n3A_526, %select_n3A_507 : vector<256x128xf32>
    %select_n3A_529 = arith.select %lt3A_528, %select_n3A_526, %select_n3A_507 : vector<256x128xi1>, vector<256x128xf32>
    %select_n3A_530 = arith.select %lt3A_528, %select_n3A_527, %select_n3A_508 : vector<256x128xi1>, vector<256x128xi32>
    %select_n3A_531 = arith.select %lt3A_528, %select_n3A_507, %select_n3A_526 : vector<256x128xi1>, vector<256x128xf32>
    %select_n3A_532 = arith.select %lt3A_528, %select_n3A_508, %select_n3A_527 : vector<256x128xi1>, vector<256x128xi32>
    %lt3A_533 = arith.cmpf olt, %select_n3A_531, %select_n3A_512 : vector<256x128xf32>
    %select_n3A_534 = arith.select %lt3A_533, %select_n3A_531, %select_n3A_512 : vector<256x128xi1>, vector<256x128xf32>
    %select_n3A_535 = arith.select %lt3A_533, %select_n3A_532, %select_n3A_513 : vector<256x128xi1>, vector<256x128xi32>
    %slice3A_536 = vector.extract_strided_slice %sub3A {offsets = [0, 2816], sizes = [256, 128], strides = [1, 1]} : vector<256x4096xf32> to vector<256x128xf32>
    %add3A_537 = arith.constant 2816 : i32
    %add3A_538 = vector.broadcast %add3A_537 : i32 to vector<256x128xi32>
    %add3A_539 = arith.addi %iota3A, %add3A_538 : vector<256x128xi32>
    %lt3A_540 = arith.cmpf olt, %slice3A_536, %select_n3A_519 : vector<256x128xf32>
    %select_n3A_541 = arith.select %lt3A_540, %slice3A_536, %select_n3A_519 : vector<256x128xi1>, vector<256x128xf32>
    %select_n3A_542 = arith.select %lt3A_540, %add3A_539, %select_n3A_520 : vector<256x128xi1>, vector<256x128xi32>
    %select_n3A_543 = arith.select %lt3A_540, %select_n3A_519, %slice3A_536 : vector<256x128xi1>, vector<256x128xf32>
    %select_n3A_544 = arith.select %lt3A_540, %select_n3A_520, %add3A_539 : vector<256x128xi1>, vector<256x128xi32>
    %lt3A_545 = arith.cmpf olt, %select_n3A_543, %select_n3A_524 : vector<256x128xf32>
    %select_n3A_546 = arith.select %lt3A_545, %select_n3A_543, %select_n3A_524 : vector<256x128xi1>, vector<256x128xf32>
    %select_n3A_547 = arith.select %lt3A_545, %select_n3A_544, %select_n3A_525 : vector<256x128xi1>, vector<256x128xi32>
    %select_n3A_548 = arith.select %lt3A_545, %select_n3A_524, %select_n3A_543 : vector<256x128xi1>, vector<256x128xf32>
    %select_n3A_549 = arith.select %lt3A_545, %select_n3A_525, %select_n3A_544 : vector<256x128xi1>, vector<256x128xi32>
    %lt3A_550 = arith.cmpf olt, %select_n3A_548, %select_n3A_529 : vector<256x128xf32>
    %select_n3A_551 = arith.select %lt3A_550, %select_n3A_548, %select_n3A_529 : vector<256x128xi1>, vector<256x128xf32>
    %select_n3A_552 = arith.select %lt3A_550, %select_n3A_549, %select_n3A_530 : vector<256x128xi1>, vector<256x128xi32>
    %select_n3A_553 = arith.select %lt3A_550, %select_n3A_529, %select_n3A_548 : vector<256x128xi1>, vector<256x128xf32>
    %select_n3A_554 = arith.select %lt3A_550, %select_n3A_530, %select_n3A_549 : vector<256x128xi1>, vector<256x128xi32>
    %lt3A_555 = arith.cmpf olt, %select_n3A_553, %select_n3A_534 : vector<256x128xf32>
    %select_n3A_556 = arith.select %lt3A_555, %select_n3A_553, %select_n3A_534 : vector<256x128xi1>, vector<256x128xf32>
    %select_n3A_557 = arith.select %lt3A_555, %select_n3A_554, %select_n3A_535 : vector<256x128xi1>, vector<256x128xi32>
    %slice3A_558 = vector.extract_strided_slice %sub3A {offsets = [0, 2944], sizes = [256, 128], strides = [1, 1]} : vector<256x4096xf32> to vector<256x128xf32>
    %add3A_559 = arith.constant 2944 : i32
    %add3A_560 = vector.broadcast %add3A_559 : i32 to vector<256x128xi32>
    %add3A_561 = arith.addi %iota3A, %add3A_560 : vector<256x128xi32>
    %lt3A_562 = arith.cmpf olt, %slice3A_558, %select_n3A_541 : vector<256x128xf32>
    %select_n3A_563 = arith.select %lt3A_562, %slice3A_558, %select_n3A_541 : vector<256x128xi1>, vector<256x128xf32>
    %select_n3A_564 = arith.select %lt3A_562, %add3A_561, %select_n3A_542 : vector<256x128xi1>, vector<256x128xi32>
    %select_n3A_565 = arith.select %lt3A_562, %select_n3A_541, %slice3A_558 : vector<256x128xi1>, vector<256x128xf32>
    %select_n3A_566 = arith.select %lt3A_562, %select_n3A_542, %add3A_561 : vector<256x128xi1>, vector<256x128xi32>
    %lt3A_567 = arith.cmpf olt, %select_n3A_565, %select_n3A_546 : vector<256x128xf32>
    %select_n3A_568 = arith.select %lt3A_567, %select_n3A_565, %select_n3A_546 : vector<256x128xi1>, vector<256x128xf32>
    %select_n3A_569 = arith.select %lt3A_567, %select_n3A_566, %select_n3A_547 : vector<256x128xi1>, vector<256x128xi32>
    %select_n3A_570 = arith.select %lt3A_567, %select_n3A_546, %select_n3A_565 : vector<256x128xi1>, vector<256x128xf32>
    %select_n3A_571 = arith.select %lt3A_567, %select_n3A_547, %select_n3A_566 : vector<256x128xi1>, vector<256x128xi32>
    %lt3A_572 = arith.cmpf olt, %select_n3A_570, %select_n3A_551 : vector<256x128xf32>
    %select_n3A_573 = arith.select %lt3A_572, %select_n3A_570, %select_n3A_551 : vector<256x128xi1>, vector<256x128xf32>
    %select_n3A_574 = arith.select %lt3A_572, %select_n3A_571, %select_n3A_552 : vector<256x128xi1>, vector<256x128xi32>
    %select_n3A_575 = arith.select %lt3A_572, %select_n3A_551, %select_n3A_570 : vector<256x128xi1>, vector<256x128xf32>
    %select_n3A_576 = arith.select %lt3A_572, %select_n3A_552, %select_n3A_571 : vector<256x128xi1>, vector<256x128xi32>
    %lt3A_577 = arith.cmpf olt, %select_n3A_575, %select_n3A_556 : vector<256x128xf32>
    %select_n3A_578 = arith.select %lt3A_577, %select_n3A_575, %select_n3A_556 : vector<256x128xi1>, vector<256x128xf32>
    %select_n3A_579 = arith.select %lt3A_577, %select_n3A_576, %select_n3A_557 : vector<256x128xi1>, vector<256x128xi32>
    %slice3A_580 = vector.extract_strided_slice %sub3A {offsets = [0, 3072], sizes = [256, 128], strides = [1, 1]} : vector<256x4096xf32> to vector<256x128xf32>
    %add3A_581 = arith.constant 3072 : i32
    %add3A_582 = vector.broadcast %add3A_581 : i32 to vector<256x128xi32>
    %add3A_583 = arith.addi %iota3A, %add3A_582 : vector<256x128xi32>
    %lt3A_584 = arith.cmpf olt, %slice3A_580, %select_n3A_563 : vector<256x128xf32>
    %select_n3A_585 = arith.select %lt3A_584, %slice3A_580, %select_n3A_563 : vector<256x128xi1>, vector<256x128xf32>
    %select_n3A_586 = arith.select %lt3A_584, %add3A_583, %select_n3A_564 : vector<256x128xi1>, vector<256x128xi32>
    %select_n3A_587 = arith.select %lt3A_584, %select_n3A_563, %slice3A_580 : vector<256x128xi1>, vector<256x128xf32>
    %select_n3A_588 = arith.select %lt3A_584, %select_n3A_564, %add3A_583 : vector<256x128xi1>, vector<256x128xi32>
    %lt3A_589 = arith.cmpf olt, %select_n3A_587, %select_n3A_568 : vector<256x128xf32>
    %select_n3A_590 = arith.select %lt3A_589, %select_n3A_587, %select_n3A_568 : vector<256x128xi1>, vector<256x128xf32>
    %select_n3A_591 = arith.select %lt3A_589, %select_n3A_588, %select_n3A_569 : vector<256x128xi1>, vector<256x128xi32>
    %select_n3A_592 = arith.select %lt3A_589, %select_n3A_568, %select_n3A_587 : vector<256x128xi1>, vector<256x128xf32>
    %select_n3A_593 = arith.select %lt3A_589, %select_n3A_569, %select_n3A_588 : vector<256x128xi1>, vector<256x128xi32>
    %lt3A_594 = arith.cmpf olt, %select_n3A_592, %select_n3A_573 : vector<256x128xf32>
    %select_n3A_595 = arith.select %lt3A_594, %select_n3A_592, %select_n3A_573 : vector<256x128xi1>, vector<256x128xf32>
    %select_n3A_596 = arith.select %lt3A_594, %select_n3A_593, %select_n3A_574 : vector<256x128xi1>, vector<256x128xi32>
    %select_n3A_597 = arith.select %lt3A_594, %select_n3A_573, %select_n3A_592 : vector<256x128xi1>, vector<256x128xf32>
    %select_n3A_598 = arith.select %lt3A_594, %select_n3A_574, %select_n3A_593 : vector<256x128xi1>, vector<256x128xi32>
    %lt3A_599 = arith.cmpf olt, %select_n3A_597, %select_n3A_578 : vector<256x128xf32>
    %select_n3A_600 = arith.select %lt3A_599, %select_n3A_597, %select_n3A_578 : vector<256x128xi1>, vector<256x128xf32>
    %select_n3A_601 = arith.select %lt3A_599, %select_n3A_598, %select_n3A_579 : vector<256x128xi1>, vector<256x128xi32>
    %slice3A_602 = vector.extract_strided_slice %sub3A {offsets = [0, 3200], sizes = [256, 128], strides = [1, 1]} : vector<256x4096xf32> to vector<256x128xf32>
    %add3A_603 = arith.constant 3200 : i32
    %add3A_604 = vector.broadcast %add3A_603 : i32 to vector<256x128xi32>
    %add3A_605 = arith.addi %iota3A, %add3A_604 : vector<256x128xi32>
    %lt3A_606 = arith.cmpf olt, %slice3A_602, %select_n3A_585 : vector<256x128xf32>
    %select_n3A_607 = arith.select %lt3A_606, %slice3A_602, %select_n3A_585 : vector<256x128xi1>, vector<256x128xf32>
    %select_n3A_608 = arith.select %lt3A_606, %add3A_605, %select_n3A_586 : vector<256x128xi1>, vector<256x128xi32>
    %select_n3A_609 = arith.select %lt3A_606, %select_n3A_585, %slice3A_602 : vector<256x128xi1>, vector<256x128xf32>
    %select_n3A_610 = arith.select %lt3A_606, %select_n3A_586, %add3A_605 : vector<256x128xi1>, vector<256x128xi32>
    %lt3A_611 = arith.cmpf olt, %select_n3A_609, %select_n3A_590 : vector<256x128xf32>
    %select_n3A_612 = arith.select %lt3A_611, %select_n3A_609, %select_n3A_590 : vector<256x128xi1>, vector<256x128xf32>
    %select_n3A_613 = arith.select %lt3A_611, %select_n3A_610, %select_n3A_591 : vector<256x128xi1>, vector<256x128xi32>
    %select_n3A_614 = arith.select %lt3A_611, %select_n3A_590, %select_n3A_609 : vector<256x128xi1>, vector<256x128xf32>
    %select_n3A_615 = arith.select %lt3A_611, %select_n3A_591, %select_n3A_610 : vector<256x128xi1>, vector<256x128xi32>
    %lt3A_616 = arith.cmpf olt, %select_n3A_614, %select_n3A_595 : vector<256x128xf32>
    %select_n3A_617 = arith.select %lt3A_616, %select_n3A_614, %select_n3A_595 : vector<256x128xi1>, vector<256x128xf32>
    %select_n3A_618 = arith.select %lt3A_616, %select_n3A_615, %select_n3A_596 : vector<256x128xi1>, vector<256x128xi32>
    %select_n3A_619 = arith.select %lt3A_616, %select_n3A_595, %select_n3A_614 : vector<256x128xi1>, vector<256x128xf32>
    %select_n3A_620 = arith.select %lt3A_616, %select_n3A_596, %select_n3A_615 : vector<256x128xi1>, vector<256x128xi32>
    %lt3A_621 = arith.cmpf olt, %select_n3A_619, %select_n3A_600 : vector<256x128xf32>
    %select_n3A_622 = arith.select %lt3A_621, %select_n3A_619, %select_n3A_600 : vector<256x128xi1>, vector<256x128xf32>
    %select_n3A_623 = arith.select %lt3A_621, %select_n3A_620, %select_n3A_601 : vector<256x128xi1>, vector<256x128xi32>
    %slice3A_624 = vector.extract_strided_slice %sub3A {offsets = [0, 3328], sizes = [256, 128], strides = [1, 1]} : vector<256x4096xf32> to vector<256x128xf32>
    %add3A_625 = arith.constant 3328 : i32
    %add3A_626 = vector.broadcast %add3A_625 : i32 to vector<256x128xi32>
    %add3A_627 = arith.addi %iota3A, %add3A_626 : vector<256x128xi32>
    %lt3A_628 = arith.cmpf olt, %slice3A_624, %select_n3A_607 : vector<256x128xf32>
    %select_n3A_629 = arith.select %lt3A_628, %slice3A_624, %select_n3A_607 : vector<256x128xi1>, vector<256x128xf32>
    %select_n3A_630 = arith.select %lt3A_628, %add3A_627, %select_n3A_608 : vector<256x128xi1>, vector<256x128xi32>
    %select_n3A_631 = arith.select %lt3A_628, %select_n3A_607, %slice3A_624 : vector<256x128xi1>, vector<256x128xf32>
    %select_n3A_632 = arith.select %lt3A_628, %select_n3A_608, %add3A_627 : vector<256x128xi1>, vector<256x128xi32>
    %lt3A_633 = arith.cmpf olt, %select_n3A_631, %select_n3A_612 : vector<256x128xf32>
    %select_n3A_634 = arith.select %lt3A_633, %select_n3A_631, %select_n3A_612 : vector<256x128xi1>, vector<256x128xf32>
    %select_n3A_635 = arith.select %lt3A_633, %select_n3A_632, %select_n3A_613 : vector<256x128xi1>, vector<256x128xi32>
    %select_n3A_636 = arith.select %lt3A_633, %select_n3A_612, %select_n3A_631 : vector<256x128xi1>, vector<256x128xf32>
    %select_n3A_637 = arith.select %lt3A_633, %select_n3A_613, %select_n3A_632 : vector<256x128xi1>, vector<256x128xi32>
    %lt3A_638 = arith.cmpf olt, %select_n3A_636, %select_n3A_617 : vector<256x128xf32>
    %select_n3A_639 = arith.select %lt3A_638, %select_n3A_636, %select_n3A_617 : vector<256x128xi1>, vector<256x128xf32>
    %select_n3A_640 = arith.select %lt3A_638, %select_n3A_637, %select_n3A_618 : vector<256x128xi1>, vector<256x128xi32>
    %select_n3A_641 = arith.select %lt3A_638, %select_n3A_617, %select_n3A_636 : vector<256x128xi1>, vector<256x128xf32>
    %select_n3A_642 = arith.select %lt3A_638, %select_n3A_618, %select_n3A_637 : vector<256x128xi1>, vector<256x128xi32>
    %lt3A_643 = arith.cmpf olt, %select_n3A_641, %select_n3A_622 : vector<256x128xf32>
    %select_n3A_644 = arith.select %lt3A_643, %select_n3A_641, %select_n3A_622 : vector<256x128xi1>, vector<256x128xf32>
    %select_n3A_645 = arith.select %lt3A_643, %select_n3A_642, %select_n3A_623 : vector<256x128xi1>, vector<256x128xi32>
    %slice3A_646 = vector.extract_strided_slice %sub3A {offsets = [0, 3456], sizes = [256, 128], strides = [1, 1]} : vector<256x4096xf32> to vector<256x128xf32>
    %add3A_647 = arith.constant 3456 : i32
    %add3A_648 = vector.broadcast %add3A_647 : i32 to vector<256x128xi32>
    %add3A_649 = arith.addi %iota3A, %add3A_648 : vector<256x128xi32>
    %lt3A_650 = arith.cmpf olt, %slice3A_646, %select_n3A_629 : vector<256x128xf32>
    %select_n3A_651 = arith.select %lt3A_650, %slice3A_646, %select_n3A_629 : vector<256x128xi1>, vector<256x128xf32>
    %select_n3A_652 = arith.select %lt3A_650, %add3A_649, %select_n3A_630 : vector<256x128xi1>, vector<256x128xi32>
    %select_n3A_653 = arith.select %lt3A_650, %select_n3A_629, %slice3A_646 : vector<256x128xi1>, vector<256x128xf32>
    %select_n3A_654 = arith.select %lt3A_650, %select_n3A_630, %add3A_649 : vector<256x128xi1>, vector<256x128xi32>
    %lt3A_655 = arith.cmpf olt, %select_n3A_653, %select_n3A_634 : vector<256x128xf32>
    %select_n3A_656 = arith.select %lt3A_655, %select_n3A_653, %select_n3A_634 : vector<256x128xi1>, vector<256x128xf32>
    %select_n3A_657 = arith.select %lt3A_655, %select_n3A_654, %select_n3A_635 : vector<256x128xi1>, vector<256x128xi32>
    %select_n3A_658 = arith.select %lt3A_655, %select_n3A_634, %select_n3A_653 : vector<256x128xi1>, vector<256x128xf32>
    %select_n3A_659 = arith.select %lt3A_655, %select_n3A_635, %select_n3A_654 : vector<256x128xi1>, vector<256x128xi32>
    %lt3A_660 = arith.cmpf olt, %select_n3A_658, %select_n3A_639 : vector<256x128xf32>
    %select_n3A_661 = arith.select %lt3A_660, %select_n3A_658, %select_n3A_639 : vector<256x128xi1>, vector<256x128xf32>
    %select_n3A_662 = arith.select %lt3A_660, %select_n3A_659, %select_n3A_640 : vector<256x128xi1>, vector<256x128xi32>
    %select_n3A_663 = arith.select %lt3A_660, %select_n3A_639, %select_n3A_658 : vector<256x128xi1>, vector<256x128xf32>
    %select_n3A_664 = arith.select %lt3A_660, %select_n3A_640, %select_n3A_659 : vector<256x128xi1>, vector<256x128xi32>
    %lt3A_665 = arith.cmpf olt, %select_n3A_663, %select_n3A_644 : vector<256x128xf32>
    %select_n3A_666 = arith.select %lt3A_665, %select_n3A_663, %select_n3A_644 : vector<256x128xi1>, vector<256x128xf32>
    %select_n3A_667 = arith.select %lt3A_665, %select_n3A_664, %select_n3A_645 : vector<256x128xi1>, vector<256x128xi32>
    %slice3A_668 = vector.extract_strided_slice %sub3A {offsets = [0, 3584], sizes = [256, 128], strides = [1, 1]} : vector<256x4096xf32> to vector<256x128xf32>
    %add3A_669 = arith.constant 3584 : i32
    %add3A_670 = vector.broadcast %add3A_669 : i32 to vector<256x128xi32>
    %add3A_671 = arith.addi %iota3A, %add3A_670 : vector<256x128xi32>
    %lt3A_672 = arith.cmpf olt, %slice3A_668, %select_n3A_651 : vector<256x128xf32>
    %select_n3A_673 = arith.select %lt3A_672, %slice3A_668, %select_n3A_651 : vector<256x128xi1>, vector<256x128xf32>
    %select_n3A_674 = arith.select %lt3A_672, %add3A_671, %select_n3A_652 : vector<256x128xi1>, vector<256x128xi32>
    %select_n3A_675 = arith.select %lt3A_672, %select_n3A_651, %slice3A_668 : vector<256x128xi1>, vector<256x128xf32>
    %select_n3A_676 = arith.select %lt3A_672, %select_n3A_652, %add3A_671 : vector<256x128xi1>, vector<256x128xi32>
    %lt3A_677 = arith.cmpf olt, %select_n3A_675, %select_n3A_656 : vector<256x128xf32>
    %select_n3A_678 = arith.select %lt3A_677, %select_n3A_675, %select_n3A_656 : vector<256x128xi1>, vector<256x128xf32>
    %select_n3A_679 = arith.select %lt3A_677, %select_n3A_676, %select_n3A_657 : vector<256x128xi1>, vector<256x128xi32>
    %select_n3A_680 = arith.select %lt3A_677, %select_n3A_656, %select_n3A_675 : vector<256x128xi1>, vector<256x128xf32>
    %select_n3A_681 = arith.select %lt3A_677, %select_n3A_657, %select_n3A_676 : vector<256x128xi1>, vector<256x128xi32>
    %lt3A_682 = arith.cmpf olt, %select_n3A_680, %select_n3A_661 : vector<256x128xf32>
    %select_n3A_683 = arith.select %lt3A_682, %select_n3A_680, %select_n3A_661 : vector<256x128xi1>, vector<256x128xf32>
    %select_n3A_684 = arith.select %lt3A_682, %select_n3A_681, %select_n3A_662 : vector<256x128xi1>, vector<256x128xi32>
    %select_n3A_685 = arith.select %lt3A_682, %select_n3A_661, %select_n3A_680 : vector<256x128xi1>, vector<256x128xf32>
    %select_n3A_686 = arith.select %lt3A_682, %select_n3A_662, %select_n3A_681 : vector<256x128xi1>, vector<256x128xi32>
    %lt3A_687 = arith.cmpf olt, %select_n3A_685, %select_n3A_666 : vector<256x128xf32>
    %select_n3A_688 = arith.select %lt3A_687, %select_n3A_685, %select_n3A_666 : vector<256x128xi1>, vector<256x128xf32>
    %select_n3A_689 = arith.select %lt3A_687, %select_n3A_686, %select_n3A_667 : vector<256x128xi1>, vector<256x128xi32>
    %slice3A_690 = vector.extract_strided_slice %sub3A {offsets = [0, 3712], sizes = [256, 128], strides = [1, 1]} : vector<256x4096xf32> to vector<256x128xf32>
    %add3A_691 = arith.constant 3712 : i32
    %add3A_692 = vector.broadcast %add3A_691 : i32 to vector<256x128xi32>
    %add3A_693 = arith.addi %iota3A, %add3A_692 : vector<256x128xi32>
    %lt3A_694 = arith.cmpf olt, %slice3A_690, %select_n3A_673 : vector<256x128xf32>
    %select_n3A_695 = arith.select %lt3A_694, %slice3A_690, %select_n3A_673 : vector<256x128xi1>, vector<256x128xf32>
    %select_n3A_696 = arith.select %lt3A_694, %add3A_693, %select_n3A_674 : vector<256x128xi1>, vector<256x128xi32>
    %select_n3A_697 = arith.select %lt3A_694, %select_n3A_673, %slice3A_690 : vector<256x128xi1>, vector<256x128xf32>
    %select_n3A_698 = arith.select %lt3A_694, %select_n3A_674, %add3A_693 : vector<256x128xi1>, vector<256x128xi32>
    %lt3A_699 = arith.cmpf olt, %select_n3A_697, %select_n3A_678 : vector<256x128xf32>
    %select_n3A_700 = arith.select %lt3A_699, %select_n3A_697, %select_n3A_678 : vector<256x128xi1>, vector<256x128xf32>
    %select_n3A_701 = arith.select %lt3A_699, %select_n3A_698, %select_n3A_679 : vector<256x128xi1>, vector<256x128xi32>
    %select_n3A_702 = arith.select %lt3A_699, %select_n3A_678, %select_n3A_697 : vector<256x128xi1>, vector<256x128xf32>
    %select_n3A_703 = arith.select %lt3A_699, %select_n3A_679, %select_n3A_698 : vector<256x128xi1>, vector<256x128xi32>
    %lt3A_704 = arith.cmpf olt, %select_n3A_702, %select_n3A_683 : vector<256x128xf32>
    %select_n3A_705 = arith.select %lt3A_704, %select_n3A_702, %select_n3A_683 : vector<256x128xi1>, vector<256x128xf32>
    %select_n3A_706 = arith.select %lt3A_704, %select_n3A_703, %select_n3A_684 : vector<256x128xi1>, vector<256x128xi32>
    %select_n3A_707 = arith.select %lt3A_704, %select_n3A_683, %select_n3A_702 : vector<256x128xi1>, vector<256x128xf32>
    %select_n3A_708 = arith.select %lt3A_704, %select_n3A_684, %select_n3A_703 : vector<256x128xi1>, vector<256x128xi32>
    %lt3A_709 = arith.cmpf olt, %select_n3A_707, %select_n3A_688 : vector<256x128xf32>
    %select_n3A_710 = arith.select %lt3A_709, %select_n3A_707, %select_n3A_688 : vector<256x128xi1>, vector<256x128xf32>
    %select_n3A_711 = arith.select %lt3A_709, %select_n3A_708, %select_n3A_689 : vector<256x128xi1>, vector<256x128xi32>
    %slice3A_712 = vector.extract_strided_slice %sub3A {offsets = [0, 3840], sizes = [256, 128], strides = [1, 1]} : vector<256x4096xf32> to vector<256x128xf32>
    %add3A_713 = arith.constant 3840 : i32
    %add3A_714 = vector.broadcast %add3A_713 : i32 to vector<256x128xi32>
    %add3A_715 = arith.addi %iota3A, %add3A_714 : vector<256x128xi32>
    %lt3A_716 = arith.cmpf olt, %slice3A_712, %select_n3A_695 : vector<256x128xf32>
    %select_n3A_717 = arith.select %lt3A_716, %slice3A_712, %select_n3A_695 : vector<256x128xi1>, vector<256x128xf32>
    %select_n3A_718 = arith.select %lt3A_716, %add3A_715, %select_n3A_696 : vector<256x128xi1>, vector<256x128xi32>
    %select_n3A_719 = arith.select %lt3A_716, %select_n3A_695, %slice3A_712 : vector<256x128xi1>, vector<256x128xf32>
    %select_n3A_720 = arith.select %lt3A_716, %select_n3A_696, %add3A_715 : vector<256x128xi1>, vector<256x128xi32>
    %lt3A_721 = arith.cmpf olt, %select_n3A_719, %select_n3A_700 : vector<256x128xf32>
    %select_n3A_722 = arith.select %lt3A_721, %select_n3A_719, %select_n3A_700 : vector<256x128xi1>, vector<256x128xf32>
    %select_n3A_723 = arith.select %lt3A_721, %select_n3A_720, %select_n3A_701 : vector<256x128xi1>, vector<256x128xi32>
    %select_n3A_724 = arith.select %lt3A_721, %select_n3A_700, %select_n3A_719 : vector<256x128xi1>, vector<256x128xf32>
    %select_n3A_725 = arith.select %lt3A_721, %select_n3A_701, %select_n3A_720 : vector<256x128xi1>, vector<256x128xi32>
    %lt3A_726 = arith.cmpf olt, %select_n3A_724, %select_n3A_705 : vector<256x128xf32>
    %select_n3A_727 = arith.select %lt3A_726, %select_n3A_724, %select_n3A_705 : vector<256x128xi1>, vector<256x128xf32>
    %select_n3A_728 = arith.select %lt3A_726, %select_n3A_725, %select_n3A_706 : vector<256x128xi1>, vector<256x128xi32>
    %select_n3A_729 = arith.select %lt3A_726, %select_n3A_705, %select_n3A_724 : vector<256x128xi1>, vector<256x128xf32>
    %select_n3A_730 = arith.select %lt3A_726, %select_n3A_706, %select_n3A_725 : vector<256x128xi1>, vector<256x128xi32>
    %lt3A_731 = arith.cmpf olt, %select_n3A_729, %select_n3A_710 : vector<256x128xf32>
    %select_n3A_732 = arith.select %lt3A_731, %select_n3A_729, %select_n3A_710 : vector<256x128xi1>, vector<256x128xf32>
    %select_n3A_733 = arith.select %lt3A_731, %select_n3A_730, %select_n3A_711 : vector<256x128xi1>, vector<256x128xi32>
    %slice3A_734 = vector.extract_strided_slice %sub3A {offsets = [0, 3968], sizes = [256, 128], strides = [1, 1]} : vector<256x4096xf32> to vector<256x128xf32>
    %add3A_735 = arith.constant 3968 : i32
    %add3A_736 = vector.broadcast %add3A_735 : i32 to vector<256x128xi32>
    %add3A_737 = arith.addi %iota3A, %add3A_736 : vector<256x128xi32>
    %lt3A_738 = arith.cmpf olt, %slice3A_734, %select_n3A_717 : vector<256x128xf32>
    %select_n3A_739 = arith.select %lt3A_738, %slice3A_734, %select_n3A_717 : vector<256x128xi1>, vector<256x128xf32>
    %select_n3A_740 = arith.select %lt3A_738, %add3A_737, %select_n3A_718 : vector<256x128xi1>, vector<256x128xi32>
    %select_n3A_741 = arith.select %lt3A_738, %select_n3A_717, %slice3A_734 : vector<256x128xi1>, vector<256x128xf32>
    %select_n3A_742 = arith.select %lt3A_738, %select_n3A_718, %add3A_737 : vector<256x128xi1>, vector<256x128xi32>
    %lt3A_743 = arith.cmpf olt, %select_n3A_741, %select_n3A_722 : vector<256x128xf32>
    %select_n3A_744 = arith.select %lt3A_743, %select_n3A_741, %select_n3A_722 : vector<256x128xi1>, vector<256x128xf32>
    %select_n3A_745 = arith.select %lt3A_743, %select_n3A_742, %select_n3A_723 : vector<256x128xi1>, vector<256x128xi32>
    %select_n3A_746 = arith.select %lt3A_743, %select_n3A_722, %select_n3A_741 : vector<256x128xi1>, vector<256x128xf32>
    %select_n3A_747 = arith.select %lt3A_743, %select_n3A_723, %select_n3A_742 : vector<256x128xi1>, vector<256x128xi32>
    %lt3A_748 = arith.cmpf olt, %select_n3A_746, %select_n3A_727 : vector<256x128xf32>
    %select_n3A_749 = arith.select %lt3A_748, %select_n3A_746, %select_n3A_727 : vector<256x128xi1>, vector<256x128xf32>
    %select_n3A_750 = arith.select %lt3A_748, %select_n3A_747, %select_n3A_728 : vector<256x128xi1>, vector<256x128xi32>
    %select_n3A_751 = arith.select %lt3A_748, %select_n3A_727, %select_n3A_746 : vector<256x128xi1>, vector<256x128xf32>
    %select_n3A_752 = arith.select %lt3A_748, %select_n3A_728, %select_n3A_747 : vector<256x128xi1>, vector<256x128xi32>
    %lt3A_753 = arith.cmpf olt, %select_n3A_751, %select_n3A_732 : vector<256x128xf32>
    %select_n3A_754 = arith.select %lt3A_753, %select_n3A_751, %select_n3A_732 : vector<256x128xi1>, vector<256x128xf32>
    %select_n3A_755 = arith.select %lt3A_753, %select_n3A_752, %select_n3A_733 : vector<256x128xi1>, vector<256x128xi32>
    %concatenate3A_756 = tpu.concatenate %select_n3A_739, %select_n3A_744, %select_n3A_749, %select_n3A_754 in 1 : vector<256x128xf32>, vector<256x128xf32>, vector<256x128xf32>, vector<256x128xf32> -> vector<256x512xf32>
    %concatenate3A_757 = tpu.concatenate %select_n3A_740, %select_n3A_745, %select_n3A_750, %select_n3A_755 in 1 : vector<256x128xi32>, vector<256x128xi32>, vector<256x128xi32>, vector<256x128xi32> -> vector<256x512xi32>
    %reduce_min3A = arith.constant dense<0x7F800000> : vector<256xf32>
    %reduce_min3A_758 = vector.multi_reduction <minimumf>, %concatenate3A_756, %reduce_min3A [1] : vector<256x512xf32> to vector<256xf32>
    %broadcast_in_dim3A_759 = vector.shape_cast %reduce_min3A_758 : vector<256xf32> to vector<256x1xf32>
    %le3A = vector.broadcast %broadcast_in_dim3A_759 : vector<256x1xf32> to vector<256x512xf32>
    %le3A_760 = arith.cmpf ole, %concatenate3A_756, %le3A : vector<256x512xf32>
    %jit3A = arith.constant 1073741824 : i32
    %broadcast_in_dim3A_761 = vector.broadcast %jit3A : i32 to vector<256x512xi32>
    %select_n3A_762 = arith.select %le3A_760, %concatenate3A_757, %broadcast_in_dim3A_761 : vector<256x512xi1>, vector<256x512xi32>
    %reduce_min3A_763 = arith.constant dense<2147483647> : vector<256xi32>
    %reduce_min3A_764 = vector.multi_reduction <minsi>, %select_n3A_762, %reduce_min3A_763 [1] : vector<256x512xi32> to vector<256xi32>
    %broadcast_in_dim3A_765 = vector.shape_cast %reduce_min3A_764 : vector<256xi32> to vector<256x1xi32>
    %eq3A = vector.broadcast %broadcast_in_dim3A_765 : vector<256x1xi32> to vector<256x512xi32>
    %eq3A_766 = arith.cmpi eq, %concatenate3A_757, %eq3A : vector<256x512xi32>
    %and3A = arith.andi %le3A_760, %eq3A_766 : vector<256x512xi1>
    %jit3A_767 = arith.constant 0x7F800000 : f32
    %broadcast_in_dim3A_768 = vector.broadcast %jit3A_767 : f32 to vector<256x512xf32>
    %select_n3A_769 = arith.select %and3A, %broadcast_in_dim3A_768, %concatenate3A_756 : vector<256x512xi1>, vector<256x512xf32>
    %reduce_min3A_770 = arith.constant dense<0x7F800000> : vector<256xf32>
    %reduce_min3A_771 = vector.multi_reduction <minimumf>, %select_n3A_769, %reduce_min3A_770 [1] : vector<256x512xf32> to vector<256xf32>
    %broadcast_in_dim3A_772 = vector.shape_cast %reduce_min3A_771 : vector<256xf32> to vector<256x1xf32>
    %le3A_773 = vector.broadcast %broadcast_in_dim3A_772 : vector<256x1xf32> to vector<256x512xf32>
    %le3A_774 = arith.cmpf ole, %select_n3A_769, %le3A_773 : vector<256x512xf32>
    %jit3A_775 = arith.constant 1073741824 : i32
    %broadcast_in_dim3A_776 = vector.broadcast %jit3A_775 : i32 to vector<256x512xi32>
    %select_n3A_777 = arith.select %le3A_774, %concatenate3A_757, %broadcast_in_dim3A_776 : vector<256x512xi1>, vector<256x512xi32>
    %reduce_min3A_778 = arith.constant dense<2147483647> : vector<256xi32>
    %reduce_min3A_779 = vector.multi_reduction <minsi>, %select_n3A_777, %reduce_min3A_778 [1] : vector<256x512xi32> to vector<256xi32>
    %broadcast_in_dim3A_780 = vector.shape_cast %reduce_min3A_779 : vector<256xi32> to vector<256x1xi32>
    %eq3A_781 = vector.broadcast %broadcast_in_dim3A_780 : vector<256x1xi32> to vector<256x512xi32>
    %eq3A_782 = arith.cmpi eq, %concatenate3A_757, %eq3A_781 : vector<256x512xi32>
    %and3A_783 = arith.andi %le3A_774, %eq3A_782 : vector<256x512xi1>
    %jit3A_784 = arith.constant 0x7F800000 : f32
    %broadcast_in_dim3A_785 = vector.broadcast %jit3A_784 : f32 to vector<256x512xf32>
    %select_n3A_786 = arith.select %and3A_783, %broadcast_in_dim3A_785, %select_n3A_769 : vector<256x512xi1>, vector<256x512xf32>
    %reduce_min3A_787 = arith.constant dense<0x7F800000> : vector<256xf32>
    %reduce_min3A_788 = vector.multi_reduction <minimumf>, %select_n3A_786, %reduce_min3A_787 [1] : vector<256x512xf32> to vector<256xf32>
    %broadcast_in_dim3A_789 = vector.shape_cast %reduce_min3A_788 : vector<256xf32> to vector<256x1xf32>
    %le3A_790 = vector.broadcast %broadcast_in_dim3A_789 : vector<256x1xf32> to vector<256x512xf32>
    %le3A_791 = arith.cmpf ole, %select_n3A_786, %le3A_790 : vector<256x512xf32>
    %jit3A_792 = arith.constant 1073741824 : i32
    %broadcast_in_dim3A_793 = vector.broadcast %jit3A_792 : i32 to vector<256x512xi32>
    %select_n3A_794 = arith.select %le3A_791, %concatenate3A_757, %broadcast_in_dim3A_793 : vector<256x512xi1>, vector<256x512xi32>
    %reduce_min3A_795 = arith.constant dense<2147483647> : vector<256xi32>
    %reduce_min3A_796 = vector.multi_reduction <minsi>, %select_n3A_794, %reduce_min3A_795 [1] : vector<256x512xi32> to vector<256xi32>
    %broadcast_in_dim3A_797 = vector.shape_cast %reduce_min3A_796 : vector<256xi32> to vector<256x1xi32>
    %eq3A_798 = vector.broadcast %broadcast_in_dim3A_797 : vector<256x1xi32> to vector<256x512xi32>
    %eq3A_799 = arith.cmpi eq, %concatenate3A_757, %eq3A_798 : vector<256x512xi32>
    %and3A_800 = arith.andi %le3A_791, %eq3A_799 : vector<256x512xi1>
    %jit3A_801 = arith.constant 0x7F800000 : f32
    %broadcast_in_dim3A_802 = vector.broadcast %jit3A_801 : f32 to vector<256x512xf32>
    %select_n3A_803 = arith.select %and3A_800, %broadcast_in_dim3A_802, %select_n3A_786 : vector<256x512xi1>, vector<256x512xf32>
    %reduce_min3A_804 = arith.constant dense<0x7F800000> : vector<256xf32>
    %reduce_min3A_805 = vector.multi_reduction <minimumf>, %select_n3A_803, %reduce_min3A_804 [1] : vector<256x512xf32> to vector<256xf32>
    %broadcast_in_dim3A_806 = vector.shape_cast %reduce_min3A_805 : vector<256xf32> to vector<256x1xf32>
    %le3A_807 = vector.broadcast %broadcast_in_dim3A_806 : vector<256x1xf32> to vector<256x512xf32>
    %le3A_808 = arith.cmpf ole, %select_n3A_803, %le3A_807 : vector<256x512xf32>
    %jit3A_809 = arith.constant 1073741824 : i32
    %broadcast_in_dim3A_810 = vector.broadcast %jit3A_809 : i32 to vector<256x512xi32>
    %select_n3A_811 = arith.select %le3A_808, %concatenate3A_757, %broadcast_in_dim3A_810 : vector<256x512xi1>, vector<256x512xi32>
    %reduce_min3A_812 = arith.constant dense<2147483647> : vector<256xi32>
    %reduce_min3A_813 = vector.multi_reduction <minsi>, %select_n3A_811, %reduce_min3A_812 [1] : vector<256x512xi32> to vector<256xi32>
    %broadcast_in_dim3A_814 = vector.shape_cast %reduce_min3A_813 : vector<256xi32> to vector<256x1xi32>
    %eq3A_815 = vector.broadcast %broadcast_in_dim3A_814 : vector<256x1xi32> to vector<256x512xi32>
    %eq3A_816 = arith.cmpi eq, %concatenate3A_757, %eq3A_815 : vector<256x512xi32>
    %and3A_817 = arith.andi %le3A_808, %eq3A_816 : vector<256x512xi1>
    %jit3A_818 = arith.constant 0x7F800000 : f32
    %broadcast_in_dim3A_819 = vector.broadcast %jit3A_818 : f32 to vector<256x512xf32>
    %select_n3A_820 = arith.select %and3A_817, %broadcast_in_dim3A_819, %select_n3A_803 : vector<256x512xi1>, vector<256x512xf32>
    %reduce_min3A_821 = arith.constant dense<0x7F800000> : vector<256xf32>
    %reduce_min3A_822 = vector.multi_reduction <minimumf>, %select_n3A_820, %reduce_min3A_821 [1] : vector<256x512xf32> to vector<256xf32>
    %broadcast_in_dim3A_823 = vector.shape_cast %reduce_min3A_822 : vector<256xf32> to vector<256x1xf32>
    %le3A_824 = vector.broadcast %broadcast_in_dim3A_823 : vector<256x1xf32> to vector<256x512xf32>
    %le3A_825 = arith.cmpf ole, %select_n3A_820, %le3A_824 : vector<256x512xf32>
    %jit3A_826 = arith.constant 1073741824 : i32
    %broadcast_in_dim3A_827 = vector.broadcast %jit3A_826 : i32 to vector<256x512xi32>
    %select_n3A_828 = arith.select %le3A_825, %concatenate3A_757, %broadcast_in_dim3A_827 : vector<256x512xi1>, vector<256x512xi32>
    %reduce_min3A_829 = arith.constant dense<2147483647> : vector<256xi32>
    %reduce_min3A_830 = vector.multi_reduction <minsi>, %select_n3A_828, %reduce_min3A_829 [1] : vector<256x512xi32> to vector<256xi32>
    %broadcast_in_dim3A_831 = vector.shape_cast %reduce_min3A_830 : vector<256xi32> to vector<256x1xi32>
    %eq3A_832 = vector.broadcast %broadcast_in_dim3A_831 : vector<256x1xi32> to vector<256x512xi32>
    %eq3A_833 = arith.cmpi eq, %concatenate3A_757, %eq3A_832 : vector<256x512xi32>
    %and3A_834 = arith.andi %le3A_825, %eq3A_833 : vector<256x512xi1>
    %jit3A_835 = arith.constant 0x7F800000 : f32
    %broadcast_in_dim3A_836 = vector.broadcast %jit3A_835 : f32 to vector<256x512xf32>
    %select_n3A_837 = arith.select %and3A_834, %broadcast_in_dim3A_836, %select_n3A_820 : vector<256x512xi1>, vector<256x512xf32>
    %reduce_min3A_838 = arith.constant dense<0x7F800000> : vector<256xf32>
    %reduce_min3A_839 = vector.multi_reduction <minimumf>, %select_n3A_837, %reduce_min3A_838 [1] : vector<256x512xf32> to vector<256xf32>
    %broadcast_in_dim3A_840 = vector.shape_cast %reduce_min3A_839 : vector<256xf32> to vector<256x1xf32>
    %le3A_841 = vector.broadcast %broadcast_in_dim3A_840 : vector<256x1xf32> to vector<256x512xf32>
    %le3A_842 = arith.cmpf ole, %select_n3A_837, %le3A_841 : vector<256x512xf32>
    %jit3A_843 = arith.constant 1073741824 : i32
    %broadcast_in_dim3A_844 = vector.broadcast %jit3A_843 : i32 to vector<256x512xi32>
    %select_n3A_845 = arith.select %le3A_842, %concatenate3A_757, %broadcast_in_dim3A_844 : vector<256x512xi1>, vector<256x512xi32>
    %reduce_min3A_846 = arith.constant dense<2147483647> : vector<256xi32>
    %reduce_min3A_847 = vector.multi_reduction <minsi>, %select_n3A_845, %reduce_min3A_846 [1] : vector<256x512xi32> to vector<256xi32>
    %broadcast_in_dim3A_848 = vector.shape_cast %reduce_min3A_847 : vector<256xi32> to vector<256x1xi32>
    %eq3A_849 = vector.broadcast %broadcast_in_dim3A_848 : vector<256x1xi32> to vector<256x512xi32>
    %eq3A_850 = arith.cmpi eq, %concatenate3A_757, %eq3A_849 : vector<256x512xi32>
    %and3A_851 = arith.andi %le3A_842, %eq3A_850 : vector<256x512xi1>
    %jit3A_852 = arith.constant 0x7F800000 : f32
    %broadcast_in_dim3A_853 = vector.broadcast %jit3A_852 : f32 to vector<256x512xf32>
    %select_n3A_854 = arith.select %and3A_851, %broadcast_in_dim3A_853, %select_n3A_837 : vector<256x512xi1>, vector<256x512xf32>
    %reduce_min3A_855 = arith.constant dense<0x7F800000> : vector<256xf32>
    %reduce_min3A_856 = vector.multi_reduction <minimumf>, %select_n3A_854, %reduce_min3A_855 [1] : vector<256x512xf32> to vector<256xf32>
    %broadcast_in_dim3A_857 = vector.shape_cast %reduce_min3A_856 : vector<256xf32> to vector<256x1xf32>
    %le3A_858 = vector.broadcast %broadcast_in_dim3A_857 : vector<256x1xf32> to vector<256x512xf32>
    %le3A_859 = arith.cmpf ole, %select_n3A_854, %le3A_858 : vector<256x512xf32>
    %jit3A_860 = arith.constant 1073741824 : i32
    %broadcast_in_dim3A_861 = vector.broadcast %jit3A_860 : i32 to vector<256x512xi32>
    %select_n3A_862 = arith.select %le3A_859, %concatenate3A_757, %broadcast_in_dim3A_861 : vector<256x512xi1>, vector<256x512xi32>
    %reduce_min3A_863 = arith.constant dense<2147483647> : vector<256xi32>
    %reduce_min3A_864 = vector.multi_reduction <minsi>, %select_n3A_862, %reduce_min3A_863 [1] : vector<256x512xi32> to vector<256xi32>
    %broadcast_in_dim3A_865 = vector.shape_cast %reduce_min3A_864 : vector<256xi32> to vector<256x1xi32>
    %eq3A_866 = vector.broadcast %broadcast_in_dim3A_865 : vector<256x1xi32> to vector<256x512xi32>
    %eq3A_867 = arith.cmpi eq, %concatenate3A_757, %eq3A_866 : vector<256x512xi32>
    %and3A_868 = arith.andi %le3A_859, %eq3A_867 : vector<256x512xi1>
    %jit3A_869 = arith.constant 0x7F800000 : f32
    %broadcast_in_dim3A_870 = vector.broadcast %jit3A_869 : f32 to vector<256x512xf32>
    %select_n3A_871 = arith.select %and3A_868, %broadcast_in_dim3A_870, %select_n3A_854 : vector<256x512xi1>, vector<256x512xf32>
    %reduce_min3A_872 = arith.constant dense<0x7F800000> : vector<256xf32>
    %reduce_min3A_873 = vector.multi_reduction <minimumf>, %select_n3A_871, %reduce_min3A_872 [1] : vector<256x512xf32> to vector<256xf32>
    %broadcast_in_dim3A_874 = vector.shape_cast %reduce_min3A_873 : vector<256xf32> to vector<256x1xf32>
    %le3A_875 = vector.broadcast %broadcast_in_dim3A_874 : vector<256x1xf32> to vector<256x512xf32>
    %le3A_876 = arith.cmpf ole, %select_n3A_871, %le3A_875 : vector<256x512xf32>
    %jit3A_877 = arith.constant 1073741824 : i32
    %broadcast_in_dim3A_878 = vector.broadcast %jit3A_877 : i32 to vector<256x512xi32>
    %select_n3A_879 = arith.select %le3A_876, %concatenate3A_757, %broadcast_in_dim3A_878 : vector<256x512xi1>, vector<256x512xi32>
    %reduce_min3A_880 = arith.constant dense<2147483647> : vector<256xi32>
    %reduce_min3A_881 = vector.multi_reduction <minsi>, %select_n3A_879, %reduce_min3A_880 [1] : vector<256x512xi32> to vector<256xi32>
    %broadcast_in_dim3A_882 = vector.shape_cast %reduce_min3A_881 : vector<256xi32> to vector<256x1xi32>
    %eq3A_883 = vector.broadcast %broadcast_in_dim3A_882 : vector<256x1xi32> to vector<256x512xi32>
    %eq3A_884 = arith.cmpi eq, %concatenate3A_757, %eq3A_883 : vector<256x512xi32>
    %and3A_885 = arith.andi %le3A_876, %eq3A_884 : vector<256x512xi1>
    %jit3A_886 = arith.constant 0x7F800000 : f32
    %broadcast_in_dim3A_887 = vector.broadcast %jit3A_886 : f32 to vector<256x512xf32>
    %select_n3A_888 = arith.select %and3A_885, %broadcast_in_dim3A_887, %select_n3A_871 : vector<256x512xi1>, vector<256x512xf32>
    %reduce_min3A_889 = arith.constant dense<0x7F800000> : vector<256xf32>
    %reduce_min3A_890 = vector.multi_reduction <minimumf>, %select_n3A_888, %reduce_min3A_889 [1] : vector<256x512xf32> to vector<256xf32>
    %broadcast_in_dim3A_891 = vector.shape_cast %reduce_min3A_890 : vector<256xf32> to vector<256x1xf32>
    %le3A_892 = vector.broadcast %broadcast_in_dim3A_891 : vector<256x1xf32> to vector<256x512xf32>
    %le3A_893 = arith.cmpf ole, %select_n3A_888, %le3A_892 : vector<256x512xf32>
    %jit3A_894 = arith.constant 1073741824 : i32
    %broadcast_in_dim3A_895 = vector.broadcast %jit3A_894 : i32 to vector<256x512xi32>
    %select_n3A_896 = arith.select %le3A_893, %concatenate3A_757, %broadcast_in_dim3A_895 : vector<256x512xi1>, vector<256x512xi32>
    %reduce_min3A_897 = arith.constant dense<2147483647> : vector<256xi32>
    %reduce_min3A_898 = vector.multi_reduction <minsi>, %select_n3A_896, %reduce_min3A_897 [1] : vector<256x512xi32> to vector<256xi32>
    %broadcast_in_dim3A_899 = vector.shape_cast %reduce_min3A_898 : vector<256xi32> to vector<256x1xi32>
    %eq3A_900 = vector.broadcast %broadcast_in_dim3A_899 : vector<256x1xi32> to vector<256x512xi32>
    %eq3A_901 = arith.cmpi eq, %concatenate3A_757, %eq3A_900 : vector<256x512xi32>
    %and3A_902 = arith.andi %le3A_893, %eq3A_901 : vector<256x512xi1>
    %jit3A_903 = arith.constant 0x7F800000 : f32
    %broadcast_in_dim3A_904 = vector.broadcast %jit3A_903 : f32 to vector<256x512xf32>
    %select_n3A_905 = arith.select %and3A_902, %broadcast_in_dim3A_904, %select_n3A_888 : vector<256x512xi1>, vector<256x512xf32>
    %reduce_min3A_906 = arith.constant dense<0x7F800000> : vector<256xf32>
    %reduce_min3A_907 = vector.multi_reduction <minimumf>, %select_n3A_905, %reduce_min3A_906 [1] : vector<256x512xf32> to vector<256xf32>
    %broadcast_in_dim3A_908 = vector.shape_cast %reduce_min3A_907 : vector<256xf32> to vector<256x1xf32>
    %le3A_909 = vector.broadcast %broadcast_in_dim3A_908 : vector<256x1xf32> to vector<256x512xf32>
    %le3A_910 = arith.cmpf ole, %select_n3A_905, %le3A_909 : vector<256x512xf32>
    %jit3A_911 = arith.constant 1073741824 : i32
    %broadcast_in_dim3A_912 = vector.broadcast %jit3A_911 : i32 to vector<256x512xi32>
    %select_n3A_913 = arith.select %le3A_910, %concatenate3A_757, %broadcast_in_dim3A_912 : vector<256x512xi1>, vector<256x512xi32>
    %reduce_min3A_914 = arith.constant dense<2147483647> : vector<256xi32>
    %reduce_min3A_915 = vector.multi_reduction <minsi>, %select_n3A_913, %reduce_min3A_914 [1] : vector<256x512xi32> to vector<256xi32>
    %broadcast_in_dim3A_916 = vector.shape_cast %reduce_min3A_915 : vector<256xi32> to vector<256x1xi32>
    %eq3A_917 = vector.broadcast %broadcast_in_dim3A_916 : vector<256x1xi32> to vector<256x512xi32>
    %eq3A_918 = arith.cmpi eq, %concatenate3A_757, %eq3A_917 : vector<256x512xi32>
    %and3A_919 = arith.andi %le3A_910, %eq3A_918 : vector<256x512xi1>
    %jit3A_920 = arith.constant 0x7F800000 : f32
    %broadcast_in_dim3A_921 = vector.broadcast %jit3A_920 : f32 to vector<256x512xf32>
    %select_n3A_922 = arith.select %and3A_919, %broadcast_in_dim3A_921, %select_n3A_905 : vector<256x512xi1>, vector<256x512xf32>
    %reduce_min3A_923 = arith.constant dense<0x7F800000> : vector<256xf32>
    %reduce_min3A_924 = vector.multi_reduction <minimumf>, %select_n3A_922, %reduce_min3A_923 [1] : vector<256x512xf32> to vector<256xf32>
    %broadcast_in_dim3A_925 = vector.shape_cast %reduce_min3A_924 : vector<256xf32> to vector<256x1xf32>
    %le3A_926 = vector.broadcast %broadcast_in_dim3A_925 : vector<256x1xf32> to vector<256x512xf32>
    %le3A_927 = arith.cmpf ole, %select_n3A_922, %le3A_926 : vector<256x512xf32>
    %jit3A_928 = arith.constant 1073741824 : i32
    %broadcast_in_dim3A_929 = vector.broadcast %jit3A_928 : i32 to vector<256x512xi32>
    %select_n3A_930 = arith.select %le3A_927, %concatenate3A_757, %broadcast_in_dim3A_929 : vector<256x512xi1>, vector<256x512xi32>
    %reduce_min3A_931 = arith.constant dense<2147483647> : vector<256xi32>
    %reduce_min3A_932 = vector.multi_reduction <minsi>, %select_n3A_930, %reduce_min3A_931 [1] : vector<256x512xi32> to vector<256xi32>
    %broadcast_in_dim3A_933 = vector.shape_cast %reduce_min3A_932 : vector<256xi32> to vector<256x1xi32>
    %eq3A_934 = vector.broadcast %broadcast_in_dim3A_933 : vector<256x1xi32> to vector<256x512xi32>
    %eq3A_935 = arith.cmpi eq, %concatenate3A_757, %eq3A_934 : vector<256x512xi32>
    %and3A_936 = arith.andi %le3A_927, %eq3A_935 : vector<256x512xi1>
    %jit3A_937 = arith.constant 0x7F800000 : f32
    %broadcast_in_dim3A_938 = vector.broadcast %jit3A_937 : f32 to vector<256x512xf32>
    %select_n3A_939 = arith.select %and3A_936, %broadcast_in_dim3A_938, %select_n3A_922 : vector<256x512xi1>, vector<256x512xf32>
    %reduce_min3A_940 = arith.constant dense<0x7F800000> : vector<256xf32>
    %reduce_min3A_941 = vector.multi_reduction <minimumf>, %select_n3A_939, %reduce_min3A_940 [1] : vector<256x512xf32> to vector<256xf32>
    %broadcast_in_dim3A_942 = vector.shape_cast %reduce_min3A_941 : vector<256xf32> to vector<256x1xf32>
    %le3A_943 = vector.broadcast %broadcast_in_dim3A_942 : vector<256x1xf32> to vector<256x512xf32>
    %le3A_944 = arith.cmpf ole, %select_n3A_939, %le3A_943 : vector<256x512xf32>
    %jit3A_945 = arith.constant 1073741824 : i32
    %broadcast_in_dim3A_946 = vector.broadcast %jit3A_945 : i32 to vector<256x512xi32>
    %select_n3A_947 = arith.select %le3A_944, %concatenate3A_757, %broadcast_in_dim3A_946 : vector<256x512xi1>, vector<256x512xi32>
    %reduce_min3A_948 = arith.constant dense<2147483647> : vector<256xi32>
    %reduce_min3A_949 = vector.multi_reduction <minsi>, %select_n3A_947, %reduce_min3A_948 [1] : vector<256x512xi32> to vector<256xi32>
    %broadcast_in_dim3A_950 = vector.shape_cast %reduce_min3A_949 : vector<256xi32> to vector<256x1xi32>
    %eq3A_951 = vector.broadcast %broadcast_in_dim3A_950 : vector<256x1xi32> to vector<256x512xi32>
    %eq3A_952 = arith.cmpi eq, %concatenate3A_757, %eq3A_951 : vector<256x512xi32>
    %and3A_953 = arith.andi %le3A_944, %eq3A_952 : vector<256x512xi1>
    %jit3A_954 = arith.constant 0x7F800000 : f32
    %broadcast_in_dim3A_955 = vector.broadcast %jit3A_954 : f32 to vector<256x512xf32>
    %select_n3A_956 = arith.select %and3A_953, %broadcast_in_dim3A_955, %select_n3A_939 : vector<256x512xi1>, vector<256x512xf32>
    %reduce_min3A_957 = arith.constant dense<0x7F800000> : vector<256xf32>
    %reduce_min3A_958 = vector.multi_reduction <minimumf>, %select_n3A_956, %reduce_min3A_957 [1] : vector<256x512xf32> to vector<256xf32>
    %broadcast_in_dim3A_959 = vector.shape_cast %reduce_min3A_958 : vector<256xf32> to vector<256x1xf32>
    %le3A_960 = vector.broadcast %broadcast_in_dim3A_959 : vector<256x1xf32> to vector<256x512xf32>
    %le3A_961 = arith.cmpf ole, %select_n3A_956, %le3A_960 : vector<256x512xf32>
    %jit3A_962 = arith.constant 1073741824 : i32
    %broadcast_in_dim3A_963 = vector.broadcast %jit3A_962 : i32 to vector<256x512xi32>
    %select_n3A_964 = arith.select %le3A_961, %concatenate3A_757, %broadcast_in_dim3A_963 : vector<256x512xi1>, vector<256x512xi32>
    %reduce_min3A_965 = arith.constant dense<2147483647> : vector<256xi32>
    %reduce_min3A_966 = vector.multi_reduction <minsi>, %select_n3A_964, %reduce_min3A_965 [1] : vector<256x512xi32> to vector<256xi32>
    %broadcast_in_dim3A_967 = vector.shape_cast %reduce_min3A_966 : vector<256xi32> to vector<256x1xi32>
    %eq3A_968 = vector.broadcast %broadcast_in_dim3A_967 : vector<256x1xi32> to vector<256x512xi32>
    %eq3A_969 = arith.cmpi eq, %concatenate3A_757, %eq3A_968 : vector<256x512xi32>
    %and3A_970 = arith.andi %le3A_961, %eq3A_969 : vector<256x512xi1>
    %jit3A_971 = arith.constant 0x7F800000 : f32
    %broadcast_in_dim3A_972 = vector.broadcast %jit3A_971 : f32 to vector<256x512xf32>
    %select_n3A_973 = arith.select %and3A_970, %broadcast_in_dim3A_972, %select_n3A_956 : vector<256x512xi1>, vector<256x512xf32>
    %reduce_min3A_974 = arith.constant dense<0x7F800000> : vector<256xf32>
    %reduce_min3A_975 = vector.multi_reduction <minimumf>, %select_n3A_973, %reduce_min3A_974 [1] : vector<256x512xf32> to vector<256xf32>
    %broadcast_in_dim3A_976 = vector.shape_cast %reduce_min3A_975 : vector<256xf32> to vector<256x1xf32>
    %le3A_977 = vector.broadcast %broadcast_in_dim3A_976 : vector<256x1xf32> to vector<256x512xf32>
    %le3A_978 = arith.cmpf ole, %select_n3A_973, %le3A_977 : vector<256x512xf32>
    %jit3A_979 = arith.constant 1073741824 : i32
    %broadcast_in_dim3A_980 = vector.broadcast %jit3A_979 : i32 to vector<256x512xi32>
    %select_n3A_981 = arith.select %le3A_978, %concatenate3A_757, %broadcast_in_dim3A_980 : vector<256x512xi1>, vector<256x512xi32>
    %reduce_min3A_982 = arith.constant dense<2147483647> : vector<256xi32>
    %reduce_min3A_983 = vector.multi_reduction <minsi>, %select_n3A_981, %reduce_min3A_982 [1] : vector<256x512xi32> to vector<256xi32>
    %broadcast_in_dim3A_984 = vector.shape_cast %reduce_min3A_983 : vector<256xi32> to vector<256x1xi32>
    %eq3A_985 = vector.broadcast %broadcast_in_dim3A_984 : vector<256x1xi32> to vector<256x512xi32>
    %eq3A_986 = arith.cmpi eq, %concatenate3A_757, %eq3A_985 : vector<256x512xi32>
    %and3A_987 = arith.andi %le3A_978, %eq3A_986 : vector<256x512xi1>
    %jit3A_988 = arith.constant 0x7F800000 : f32
    %broadcast_in_dim3A_989 = vector.broadcast %jit3A_988 : f32 to vector<256x512xf32>
    %select_n3A_990 = arith.select %and3A_987, %broadcast_in_dim3A_989, %select_n3A_973 : vector<256x512xi1>, vector<256x512xf32>
    %reduce_min3A_991 = arith.constant dense<0x7F800000> : vector<256xf32>
    %reduce_min3A_992 = vector.multi_reduction <minimumf>, %select_n3A_990, %reduce_min3A_991 [1] : vector<256x512xf32> to vector<256xf32>
    %broadcast_in_dim3A_993 = vector.shape_cast %reduce_min3A_992 : vector<256xf32> to vector<256x1xf32>
    %le3A_994 = vector.broadcast %broadcast_in_dim3A_993 : vector<256x1xf32> to vector<256x512xf32>
    %le3A_995 = arith.cmpf ole, %select_n3A_990, %le3A_994 : vector<256x512xf32>
    %jit3A_996 = arith.constant 1073741824 : i32
    %broadcast_in_dim3A_997 = vector.broadcast %jit3A_996 : i32 to vector<256x512xi32>
    %select_n3A_998 = arith.select %le3A_995, %concatenate3A_757, %broadcast_in_dim3A_997 : vector<256x512xi1>, vector<256x512xi32>
    %reduce_min3A_999 = arith.constant dense<2147483647> : vector<256xi32>
    %reduce_min3A_1000 = vector.multi_reduction <minsi>, %select_n3A_998, %reduce_min3A_999 [1] : vector<256x512xi32> to vector<256xi32>
    %broadcast_in_dim3A_1001 = vector.shape_cast %reduce_min3A_1000 : vector<256xi32> to vector<256x1xi32>
    %eq3A_1002 = vector.broadcast %broadcast_in_dim3A_1001 : vector<256x1xi32> to vector<256x512xi32>
    %eq3A_1003 = arith.cmpi eq, %concatenate3A_757, %eq3A_1002 : vector<256x512xi32>
    %and3A_1004 = arith.andi %le3A_995, %eq3A_1003 : vector<256x512xi1>
    %jit3A_1005 = arith.constant 0x7F800000 : f32
    %broadcast_in_dim3A_1006 = vector.broadcast %jit3A_1005 : f32 to vector<256x512xf32>
    %select_n3A_1007 = arith.select %and3A_1004, %broadcast_in_dim3A_1006, %select_n3A_990 : vector<256x512xi1>, vector<256x512xf32>
    %reduce_min3A_1008 = arith.constant dense<0x7F800000> : vector<256xf32>
    %reduce_min3A_1009 = vector.multi_reduction <minimumf>, %select_n3A_1007, %reduce_min3A_1008 [1] : vector<256x512xf32> to vector<256xf32>
    %broadcast_in_dim3A_1010 = vector.shape_cast %reduce_min3A_1009 : vector<256xf32> to vector<256x1xf32>
    %le3A_1011 = vector.broadcast %broadcast_in_dim3A_1010 : vector<256x1xf32> to vector<256x512xf32>
    %le3A_1012 = arith.cmpf ole, %select_n3A_1007, %le3A_1011 : vector<256x512xf32>
    %jit3A_1013 = arith.constant 1073741824 : i32
    %broadcast_in_dim3A_1014 = vector.broadcast %jit3A_1013 : i32 to vector<256x512xi32>
    %select_n3A_1015 = arith.select %le3A_1012, %concatenate3A_757, %broadcast_in_dim3A_1014 : vector<256x512xi1>, vector<256x512xi32>
    %reduce_min3A_1016 = arith.constant dense<2147483647> : vector<256xi32>
    %reduce_min3A_1017 = vector.multi_reduction <minsi>, %select_n3A_1015, %reduce_min3A_1016 [1] : vector<256x512xi32> to vector<256xi32>
    %broadcast_in_dim3A_1018 = vector.shape_cast %reduce_min3A_1017 : vector<256xi32> to vector<256x1xi32>
    %concatenate3A_1019 = tpu.concatenate %broadcast_in_dim3A_765, %broadcast_in_dim3A_780, %broadcast_in_dim3A_797, %broadcast_in_dim3A_814, %broadcast_in_dim3A_831, %broadcast_in_dim3A_848, %broadcast_in_dim3A_865, %broadcast_in_dim3A_882, %broadcast_in_dim3A_899, %broadcast_in_dim3A_916, %broadcast_in_dim3A_933, %broadcast_in_dim3A_950, %broadcast_in_dim3A_967, %broadcast_in_dim3A_984, %broadcast_in_dim3A_1001, %broadcast_in_dim3A_1018 in 1 : vector<256x1xi32>, vector<256x1xi32>, vector<256x1xi32>, vector<256x1xi32>, vector<256x1xi32>, vector<256x1xi32>, vector<256x1xi32>, vector<256x1xi32>, vector<256x1xi32>, vector<256x1xi32>, vector<256x1xi32>, vector<256x1xi32>, vector<256x1xi32>, vector<256x1xi32>, vector<256x1xi32>, vector<256x1xi32> -> vector<256x16xi32>
    %lt3A_1020 = vector.broadcast %broadcast_in_dim3A_1010 : vector<256x1xf32> to vector<256x128xf32>
    %lt3A_1021 = arith.cmpf olt, %select_n3A_754, %lt3A_1020 : vector<256x128xf32>
    %eq3A_1022 = vector.broadcast %broadcast_in_dim3A_1010 : vector<256x1xf32> to vector<256x128xf32>
    %eq3A_1023 = arith.cmpf oeq, %select_n3A_754, %eq3A_1022 : vector<256x128xf32>
    %lt3A_1024 = vector.broadcast %broadcast_in_dim3A_1018 : vector<256x1xi32> to vector<256x128xi32>
    %lt3A_1025 = arith.cmpi slt, %select_n3A_755, %lt3A_1024 : vector<256x128xi32>
    %and3A_1026 = arith.andi %eq3A_1023, %lt3A_1025 : vector<256x128xi1>
    %or3A = arith.ori %lt3A_1021, %and3A_1026 : vector<256x128xi1>
    %convert_element_type3A_1027 = arith.extui %or3A : vector<256x128xi1> to vector<256x128xi32>
    %reduce_sum3A = vector.shape_cast %convert_element_type3A_1027 : vector<256x128xi32> to vector<1x256x128xi32>
    %reduce_sum3A_1028 = arith.constant dense<0> : vector<1xi32>
    %reduce_sum3A_1029 = vector.multi_reduction <add>, %reduce_sum3A, %reduce_sum3A_1028 [1, 2] : vector<1x256x128xi32> to vector<1xi32>
    %reduce_sum3A_1030 = vector.shape_cast %reduce_sum3A_1029 : vector<1xi32> to vector<1x1x1xi32>
    %reduce_sum3A_1031 = vector.extract %reduce_sum3A_1030[0, 0, 0] : i32 from vector<1x1x1xi32>
    %gt3A = arith.constant 0 : i32
    %gt3A_1032 = arith.cmpi sgt, %reduce_sum3A_1031, %gt3A : i32
    %convert_element_type3A_1033 = arith.extui %gt3A_1032 : i1 to i32
    %cond3A = arith.constant 0x7F800000 : f32
    %cond3A_1034 = arith.constant 0 : i32
    %cond3A_1035 = arith.cmpi ne, %convert_element_type3A_1033, %cond3A_1034 : i32
    %cond3A_1036 = scf.if %cond3A_1035 -> (vector<256x16xi32>) {
      %iota3A_1045 = tpu.iota {dimensions = array<i32: 1>} : vector<256x4096xi32>
      %reduce_min3A_1046 = arith.constant dense<0x7F800000> : vector<256xf32>
      %reduce_min3A_1047 = vector.multi_reduction <minimumf>, %sub3A, %reduce_min3A_1046 [1] : vector<256x4096xf32> to vector<256xf32>
      %broadcast_in_dim3A_1048 = vector.shape_cast %reduce_min3A_1047 : vector<256xf32> to vector<256x1xf32>
      %le3A_1049 = vector.broadcast %broadcast_in_dim3A_1048 : vector<256x1xf32> to vector<256x4096xf32>
      %le3A_1050 = arith.cmpf ole, %sub3A, %le3A_1049 : vector<256x4096xf32>
      %jit3A_1051 = arith.constant 4096 : i32
      %broadcast_in_dim3A_1052 = vector.broadcast %jit3A_1051 : i32 to vector<256x4096xi32>
      %select_n3A_1053 = arith.select %le3A_1050, %iota3A_1045, %broadcast_in_dim3A_1052 : vector<256x4096xi1>, vector<256x4096xi32>
      %reduce_min3A_1054 = arith.constant dense<2147483647> : vector<256xi32>
      %reduce_min3A_1055 = vector.multi_reduction <minsi>, %select_n3A_1053, %reduce_min3A_1054 [1] : vector<256x4096xi32> to vector<256xi32>
      %broadcast_in_dim3A_1056 = vector.shape_cast %reduce_min3A_1055 : vector<256xi32> to vector<256x1xi32>
      %eq3A_1057 = vector.broadcast %broadcast_in_dim3A_1056 : vector<256x1xi32> to vector<256x4096xi32>
      %eq3A_1058 = arith.cmpi eq, %iota3A_1045, %eq3A_1057 : vector<256x4096xi32>
      %broadcast_in_dim3A_1059 = vector.broadcast %cond3A : f32 to vector<256x4096xf32>
      %select_n3A_1060 = arith.select %eq3A_1058, %broadcast_in_dim3A_1059, %sub3A : vector<256x4096xi1>, vector<256x4096xf32>
      %reduce_min3A_1061 = arith.constant dense<0x7F800000> : vector<256xf32>
      %reduce_min3A_1062 = vector.multi_reduction <minimumf>, %select_n3A_1060, %reduce_min3A_1061 [1] : vector<256x4096xf32> to vector<256xf32>
      %broadcast_in_dim3A_1063 = vector.shape_cast %reduce_min3A_1062 : vector<256xf32> to vector<256x1xf32>
      %le3A_1064 = vector.broadcast %broadcast_in_dim3A_1063 : vector<256x1xf32> to vector<256x4096xf32>
      %le3A_1065 = arith.cmpf ole, %select_n3A_1060, %le3A_1064 : vector<256x4096xf32>
      %jit3A_1066 = arith.constant 4096 : i32
      %broadcast_in_dim3A_1067 = vector.broadcast %jit3A_1066 : i32 to vector<256x4096xi32>
      %select_n3A_1068 = arith.select %le3A_1065, %iota3A_1045, %broadcast_in_dim3A_1067 : vector<256x4096xi1>, vector<256x4096xi32>
      %reduce_min3A_1069 = arith.constant dense<2147483647> : vector<256xi32>
      %reduce_min3A_1070 = vector.multi_reduction <minsi>, %select_n3A_1068, %reduce_min3A_1069 [1] : vector<256x4096xi32> to vector<256xi32>
      %broadcast_in_dim3A_1071 = vector.shape_cast %reduce_min3A_1070 : vector<256xi32> to vector<256x1xi32>
      %eq3A_1072 = vector.broadcast %broadcast_in_dim3A_1071 : vector<256x1xi32> to vector<256x4096xi32>
      %eq3A_1073 = arith.cmpi eq, %iota3A_1045, %eq3A_1072 : vector<256x4096xi32>
      %broadcast_in_dim3A_1074 = vector.broadcast %cond3A : f32 to vector<256x4096xf32>
      %select_n3A_1075 = arith.select %eq3A_1073, %broadcast_in_dim3A_1074, %select_n3A_1060 : vector<256x4096xi1>, vector<256x4096xf32>
      %reduce_min3A_1076 = arith.constant dense<0x7F800000> : vector<256xf32>
      %reduce_min3A_1077 = vector.multi_reduction <minimumf>, %select_n3A_1075, %reduce_min3A_1076 [1] : vector<256x4096xf32> to vector<256xf32>
      %broadcast_in_dim3A_1078 = vector.shape_cast %reduce_min3A_1077 : vector<256xf32> to vector<256x1xf32>
      %le3A_1079 = vector.broadcast %broadcast_in_dim3A_1078 : vector<256x1xf32> to vector<256x4096xf32>
      %le3A_1080 = arith.cmpf ole, %select_n3A_1075, %le3A_1079 : vector<256x4096xf32>
      %jit3A_1081 = arith.constant 4096 : i32
      %broadcast_in_dim3A_1082 = vector.broadcast %jit3A_1081 : i32 to vector<256x4096xi32>
      %select_n3A_1083 = arith.select %le3A_1080, %iota3A_1045, %broadcast_in_dim3A_1082 : vector<256x4096xi1>, vector<256x4096xi32>
      %reduce_min3A_1084 = arith.constant dense<2147483647> : vector<256xi32>
      %reduce_min3A_1085 = vector.multi_reduction <minsi>, %select_n3A_1083, %reduce_min3A_1084 [1] : vector<256x4096xi32> to vector<256xi32>
      %broadcast_in_dim3A_1086 = vector.shape_cast %reduce_min3A_1085 : vector<256xi32> to vector<256x1xi32>
      %eq3A_1087 = vector.broadcast %broadcast_in_dim3A_1086 : vector<256x1xi32> to vector<256x4096xi32>
      %eq3A_1088 = arith.cmpi eq, %iota3A_1045, %eq3A_1087 : vector<256x4096xi32>
      %broadcast_in_dim3A_1089 = vector.broadcast %cond3A : f32 to vector<256x4096xf32>
      %select_n3A_1090 = arith.select %eq3A_1088, %broadcast_in_dim3A_1089, %select_n3A_1075 : vector<256x4096xi1>, vector<256x4096xf32>
      %reduce_min3A_1091 = arith.constant dense<0x7F800000> : vector<256xf32>
      %reduce_min3A_1092 = vector.multi_reduction <minimumf>, %select_n3A_1090, %reduce_min3A_1091 [1] : vector<256x4096xf32> to vector<256xf32>
      %broadcast_in_dim3A_1093 = vector.shape_cast %reduce_min3A_1092 : vector<256xf32> to vector<256x1xf32>
      %le3A_1094 = vector.broadcast %broadcast_in_dim3A_1093 : vector<256x1xf32> to vector<256x4096xf32>
      %le3A_1095 = arith.cmpf ole, %select_n3A_1090, %le3A_1094 : vector<256x4096xf32>
      %jit3A_1096 = arith.constant 4096 : i32
      %broadcast_in_dim3A_1097 = vector.broadcast %jit3A_1096 : i32 to vector<256x4096xi32>
      %select_n3A_1098 = arith.select %le3A_1095, %iota3A_1045, %broadcast_in_dim3A_1097 : vector<256x4096xi1>, vector<256x4096xi32>
      %reduce_min3A_1099 = arith.constant dense<2147483647> : vector<256xi32>
      %reduce_min3A_1100 = vector.multi_reduction <minsi>, %select_n3A_1098, %reduce_min3A_1099 [1] : vector<256x4096xi32> to vector<256xi32>
      %broadcast_in_dim3A_1101 = vector.shape_cast %reduce_min3A_1100 : vector<256xi32> to vector<256x1xi32>
      %eq3A_1102 = vector.broadcast %broadcast_in_dim3A_1101 : vector<256x1xi32> to vector<256x4096xi32>
      %eq3A_1103 = arith.cmpi eq, %iota3A_1045, %eq3A_1102 : vector<256x4096xi32>
      %broadcast_in_dim3A_1104 = vector.broadcast %cond3A : f32 to vector<256x4096xf32>
      %select_n3A_1105 = arith.select %eq3A_1103, %broadcast_in_dim3A_1104, %select_n3A_1090 : vector<256x4096xi1>, vector<256x4096xf32>
      %reduce_min3A_1106 = arith.constant dense<0x7F800000> : vector<256xf32>
      %reduce_min3A_1107 = vector.multi_reduction <minimumf>, %select_n3A_1105, %reduce_min3A_1106 [1] : vector<256x4096xf32> to vector<256xf32>
      %broadcast_in_dim3A_1108 = vector.shape_cast %reduce_min3A_1107 : vector<256xf32> to vector<256x1xf32>
      %le3A_1109 = vector.broadcast %broadcast_in_dim3A_1108 : vector<256x1xf32> to vector<256x4096xf32>
      %le3A_1110 = arith.cmpf ole, %select_n3A_1105, %le3A_1109 : vector<256x4096xf32>
      %jit3A_1111 = arith.constant 4096 : i32
      %broadcast_in_dim3A_1112 = vector.broadcast %jit3A_1111 : i32 to vector<256x4096xi32>
      %select_n3A_1113 = arith.select %le3A_1110, %iota3A_1045, %broadcast_in_dim3A_1112 : vector<256x4096xi1>, vector<256x4096xi32>
      %reduce_min3A_1114 = arith.constant dense<2147483647> : vector<256xi32>
      %reduce_min3A_1115 = vector.multi_reduction <minsi>, %select_n3A_1113, %reduce_min3A_1114 [1] : vector<256x4096xi32> to vector<256xi32>
      %broadcast_in_dim3A_1116 = vector.shape_cast %reduce_min3A_1115 : vector<256xi32> to vector<256x1xi32>
      %eq3A_1117 = vector.broadcast %broadcast_in_dim3A_1116 : vector<256x1xi32> to vector<256x4096xi32>
      %eq3A_1118 = arith.cmpi eq, %iota3A_1045, %eq3A_1117 : vector<256x4096xi32>
      %broadcast_in_dim3A_1119 = vector.broadcast %cond3A : f32 to vector<256x4096xf32>
      %select_n3A_1120 = arith.select %eq3A_1118, %broadcast_in_dim3A_1119, %select_n3A_1105 : vector<256x4096xi1>, vector<256x4096xf32>
      %reduce_min3A_1121 = arith.constant dense<0x7F800000> : vector<256xf32>
      %reduce_min3A_1122 = vector.multi_reduction <minimumf>, %select_n3A_1120, %reduce_min3A_1121 [1] : vector<256x4096xf32> to vector<256xf32>
      %broadcast_in_dim3A_1123 = vector.shape_cast %reduce_min3A_1122 : vector<256xf32> to vector<256x1xf32>
      %le3A_1124 = vector.broadcast %broadcast_in_dim3A_1123 : vector<256x1xf32> to vector<256x4096xf32>
      %le3A_1125 = arith.cmpf ole, %select_n3A_1120, %le3A_1124 : vector<256x4096xf32>
      %jit3A_1126 = arith.constant 4096 : i32
      %broadcast_in_dim3A_1127 = vector.broadcast %jit3A_1126 : i32 to vector<256x4096xi32>
      %select_n3A_1128 = arith.select %le3A_1125, %iota3A_1045, %broadcast_in_dim3A_1127 : vector<256x4096xi1>, vector<256x4096xi32>
      %reduce_min3A_1129 = arith.constant dense<2147483647> : vector<256xi32>
      %reduce_min3A_1130 = vector.multi_reduction <minsi>, %select_n3A_1128, %reduce_min3A_1129 [1] : vector<256x4096xi32> to vector<256xi32>
      %broadcast_in_dim3A_1131 = vector.shape_cast %reduce_min3A_1130 : vector<256xi32> to vector<256x1xi32>
      %eq3A_1132 = vector.broadcast %broadcast_in_dim3A_1131 : vector<256x1xi32> to vector<256x4096xi32>
      %eq3A_1133 = arith.cmpi eq, %iota3A_1045, %eq3A_1132 : vector<256x4096xi32>
      %broadcast_in_dim3A_1134 = vector.broadcast %cond3A : f32 to vector<256x4096xf32>
      %select_n3A_1135 = arith.select %eq3A_1133, %broadcast_in_dim3A_1134, %select_n3A_1120 : vector<256x4096xi1>, vector<256x4096xf32>
      %reduce_min3A_1136 = arith.constant dense<0x7F800000> : vector<256xf32>
      %reduce_min3A_1137 = vector.multi_reduction <minimumf>, %select_n3A_1135, %reduce_min3A_1136 [1] : vector<256x4096xf32> to vector<256xf32>
      %broadcast_in_dim3A_1138 = vector.shape_cast %reduce_min3A_1137 : vector<256xf32> to vector<256x1xf32>
      %le3A_1139 = vector.broadcast %broadcast_in_dim3A_1138 : vector<256x1xf32> to vector<256x4096xf32>
      %le3A_1140 = arith.cmpf ole, %select_n3A_1135, %le3A_1139 : vector<256x4096xf32>
      %jit3A_1141 = arith.constant 4096 : i32
      %broadcast_in_dim3A_1142 = vector.broadcast %jit3A_1141 : i32 to vector<256x4096xi32>
      %select_n3A_1143 = arith.select %le3A_1140, %iota3A_1045, %broadcast_in_dim3A_1142 : vector<256x4096xi1>, vector<256x4096xi32>
      %reduce_min3A_1144 = arith.constant dense<2147483647> : vector<256xi32>
      %reduce_min3A_1145 = vector.multi_reduction <minsi>, %select_n3A_1143, %reduce_min3A_1144 [1] : vector<256x4096xi32> to vector<256xi32>
      %broadcast_in_dim3A_1146 = vector.shape_cast %reduce_min3A_1145 : vector<256xi32> to vector<256x1xi32>
      %eq3A_1147 = vector.broadcast %broadcast_in_dim3A_1146 : vector<256x1xi32> to vector<256x4096xi32>
      %eq3A_1148 = arith.cmpi eq, %iota3A_1045, %eq3A_1147 : vector<256x4096xi32>
      %broadcast_in_dim3A_1149 = vector.broadcast %cond3A : f32 to vector<256x4096xf32>
      %select_n3A_1150 = arith.select %eq3A_1148, %broadcast_in_dim3A_1149, %select_n3A_1135 : vector<256x4096xi1>, vector<256x4096xf32>
      %reduce_min3A_1151 = arith.constant dense<0x7F800000> : vector<256xf32>
      %reduce_min3A_1152 = vector.multi_reduction <minimumf>, %select_n3A_1150, %reduce_min3A_1151 [1] : vector<256x4096xf32> to vector<256xf32>
      %broadcast_in_dim3A_1153 = vector.shape_cast %reduce_min3A_1152 : vector<256xf32> to vector<256x1xf32>
      %le3A_1154 = vector.broadcast %broadcast_in_dim3A_1153 : vector<256x1xf32> to vector<256x4096xf32>
      %le3A_1155 = arith.cmpf ole, %select_n3A_1150, %le3A_1154 : vector<256x4096xf32>
      %jit3A_1156 = arith.constant 4096 : i32
      %broadcast_in_dim3A_1157 = vector.broadcast %jit3A_1156 : i32 to vector<256x4096xi32>
      %select_n3A_1158 = arith.select %le3A_1155, %iota3A_1045, %broadcast_in_dim3A_1157 : vector<256x4096xi1>, vector<256x4096xi32>
      %reduce_min3A_1159 = arith.constant dense<2147483647> : vector<256xi32>
      %reduce_min3A_1160 = vector.multi_reduction <minsi>, %select_n3A_1158, %reduce_min3A_1159 [1] : vector<256x4096xi32> to vector<256xi32>
      %broadcast_in_dim3A_1161 = vector.shape_cast %reduce_min3A_1160 : vector<256xi32> to vector<256x1xi32>
      %eq3A_1162 = vector.broadcast %broadcast_in_dim3A_1161 : vector<256x1xi32> to vector<256x4096xi32>
      %eq3A_1163 = arith.cmpi eq, %iota3A_1045, %eq3A_1162 : vector<256x4096xi32>
      %broadcast_in_dim3A_1164 = vector.broadcast %cond3A : f32 to vector<256x4096xf32>
      %select_n3A_1165 = arith.select %eq3A_1163, %broadcast_in_dim3A_1164, %select_n3A_1150 : vector<256x4096xi1>, vector<256x4096xf32>
      %reduce_min3A_1166 = arith.constant dense<0x7F800000> : vector<256xf32>
      %reduce_min3A_1167 = vector.multi_reduction <minimumf>, %select_n3A_1165, %reduce_min3A_1166 [1] : vector<256x4096xf32> to vector<256xf32>
      %broadcast_in_dim3A_1168 = vector.shape_cast %reduce_min3A_1167 : vector<256xf32> to vector<256x1xf32>
      %le3A_1169 = vector.broadcast %broadcast_in_dim3A_1168 : vector<256x1xf32> to vector<256x4096xf32>
      %le3A_1170 = arith.cmpf ole, %select_n3A_1165, %le3A_1169 : vector<256x4096xf32>
      %jit3A_1171 = arith.constant 4096 : i32
      %broadcast_in_dim3A_1172 = vector.broadcast %jit3A_1171 : i32 to vector<256x4096xi32>
      %select_n3A_1173 = arith.select %le3A_1170, %iota3A_1045, %broadcast_in_dim3A_1172 : vector<256x4096xi1>, vector<256x4096xi32>
      %reduce_min3A_1174 = arith.constant dense<2147483647> : vector<256xi32>
      %reduce_min3A_1175 = vector.multi_reduction <minsi>, %select_n3A_1173, %reduce_min3A_1174 [1] : vector<256x4096xi32> to vector<256xi32>
      %broadcast_in_dim3A_1176 = vector.shape_cast %reduce_min3A_1175 : vector<256xi32> to vector<256x1xi32>
      %eq3A_1177 = vector.broadcast %broadcast_in_dim3A_1176 : vector<256x1xi32> to vector<256x4096xi32>
      %eq3A_1178 = arith.cmpi eq, %iota3A_1045, %eq3A_1177 : vector<256x4096xi32>
      %broadcast_in_dim3A_1179 = vector.broadcast %cond3A : f32 to vector<256x4096xf32>
      %select_n3A_1180 = arith.select %eq3A_1178, %broadcast_in_dim3A_1179, %select_n3A_1165 : vector<256x4096xi1>, vector<256x4096xf32>
      %reduce_min3A_1181 = arith.constant dense<0x7F800000> : vector<256xf32>
      %reduce_min3A_1182 = vector.multi_reduction <minimumf>, %select_n3A_1180, %reduce_min3A_1181 [1] : vector<256x4096xf32> to vector<256xf32>
      %broadcast_in_dim3A_1183 = vector.shape_cast %reduce_min3A_1182 : vector<256xf32> to vector<256x1xf32>
      %le3A_1184 = vector.broadcast %broadcast_in_dim3A_1183 : vector<256x1xf32> to vector<256x4096xf32>
      %le3A_1185 = arith.cmpf ole, %select_n3A_1180, %le3A_1184 : vector<256x4096xf32>
      %jit3A_1186 = arith.constant 4096 : i32
      %broadcast_in_dim3A_1187 = vector.broadcast %jit3A_1186 : i32 to vector<256x4096xi32>
      %select_n3A_1188 = arith.select %le3A_1185, %iota3A_1045, %broadcast_in_dim3A_1187 : vector<256x4096xi1>, vector<256x4096xi32>
      %reduce_min3A_1189 = arith.constant dense<2147483647> : vector<256xi32>
      %reduce_min3A_1190 = vector.multi_reduction <minsi>, %select_n3A_1188, %reduce_min3A_1189 [1] : vector<256x4096xi32> to vector<256xi32>
      %broadcast_in_dim3A_1191 = vector.shape_cast %reduce_min3A_1190 : vector<256xi32> to vector<256x1xi32>
      %eq3A_1192 = vector.broadcast %broadcast_in_dim3A_1191 : vector<256x1xi32> to vector<256x4096xi32>
      %eq3A_1193 = arith.cmpi eq, %iota3A_1045, %eq3A_1192 : vector<256x4096xi32>
      %broadcast_in_dim3A_1194 = vector.broadcast %cond3A : f32 to vector<256x4096xf32>
      %select_n3A_1195 = arith.select %eq3A_1193, %broadcast_in_dim3A_1194, %select_n3A_1180 : vector<256x4096xi1>, vector<256x4096xf32>
      %reduce_min3A_1196 = arith.constant dense<0x7F800000> : vector<256xf32>
      %reduce_min3A_1197 = vector.multi_reduction <minimumf>, %select_n3A_1195, %reduce_min3A_1196 [1] : vector<256x4096xf32> to vector<256xf32>
      %broadcast_in_dim3A_1198 = vector.shape_cast %reduce_min3A_1197 : vector<256xf32> to vector<256x1xf32>
      %le3A_1199 = vector.broadcast %broadcast_in_dim3A_1198 : vector<256x1xf32> to vector<256x4096xf32>
      %le3A_1200 = arith.cmpf ole, %select_n3A_1195, %le3A_1199 : vector<256x4096xf32>
      %jit3A_1201 = arith.constant 4096 : i32
      %broadcast_in_dim3A_1202 = vector.broadcast %jit3A_1201 : i32 to vector<256x4096xi32>
      %select_n3A_1203 = arith.select %le3A_1200, %iota3A_1045, %broadcast_in_dim3A_1202 : vector<256x4096xi1>, vector<256x4096xi32>
      %reduce_min3A_1204 = arith.constant dense<2147483647> : vector<256xi32>
      %reduce_min3A_1205 = vector.multi_reduction <minsi>, %select_n3A_1203, %reduce_min3A_1204 [1] : vector<256x4096xi32> to vector<256xi32>
      %broadcast_in_dim3A_1206 = vector.shape_cast %reduce_min3A_1205 : vector<256xi32> to vector<256x1xi32>
      %eq3A_1207 = vector.broadcast %broadcast_in_dim3A_1206 : vector<256x1xi32> to vector<256x4096xi32>
      %eq3A_1208 = arith.cmpi eq, %iota3A_1045, %eq3A_1207 : vector<256x4096xi32>
      %broadcast_in_dim3A_1209 = vector.broadcast %cond3A : f32 to vector<256x4096xf32>
      %select_n3A_1210 = arith.select %eq3A_1208, %broadcast_in_dim3A_1209, %select_n3A_1195 : vector<256x4096xi1>, vector<256x4096xf32>
      %reduce_min3A_1211 = arith.constant dense<0x7F800000> : vector<256xf32>
      %reduce_min3A_1212 = vector.multi_reduction <minimumf>, %select_n3A_1210, %reduce_min3A_1211 [1] : vector<256x4096xf32> to vector<256xf32>
      %broadcast_in_dim3A_1213 = vector.shape_cast %reduce_min3A_1212 : vector<256xf32> to vector<256x1xf32>
      %le3A_1214 = vector.broadcast %broadcast_in_dim3A_1213 : vector<256x1xf32> to vector<256x4096xf32>
      %le3A_1215 = arith.cmpf ole, %select_n3A_1210, %le3A_1214 : vector<256x4096xf32>
      %jit3A_1216 = arith.constant 4096 : i32
      %broadcast_in_dim3A_1217 = vector.broadcast %jit3A_1216 : i32 to vector<256x4096xi32>
      %select_n3A_1218 = arith.select %le3A_1215, %iota3A_1045, %broadcast_in_dim3A_1217 : vector<256x4096xi1>, vector<256x4096xi32>
      %reduce_min3A_1219 = arith.constant dense<2147483647> : vector<256xi32>
      %reduce_min3A_1220 = vector.multi_reduction <minsi>, %select_n3A_1218, %reduce_min3A_1219 [1] : vector<256x4096xi32> to vector<256xi32>
      %broadcast_in_dim3A_1221 = vector.shape_cast %reduce_min3A_1220 : vector<256xi32> to vector<256x1xi32>
      %eq3A_1222 = vector.broadcast %broadcast_in_dim3A_1221 : vector<256x1xi32> to vector<256x4096xi32>
      %eq3A_1223 = arith.cmpi eq, %iota3A_1045, %eq3A_1222 : vector<256x4096xi32>
      %broadcast_in_dim3A_1224 = vector.broadcast %cond3A : f32 to vector<256x4096xf32>
      %select_n3A_1225 = arith.select %eq3A_1223, %broadcast_in_dim3A_1224, %select_n3A_1210 : vector<256x4096xi1>, vector<256x4096xf32>
      %reduce_min3A_1226 = arith.constant dense<0x7F800000> : vector<256xf32>
      %reduce_min3A_1227 = vector.multi_reduction <minimumf>, %select_n3A_1225, %reduce_min3A_1226 [1] : vector<256x4096xf32> to vector<256xf32>
      %broadcast_in_dim3A_1228 = vector.shape_cast %reduce_min3A_1227 : vector<256xf32> to vector<256x1xf32>
      %le3A_1229 = vector.broadcast %broadcast_in_dim3A_1228 : vector<256x1xf32> to vector<256x4096xf32>
      %le3A_1230 = arith.cmpf ole, %select_n3A_1225, %le3A_1229 : vector<256x4096xf32>
      %jit3A_1231 = arith.constant 4096 : i32
      %broadcast_in_dim3A_1232 = vector.broadcast %jit3A_1231 : i32 to vector<256x4096xi32>
      %select_n3A_1233 = arith.select %le3A_1230, %iota3A_1045, %broadcast_in_dim3A_1232 : vector<256x4096xi1>, vector<256x4096xi32>
      %reduce_min3A_1234 = arith.constant dense<2147483647> : vector<256xi32>
      %reduce_min3A_1235 = vector.multi_reduction <minsi>, %select_n3A_1233, %reduce_min3A_1234 [1] : vector<256x4096xi32> to vector<256xi32>
      %broadcast_in_dim3A_1236 = vector.shape_cast %reduce_min3A_1235 : vector<256xi32> to vector<256x1xi32>
      %eq3A_1237 = vector.broadcast %broadcast_in_dim3A_1236 : vector<256x1xi32> to vector<256x4096xi32>
      %eq3A_1238 = arith.cmpi eq, %iota3A_1045, %eq3A_1237 : vector<256x4096xi32>
      %broadcast_in_dim3A_1239 = vector.broadcast %cond3A : f32 to vector<256x4096xf32>
      %select_n3A_1240 = arith.select %eq3A_1238, %broadcast_in_dim3A_1239, %select_n3A_1225 : vector<256x4096xi1>, vector<256x4096xf32>
      %reduce_min3A_1241 = arith.constant dense<0x7F800000> : vector<256xf32>
      %reduce_min3A_1242 = vector.multi_reduction <minimumf>, %select_n3A_1240, %reduce_min3A_1241 [1] : vector<256x4096xf32> to vector<256xf32>
      %broadcast_in_dim3A_1243 = vector.shape_cast %reduce_min3A_1242 : vector<256xf32> to vector<256x1xf32>
      %le3A_1244 = vector.broadcast %broadcast_in_dim3A_1243 : vector<256x1xf32> to vector<256x4096xf32>
      %le3A_1245 = arith.cmpf ole, %select_n3A_1240, %le3A_1244 : vector<256x4096xf32>
      %jit3A_1246 = arith.constant 4096 : i32
      %broadcast_in_dim3A_1247 = vector.broadcast %jit3A_1246 : i32 to vector<256x4096xi32>
      %select_n3A_1248 = arith.select %le3A_1245, %iota3A_1045, %broadcast_in_dim3A_1247 : vector<256x4096xi1>, vector<256x4096xi32>
      %reduce_min3A_1249 = arith.constant dense<2147483647> : vector<256xi32>
      %reduce_min3A_1250 = vector.multi_reduction <minsi>, %select_n3A_1248, %reduce_min3A_1249 [1] : vector<256x4096xi32> to vector<256xi32>
      %broadcast_in_dim3A_1251 = vector.shape_cast %reduce_min3A_1250 : vector<256xi32> to vector<256x1xi32>
      %eq3A_1252 = vector.broadcast %broadcast_in_dim3A_1251 : vector<256x1xi32> to vector<256x4096xi32>
      %eq3A_1253 = arith.cmpi eq, %iota3A_1045, %eq3A_1252 : vector<256x4096xi32>
      %broadcast_in_dim3A_1254 = vector.broadcast %cond3A : f32 to vector<256x4096xf32>
      %select_n3A_1255 = arith.select %eq3A_1253, %broadcast_in_dim3A_1254, %select_n3A_1240 : vector<256x4096xi1>, vector<256x4096xf32>
      %reduce_min3A_1256 = arith.constant dense<0x7F800000> : vector<256xf32>
      %reduce_min3A_1257 = vector.multi_reduction <minimumf>, %select_n3A_1255, %reduce_min3A_1256 [1] : vector<256x4096xf32> to vector<256xf32>
      %broadcast_in_dim3A_1258 = vector.shape_cast %reduce_min3A_1257 : vector<256xf32> to vector<256x1xf32>
      %le3A_1259 = vector.broadcast %broadcast_in_dim3A_1258 : vector<256x1xf32> to vector<256x4096xf32>
      %le3A_1260 = arith.cmpf ole, %select_n3A_1255, %le3A_1259 : vector<256x4096xf32>
      %jit3A_1261 = arith.constant 4096 : i32
      %broadcast_in_dim3A_1262 = vector.broadcast %jit3A_1261 : i32 to vector<256x4096xi32>
      %select_n3A_1263 = arith.select %le3A_1260, %iota3A_1045, %broadcast_in_dim3A_1262 : vector<256x4096xi1>, vector<256x4096xi32>
      %reduce_min3A_1264 = arith.constant dense<2147483647> : vector<256xi32>
      %reduce_min3A_1265 = vector.multi_reduction <minsi>, %select_n3A_1263, %reduce_min3A_1264 [1] : vector<256x4096xi32> to vector<256xi32>
      %broadcast_in_dim3A_1266 = vector.shape_cast %reduce_min3A_1265 : vector<256xi32> to vector<256x1xi32>
      %eq3A_1267 = vector.broadcast %broadcast_in_dim3A_1266 : vector<256x1xi32> to vector<256x4096xi32>
      %eq3A_1268 = arith.cmpi eq, %iota3A_1045, %eq3A_1267 : vector<256x4096xi32>
      %broadcast_in_dim3A_1269 = vector.broadcast %cond3A : f32 to vector<256x4096xf32>
      %select_n3A_1270 = arith.select %eq3A_1268, %broadcast_in_dim3A_1269, %select_n3A_1255 : vector<256x4096xi1>, vector<256x4096xf32>
      %reduce_min3A_1271 = arith.constant dense<0x7F800000> : vector<256xf32>
      %reduce_min3A_1272 = vector.multi_reduction <minimumf>, %select_n3A_1270, %reduce_min3A_1271 [1] : vector<256x4096xf32> to vector<256xf32>
      %broadcast_in_dim3A_1273 = vector.shape_cast %reduce_min3A_1272 : vector<256xf32> to vector<256x1xf32>
      %le3A_1274 = vector.broadcast %broadcast_in_dim3A_1273 : vector<256x1xf32> to vector<256x4096xf32>
      %le3A_1275 = arith.cmpf ole, %select_n3A_1270, %le3A_1274 : vector<256x4096xf32>
      %jit3A_1276 = arith.constant 4096 : i32
      %broadcast_in_dim3A_1277 = vector.broadcast %jit3A_1276 : i32 to vector<256x4096xi32>
      %select_n3A_1278 = arith.select %le3A_1275, %iota3A_1045, %broadcast_in_dim3A_1277 : vector<256x4096xi1>, vector<256x4096xi32>
      %reduce_min3A_1279 = arith.constant dense<2147483647> : vector<256xi32>
      %reduce_min3A_1280 = vector.multi_reduction <minsi>, %select_n3A_1278, %reduce_min3A_1279 [1] : vector<256x4096xi32> to vector<256xi32>
      %broadcast_in_dim3A_1281 = vector.shape_cast %reduce_min3A_1280 : vector<256xi32> to vector<256x1xi32>
      %concatenate3A_1282 = tpu.concatenate %broadcast_in_dim3A_1056, %broadcast_in_dim3A_1071, %broadcast_in_dim3A_1086, %broadcast_in_dim3A_1101, %broadcast_in_dim3A_1116, %broadcast_in_dim3A_1131, %broadcast_in_dim3A_1146, %broadcast_in_dim3A_1161, %broadcast_in_dim3A_1176, %broadcast_in_dim3A_1191, %broadcast_in_dim3A_1206, %broadcast_in_dim3A_1221, %broadcast_in_dim3A_1236, %broadcast_in_dim3A_1251, %broadcast_in_dim3A_1266, %broadcast_in_dim3A_1281 in 1 : vector<256x1xi32>, vector<256x1xi32>, vector<256x1xi32>, vector<256x1xi32>, vector<256x1xi32>, vector<256x1xi32>, vector<256x1xi32>, vector<256x1xi32>, vector<256x1xi32>, vector<256x1xi32>, vector<256x1xi32>, vector<256x1xi32>, vector<256x1xi32>, vector<256x1xi32>, vector<256x1xi32>, vector<256x1xi32> -> vector<256x16xi32>
      scf.yield %concatenate3A_1282 : vector<256x16xi32>
    } else {
      scf.yield %concatenate3A_1019 : vector<256x16xi32>
    }
    %add3A_1037 = arith.constant 4096 : i32
    %add3A_1038 = vector.broadcast %add3A_1037 : i32 to vector<256x16xi32>
    %add3A_1039 = arith.addi %cond3A_1036, %add3A_1038 : vector<256x16xi32>
    %swap3A = arith.constant 0 : index
    %swap3A_1040 = arith.constant 0 : index
    %swap3A_1041 = arith.constant 0 : index
    %swap3A_1042 = vector.load %arg3[%swap3A, %swap3A_1040, %swap3A_1041] : memref<1x256x16xi32, #tpu.memory_space<vmem>>, vector<1x256x16xi32>
    %swap3A_1043 = vector.shape_cast %swap3A_1042 : vector<1x256x16xi32> to vector<256x16xi32>
    %swap3A_1044 = vector.shape_cast %add3A_1039 : vector<256x16xi32> to vector<1x256x16xi32>
    tpu.vector_store %arg3[%swap3A, %swap3A_1040, %swap3A_1041], %swap3A_1044 {strides = array<i32>} : memref<1x256x16xi32, #tpu.memory_space<vmem>>, vector<1x256x16xi32>,
    return
  }
  func.func @transform_0(%arg0: i32) -> (i32, i32, i32) {
    %c0_i32 = arith.constant 0 : i32
    %c0_i32_0 = arith.constant 0 : i32
    %c0_i32_1 = arith.constant 0 : i32
    return %c0_i32, %arg0, %c0_i32_0 : i32, i32, i32
  }
  func.func @transform_1(%arg0: i32) -> (i32, i32, i32) {
    %c0_i32 = arith.constant 0 : i32
    %c0_i32_0 = arith.constant 0 : i32
    %c0_i32_1 = arith.constant 0 : i32
    %c0_i32_2 = arith.constant 0 : i32
    return %c0_i32, %c0_i32_0, %c0_i32_1 : i32, i32, i32
  }
  func.func @transform_2(%arg0: i32) -> (i32, i32, i32) {
    %c0_i32 = arith.constant 0 : i32
    %c0_i32_0 = arith.constant 0 : i32
    %c0_i32_1 = arith.constant 0 : i32
    return %c0_i32, %arg0, %c0_i32_0 : i32, i32, i32
  }
}

module attributes {stable_mosaic.version = 14 : i64} {
  func.func @_attn_body(%arg0: i32, %arg1: memref<256x128xf32, #tpu.memory_space<vmem>>, %arg2: memref<256x128xf32, #tpu.memory_space<vmem>>, %arg3: memref<256x128xf32, #tpu.memory_space<vmem>>, %arg4: memref<4096x128xi32, #tpu.memory_space<vmem>>, %arg5: memref<4096x128xf32, #tpu.memory_space<vmem>>, %arg6: memref<16x128xf32, #tpu.memory_space<vmem>>, %arg7: memref<128xf32, #tpu.memory_space<vmem>>, %arg8: memref<128x128xf32, #tpu.memory_space<vmem>>, %arg9: memref<128xf32, #tpu.memory_space<vmem>>, %arg10: memref<128x128xf32, #tpu.memory_space<vmem>>, %arg11: memref<128xf32, #tpu.memory_space<vmem>>, %arg12: memref<128x128xf32, #tpu.memory_space<vmem>>, %arg13: memref<128xf32, #tpu.memory_space<vmem>>, %arg14: memref<128x128xf32, #tpu.memory_space<vmem>>, %arg15: memref<128xf32, #tpu.memory_space<vmem>>, %arg16: memref<256x128xf32, #tpu.memory_space<vmem>>) attributes {dimension_semantics = [#tpu.dimension_semantics<arbitrary>], iteration_bounds = array<i64: 16>, scalar_prefetch = 0 : i64, scratch_operands = 0 : i64, tpu.core_type = #tpu.core_type<tc>, window_params = [{transform_indices = @transform_0, window_bounds = array<i64: 256, 128>}, {transform_indices = @transform_1, window_bounds = array<i64: 256, 128>}, {transform_indices = @transform_2, window_bounds = array<i64: 256, 128>}, {transform_indices = @transform_3, window_bounds = array<i64: 4096, 128>}, {transform_indices = @transform_4, window_bounds = array<i64: 4096, 128>}, {pipeline_mode = #tpu.pipeline_mode<synchronous>, transform_indices = @transform_5, window_bounds = array<i64: 16, 128>}, {pipeline_mode = #tpu.pipeline_mode<synchronous>, transform_indices = @transform_6, window_bounds = array<i64: 128>}, {pipeline_mode = #tpu.pipeline_mode<synchronous>, transform_indices = @transform_7, window_bounds = array<i64: 128, 128>}, {pipeline_mode = #tpu.pipeline_mode<synchronous>, transform_indices = @transform_8, window_bounds = array<i64: 128>}, {pipeline_mode = #tpu.pipeline_mode<synchronous>, transform_indices = @transform_9, window_bounds = array<i64: 128, 128>}, {pipeline_mode = #tpu.pipeline_mode<synchronous>, transform_indices = @transform_10, window_bounds = array<i64: 128>}, {pipeline_mode = #tpu.pipeline_mode<synchronous>, transform_indices = @transform_11, window_bounds = array<i64: 128, 128>}, {pipeline_mode = #tpu.pipeline_mode<synchronous>, transform_indices = @transform_12, window_bounds = array<i64: 128>}, {pipeline_mode = #tpu.pipeline_mode<synchronous>, transform_indices = @transform_13, window_bounds = array<i64: 128, 128>}, {pipeline_mode = #tpu.pipeline_mode<synchronous>, transform_indices = @transform_14, window_bounds = array<i64: 128>}, {transform_indices = @transform_15, window_bounds = array<i64: 256, 128>}]} {
    %get3A = arith.constant 0 : index
    %get3A_0 = arith.constant 0 : index
    %get3A_1 = vector.load %arg4[%get3A, %get3A_0] : memref<4096x128xi32, #tpu.memory_space<vmem>>, vector<4096x128xi32>
    %and3A = arith.constant -65536 : i32
    %and3A_2 = vector.broadcast %and3A : i32 to vector<4096x128xi32>
    %and3A_3 = arith.andi %get3A_1, %and3A_2 : vector<4096x128xi32>
    %bitcast_convert_type3A = tpu.bitcast %and3A_3 : vector<4096x128xi32> -> vector<4096x128xf32>
    %shift_left3A = arith.constant 16 : i32
    %shift_left3A_4 = vector.broadcast %shift_left3A : i32 to vector<4096x128xi32>
    %shift_left3A_5 = arith.shli %get3A_1, %shift_left3A_4 : vector<4096x128xi32>
    %bitcast_convert_type3A_6 = tpu.bitcast %shift_left3A_5 : vector<4096x128xi32> -> vector<4096x128xf32>
    %get3A_7 = arith.constant 0 : index
    %get3A_8 = arith.constant 0 : index
    %get3A_9 = vector.load %arg5[%get3A_7, %get3A_8] : memref<4096x128xf32, #tpu.memory_space<vmem>>, vector<4096x16xf32>
    %get3A_10 = arith.constant 0 : index
    %get3A_11 = arith.constant 0 : index
    %get3A_12 = vector.load %arg3[%get3A_10, %get3A_11] : memref<256x128xf32, #tpu.memory_space<vmem>>, vector<256x16xf32>
    %broadcast_in_dim3A = vector.shape_cast %get3A_12 : vector<256x16xf32> to vector<256x1x16xf32>
    %broadcast_in_dim3A_13 = vector.shape_cast %broadcast_in_dim3A : vector<256x1x16xf32> to vector<256x1x16xf32>
    %broadcast_in_dim3A_14 = vector.broadcast %broadcast_in_dim3A_13 : vector<256x1x16xf32> to vector<256x16x16xf32>
    %reshape3A = vector.shape_cast %broadcast_in_dim3A_14 : vector<256x16x16xf32> to vector<4096x16xf32>
    %sub3A = arith.subf %reshape3A, %get3A_9 : vector<4096x16xf32>
    %get3A_15 = arith.constant 0 : index
    %get3A_16 = arith.constant 0 : index
    %get3A_17 = vector.load %arg6[%get3A_15, %get3A_16] : memref<16x128xf32, #tpu.memory_space<vmem>>, vector<16x128xf32>
    %dot_general3A = arith.constant dense<0.000000e+00> : vector<4096x128xf32>
    %dot_general3A_18 = tpu.matmul %sub3A, %get3A_17, %dot_general3A {dimension_numbers = #tpu.dot_dimension_numbers<[1], [0], [0], [1], [0, 0, 1, 1], [], []>, transpose_lhs_hint = false} : vector<4096x16xf32>, vector<16x128xf32>, vector<4096x128xf32> -> vector<4096x128xf32>
    %get3A_19 = arith.constant 0 : index
    %get3A_20 = vector.load %arg7[%get3A_19] : memref<128xf32, #tpu.memory_space<vmem>>, vector<128xf32>
    %broadcast_in_dim3A_21 = vector.shape_cast %get3A_20 : vector<128xf32> to vector<1x128xf32>
    %add3A = vector.broadcast %broadcast_in_dim3A_21 : vector<1x128xf32> to vector<4096x128xf32>
    %add3A_22 = arith.addf %dot_general3A_18, %add3A : vector<4096x128xf32>
    %max3A = arith.constant 0.000000e+00 : f32
    %max3A_23 = vector.broadcast %max3A : f32 to vector<4096x128xf32>
    %max3A_24 = arith.maximumf %add3A_22, %max3A_23 : vector<4096x128xf32>
    %get3A_25 = arith.constant 0 : index
    %get3A_26 = arith.constant 0 : index
    %get3A_27 = vector.load %arg8[%get3A_25, %get3A_26] : memref<128x128xf32, #tpu.memory_space<vmem>>, vector<128x128xf32>
    %dot_general3A_28 = arith.constant dense<0.000000e+00> : vector<4096x128xf32>
    %dot_general3A_29 = tpu.matmul %max3A_24, %get3A_27, %dot_general3A_28 {dimension_numbers = #tpu.dot_dimension_numbers<[1], [0], [0], [1], [0, 0, 1, 1], [], []>, transpose_lhs_hint = false} : vector<4096x128xf32>, vector<128x128xf32>, vector<4096x128xf32> -> vector<4096x128xf32>
    %get3A_30 = arith.constant 0 : index
    %get3A_31 = vector.load %arg9[%get3A_30] : memref<128xf32, #tpu.memory_space<vmem>>, vector<128xf32>
    %broadcast_in_dim3A_32 = vector.shape_cast %get3A_31 : vector<128xf32> to vector<1x128xf32>
    %add3A_33 = vector.broadcast %broadcast_in_dim3A_32 : vector<1x128xf32> to vector<4096x128xf32>
    %add3A_34 = arith.addf %dot_general3A_29, %add3A_33 : vector<4096x128xf32>
    %get3A_35 = arith.constant 0 : index
    %get3A_36 = arith.constant 0 : index
    %get3A_37 = vector.load %arg1[%get3A_35, %get3A_36] : memref<256x128xf32, #tpu.memory_space<vmem>>, vector<256x128xf32>
    %broadcast_in_dim3A_38 = vector.shape_cast %get3A_37 : vector<256x128xf32> to vector<256x1x128xf32>
    %broadcast_in_dim3A_39 = vector.shape_cast %broadcast_in_dim3A_38 : vector<256x1x128xf32> to vector<256x1x128xf32>
    %broadcast_in_dim3A_40 = vector.broadcast %broadcast_in_dim3A_39 : vector<256x1x128xf32> to vector<256x16x128xf32>
    %reshape3A_41 = vector.shape_cast %broadcast_in_dim3A_40 : vector<256x16x128xf32> to vector<4096x128xf32>
    %sub3A_42 = arith.subf %reshape3A_41, %bitcast_convert_type3A : vector<4096x128xf32>
    %add3A_43 = arith.addf %sub3A_42, %add3A_34 : vector<4096x128xf32>
    %get3A_44 = arith.constant 0 : index
    %get3A_45 = arith.constant 0 : index
    %get3A_46 = vector.load %arg10[%get3A_44, %get3A_45] : memref<128x128xf32, #tpu.memory_space<vmem>>, vector<128x128xf32>
    %dot_general3A_47 = arith.constant dense<0.000000e+00> : vector<4096x128xf32>
    %dot_general3A_48 = tpu.matmul %add3A_43, %get3A_46, %dot_general3A_47 {dimension_numbers = #tpu.dot_dimension_numbers<[1], [0], [0], [1], [0, 0, 1, 1], [], []>, transpose_lhs_hint = false} : vector<4096x128xf32>, vector<128x128xf32>, vector<4096x128xf32> -> vector<4096x128xf32>
    %get3A_49 = arith.constant 0 : index
    %get3A_50 = vector.load %arg11[%get3A_49] : memref<128xf32, #tpu.memory_space<vmem>>, vector<128xf32>
    %broadcast_in_dim3A_51 = vector.shape_cast %get3A_50 : vector<128xf32> to vector<1x128xf32>
    %add3A_52 = vector.broadcast %broadcast_in_dim3A_51 : vector<1x128xf32> to vector<4096x128xf32>
    %add3A_53 = arith.addf %dot_general3A_48, %add3A_52 : vector<4096x128xf32>
    %max3A_54 = arith.constant 0.000000e+00 : f32
    %max3A_55 = vector.broadcast %max3A_54 : f32 to vector<4096x128xf32>
    %max3A_56 = arith.maximumf %add3A_53, %max3A_55 : vector<4096x128xf32>
    %get3A_57 = arith.constant 0 : index
    %get3A_58 = arith.constant 0 : index
    %get3A_59 = vector.load %arg12[%get3A_57, %get3A_58] : memref<128x128xf32, #tpu.memory_space<vmem>>, vector<128x128xf32>
    %dot_general3A_60 = arith.constant dense<0.000000e+00> : vector<4096x128xf32>
    %dot_general3A_61 = tpu.matmul %max3A_56, %get3A_59, %dot_general3A_60 {dimension_numbers = #tpu.dot_dimension_numbers<[1], [0], [0], [1], [0, 0, 1, 1], [], []>, transpose_lhs_hint = false} : vector<4096x128xf32>, vector<128x128xf32>, vector<4096x128xf32> -> vector<4096x128xf32>
    %get3A_62 = arith.constant 0 : index
    %get3A_63 = vector.load %arg13[%get3A_62] : memref<128xf32, #tpu.memory_space<vmem>>, vector<128xf32>
    %broadcast_in_dim3A_64 = vector.shape_cast %get3A_63 : vector<128xf32> to vector<1x128xf32>
    %add3A_65 = vector.broadcast %broadcast_in_dim3A_64 : vector<1x128xf32> to vector<4096x128xf32>
    %add3A_66 = arith.addf %dot_general3A_61, %add3A_65 : vector<4096x128xf32>
    %mul3A = arith.constant 0.0883883461 : f32
    %mul3A_67 = vector.broadcast %mul3A : f32 to vector<4096x128xf32>
    %mul3A_68 = arith.mulf %add3A_66, %mul3A_67 : vector<4096x128xf32>
    %reshape3A_69 = vector.shape_cast %mul3A_68 : vector<4096x128xf32> to vector<256x16x128xf32>
    %reduce_max3A = arith.constant dense<0xFF800000> : vector<256x128xf32>
    %reduce_max3A_70 = vector.multi_reduction <maximumf>, %reshape3A_69, %reduce_max3A [1] : vector<256x16x128xf32> to vector<256x128xf32>
    %broadcast_in_dim3A_71 = vector.shape_cast %reduce_max3A_70 : vector<256x128xf32> to vector<256x1x128xf32>
    %sub3A_72 = vector.broadcast %broadcast_in_dim3A_71 : vector<256x1x128xf32> to vector<256x16x128xf32>
    %sub3A_73 = arith.subf %reshape3A_69, %sub3A_72 : vector<256x16x128xf32>
    %exp3A = math.exp %sub3A_73 : vector<256x16x128xf32>
    %reduce_sum3A = arith.constant dense<0.000000e+00> : vector<256x128xf32>
    %reduce_sum3A_74 = vector.multi_reduction <add>, %exp3A, %reduce_sum3A [1] : vector<256x16x128xf32> to vector<256x128xf32>
    %broadcast_in_dim3A_75 = vector.shape_cast %reduce_sum3A_74 : vector<256x128xf32> to vector<256x1x128xf32>
    %div3A = vector.broadcast %broadcast_in_dim3A_75 : vector<256x1x128xf32> to vector<256x16x128xf32>
    %div3A_76 = arith.divf %exp3A, %div3A : vector<256x16x128xf32>
    %add3A_77 = arith.addf %bitcast_convert_type3A_6, %add3A_34 : vector<4096x128xf32>
    %reshape3A_78 = vector.shape_cast %add3A_77 : vector<4096x128xf32> to vector<256x16x128xf32>
    %mul3A_79 = arith.mulf %div3A_76, %reshape3A_78 : vector<256x16x128xf32>
    %reduce_sum3A_80 = arith.constant dense<0.000000e+00> : vector<256x128xf32>
    %reduce_sum3A_81 = vector.multi_reduction <add>, %mul3A_79, %reduce_sum3A_80 [1] : vector<256x16x128xf32> to vector<256x128xf32>
    %get3A_82 = arith.constant 0 : index
    %get3A_83 = arith.constant 0 : index
    %get3A_84 = vector.load %arg14[%get3A_82, %get3A_83] : memref<128x128xf32, #tpu.memory_space<vmem>>, vector<128x128xf32>
    %dot_general3A_85 = arith.constant dense<0.000000e+00> : vector<256x128xf32>
    %dot_general3A_86 = tpu.matmul %reduce_sum3A_81, %get3A_84, %dot_general3A_85 {dimension_numbers = #tpu.dot_dimension_numbers<[1], [0], [0], [1], [0, 0, 1, 1], [], []>, transpose_lhs_hint = false} : vector<256x128xf32>, vector<128x128xf32>, vector<256x128xf32> -> vector<256x128xf32>
    %get3A_87 = arith.constant 0 : index
    %get3A_88 = vector.load %arg15[%get3A_87] : memref<128xf32, #tpu.memory_space<vmem>>, vector<128xf32>
    %broadcast_in_dim3A_89 = vector.shape_cast %get3A_88 : vector<128xf32> to vector<1x128xf32>
    %add3A_90 = vector.broadcast %broadcast_in_dim3A_89 : vector<1x128xf32> to vector<256x128xf32>
    %add3A_91 = arith.addf %dot_general3A_86, %add3A_90 : vector<256x128xf32>
    %get3A_92 = arith.constant 0 : index
    %get3A_93 = arith.constant 0 : index
    %get3A_94 = vector.load %arg2[%get3A_92, %get3A_93] : memref<256x128xf32, #tpu.memory_space<vmem>>, vector<256x128xf32>
    %add3A_95 = arith.addf %add3A_91, %get3A_94 : vector<256x128xf32>
    %swap3A = arith.constant 0 : index
    %swap3A_96 = arith.constant 0 : index
    %swap3A_97 = vector.load %arg16[%swap3A, %swap3A_96] : memref<256x128xf32, #tpu.memory_space<vmem>>, vector<256x128xf32>
    tpu.vector_store %arg16[%swap3A, %swap3A_96], %add3A_95 {strides = array<i32>} : memref<256x128xf32, #tpu.memory_space<vmem>>, vector<256x128xf32>,
    return
  }
  func.func @transform_0(%arg0: i32) -> (i32, i32) {
    %c0_i32 = arith.constant 0 : i32
    %c0_i32_0 = arith.constant 0 : i32
    return %arg0, %c0_i32 : i32, i32
  }
  func.func @transform_1(%arg0: i32) -> (i32, i32) {
    %c0_i32 = arith.constant 0 : i32
    %c0_i32_0 = arith.constant 0 : i32
    return %arg0, %c0_i32 : i32, i32
  }
  func.func @transform_2(%arg0: i32) -> (i32, i32) {
    %c0_i32 = arith.constant 0 : i32
    %c0_i32_0 = arith.constant 0 : i32
    return %arg0, %c0_i32 : i32, i32
  }
  func.func @transform_3(%arg0: i32) -> (i32, i32) {
    %c0_i32 = arith.constant 0 : i32
    %c0_i32_0 = arith.constant 0 : i32
    return %arg0, %c0_i32 : i32, i32
  }
  func.func @transform_4(%arg0: i32) -> (i32, i32) {
    %c0_i32 = arith.constant 0 : i32
    %c0_i32_0 = arith.constant 0 : i32
    return %arg0, %c0_i32 : i32, i32
  }
  func.func @transform_5(%arg0: i32) -> (i32, i32) {
    %c0_i32 = arith.constant 0 : i32
    %c0_i32_0 = arith.constant 0 : i32
    %c0_i32_1 = arith.constant 0 : i32
    return %c0_i32, %c0_i32_0 : i32, i32
  }
  func.func @transform_6(%arg0: i32) -> i32 {
    %c0_i32 = arith.constant 0 : i32
    %c0_i32_0 = arith.constant 0 : i32
    return %c0_i32 : i32
  }
  func.func @transform_7(%arg0: i32) -> (i32, i32) {
    %c0_i32 = arith.constant 0 : i32
    %c0_i32_0 = arith.constant 0 : i32
    %c0_i32_1 = arith.constant 0 : i32
    return %c0_i32, %c0_i32_0 : i32, i32
  }
  func.func @transform_8(%arg0: i32) -> i32 {
    %c0_i32 = arith.constant 0 : i32
    %c0_i32_0 = arith.constant 0 : i32
    return %c0_i32 : i32
  }
  func.func @transform_9(%arg0: i32) -> (i32, i32) {
    %c0_i32 = arith.constant 0 : i32
    %c0_i32_0 = arith.constant 0 : i32
    %c0_i32_1 = arith.constant 0 : i32
    return %c0_i32, %c0_i32_0 : i32, i32
  }
  func.func @transform_10(%arg0: i32) -> i32 {
    %c0_i32 = arith.constant 0 : i32
    %c0_i32_0 = arith.constant 0 : i32
    return %c0_i32 : i32
  }
  func.func @transform_11(%arg0: i32) -> (i32, i32) {
    %c0_i32 = arith.constant 0 : i32
    %c0_i32_0 = arith.constant 0 : i32
    %c0_i32_1 = arith.constant 0 : i32
    return %c0_i32, %c0_i32_0 : i32, i32
  }
  func.func @transform_12(%arg0: i32) -> i32 {
    %c0_i32 = arith.constant 0 : i32
    %c0_i32_0 = arith.constant 0 : i32
    return %c0_i32 : i32
  }
  func.func @transform_13(%arg0: i32) -> (i32, i32) {
    %c0_i32 = arith.constant 0 : i32
    %c0_i32_0 = arith.constant 0 : i32
    %c0_i32_1 = arith.constant 0 : i32
    return %c0_i32, %c0_i32_0 : i32, i32
  }
  func.func @transform_14(%arg0: i32) -> i32 {
    %c0_i32 = arith.constant 0 : i32
    %c0_i32_0 = arith.constant 0 : i32
    return %c0_i32 : i32
  }
  func.func @transform_15(%arg0: i32) -> (i32, i32) {
    %c0_i32 = arith.constant 0 : i32
    %c0_i32_0 = arith.constant 0 : i32
    return %arg0, %c0_i32 : i32, i32
  }
}

</mosaic_0001>

<sc_bundles>
// kernel: kernel.12.cloned.1.call-start
scs
__scs_entry_jumppad:
0x0: {  	(pc) =	sbr.rel $0x88, $3  }
0x1: {  	(tag) =	ssettag $0x0;
	lr =	simm.s32 $0x1  }
0x2: {  	[smem:$0x3F92] =	sst lr;
	_ =	strace $0xD0000000  }
0x3: {  	_ = 	snop  }
0x4: {  	_ = 	snop  }
0x5: {  	_ = 	snop  }
0x6: {  	_ = 	snop  }
0x7: {  	_ = 	snop  }
__scs_overlays_trampoline_lowered:
0x8: {  	[smem:$0x3FA1] =	sst s0  }
0x9: {  	[smem:$0x3FA2] =	sst s1  }
0xa: {  	[smem:$0x3FA3] =	sst s2  }
0xb: {  	[smem:$0x3FA4] =	sst s3  }
0xc: {  	[smem:$0x3FA5] =	sst s4  }
0xd: {  	[smem:$0x3FA6] =	sst s5  }
0xe: {  	[smem:$0x3FA7] =	sst s6  }
0xf: {  	[smem:$0x3FA8] =	sst s7  }
0x10: {  	[smem:$0x3FA9] =	sst s8  }
0x11: {  	[smem:$0x3FAA] =	sst s9;
	s0 =	simm.s32 @!p0 $0x0  }
0x12: {  	s1 =	sld [smem:$0x3F90];
	s0 =	simm.s32 @p0 $0x1  }
0x13: {  	[smem:$0x3FAB] =	sst s0;
	s0 =	simm.s32 @!p1 $0x0  }
0x14: {  	s2 =	sld [smem:$0x3F8F];
	s0 =	simm.s32 @p1 $0x1  }
0x15: {  	[smem:$0x3FAC] =	sst s0;
	s0 =	simm.s32 @!p2 $0x0  }
0x16: {  	s3 =	sld [smem:$0x3FDB];
	s0 =	simm.s32 @p2 $0x1  }
0x17: {  	s4 =	simm.s32 $0x1BF5;
	[smem:$0x3FAE] =	sst s0  }
0x18: {  	s0 =	sld [smem:$0x3F91];
	_ =	swait.ge [sflag:s4], $0x0  }
0x19: {  	s7 =	sld [smem:$0x3F92]  }
0x1a: {  	s8 =	sadd.s32 $0xFFFFE003, lr  }
0x1b: {  	s9 =	sadd.s32 $0xFFFFFEF7, lr;
	s5 =	simm.s32 $0xFFFFFFFF;
	p2 =	slt.u32 s8, $0xFFFFF086  }
0x1c: {  	p1 =	slt.u32 s9, $0xF7A;
	s5 =	simm.s32 @!p2 $0x0  }
0x1d: {  	s5 =	simm.s32 @p1 $0x1;
	p0 =	seq.s32 s7, s2  }
0x1e: {  	s7 =	smul.u32 @!p0 $0xF7A, s2;
	p2 =	seq.s32 @!p0 s5, $0x0  }
0x1f: {  	s9 =	smul.u32 $0xF7A, s1;
	s8 =	simm.s32 @!p0 $0x1BF5;
	p2 =	por !p2, p0  }
0x20: {  	[sflag:s8] =	ssyncset.s32 @!p0 $0xFFFFF086;
	s6 =	sadd.s32 @!p0 s3, s7;
	s7 =	simm.s32 @!p0 $0x108  }
0x21: {  	s3 =	sadd.s32 s3, s9;
	s6 =	sadd.s32 @!p0 $0x88, s6;
	s7 =	simm.s32 @p2 $0x1082  }
0x22: {  	[simem:s7], [sflag:s8] =	dma.local @!p0 [hbm:s6], $0xF7A  }
0x23: {  	s9 =	sor.u32 $0xD0000000, s2;
	s6 =	simm.s32 $0x108;
	_ =	swait.ge @!p0 [sflag:s8], $0x0  }
0x24: {  	s3 =	sadd.s32 $0x88, s3;
	s6 =	simm.s32 @!p1 $0x1082;
	[sflag:s4] =	ssyncset.s32 $0xFFFFF086  }
0x25: {  	[simem:s6], [sflag:s4] =	dma.local [hbm:s3], $0xF7A  }
0x26: {  	[smem:$0x3F92] =	sst s1;
	(tag) =	ssettag s2;
	_ =	strace s9  }
0x27: {  	s1 =	sld [smem:$0x3FA2]  }
0x28: {  	s2 =	sld [smem:$0x3FA3]  }
0x29: {  	s4 =	sld [smem:$0x3FA5]  }
0x2a: {  	p0 =	seq.s32 s5, $0x0;
	s5 =	sld [smem:$0x3FA6]  }
0x2b: {  	s6 =	sld [smem:$0x3FA7]  }
0x2c: {  	s7 =	sld [smem:$0x3FA8]  }
0x2d: {  	s3 =	simm.s32 $0x108;
	s8 =	sld [smem:$0x3FA9]  }
0x2e: {  	s3 =	simm.s32 @!p0 $0x1082;
	s9 =	sld [smem:$0x3FAA]  }
0x2f: {  	lr =	sadd.s32 s0, s3;
	s0 =	sld [smem:$0x3FA1]  }
0x30: {  	s3 =	sld [smem:$0x3FA4]  }
0x31: {  	[smem:$0x3FAD] =	sst s10  }
0x32: {  	s10 =	sld [smem:$0x3FAB];
	_ =	sdelay $0x3  }
0x33: {  	p0 =	seq.s32 s10, $0x1;
	s10 =	sld [smem:$0x3FAD];
	_ =	sdelay $0x3  }
0x34: {  	[smem:$0x3FAD] =	sst s10  }
0x35: {  	s10 =	sld [smem:$0x3FAC];
	_ =	sdelay $0x3  }
0x36: {  	p1 =	seq.s32 s10, $0x1;
	s10 =	sld [smem:$0x3FAD];
	_ =	sdelay $0x3  }
0x37: {  	[smem:$0x3FAD] =	sst s10  }
0x38: {  	s10 =	sld [smem:$0x3FAE]  }
0x39: {  	_ = 	snop;
	(pc) =	sbr.ind lr, $3  }
0x3a: {  	_ = 	snop  }
0x3b: {  	_ = 	snop  }
0x3c: {  	p2 =	seq.s32 s10, $0x1;
	s10 =	sld [smem:$0x3FAD]  }
0x3d: {  	_ =	shalt  }
0x3e: {  	_ =	shalt  }
0x3f: {  	_ =	shalt  }
0x40: {  	_ =	shalt  }
0x41: {  	_ =	shalt  }
0x42: {  	_ =	shalt  }
0x43: {  	_ =	shalt  }
0x44: {  	_ =	shalt  }
0x45: {  	_ =	shalt  }
0x46: {  	_ =	shalt  }
0x47: {  	_ =	shalt  }
0x48: {  	_ =	shalt  }
0x49: {  	_ =	shalt  }
0x4a: {  	_ =	shalt  }
0x4b: {  	_ =	shalt  }
0x4c: {  	_ =	shalt  }
0x4d: {  	_ =	shalt  }
0x4e: {  	_ =	shalt  }
0x4f: {  	_ =	shalt  }
0x50: {  	_ =	shalt  }
0x51: {  	_ =	shalt  }
0x52: {  	_ =	shalt  }
0x53: {  	_ =	shalt  }
0x54: {  	_ =	shalt  }
0x55: {  	_ =	shalt  }
0x56: {  	_ =	shalt  }
0x57: {  	_ =	shalt  }
0x58: {  	_ =	shalt  }
0x59: {  	_ =	shalt  }
0x5a: {  	_ =	shalt  }
0x5b: {  	_ =	shalt  }
0x5c: {  	_ =	shalt  }
0x5d: {  	_ =	shalt  }
0x5e: {  	_ =	shalt  }
0x5f: {  	_ =	shalt  }
0x60: {  	_ =	shalt  }
0x61: {  	_ =	shalt  }
0x62: {  	_ =	shalt  }
0x63: {  	_ =	shalt  }
0x64: {  	_ =	shalt  }
0x65: {  	_ =	shalt  }
0x66: {  	_ =	shalt  }
0x67: {  	_ =	shalt  }
0x68: {  	_ =	shalt  }
0x69: {  	_ =	shalt  }
0x6a: {  	_ =	shalt  }
0x6b: {  	_ =	shalt  }
0x6c: {  	_ =	shalt  }
0x6d: {  	_ =	shalt  }
0x6e: {  	_ =	shalt  }
0x6f: {  	_ =	shalt  }
0x70: {  	_ =	shalt  }
0x71: {  	_ =	shalt  }
0x72: {  	_ =	shalt  }
0x73: {  	_ =	shalt  }
0x74: {  	_ =	shalt  }
0x75: {  	_ =	shalt  }
0x76: {  	_ =	shalt  }
0x77: {  	_ =	shalt  }
0x78: {  	_ =	shalt  }
0x79: {  	_ =	shalt  }
0x7a: {  	_ =	shalt  }
0x7b: {  	_ =	shalt  }
0x7c: {  	_ =	shalt  }
0x7d: {  	_ =	shalt  }
0x7e: {  	_ =	shalt  }
0x7f: {  	_ =	shalt  }
0x80: {  	_ =	shalt  }
0x81: {  	_ =	shalt  }
0x82: {  	_ =	shalt  }
0x83: {  	_ =	shalt  }
0x84: {  	_ =	shalt  }
0x85: {  	_ =	shalt  }
0x86: {  	_ =	shalt  }
0x87: {  	_ =	shalt  }
.Lfunc_end0:
.L_simem_size_0:
called_computation.1_lowered:
.L_overlay_start_0:
0x88: {  	s2 =	sld [smem:$0x3FD9]  }
0x89: {  	s3 =	sld [smem:$0x3FFE];
	_ =	sdelay $0x1  }
0x8a: {  	s1 =	srdreg.scid  }
0x8b: {  	s0 =	sand.u32 $0x1, s1  }
0x8c: {  	s17 =	sshll.u32 s0, $0xA;
	s2 =	sadd.s32 s3, s2  }
0x8d: {  	s2 =	sadd.s32 s2, s17  }
0x8e: {  	[smem:$0x3FB9] =	sst s2  }
0x8f: {  	_ = 	snop  }
0x90: {  	s18 =	sld [smem:$0x3FD0];
	(tm) =	ssettm $0x1  }
0x91: {  	s19 =	sld [smem:$0x3FFB];
	_ =	sdelay $0x3  }
0x92: {  	_ =	strace s19  }
0x93: {  	s2 =	sld [smem:$0x3FFC];
	_ =	sdelay $0x3  }
0x94: {  	_ =	strace s2  }
0x95: {  	s2 =	sld [smem:$0x3FFD];
	_ =	sdelay $0x3  }
0x96: {  	_ =	strace s2  }
0x97: {  	_ =	strace $0x8FFFFFFF  }
0x98: {  	s20 =	sld [smem:$0x3FDB];
	_ =	sdelay $0x1  }
0x99: {  	s4 =	simm.s32 $_scs_section_size  }
0x9a: {  	s5 =	simm.s32 $_size__tile_overlayer_lowered;
	s6 =	simm.s32 $_tile_overlayer_lowered  }
0x9b: {  	s7 =	simm.s32 $0x1BFF;
	s21 =	sshll.u32 s6, $0x1;
	s4 =	sadd.s32 s4, s20  }
0x9c: {  	s22 =	simm.s32 $0x0;
	s5 =	sshll.u32 s5, $0x1;
	s6 =	sadd.s32 s21, s4  }
0x9d: {  	[timem:s22], [sflag:s7] =	dma.local [hbm:s6], s5  }
0x9e: {  	_ =	swait.ge [sflag:s7], s5  }
0x9f: {  	s5 =	ssub.s32 $0x0, s5;
	[sflag:s7] =	ssyncset.done $0x0  }
0xa0: {  	[sflag:s7] =	ssyncadd.s32 s5;
	_ =	sdelay $0x1  }
0xa1: {  	s23 =	simm.s32 $0x1B8B  }
0xa2: {  	_ =	swait.ge [sflag:s23], $0x1  }
0xa3: {  	[sflag:s23] =	ssyncset.done $0x0  }
0xa4: {  	[sflag:s23] =	ssyncadd.s32 $0xFFFFFFFF  }
0xa5: {  	s5 =	sld [smem:$0x0]  }
0xa6: {  	s6 =	sand.u32 $0xFFFFFFFE, s1  }
0xa7: {  	p0 =	sne.s32 s1, s6  }
0xa8: {  	s6 =	sshll.u32 @p0 s6, $0xE  }
0xa9: {  	s6 =	sadd.s32 @p0 $0x11B8D, s6;
	s7 =	sshll.u32 @p0 s5, $0x11  }
0xaa: {  	s6 =	sor.u32 @p0 s7, s6  }
0xab: {  	[sflag:s6] =	ssyncadd.remote.s32 @p0 $0x1;
	_ =	sdelay $0x1  }
0xac: {  	s6 =	simm.s32 @p0 $0x1B8D  }
0xad: {  	_ =	swait.eq @p0 [sflag:s6], $0x1  }
0xae: {  	[sflag:s6] =	ssyncadd.s32 @p0 $0xFFFFFFFF  }
0xaf: {  	s7 =	sshll.u32 @!p0 s1, $0xE  }
0xb0: {  	s7 =	sor.u32 @!p0 $0x4000, s7;
	s6 =	simm.s32 @!p0 $0x1B8D  }
0xb1: {  	s5 =	sshll.u32 @!p0 s5, $0x11;
	s7 =	sadd.s32 @!p0 $0x11B8D, s7;
	_ =	swait.eq @!p0 [sflag:s6], $0x1  }
0xb2: {  	s5 =	sor.u32 @!p0 s5, s7;
	[sflag:s6] =	ssyncadd.s32 @!p0 $0xFFFFFFFF  }
0xb3: {  	s25 =	simm.s32 $0x1B8E;
	s24 =	sld [smem:$0x3FFE];
	[sflag:s5] =	ssyncadd.remote.s32 @!p0 $0x1  }
0xb4: {  	s26 =	simm.s32 $execute0_lowered;
	[smem:$0x3FD2] =	sst s25  }
0xb5: {  	s6 =	sshll.u32 s26, $0x1;
	_ =	strace $0x80000049;
	[dreg:$0x1] =	wrdreg $0xFFFFFFFF  }
0xb6: {  	s28 =	simm.s32 $_size_execute0_lowered;
	s4 =	sadd.s32 s4, s6;
	[dreg:$0x0] =	wrdreg $0x0  }
0xb7: {  	s6 =	sshll.u32 s28, $0x1;
	[dreg:$0x2] =	wrdreg s4  }
0xb8: {  	[dreg:$0x3] =	wrdreg s6  }
0xb9: {  	[dreg:$0x4] =	wrdreg $0xC0  }
0xba: {  	_ =	task [dreg:s22], $0x5FFFF  }
0xbb: {  	[dreg:$0x1] =	wrdreg $0xFFFFFFFF  }
0xbc: {  	[dreg:$0x0] =	wrdreg $0x60  }
0xbd: {  	[dreg:$0x2] =	wrdreg s24  }
0xbe: {  	[dreg:$0x3] =	wrdreg s18  }
0xbf: {  	[dreg:$0x4] =	wrdreg $0xA  }
0xc0: {  	_ =	task.clear_ibuf [dreg:s22], $0x5FFFF;
	_ =	strace $0x90000049  }
0xc1: {  	s29 =	simm.s32 $0xA;
	_ =	strace $0x8000004B  }
0xc2: {  	_ =	swait.ge [sflag:s29], $0x1  }
0xc3: {  	[sflag:s29] =	ssyncadd.s32 $0xFFFFFFFF  }
0xc4: {  	_ =	strace $0x9000004B  }
0xc5: {  	_ =	sfence  }
0xc6: {  	s30 =	sld [smem:$0x0];
	_ =	sdelay $0x2  }
0xc7: {  	s31 =	sshll.u32 s1, $0xD;
	s1 =	sshrl.u32 s1, $0x2  }
0xc8: {  	s4 =	sand.u32 $0x4000, s31;
	s1 =	sadd.s32 s1, s30  }
0xc9: {  	s0 =	sor.u32 s4, s0;
	s1 =	sshll.u32 s1, $0x11  }
0xca: {  	s0 =	sor.u32 s1, s0  }
0xcb: {  	s0 =	sadd.s32 $0x8F2B, s0  }
0xcc: {  	[sflag:s0] =	ssyncadd.remote.s32 $0x1  }
0xcd: {  	_ =	sfence.sel $0xFFFF  }
0xce: {  	[dreg:$0x0] =	wrdreg $0xFFFFFFFF;
	(pc) =	sbr.abs _section_cstart, $3  }
0xcf: {  	[dreg:$0x1] =	wrdreg $0xFFFFFFFF  }
0xd0: {  	_ =	task.clear_ibuf [dreg:s22], $0x2FFFF;
	_ =	strace $0x9FFFFFFF  }
0xd1: {  	(tm) =	ssettm $0x7FFFFFFF  }
tec
execute0_lowered:
.L_overlay_start_1:
0x0: {  	(tag) =	ssettag $0x1  }
0x1: {  	s5 =	rddreg [dreg:$0x0]  }
0x2: {  	s1 =	rddreg [dreg:$0x1]  }
0x3: {  	s0 =	rddreg [dreg:$0x2];
	s3 =	simm.s32 $0x0;
	s4 =	srdreg.scid  }
0x4: {  	s2 =	stileid.u32;
	s11 =	simm.s32 $0x4080;
	s12 =	simm.s32 $0x1  }
0x5: {  	s13 =	simm.s32 $0x2;
	s14 =	simm.s32 $0x0;
	[smem:$0x7FF] =	sst s3  }
0x6: {  	s6 =	sand.u32 $0x1, s4;
	s7 =	sshll.u32 s2, $0xC;
	s4 =	sadd.s32 $0x6000, s5  }
0x7: {  	s9 =	sshll.u32 s2, $0x10;
	_ =	strace $0x8000004A;
	s8 =	sshll.u32 s6, $0xB  }
0x8: {  	s29 =	ssub.s32 $0x2, s6;
	s9 =	sadd.s32 s9, s5;
	s6 =	sshll.u32 s6, $0xF  }
0x9: {  	s7 =	sor.u32 s8, s7;
	s10 =	sshrl.u32 s29, $0x1;
	s31 =	sadd.s32 s6, s9  }
0xa: {  	s9 =	simm.s32 $0x3;
	s7 =	sshrl.u32 s7, $0x3;
	s8 =	ssub.s32 s29, s10  }
0xb: {  	s6 =	sadd.s32 $0x248000, s31;
	s10 =	simm.s32 $0x80;
	s30 =	sadd.s32 s7, s5  }
0xc: {  	s5 =	smax.u32 s8, $0x1;
	s7 =	sadd.s32 $0x348000, s31;
	s8 =	sadd.s32 $0x246000, s30  }
.LBB2_1:
0xd: {  	[tilespmem:s3], [sflag:$0x3] =	stream.linear.gather [hbm4b:s8+s3], $0x80, $0x38;
	[tilespmem:$0x8080] =	vst v63  }
0xe: {  	_ =	swait.ge [sflag:s9], $0x80  }
0xf: {  	[sflag:s9] =	ssyncset.done $0x0  }
0x10: {  	[sflag:s9] =	ssyncadd.s32 $0xFFFFFF80  }
0x11: {  	[tilespmem:s10], [sflag:$0x1] =	stream.indirect.gather [hbm4b:s4+s10], $0x80, s3, s10, $0xb8;
	[tilespmem:$0x8080] =	vst v63  }
0x12: {  	_ = 	snop  }
0x13: {  	[tilespmem:s11], [sflag:$0x2] =	stream.indirect.gather [hbm4b:s1+s10], $0x80, s3, s10, $0xb8;
	[tilespmem:$0x8080] =	vst v63  }
0x14: {  	_ =	swait.ge [sflag:s12], $0x4000  }
0x15: {  	[sflag:s12] =	ssyncset.done $0x0  }
0x16: {  	[sflag:s12] =	ssyncadd.s32 $0xFFFFC000  }
0x17: {  	_ =	swait.ge [sflag:s13], $0x4000  }
0x18: {  	[sflag:s13] =	ssyncset.done $0x0  }
0x19: {  	s15 =	sadd.s32 $0x0, s6;
	[sflag:s13] =	ssyncadd.s32 $0xFFFFC000  }
0x1a: {  	[hbm4b:s15+s3] =	stream.linear.scatter [tilespmem:s10], [sflag:$0x3], $0x4000, $0x38;
	[tilespmem:$0x8080] =	vst v63  }
0x1b: {  	_ =	swait.ge [sflag:s9], $0x4000  }
0x1c: {  	[sflag:s9] =	ssyncset.done $0x0  }
0x1d: {  	s31 =	sadd.s32 $0x0, s7;
	[sflag:s9] =	ssyncadd.s32 $0xFFFFC000  }
0x1e: {  	[hbm4b:s31+s3] =	stream.linear.scatter [tilespmem:s11], [sflag:$0x3], $0x4000, $0x38;
	[tilespmem:$0x8080] =	vst v63  }
0x1f: {  	_ =	swait.ge [sflag:s9], $0x4000  }
0x20: {  	s16 =	smov.u32 s8;
	s15 =	simm.s32 $0x800;
	[sflag:s9] =	ssyncset.done $0x0  }
.LBB2_2:
0x21: {  	p0 =	sne.s32 s15, $0x7800;
	[sflag:s9] =	ssyncadd.s32 $0xFFFFC000;
	s16 =	sadd.s32 $0x10, s16  }
0x22: {  	[tilespmem:s3], [sflag:$0x3] =	stream.linear.gather [hbm4b:s16+s3], $0x80, $0x38;
	[tilespmem:$0x8080] =	vst v63  }
0x23: {  	s17 =	smov.u32 s15;
	s15 =	sadd.s32 $0x800, s15;
	_ =	swait.ge [sflag:s9], $0x80  }
0x24: {  	[sflag:s9] =	ssyncset.done $0x0  }
0x25: {  	[sflag:s9] =	ssyncadd.s32 $0xFFFFFF80  }
0x26: {  	[tilespmem:s10], [sflag:$0x1] =	stream.indirect.gather [hbm4b:s4+s10], $0x80, s3, s10, $0xb8;
	[tilespmem:$0x8080] =	vst v63  }
0x27: {  	_ = 	snop  }
0x28: {  	[tilespmem:s11], [sflag:$0x2] =	stream.indirect.gather [hbm4b:s1+s10], $0x80, s3, s10, $0xb8;
	[tilespmem:$0x8080] =	vst v63  }
0x29: {  	_ =	swait.ge [sflag:s12], $0x4000  }
0x2a: {  	[sflag:s12] =	ssyncset.done $0x0  }
0x2b: {  	[sflag:s12] =	ssyncadd.s32 $0xFFFFC000  }
0x2c: {  	_ =	swait.ge [sflag:s13], $0x4000  }
0x2d: {  	[sflag:s13] =	ssyncset.done $0x0  }
0x2e: {  	s18 =	sadd.s32 s17, s6;
	[sflag:s13] =	ssyncadd.s32 $0xFFFFC000  }
0x2f: {  	[hbm4b:s18+s3] =	stream.linear.scatter [tilespmem:s10], [sflag:$0x3], $0x4000, $0x38;
	[tilespmem:$0x8080] =	vst v63  }
0x30: {  	_ =	swait.ge [sflag:s9], $0x4000  }
.Ltmp0:
0x31: {  	[sflag:s9] =	ssyncset.done $0x0;
	(pc) =	sbr.rel @p0 .LBB2_2-.Ltmp0, $4  }
0x32: {  	s17 =	sadd.s32 s17, s7;
	[sflag:s9] =	ssyncadd.s32 $0xFFFFC000  }
0x33: {  	[hbm4b:s17+s3] =	stream.linear.scatter [tilespmem:s11], [sflag:$0x3], $0x4000, $0x38;
	[tilespmem:$0x8080] =	vst v63  }
0x34: {  	_ =	swait.ge [sflag:s9], $0x4000  }
0x35: {  	[sflag:s9] =	ssyncset.done $0x0  }
0x36: {  	s14 =	sadd.s32 $0x1, s14  }
0x37: {  	p0 =	sne.s32 s14, s5  }
.Ltmp1:
0x38: {  	_ = 	snop;
	(pc) =	sbr.rel @p0 .LBB2_1-.Ltmp1, $2  }
0x39: {  	_ =	sdelay $0x2  }
0x3a: {  	[sflag:s9] =	ssyncadd.s32 $0xFFFFC000  }
0x3b: {  	_ =	sfence.sel $0x180000  }
0x3c: {  	[bflag:$0x0] =	sbarrier.arrive $0xFFFF  }
0x3d: {  	p0 =	sne.s32 s2, $0x0;
	_ =	strace $0x9000004A  }
0x3e: {  	s0 =	sadd.s32 @!p0 $0x100000, s0;
	[bflag:$0x2] =	sbarrier.arrive $0xFFFF  }
0x3f: {  	[sflag:s0] =	ssyncadd.tile.s32 @!p0 $0x1;
	_ =	shalt  }
.Lfunc_end2:
_tile_overlayer_lowered:
.L_overlay_start_2:
0x40: {  	(tag) =	ssettag $0x2  }
0x41: {  	s0 =	rddreg [dreg:$0x0];
	s2 =	stileid.u32  }
0x42: {  	s1 =	rddreg [dreg:$0x1];
	p0 =	sne.s32 s2, $0x0  }
0x43: {  	s3 =	rddreg [dreg:$0x2];
	[bflag:$0x3] =	sbarrier.arrive $0xFFFF;
	s2 =	simm.s32 @!p0 $0x1C03  }
0x44: {  	[timem:s3], [sflag:s2] =	dma.local @!p0 [hbm:s0], s1  }
0x45: {  	s0 =	simm.s32 @!p0 $0x3  }
0x46: {  	_ =	swait.ge @!p0 [sflag:s0], s1  }
0x47: {  	s1 =	ssub.s32 @!p0 $0x0, s1;
	[sflag:s0] =	ssyncset.done @!p0 $0x0  }
0x48: {  	[sflag:s0] =	ssyncadd.s32 @!p0 s1  }
0x49: {  	[bflag:$0x3] =	sbarrier.arrive $0xFFFF  }
0x4a: {  	_ =	shalt  }

// kernel: kernel.9.cloned.1.call-start
scs
__scs_entry_jumppad:
0x0: {  	(pc) =	sbr.rel $0x88, $3  }
0x1: {  	(tag) =	ssettag $0x0;
	lr =	simm.s32 $0x1  }
0x2: {  	[smem:$0x3F92] =	sst lr;
	_ =	strace $0xD0000000  }
0x3: {  	_ = 	snop  }
0x4: {  	_ = 	snop  }
0x5: {  	_ = 	snop  }
0x6: {  	_ = 	snop  }
0x7: {  	_ = 	snop  }
__scs_overlays_trampoline_lowered:
0x8: {  	[smem:$0x3FA1] =	sst s0  }
0x9: {  	[smem:$0x3FA2] =	sst s1  }
0xa: {  	[smem:$0x3FA3] =	sst s2  }
0xb: {  	[smem:$0x3FA4] =	sst s3  }
0xc: {  	[smem:$0x3FA5] =	sst s4  }
0xd: {  	[smem:$0x3FA6] =	sst s5  }
0xe: {  	[smem:$0x3FA7] =	sst s6  }
0xf: {  	[smem:$0x3FA8] =	sst s7  }
0x10: {  	[smem:$0x3FA9] =	sst s8  }
0x11: {  	[smem:$0x3FAA] =	sst s9;
	s0 =	simm.s32 @!p0 $0x0  }
0x12: {  	s1 =	sld [smem:$0x3F90];
	s0 =	simm.s32 @p0 $0x1  }
0x13: {  	[smem:$0x3FAB] =	sst s0;
	s0 =	simm.s32 @!p1 $0x0  }
0x14: {  	s2 =	sld [smem:$0x3F8F];
	s0 =	simm.s32 @p1 $0x1  }
0x15: {  	[smem:$0x3FAC] =	sst s0;
	s0 =	simm.s32 @!p2 $0x0  }
0x16: {  	s3 =	sld [smem:$0x3FDB];
	s0 =	simm.s32 @p2 $0x1  }
0x17: {  	s4 =	simm.s32 $0x1BF5;
	[smem:$0x3FAE] =	sst s0  }
0x18: {  	s0 =	sld [smem:$0x3F91];
	_ =	swait.ge [sflag:s4], $0x0  }
0x19: {  	s7 =	sld [smem:$0x3F92]  }
0x1a: {  	s8 =	sadd.s32 $0xFFFFE003, lr  }
0x1b: {  	s9 =	sadd.s32 $0xFFFFFEF7, lr;
	s5 =	simm.s32 $0xFFFFFFFF;
	p2 =	slt.u32 s8, $0xFFFFF086  }
0x1c: {  	p1 =	slt.u32 s9, $0xF7A;
	s5 =	simm.s32 @!p2 $0x0  }
0x1d: {  	s5 =	simm.s32 @p1 $0x1;
	p0 =	seq.s32 s7, s2  }
0x1e: {  	s7 =	smul.u32 @!p0 $0xF7A, s2;
	p2 =	seq.s32 @!p0 s5, $0x0  }
0x1f: {  	s9 =	smul.u32 $0xF7A, s1;
	s8 =	simm.s32 @!p0 $0x1BF5;
	p2 =	por !p2, p0  }
0x20: {  	[sflag:s8] =	ssyncset.s32 @!p0 $0xFFFFF086;
	s6 =	sadd.s32 @!p0 s3, s7;
	s7 =	simm.s32 @!p0 $0x108  }
0x21: {  	s3 =	sadd.s32 s3, s9;
	s6 =	sadd.s32 @!p0 $0x88, s6;
	s7 =	simm.s32 @p2 $0x1082  }
0x22: {  	[simem:s7], [sflag:s8] =	dma.local @!p0 [hbm:s6], $0xF7A  }
0x23: {  	s9 =	sor.u32 $0xD0000000, s2;
	s6 =	simm.s32 $0x108;
	_ =	swait.ge @!p0 [sflag:s8], $0x0  }
0x24: {  	s3 =	sadd.s32 $0x88, s3;
	s6 =	simm.s32 @!p1 $0x1082;
	[sflag:s4] =	ssyncset.s32 $0xFFFFF086  }
0x25: {  	[simem:s6], [sflag:s4] =	dma.local [hbm:s3], $0xF7A  }
0x26: {  	[smem:$0x3F92] =	sst s1;
	(tag) =	ssettag s2;
	_ =	strace s9  }
0x27: {  	s1 =	sld [smem:$0x3FA2]  }
0x28: {  	s2 =	sld [smem:$0x3FA3]  }
0x29: {  	s4 =	sld [smem:$0x3FA5]  }
0x2a: {  	p0 =	seq.s32 s5, $0x0;
	s5 =	sld [smem:$0x3FA6]  }
0x2b: {  	s6 =	sld [smem:$0x3FA7]  }
0x2c: {  	s7 =	sld [smem:$0x3FA8]  }
0x2d: {  	s3 =	simm.s32 $0x108;
	s8 =	sld [smem:$0x3FA9]  }
0x2e: {  	s3 =	simm.s32 @!p0 $0x1082;
	s9 =	sld [smem:$0x3FAA]  }
0x2f: {  	lr =	sadd.s32 s0, s3;
	s0 =	sld [smem:$0x3FA1]  }
0x30: {  	s3 =	sld [smem:$0x3FA4]  }
0x31: {  	[smem:$0x3FAD] =	sst s10  }
0x32: {  	s10 =	sld [smem:$0x3FAB];
	_ =	sdelay $0x3  }
0x33: {  	p0 =	seq.s32 s10, $0x1;
	s10 =	sld [smem:$0x3FAD];
	_ =	sdelay $0x3  }
0x34: {  	[smem:$0x3FAD] =	sst s10  }
0x35: {  	s10 =	sld [smem:$0x3FAC];
	_ =	sdelay $0x3  }
0x36: {  	p1 =	seq.s32 s10, $0x1;
	s10 =	sld [smem:$0x3FAD];
	_ =	sdelay $0x3  }
0x37: {  	[smem:$0x3FAD] =	sst s10  }
0x38: {  	s10 =	sld [smem:$0x3FAE]  }
0x39: {  	_ = 	snop;
	(pc) =	sbr.ind lr, $3  }
0x3a: {  	_ = 	snop  }
0x3b: {  	_ = 	snop  }
0x3c: {  	p2 =	seq.s32 s10, $0x1;
	s10 =	sld [smem:$0x3FAD]  }
0x3d: {  	_ =	shalt  }
0x3e: {  	_ =	shalt  }
0x3f: {  	_ =	shalt  }
0x40: {  	_ =	shalt  }
0x41: {  	_ =	shalt  }
0x42: {  	_ =	shalt  }
0x43: {  	_ =	shalt  }
0x44: {  	_ =	shalt  }
0x45: {  	_ =	shalt  }
0x46: {  	_ =	shalt  }
0x47: {  	_ =	shalt  }
0x48: {  	_ =	shalt  }
0x49: {  	_ =	shalt  }
0x4a: {  	_ =	shalt  }
0x4b: {  	_ =	shalt  }
0x4c: {  	_ =	shalt  }
0x4d: {  	_ =	shalt  }
0x4e: {  	_ =	shalt  }
0x4f: {  	_ =	shalt  }
0x50: {  	_ =	shalt  }
0x51: {  	_ =	shalt  }
0x52: {  	_ =	shalt  }
0x53: {  	_ =	shalt  }
0x54: {  	_ =	shalt  }
0x55: {  	_ =	shalt  }
0x56: {  	_ =	shalt  }
0x57: {  	_ =	shalt  }
0x58: {  	_ =	shalt  }
0x59: {  	_ =	shalt  }
0x5a: {  	_ =	shalt  }
0x5b: {  	_ =	shalt  }
0x5c: {  	_ =	shalt  }
0x5d: {  	_ =	shalt  }
0x5e: {  	_ =	shalt  }
0x5f: {  	_ =	shalt  }
0x60: {  	_ =	shalt  }
0x61: {  	_ =	shalt  }
0x62: {  	_ =	shalt  }
0x63: {  	_ =	shalt  }
0x64: {  	_ =	shalt  }
0x65: {  	_ =	shalt  }
0x66: {  	_ =	shalt  }
0x67: {  	_ =	shalt  }
0x68: {  	_ =	shalt  }
0x69: {  	_ =	shalt  }
0x6a: {  	_ =	shalt  }
0x6b: {  	_ =	shalt  }
0x6c: {  	_ =	shalt  }
0x6d: {  	_ =	shalt  }
0x6e: {  	_ =	shalt  }
0x6f: {  	_ =	shalt  }
0x70: {  	_ =	shalt  }
0x71: {  	_ =	shalt  }
0x72: {  	_ =	shalt  }
0x73: {  	_ =	shalt  }
0x74: {  	_ =	shalt  }
0x75: {  	_ =	shalt  }
0x76: {  	_ =	shalt  }
0x77: {  	_ =	shalt  }
0x78: {  	_ =	shalt  }
0x79: {  	_ =	shalt  }
0x7a: {  	_ =	shalt  }
0x7b: {  	_ =	shalt  }
0x7c: {  	_ =	shalt  }
0x7d: {  	_ =	shalt  }
0x7e: {  	_ =	shalt  }
0x7f: {  	_ =	shalt  }
0x80: {  	_ =	shalt  }
0x81: {  	_ =	shalt  }
0x82: {  	_ =	shalt  }
0x83: {  	_ =	shalt  }
0x84: {  	_ =	shalt  }
0x85: {  	_ =	shalt  }
0x86: {  	_ =	shalt  }
0x87: {  	_ =	shalt  }
.Lfunc_end0:
.L_simem_size_0:
called_computation_lowered:
.L_overlay_start_0:
0x88: {  	s2 =	sld [smem:$0x3FD9]  }
0x89: {  	s3 =	sld [smem:$0x3FFE];
	_ =	sdelay $0x1  }
0x8a: {  	s1 =	srdreg.scid  }
0x8b: {  	s0 =	sand.u32 $0x1, s1  }
0x8c: {  	s17 =	sshll.u32 s0, $0xA;
	s2 =	sadd.s32 s3, s2  }
0x8d: {  	s2 =	sadd.s32 s2, s17  }
0x8e: {  	[smem:$0x3FB9] =	sst s2  }
0x8f: {  	_ = 	snop  }
0x90: {  	s2 =	sld [smem:$0x3FD0];
	(tm) =	ssettm $0x1  }
0x91: {  	s18 =	sld [smem:$0x3FFB];
	_ =	sdelay $0x3  }
0x92: {  	_ =	strace s18  }
0x93: {  	s3 =	sld [smem:$0x3FFC];
	_ =	sdelay $0x3  }
0x94: {  	_ =	strace s3  }
0x95: {  	s3 =	sld [smem:$0x3FFD];
	_ =	sdelay $0x3  }
0x96: {  	_ =	strace s3  }
0x97: {  	_ =	strace $0x8FFFFFFF  }
0x98: {  	s19 =	sld [smem:$0x3FDB];
	_ =	sdelay $0x1  }
0x99: {  	s4 =	simm.s32 $_scs_section_size  }
0x9a: {  	s5 =	simm.s32 $_size__tile_overlayer_lowered;
	s6 =	simm.s32 $_tile_overlayer_lowered  }
0x9b: {  	s22 =	simm.s32 $0x1BFF;
	s21 =	sshll.u32 s6, $0x1;
	s3 =	sadd.s32 s4, s19  }
0x9c: {  	s7 =	simm.s32 $0x0;
	s20 =	sshll.u32 s5, $0x1;
	s5 =	sadd.s32 s21, s3  }
0x9d: {  	[timem:s7], [sflag:s22] =	dma.local [hbm:s5], s20  }
0x9e: {  	_ =	swait.ge [sflag:s22], s20  }
0x9f: {  	s4 =	ssub.s32 $0x0, s20;
	[sflag:s22] =	ssyncset.done $0x0  }
0xa0: {  	[sflag:s22] =	ssyncadd.s32 s4;
	_ =	sdelay $0x1  }
0xa1: {  	s23 =	simm.s32 $0x1B8B  }
0xa2: {  	_ =	swait.ge [sflag:s23], $0x1  }
0xa3: {  	[sflag:s23] =	ssyncset.done $0x0  }
0xa4: {  	s25 =	simm.s32 $0x1B8E;
	s24 =	sld [smem:$0x3FFE];
	[sflag:s23] =	ssyncadd.s32 $0xFFFFFFFF  }
0xa5: {  	s26 =	simm.s32 $execute0_lowered;
	[smem:$0x3FD2] =	sst s25  }
0xa6: {  	s5 =	sshll.u32 s26, $0x1;
	_ =	strace $0x80000046;
	[dreg:$0x1] =	wrdreg $0xFFFFFFFF  }
0xa7: {  	s28 =	simm.s32 $_size_execute0_lowered;
	s3 =	sadd.s32 s3, s5;
	[dreg:$0x0] =	wrdreg $0x0  }
0xa8: {  	s5 =	sshll.u32 s28, $0x1;
	[dreg:$0x2] =	wrdreg s3  }
0xa9: {  	[dreg:$0x3] =	wrdreg s5  }
0xaa: {  	[dreg:$0x4] =	wrdreg $0xC0  }
0xab: {  	_ =	task [dreg:s7], $0x5FFFF  }
0xac: {  	[dreg:$0x1] =	wrdreg $0xFFFFFFFF  }
0xad: {  	[dreg:$0x0] =	wrdreg $0x60  }
0xae: {  	[dreg:$0x2] =	wrdreg s24  }
0xaf: {  	[dreg:$0x3] =	wrdreg s2  }
0xb0: {  	[dreg:$0x4] =	wrdreg $0x9  }
0xb1: {  	_ =	task.clear_ibuf [dreg:s7], $0x5FFFF;
	_ =	strace $0x90000046  }
0xb2: {  	s29 =	simm.s32 $0x9;
	_ =	strace $0x80000048  }
0xb3: {  	_ =	swait.ge [sflag:s29], $0x1  }
0xb4: {  	[sflag:s29] =	ssyncadd.s32 $0xFFFFFFFF  }
0xb5: {  	_ =	strace $0x90000048  }
0xb6: {  	_ =	sfence  }
0xb7: {  	s30 =	sld [smem:$0x0];
	_ =	sdelay $0x2  }
0xb8: {  	s31 =	sshll.u32 s1, $0xD;
	s1 =	sshrl.u32 s1, $0x2  }
0xb9: {  	s3 =	sand.u32 $0x4000, s31;
	s1 =	sadd.s32 s1, s30  }
0xba: {  	s0 =	sor.u32 s3, s0;
	s1 =	sshll.u32 s1, $0x11  }
0xbb: {  	s0 =	sor.u32 s1, s0  }
0xbc: {  	s0 =	sadd.s32 $0x8F2B, s0  }
0xbd: {  	[sflag:s0] =	ssyncadd.remote.s32 $0x1  }
0xbe: {  	_ =	sfence.sel $0xFFFF  }
0xbf: {  	[dreg:$0x0] =	wrdreg $0xFFFFFFFF;
	(pc) =	sbr.abs _section_cstart, $3  }
0xc0: {  	[dreg:$0x1] =	wrdreg $0xFFFFFFFF  }
0xc1: {  	_ =	task.clear_ibuf [dreg:s7], $0x2FFFF;
	_ =	strace $0x9FFFFFFF  }
0xc2: {  	(tm) =	ssettm $0x7FFFFFFF  }
0xc3: {  	_ =	shalt  }
tec
execute0_lowered:
.L_overlay_start_1:
0x0: {  	(tag) =	ssettag $0x1  }
0x1: {  	s5 =	rddreg [dreg:$0x0]  }
0x2: {  	s1 =	rddreg [dreg:$0x1]  }
0x3: {  	s0 =	rddreg [dreg:$0x2];
	s3 =	simm.s32 $0x0;
	s4 =	srdreg.scid  }
0x4: {  	s2 =	stileid.u32;
	s11 =	simm.s32 $0x4080;
	s12 =	simm.s32 $0x1  }
0x5: {  	s13 =	simm.s32 $0x2;
	s14 =	simm.s32 $0x0;
	[smem:$0x7FF] =	sst s3  }
0x6: {  	s6 =	sand.u32 $0x1, s4;
	s7 =	sshll.u32 s2, $0xC;
	s4 =	sadd.s32 $0x6000, s5  }
0x7: {  	s9 =	sshll.u32 s2, $0x10;
	_ =	strace $0x80000047;
	s8 =	sshll.u32 s6, $0xB  }
0x8: {  	s29 =	ssub.s32 $0x2, s6;
	s9 =	sadd.s32 s9, s5;
	s6 =	sshll.u32 s6, $0xF  }
0x9: {  	s7 =	sor.u32 s8, s7;
	s10 =	sshrl.u32 s29, $0x1;
	s31 =	sadd.s32 s6, s9  }
0xa: {  	s9 =	simm.s32 $0x3;
	s7 =	sshrl.u32 s7, $0x3;
	s8 =	ssub.s32 s29, s10  }
0xb: {  	s6 =	sadd.s32 $0x46000, s31;
	s10 =	simm.s32 $0x80;
	s30 =	sadd.s32 s7, s5  }
0xc: {  	s5 =	smax.u32 s8, $0x1;
	s7 =	sadd.s32 $0x146000, s31;
	s8 =	sadd.s32 $0x4000, s30  }
.LBB2_1:
0xd: {  	[tilespmem:s3], [sflag:$0x3] =	stream.linear.gather [hbm4b:s8+s3], $0x80, $0x38;
	[tilespmem:$0x8080] =	vst v63  }
0xe: {  	_ =	swait.ge [sflag:s9], $0x80  }
0xf: {  	[sflag:s9] =	ssyncset.done $0x0  }
0x10: {  	[sflag:s9] =	ssyncadd.s32 $0xFFFFFF80  }
0x11: {  	[tilespmem:s10], [sflag:$0x1] =	stream.indirect.gather [hbm4b:s4+s10], $0x80, s3, s10, $0xb8;
	[tilespmem:$0x8080] =	vst v63  }
0x12: {  	_ = 	snop  }
0x13: {  	[tilespmem:s11], [sflag:$0x2] =	stream.indirect.gather [hbm4b:s1+s10], $0x80, s3, s10, $0xb8;
	[tilespmem:$0x8080] =	vst v63  }
0x14: {  	_ =	swait.ge [sflag:s12], $0x4000  }
0x15: {  	[sflag:s12] =	ssyncset.done $0x0  }
0x16: {  	[sflag:s12] =	ssyncadd.s32 $0xFFFFC000  }
0x17: {  	_ =	swait.ge [sflag:s13], $0x4000  }
0x18: {  	[sflag:s13] =	ssyncset.done $0x0  }
0x19: {  	s15 =	sadd.s32 $0x0, s6;
	[sflag:s13] =	ssyncadd.s32 $0xFFFFC000  }
0x1a: {  	[hbm4b:s15+s3] =	stream.linear.scatter [tilespmem:s10], [sflag:$0x3], $0x4000, $0x38;
	[tilespmem:$0x8080] =	vst v63  }
0x1b: {  	_ =	swait.ge [sflag:s9], $0x4000  }
0x1c: {  	[sflag:s9] =	ssyncset.done $0x0  }
0x1d: {  	s31 =	sadd.s32 $0x0, s7;
	[sflag:s9] =	ssyncadd.s32 $0xFFFFC000  }
0x1e: {  	[hbm4b:s31+s3] =	stream.linear.scatter [tilespmem:s11], [sflag:$0x3], $0x4000, $0x38;
	[tilespmem:$0x8080] =	vst v63  }
0x1f: {  	_ =	swait.ge [sflag:s9], $0x4000  }
0x20: {  	s16 =	smov.u32 s8;
	s15 =	simm.s32 $0x800;
	[sflag:s9] =	ssyncset.done $0x0  }
.LBB2_2:
0x21: {  	p0 =	sne.s32 s15, $0x7800;
	[sflag:s9] =	ssyncadd.s32 $0xFFFFC000;
	s16 =	sadd.s32 $0x10, s16  }
0x22: {  	[tilespmem:s3], [sflag:$0x3] =	stream.linear.gather [hbm4b:s16+s3], $0x80, $0x38;
	[tilespmem:$0x8080] =	vst v63  }
0x23: {  	s17 =	smov.u32 s15;
	s15 =	sadd.s32 $0x800, s15;
	_ =	swait.ge [sflag:s9], $0x80  }
0x24: {  	[sflag:s9] =	ssyncset.done $0x0  }
0x25: {  	[sflag:s9] =	ssyncadd.s32 $0xFFFFFF80  }
0x26: {  	[tilespmem:s10], [sflag:$0x1] =	stream.indirect.gather [hbm4b:s4+s10], $0x80, s3, s10, $0xb8;
	[tilespmem:$0x8080] =	vst v63  }
0x27: {  	_ = 	snop  }
0x28: {  	[tilespmem:s11], [sflag:$0x2] =	stream.indirect.gather [hbm4b:s1+s10], $0x80, s3, s10, $0xb8;
	[tilespmem:$0x8080] =	vst v63  }
0x29: {  	_ =	swait.ge [sflag:s12], $0x4000  }
0x2a: {  	[sflag:s12] =	ssyncset.done $0x0  }
0x2b: {  	[sflag:s12] =	ssyncadd.s32 $0xFFFFC000  }
0x2c: {  	_ =	swait.ge [sflag:s13], $0x4000  }
0x2d: {  	[sflag:s13] =	ssyncset.done $0x0  }
0x2e: {  	s18 =	sadd.s32 s17, s6;
	[sflag:s13] =	ssyncadd.s32 $0xFFFFC000  }
0x2f: {  	[hbm4b:s18+s3] =	stream.linear.scatter [tilespmem:s10], [sflag:$0x3], $0x4000, $0x38;
	[tilespmem:$0x8080] =	vst v63  }
0x30: {  	_ =	swait.ge [sflag:s9], $0x4000  }
.Ltmp0:
0x31: {  	[sflag:s9] =	ssyncset.done $0x0;
	(pc) =	sbr.rel @p0 .LBB2_2-.Ltmp0, $4  }
0x32: {  	s17 =	sadd.s32 s17, s7;
	[sflag:s9] =	ssyncadd.s32 $0xFFFFC000  }
0x33: {  	[hbm4b:s17+s3] =	stream.linear.scatter [tilespmem:s11], [sflag:$0x3], $0x4000, $0x38;
	[tilespmem:$0x8080] =	vst v63  }
0x34: {  	_ =	swait.ge [sflag:s9], $0x4000  }
0x35: {  	[sflag:s9] =	ssyncset.done $0x0  }
0x36: {  	s14 =	sadd.s32 $0x1, s14  }
0x37: {  	p0 =	sne.s32 s14, s5  }
.Ltmp1:
0x38: {  	_ = 	snop;
	(pc) =	sbr.rel @p0 .LBB2_1-.Ltmp1, $2  }
0x39: {  	_ =	sdelay $0x2  }
0x3a: {  	[sflag:s9] =	ssyncadd.s32 $0xFFFFC000  }
0x3b: {  	_ =	sfence.sel $0x180000  }
0x3c: {  	[bflag:$0x0] =	sbarrier.arrive $0xFFFF  }
0x3d: {  	p0 =	sne.s32 s2, $0x0;
	_ =	strace $0x90000047  }
0x3e: {  	s0 =	sadd.s32 @!p0 $0x100000, s0;
	[bflag:$0x2] =	sbarrier.arrive $0xFFFF  }
0x3f: {  	[sflag:s0] =	ssyncadd.tile.s32 @!p0 $0x1;
	_ =	shalt  }
.Lfunc_end2:
_tile_overlayer_lowered:
.L_overlay_start_2:
0x40: {  	(tag) =	ssettag $0x2  }
0x41: {  	s0 =	rddreg [dreg:$0x0];
	s2 =	stileid.u32  }
0x42: {  	s1 =	rddreg [dreg:$0x1];
	p0 =	sne.s32 s2, $0x0  }
0x43: {  	s3 =	rddreg [dreg:$0x2];
	[bflag:$0x3] =	sbarrier.arrive $0xFFFF;
	s2 =	simm.s32 @!p0 $0x1C03  }
0x44: {  	[timem:s3], [sflag:s2] =	dma.local @!p0 [hbm:s0], s1  }
0x45: {  	s0 =	simm.s32 @!p0 $0x3  }
0x46: {  	_ =	swait.ge @!p0 [sflag:s0], s1  }
0x47: {  	s1 =	ssub.s32 @!p0 $0x0, s1;
	[sflag:s0] =	ssyncset.done @!p0 $0x0  }
0x48: {  	[sflag:s0] =	ssyncadd.s32 @!p0 s1  }
0x49: {  	[bflag:$0x3] =	sbarrier.arrive $0xFFFF  }
0x4a: {  	_ =	shalt  }

</sc_bundles>
